<compile_context>
chip_gen: v7x
topology: tpu7x:2x2x1
jax: 0.10.2.dev20260603
libtpu: 0.0.44.dev20260713+nightly
codegen_flags: <defaults>
</compile_context>

<pallas_src>
import functools

import jax
import jax.numpy as jnp
import numpy as np
from jax import lax
from jax.experimental import pallas as pl
from jax.experimental.pallas import tpu as pltpu
from jax.experimental.pallas import tpu_sc as plsc

_N_MOLS = 100
_ATOMS_PER_MOL = 100
_NB = 128
_NFILT = 128
_NG = 50
_NCONV = 3
_CUTOFF = 5.0
_LOG2 = 0.6931471805599453

_NC = 2
_NS = 16
_NW = _NC * _NS


def _ssp(x):
    return jnp.maximum(x, 0.0) + jnp.log1p(jnp.exp(-jnp.abs(x))) - _LOG2


def _sc_dist2(x, y, z, a0, a1):
    n = x.shape[0]
    e = a0.shape[0]
    ew = e // _NW
    mesh = plsc.VectorSubcoreMesh(core_axis_name="c", subcore_axis_name="s")

    @functools.partial(
        pl.kernel,
        out_type=jax.ShapeDtypeStruct((e,), jnp.float32),
        mesh=mesh,
        scratch_types=[
            pltpu.VMEM((n,), jnp.float32),
            pltpu.VMEM((n,), jnp.float32),
            pltpu.VMEM((n,), jnp.float32),
            pltpu.VMEM((ew,), jnp.int32),
            pltpu.VMEM((ew,), jnp.int32),
            pltpu.VMEM((ew,), jnp.float32),
        ],
        compiler_params=pltpu.CompilerParams(needs_layout_passes=False),
    )
    def k(x_hbm, y_hbm, z_hbm, a0_hbm, a1_hbm, out_hbm,
          xv, yv, zv, i0_v, i1_v, d2_v):
        cid = lax.axis_index("c")
        sid = lax.axis_index("s")
        wid = sid * _NC + cid
        base = pl.multiple_of(wid * ew, 8)
        pltpu.sync_copy(x_hbm, xv)
        pltpu.sync_copy(y_hbm, yv)
        pltpu.sync_copy(z_hbm, zv)
        pltpu.sync_copy(a0_hbm.at[pl.ds(base, ew)], i0_v)
        pltpu.sync_copy(a1_hbm.at[pl.ds(base, ew)], i1_v)

        @pl.loop(0, ew, step=16)
        def _(j):
            i0 = i0_v[pl.ds(j, 16)]
            i1 = i1_v[pl.ds(j, 16)]
            dx = plsc.load_gather(xv, [i0]) - plsc.load_gather(xv, [i1])
            dy = plsc.load_gather(yv, [i0]) - plsc.load_gather(yv, [i1])
            dz = plsc.load_gather(zv, [i0]) - plsc.load_gather(zv, [i1])
            d2_v[pl.ds(j, 16)] = dx * dx + dy * dy + dz * dz

        pltpu.sync_copy(d2_v, out_hbm.at[pl.ds(base, ew)])

    return k(x, y, z, a0, a1)


_MASKHI = np.int32(-65536)


def _b2f(v):
    return lax.bitcast_convert_type(v, jnp.float32)


def _pack_bf16_pairs(x):
    b = lax.bitcast_convert_type(x, jnp.int32) + np.int32(0x8000)
    lo = lax.shift_right_logical(b[:, :64], 16)
    hi = jnp.bitwise_and(b[:, 64:], _MASKHI)
    return jnp.bitwise_or(lo, hi)


def _sc_messages(rn, ef, ga, sa):
    n = rn.shape[0]
    e = ef.shape[0]
    ew = e // _NW
    kr = 40
    k2 = 2 * kr
    nch = ew // kr
    own = 624
    ntail = n - own * _NS
    mesh = plsc.VectorSubcoreMesh(core_axis_name="c", subcore_axis_name="s")

    @functools.partial(
        pl.kernel,
        out_type=jax.ShapeDtypeStruct((_NC, n, _NFILT), jnp.float32),
        mesh=mesh,
        scratch_types=[
            pltpu.VMEM_SHARED((n, _NFILT), jnp.float32),
            pltpu.VMEM((2, k2, _NFILT), jnp.float32),
            pltpu.VMEM((2, kr, 64), jnp.int32),
            pltpu.VMEM((k2, _NFILT), jnp.float32),
            pltpu.VMEM((4, k2), jnp.int32),
            pltpu.VMEM((4, k2), jnp.int32),
            pltpu.SemaphoreType.DMA,
            pltpu.SemaphoreType.DMA,
            pltpu.SemaphoreType.DMA,
            pltpu.SemaphoreType.DMA,
            pltpu.SemaphoreType.DMA,
            pltpu.SemaphoreType.DMA,
        ],
        compiler_params=pltpu.CompilerParams(needs_layout_passes=False),
    )
    def k(rn_hbm, ef_hbm, ga_hbm, sa_hbm, out_hbm,
          agg_sh, gc_v, ef_v, mc_v, gi_v, si_v,
          sd0, sd1, si0, si1, ss0, ss1):
        cid = lax.axis_index("c")
        sid = lax.axis_index("s")
        wid = sid * _NC + cid
        row0 = pl.multiple_of(sid * own, 8)
        base = pl.multiple_of(wid * ew, 8)
        base2 = pl.multiple_of(wid * ew * 2, 8)
        dsem = (sd0, sd1)
        isem = (si0, si1)
        ssem = (ss0, ss1)

        def multiply(b):
            @pl.loop(0, kr)
            def _(rr):
                for g in range(4):
                    c = 16 * g
                    ewd = ef_v.at[b, rr, pl.ds(c, 16)][...]
                    elo = _b2f(ewd << 16)
                    ehi = _b2f(ewd & _MASKHI)
                    mc_v.at[rr, pl.ds(c, 16)][...] = (
                        gc_v.at[b, rr, pl.ds(c, 16)][...] * elo)
                    mc_v.at[rr, pl.ds(c + 64, 16)][...] = (
                        gc_v.at[b, rr, pl.ds(c + 64, 16)][...] * ehi)
                    mc_v.at[kr + rr, pl.ds(c, 16)][...] = (
                        gc_v.at[b, kr + rr, pl.ds(c, 16)][...] * elo)
                    mc_v.at[kr + rr, pl.ds(c + 64, 16)][...] = (
                        gc_v.at[b, kr + rr, pl.ds(c + 64, 16)][...] * ehi)

        @pl.loop(0, k2)
        def _(rr):
            @pl.loop(0, _NFILT, step=16)
            def _(cc):
                mc_v.at[rr, pl.ds(cc, 16)][...] = jnp.zeros(
                    (16,), jnp.float32)

        @pl.loop(0, own - 64, step=k2)
        def _(rr):
            pltpu.sync_copy(mc_v, agg_sh.at[pl.ds(row0 + rr, k2)])
        pltpu.sync_copy(mc_v.at[pl.ds(0, 64)],
                        agg_sh.at[pl.ds(row0 + own - 64, 64)])

        @pl.when(sid == _NS - 1)
        def _():
            pltpu.sync_copy(mc_v.at[pl.ds(0, ntail)],
                            agg_sh.at[pl.ds(own * _NS, ntail)])

        plsc.subcore_barrier()

        def fire_idx(ch, ip):
            off = pl.multiple_of(base2 + ch * k2, 8)
            pltpu.async_copy(ga_hbm.at[pl.ds(off, k2)], gi_v.at[ch % 4],
                             isem[ip])
            pltpu.async_copy(sa_hbm.at[pl.ds(off, k2)], si_v.at[ch % 4],
                             isem[ip])

        def wait_idx(ip):
            pltpu.make_async_copy(ga_hbm.at[pl.ds(0, k2)],
                                  gi_v.at[0], isem[ip]).wait()
            pltpu.make_async_copy(sa_hbm.at[pl.ds(0, k2)],
                                  si_v.at[0], isem[ip]).wait()

        def fire_data(ch, b):
            off = pl.multiple_of(base + ch * kr, 8)
            pltpu.async_copy(rn_hbm.at[gi_v.at[ch % 4]], gc_v.at[b], dsem[b])
            pltpu.async_copy(ef_hbm.at[pl.ds(off, kr)], ef_v.at[b], dsem[b])

        def wait_data(b):
            pltpu.make_async_copy(rn_hbm.at[pl.ds(0, k2)],
                                  gc_v.at[b], dsem[b]).wait()
            pltpu.make_async_copy(ef_hbm.at[pl.ds(0, kr)],
                                  ef_v.at[b], dsem[b]).wait()

        def fire_scatter(ch, b):
            pltpu.async_copy(mc_v, agg_sh.at[si_v.at[ch % 4]], ssem[b],
                             add=True)

        def wait_scatter(b):
            pltpu.make_async_copy(mc_v, agg_sh.at[pl.ds(0, k2)],
                                  ssem[b]).wait()

        fire_idx(0, 0)
        fire_idx(1, 1)
        wait_idx(0)
        fire_data(0, 0)

        @pl.loop(0, nch, step=2)
        def _(ch0):
            for db in range(2):
                ch = ch0 + db
                b = db

                @pl.when(ch + 2 < nch)
                def _():
                    fire_idx(ch + 2, b)

                @pl.when(ch + 1 < nch)
                def _():
                    wait_idx(1 - b)
                    fire_data(ch + 1, 1 - b)

                wait_data(b)

                @pl.when(ch >= 1)
                def _():
                    wait_scatter(1 - b)

                multiply(b)
                fire_scatter(ch, b)

        wait_scatter(1)
        plsc.subcore_barrier()
        pltpu.sync_copy(agg_sh.at[pl.ds(row0, own)],
                        out_hbm.at[cid, pl.ds(row0, own)])

        @pl.when(sid == _NS - 1)
        def _():
            pltpu.sync_copy(agg_sh.at[pl.ds(own * _NS, ntail)],
                            out_hbm.at[cid, pl.ds(own * _NS, ntail)])

    return k(rn, ef, ga, sa)


def _bdot(a, b):
    return jnp.dot(a.astype(jnp.bfloat16), b.astype(jnp.bfloat16),
                   preferred_element_type=jnp.float32)


def _tc_embed_rn(z_col, embed, w, b, aggr_wgt):
    n = z_col.shape[0]
    nz = embed.shape[0]

    def body(z_ref, emb_ref, w_ref, b_ref, aw_ref, r_ref, rn_ref):
        ids = lax.broadcasted_iota(jnp.int32, (n, nz), 1)
        oh = (ids == z_ref[...]).astype(jnp.float32)
        r = jnp.dot(oh, emb_ref[...], preferred_element_type=jnp.float32)
        r_ref[...] = r
        rn_ref[...] = (_bdot(r, w_ref[...]) + b_ref[...]) * aw_ref[...]

    return pl.pallas_call(
        body, out_shape=[jax.ShapeDtypeStruct((n, _NB), jnp.float32),
                         jax.ShapeDtypeStruct((n, _NFILT), jnp.float32)],
    )(z_col, embed, w, b.reshape(1, _NFILT), aggr_wgt)


def _tc_edge_filter(d2, w1, b1, w2, b2):
    e = d2.shape[0]
    be = 2000
    width = _CUTOFF / (_NG - 1)
    coeff = -0.5 / width ** 2

    def body(d2_ref, w1_ref, b1_ref, w2_ref, b2_ref, o_ref):
        dist = jnp.sqrt(d2_ref[...])
        off = lax.broadcasted_iota(jnp.int32, (1, _NG), 1).astype(
            jnp.float32) * width
        g = jnp.exp(coeff * (dist - off) ** 2)
        h = _ssp(_bdot(g, w1_ref[...]) + b1_ref[...])
        o_ref[...] = _pack_bf16_pairs(_bdot(h, w2_ref[...]) + b2_ref[...])

    return pl.pallas_call(
        body,
        grid=(e // be,),
        in_specs=[
            pl.BlockSpec((be, 1), lambda j: (j, 0)),
            pl.BlockSpec((_NG, _NG), lambda j: (0, 0)),
            pl.BlockSpec((1, _NG), lambda j: (0, 0)),
            pl.BlockSpec((_NG, _NFILT), lambda j: (0, 0)),
            pl.BlockSpec((1, _NFILT), lambda j: (0, 0)),
        ],
        out_specs=pl.BlockSpec((be, _NFILT // 2), lambda j: (j, 0)),
        out_shape=jax.ShapeDtypeStruct((e, _NFILT // 2), jnp.int32),
    )(d2, w1, b1.reshape(1, _NG), w2, b2.reshape(1, _NFILT))


def _tc_update_rn(parts, r, w1, b1, w2, b2, nw, nb, aggr_wgt):
    n = r.shape[0]

    def body(p_ref, r_ref, w1_ref, b1_ref, w2_ref, b2_ref,
             nw_ref, nb_ref, aw_ref, out_ref, rn_ref):
        agg = p_ref[0] + p_ref[1]
        h = _ssp(_bdot(agg, w1_ref[...]) + b1_ref[...])
        rnew = r_ref[...] + _bdot(h, w2_ref[...]) + b2_ref[...]
        out_ref[...] = rnew
        rn_ref[...] = (_bdot(rnew, nw_ref[...]) + nb_ref[...]) * aw_ref[...]

    return pl.pallas_call(
        body, out_shape=[jax.ShapeDtypeStruct((n, _NB), jnp.float32),
                         jax.ShapeDtypeStruct((n, _NFILT), jnp.float32)],
    )(parts, r, w1, b1.reshape(1, _NB), w2, b2.reshape(1, _NB),
      nw, nb.reshape(1, _NFILT), aggr_wgt)


def _tc_update_readout(parts, r, w1, b1, w2, b2,
                       ro1_W, ro1_b, ro2_W, ro2_b):
    n = r.shape[0]

    def body(p_ref, r_ref, w1_ref, b1_ref, w2_ref, b2_ref,
             q1_ref, c1_ref, q2_ref, c2_ref, out_ref):
        agg = p_ref[0] + p_ref[1]
        h = _ssp(_bdot(agg, w1_ref[...]) + b1_ref[...])
        rnew = r_ref[...] + _bdot(h, w2_ref[...]) + b2_ref[...]
        y = _ssp(jnp.dot(rnew, q1_ref[...],
                         preferred_element_type=jnp.float32) + c1_ref[...])
        ae = jnp.dot(y, q2_ref[...],
                     preferred_element_type=jnp.float32) + c2_ref[...]
        mol = lax.broadcasted_iota(jnp.int32, (_N_MOLS, n), 0)
        atom = lax.broadcasted_iota(jnp.int32, (_N_MOLS, n), 1)
        sel = (atom // _ATOMS_PER_MOL == mol).astype(jnp.float32)
        out_ref[...] = jnp.dot(sel, ae, preferred_element_type=jnp.float32)

    return pl.pallas_call(
        body, out_shape=jax.ShapeDtypeStruct((_N_MOLS, 1), jnp.float32),
    )(parts, r, w1, b1.reshape(1, _NB), w2, b2.reshape(1, _NB),
      ro1_W, ro1_b.reshape(1, _NB), ro2_W, ro2_b.reshape(1, 1))


def kernel(nxyz, num_atoms, nbr_list, aggr_wgt, embed,
           ef1_W, ef1_b, ef2_W, ef2_b, nf_W, nf_b,
           up1_W, up1_b, up2_W, up2_b, ro1_W, ro1_b, ro2_W, ro2_b):
    del num_atoms
    z_col = nxyz[:, 0:1].astype(jnp.int32)
    x, y, z = nxyz[:, 1], nxyz[:, 2], nxyz[:, 3]
    a0 = nbr_list[:, 0]
    a1 = nbr_list[:, 1]
    ga = jnp.stack([a0.reshape(-1, 40), a1.reshape(-1, 40)],
                   axis=1).reshape(-1)
    sa = jnp.stack([a1.reshape(-1, 40), a0.reshape(-1, 40)],
                   axis=1).reshape(-1)

    d2 = _sc_dist2(x, y, z, a0, a1)
    efs = [_tc_edge_filter(d2[:, None], ef1_W[i], ef1_b[i],
                           ef2_W[i], ef2_b[i]) for i in range(_NCONV)]
    r, rn = _tc_embed_rn(z_col, embed, nf_W[0], nf_b[0], aggr_wgt)
    for i in range(_NCONV):
        parts = _sc_messages(rn, efs[i], ga, sa)
        if i + 1 < _NCONV:
            r, rn = _tc_update_rn(parts, r, up1_W[i], up1_b[i],
                                  up2_W[i], up2_b[i],
                                  nf_W[i + 1], nf_b[i + 1], aggr_wgt)
    energy = _tc_update_readout(parts, r, up1_W[2], up1_b[2],
                                up2_W[2], up2_b[2],
                                ro1_W, ro1_b, ro2_W, ro2_b)
    return energy.reshape(_N_MOLS)

# --- scband reference (transcript-rebuilt; emitter-appended) ---
"""Pipeline reference for scband-graph-conv-integration-28707561406504 (READ-ONLY COPY).

The authoritative reference and input builder live on the scoring server;
editing this copy changes nothing except your own understanding.
"""

import jax, jax.numpy as jnp
import numpy as np

N_NODES = 10000
N_EDGES = 320000
N_MOLS = 100
ATOMS_PER_MOL = 100
N_BASIS = 128
N_FILTERS = 128
N_GAUSS = 50
N_CONV = 3
CUTOFF = 5.0
LOG2 = float(np.log(2.0))


def shifted_softplus(x):
    return jax.nn.softplus(x) - LOG2


def setup_inputs(seed: int = 0):
    key = jax.random.key(seed)
    ks = jax.random.split(key, 24)
    z = jax.random.randint(ks[0], (N_NODES,), 1, 100).astype(jnp.float32)
    xyz = jax.random.uniform(ks[1], (N_NODES, 3), minval=0.0, maxval=10.0)
    nxyz = jnp.concatenate([z[:, None], xyz], axis=1)
    num_atoms = jnp.full((N_MOLS,), ATOMS_PER_MOL, dtype=jnp.int32)
    nbr_list = jax.random.randint(ks[2], (N_EDGES, 2), 0, N_NODES, dtype=jnp.int32)
    aggr_wgt = jax.random.uniform(ks[3], (N_NODES, 1))
    s = 0.05
    embed = jax.random.normal(ks[4], (100, N_BASIS)) * s
    embed = embed.at[0].set(0.0)
    return {
        'nxyz': nxyz, 'num_atoms': num_atoms, 'nbr_list': nbr_list, 'aggr_wgt': aggr_wgt,
        'embed': embed,
        'ef1_W': jax.random.normal(ks[5], (N_CONV, N_GAUSS, N_GAUSS)) * s,
        'ef1_b': jnp.zeros((N_CONV, N_GAUSS)),
        'ef2_W': jax.random.normal(ks[6], (N_CONV, N_GAUSS, N_FILTERS)) * s,
        'ef2_b': jnp.zeros((N_CONV, N_FILTERS)),
        'nf_W': jax.random.normal(ks[7], (N_CONV, N_BASIS, N_FILTERS)) * s,
        'nf_b': jnp.zeros((N_CONV, N_FILTERS)),
        'up1_W': jax.random.normal(ks[8], (N_CONV, N_FILTERS, N_BASIS)) * s,
        'up1_b': jnp.zeros((N_CONV, N_BASIS)),
        'up2_W': jax.random.normal(ks[9], (N_CONV, N_BASIS, N_BASIS)) * s,
        'up2_b': jnp.zeros((N_CONV, N_BASIS)),
        'ro1_W': jax.random.normal(ks[10], (N_BASIS, N_BASIS)) * s,
        'ro1_b': jnp.zeros((N_BASIS,)),
        'ro2_W': jax.random.normal(ks[11], (N_BASIS, 1)) * s,
        'ro2_b': jnp.zeros((1,)),
    }


def reference(nxyz, num_atoms, nbr_list, aggr_wgt, embed, ef1_W, ef1_b, ef2_W, ef2_b, nf_W, nf_b, up1_W, up1_b, up2_W, up2_b, ro1_W, ro1_b, ro2_W, ro2_b):
    z = nxyz[:, 0].astype(jnp.int32)
    xyz = nxyz[:, 1:4]
    a = nbr_list
    # pairwise distances over neighbor list (offsets = 0)
    e = jnp.sqrt(jnp.sum((xyz[a[:, 0]] - xyz[a[:, 1]]) ** 2, axis=1))[:, None]
    r = embed[z]
    # gaussian smearing (non-trainable, identical across convs)
    g_off = jnp.linspace(0.0, CUTOFF, N_GAUSS)
    width = g_off[1] - g_off[0]
    coeff = -0.5 / width ** 2
    gauss = jnp.exp(coeff * (e - g_off[None, :]) ** 2)
    for i in range(N_CONV):
        ef = shifted_softplus(gauss @ ef1_W[i] + ef1_b[i]) @ ef2_W[i] + ef2_b[i]
        rn = (r @ nf_W[i] + nf_b[i]) * aggr_wgt
        rij = rn[a[:, 0]] * ef
        rji = rn[a[:, 1]] * ef
        agg = jax.ops.segment_sum(rij, a[:, 1], num_segments=N_NODES) \
            + jax.ops.segment_sum(rji, a[:, 0], num_segments=N_NODES)
        dr = shifted_softplus(agg @ up1_W[i] + up1_b[i]) @ up2_W[i] + up2_b[i]
        r = r + dr
    atom_e = shifted_softplus(r @ ro1_W + ro1_b) @ ro2_W + ro2_b
    mol_ids = jnp.repeat(jnp.arange(N_MOLS), ATOMS_PER_MOL)
    energy = jax.ops.segment_sum(atom_e[:, 0], mol_ids, num_segments=N_MOLS)
    return energy

if __name__ == "__main__":
    import jax
    _d = setup_inputs()
    print(jax.jit(kernel)(*tuple(_d.values())))

</pallas_src>

<mosaic_0001>
#map = affine_map<(d0, d1) -> (0, 0)>
#map1 = affine_map<(d0, d1) -> (0)>
#map2 = affine_map<(d0, d1) -> (0, 0, 0)>
module attributes {stable_mosaic.version = 14 : i64} {
  func.func @k(%arg0: i32, %arg1: i32, %arg2: memref<10000x128xf32, #tpu.memory_space<hbm>>, %arg3: memref<320000x64xi32, #tpu.memory_space<hbm>>, %arg4: memref<640000xi32, #tpu.memory_space<hbm>>, %arg5: memref<640000xi32, #tpu.memory_space<hbm>>, %arg6: memref<2x10000x128xf32, #tpu.memory_space<hbm>>, %arg7: memref<10000x128xf32, #tpu.memory_space<vmem_shared>>, %arg8: memref<2x80x128xf32, #tpu.memory_space<vmem>>, %arg9: memref<2x40x64xi32, #tpu.memory_space<vmem>>, %arg10: memref<80x128xf32, #tpu.memory_space<vmem>>, %arg11: memref<4x80xi32, #tpu.memory_space<vmem>>, %arg12: memref<4x80xi32, #tpu.memory_space<vmem>>, %arg13: memref<!tpu.dma_semaphore, #tpu.memory_space<semaphore_mem>>, %arg14: memref<!tpu.dma_semaphore, #tpu.memory_space<semaphore_mem>>, %arg15: memref<!tpu.dma_semaphore, #tpu.memory_space<semaphore_mem>>, %arg16: memref<!tpu.dma_semaphore, #tpu.memory_space<semaphore_mem>>, %arg17: memref<!tpu.dma_semaphore, #tpu.memory_space<semaphore_mem>>, %arg18: memref<!tpu.dma_semaphore, #tpu.memory_space<semaphore_mem>>) attributes {dimension_semantics = [#tpu.dimension_semantics<core_parallel>, #tpu.dimension_semantics<subcore_parallel>], iteration_bounds = array<i64: 2, 16>, scalar_prefetch = 0 : i64, scratch_operands = 12 : i64, tpu.core_type = #tpu.core_type<sc_vector_subcore>, window_params = [{transform_indices = #map}, {transform_indices = #map}, {transform_indices = #map1}, {transform_indices = #map1}, {transform_indices = #map2}]} {
    %mul3A = arith.constant 2 : i32
    %mul3A_0 = arith.muli %arg1, %mul3A : i32
    %add3A = arith.addi %mul3A_0, %arg0 : i32
    %mul3A_1 = arith.constant 624 : i32
    %mul3A_2 = arith.muli %arg1, %mul3A_1 : i32
    %multiple_of3A = tpu.assume_multiple %mul3A_2, 8 : i32
    %mul3A_3 = arith.constant 10000 : i32
    %mul3A_4 = arith.muli %add3A, %mul3A_3 : i32
    %multiple_of3A_5 = tpu.assume_multiple %mul3A_4, 8 : i32
    %mul3A_6 = arith.constant 10000 : i32
    %mul3A_7 = arith.muli %add3A, %mul3A_6 : i32
    %mul3A_8 = arith.constant 2 : i32
    %mul3A_9 = arith.muli %mul3A_7, %mul3A_8 : i32
    %multiple_of3A_10 = tpu.assume_multiple %mul3A_9, 8 : i32
    %scan3A = arith.constant 0 : i32
    %scan3A_11 = arith.constant 80 : i32
    %scan3A_12 = arith.addi %scan3A, %scan3A_11 : i32
    %scan3A_13 = arith.constant 1 : i32
    scf.for %scan3A_132 = %scan3A to %scan3A_12 step %scan3A_13  : i32 {
      %mul3A_133 = arith.constant 1 : i32
      %mul3A_134 = arith.muli %scan3A_132, %mul3A_133 : i32
      %add3A_135 = arith.constant 0 : i32
      %add3A_136 = arith.addi %add3A_135, %mul3A_134 : i32
      %scan3A_137 = arith.constant 0 : i32
      %scan3A_138 = arith.constant 8 : i32
      %scan3A_139 = arith.addi %scan3A_137, %scan3A_138 : i32
      %scan3A_140 = arith.constant 1 : i32
      scf.for %scan3A_142 = %scan3A_137 to %scan3A_139 step %scan3A_140  : i32 {
        %mul3A_143 = arith.constant 16 : i32
        %mul3A_144 = arith.muli %scan3A_142, %mul3A_143 : i32
        %add3A_145 = arith.constant 0 : i32
        %add3A_146 = arith.addi %add3A_145, %mul3A_144 : i32
        %broadcast_in_dim3A = arith.constant 0.000000e+00 : f32
        %broadcast_in_dim3A_147 = vector.broadcast %broadcast_in_dim3A : f32 to vector<16xf32>
        %swap3A = arith.index_cast %add3A_136 : i32 to index
        %swap3A_148 = arith.index_cast %add3A_146 : i32 to index
        %swap3A_149 = tpu.vector_load %arg10[%swap3A, %swap3A_148] {strides = array<i32>} : memref<80x128xf32, #tpu.memory_space<vmem>>, vector<16xf32>,
        tpu.vector_store %arg10[%swap3A, %swap3A_148], %broadcast_in_dim3A_147 {strides = array<i32>} : memref<80x128xf32, #tpu.memory_space<vmem>>, vector<16xf32>,
      }
      %scan3A_141 = arith.constant 8 : i32
    }
    %scan3A_14 = arith.constant 80 : i32
    %scan3A_15 = arith.constant 0 : i32
    %scan3A_16 = arith.constant 7 : i32
    %scan3A_17 = arith.addi %scan3A_15, %scan3A_16 : i32
    %scan3A_18 = arith.constant 1 : i32
    scf.for %scan3A_132 = %scan3A_15 to %scan3A_17 step %scan3A_18  : i32 {
      %mul3A_133 = arith.constant 80 : i32
      %mul3A_134 = arith.muli %scan3A_132, %mul3A_133 : i32
      %add3A_135 = arith.constant 0 : i32
      %add3A_136 = arith.addi %add3A_135, %mul3A_134 : i32
      %add3A_137 = arith.addi %multiple_of3A, %add3A_136 : i32
      "tpu.region"() ({
        %run_scoped3A = tpu.sem_alloc : memref<!tpu.dma_semaphore, #tpu.memory_space<semaphore_mem>>
        %dma_start3A_138 = arith.constant 0 : i32
        %dma_start3A_139 = tpu.memref_slice %arg7[%add3A_137, %dma_start3A_138] : memref<10000x128xf32, #tpu.memory_space<vmem_shared>> -> memref<80x128xf32, #tpu.memory_space<vmem_shared>>
        %dma_start3A_140 = arith.constant 0 : i32
        %dma_start3A_141 = tpu.memref_slice %arg7[%add3A_137, %dma_start3A_140] : memref<10000x128xf32, #tpu.memory_space<vmem_shared>> -> memref<80x128xf32, #tpu.memory_space<vmem_shared>>
        tpu.enqueue_dma source(%arg10 : memref<80x128xf32, #tpu.memory_space<vmem>>) target(%dma_start3A_141 : memref<80x128xf32, #tpu.memory_space<vmem_shared>>) target_semaphore(%run_scoped3A : memref<!tpu.dma_semaphore, #tpu.memory_space<semaphore_mem>>)
        %dma_wait3A_142 = arith.constant 0 : i32
        %dma_wait3A_143 = tpu.memref_slice %arg7[%add3A_137, %dma_wait3A_142] : memref<10000x128xf32, #tpu.memory_space<vmem_shared>> -> memref<80x128xf32, #tpu.memory_space<vmem_shared>>
        %dma_wait3A_144 = arith.constant 0 : i32
        %dma_wait3A_145 = tpu.memref_slice %arg7[%add3A_137, %dma_wait3A_144] : memref<10000x128xf32, #tpu.memory_space<vmem_shared>> -> memref<80x128xf32, #tpu.memory_space<vmem_shared>>
        tpu.wait_dma2 semaphore(%run_scoped3A : memref<!tpu.dma_semaphore, #tpu.memory_space<semaphore_mem>>) src(%arg10 : memref<80x128xf32, #tpu.memory_space<vmem>>) dst(%dma_wait3A_145 : memref<80x128xf32, #tpu.memory_space<vmem_shared>>)
        tpu.yield
      }) : () -> ()
    }
    %scan3A_19 = arith.constant 7 : i32
    %add3A_20 = arith.constant 624 : i32
    %add3A_21 = arith.addi %multiple_of3A, %add3A_20 : i32
    %sub3A = arith.constant 64 : i32
    %sub3A_22 = arith.subi %add3A_21, %sub3A : i32
    "tpu.region"() ({
      %run_scoped3A = tpu.sem_alloc : memref<!tpu.dma_semaphore, #tpu.memory_space<semaphore_mem>>
      %dma_start3A_132 = arith.constant 0 : i32
      %dma_start3A_133 = arith.constant 0 : i32
      %dma_start3A_134 = tpu.memref_slice %arg10[%dma_start3A_132, %dma_start3A_133] : memref<80x128xf32, #tpu.memory_space<vmem>> -> memref<64x128xf32, #tpu.memory_space<vmem>>
      %dma_start3A_135 = arith.constant 0 : i32
      %dma_start3A_136 = tpu.memref_slice %arg7[%sub3A_22, %dma_start3A_135] : memref<10000x128xf32, #tpu.memory_space<vmem_shared>> -> memref<64x128xf32, #tpu.memory_space<vmem_shared>>
      %dma_start3A_137 = arith.constant 0 : i32
      %dma_start3A_138 = tpu.memref_slice %arg7[%sub3A_22, %dma_start3A_137] : memref<10000x128xf32, #tpu.memory_space<vmem_shared>> -> memref<64x128xf32, #tpu.memory_space<vmem_shared>>
      %dma_start3A_139 = arith.constant 0 : i32
      %dma_start3A_140 = arith.constant 0 : i32
      %dma_start3A_141 = tpu.memref_slice %arg10[%dma_start3A_139, %dma_start3A_140] : memref<80x128xf32, #tpu.memory_space<vmem>> -> memref<64x128xf32, #tpu.memory_space<vmem>>
      tpu.enqueue_dma source(%dma_start3A_141 : memref<64x128xf32, #tpu.memory_space<vmem>>) target(%dma_start3A_138 : memref<64x128xf32, #tpu.memory_space<vmem_shared>>) target_semaphore(%run_scoped3A : memref<!tpu.dma_semaphore, #tpu.memory_space<semaphore_mem>>)
      %dma_wait3A_142 = arith.constant 0 : i32
      %dma_wait3A_143 = arith.constant 0 : i32
      %dma_wait3A_144 = tpu.memref_slice %arg10[%dma_wait3A_142, %dma_wait3A_143] : memref<80x128xf32, #tpu.memory_space<vmem>> -> memref<64x128xf32, #tpu.memory_space<vmem>>
      %dma_wait3A_145 = arith.constant 0 : i32
      %dma_wait3A_146 = tpu.memref_slice %arg7[%sub3A_22, %dma_wait3A_145] : memref<10000x128xf32, #tpu.memory_space<vmem_shared>> -> memref<64x128xf32, #tpu.memory_space<vmem_shared>>
      %dma_wait3A_147 = arith.constant 0 : i32
      %dma_wait3A_148 = tpu.memref_slice %arg7[%sub3A_22, %dma_wait3A_147] : memref<10000x128xf32, #tpu.memory_space<vmem_shared>> -> memref<64x128xf32, #tpu.memory_space<vmem_shared>>
      %dma_wait3A_149 = arith.constant 0 : i32
      %dma_wait3A_150 = arith.constant 0 : i32
      %dma_wait3A_151 = tpu.memref_slice %arg10[%dma_wait3A_149, %dma_wait3A_150] : memref<80x128xf32, #tpu.memory_space<vmem>> -> memref<64x128xf32, #tpu.memory_space<vmem>>
      tpu.wait_dma2 semaphore(%run_scoped3A : memref<!tpu.dma_semaphore, #tpu.memory_space<semaphore_mem>>) src(%dma_wait3A_151 : memref<64x128xf32, #tpu.memory_space<vmem>>) dst(%dma_wait3A_148 : memref<64x128xf32, #tpu.memory_space<vmem_shared>>)
      tpu.yield
    }) : () -> ()
    %eq3A = arith.constant 15 : i32
    %eq3A_23 = arith.cmpi eq, %arg1, %eq3A : i32
    %convert_element_type3A = arith.extui %eq3A_23 : i1 to i32
    %cond3A = arith.constant 0 : i32
    %cond3A_24 = arith.cmpi ne, %convert_element_type3A, %cond3A : i32
    scf.if %cond3A_24 {
      "tpu.region"() ({
        %run_scoped3A = tpu.sem_alloc : memref<!tpu.dma_semaphore, #tpu.memory_space<semaphore_mem>>
        %dma_start3A_132 = arith.constant 0 : i32
        %dma_start3A_133 = arith.constant 0 : i32
        %dma_start3A_134 = tpu.memref_slice %arg10[%dma_start3A_132, %dma_start3A_133] : memref<80x128xf32, #tpu.memory_space<vmem>> -> memref<16x128xf32, #tpu.memory_space<vmem>>
        %dma_start3A_135 = arith.constant 9984 : i32
        %dma_start3A_136 = arith.constant 0 : i32
        %dma_start3A_137 = tpu.memref_slice %arg7[%dma_start3A_135, %dma_start3A_136] : memref<10000x128xf32, #tpu.memory_space<vmem_shared>> -> memref<16x128xf32, #tpu.memory_space<vmem_shared>>
        %dma_start3A_138 = arith.constant 9984 : i32
        %dma_start3A_139 = arith.constant 0 : i32
        %dma_start3A_140 = tpu.memref_slice %arg7[%dma_start3A_138, %dma_start3A_139] : memref<10000x128xf32, #tpu.memory_space<vmem_shared>> -> memref<16x128xf32, #tpu.memory_space<vmem_shared>>
        %dma_start3A_141 = arith.constant 0 : i32
        %dma_start3A_142 = arith.constant 0 : i32
        %dma_start3A_143 = tpu.memref_slice %arg10[%dma_start3A_141, %dma_start3A_142] : memref<80x128xf32, #tpu.memory_space<vmem>> -> memref<16x128xf32, #tpu.memory_space<vmem>>
        tpu.enqueue_dma source(%dma_start3A_143 : memref<16x128xf32, #tpu.memory_space<vmem>>) target(%dma_start3A_140 : memref<16x128xf32, #tpu.memory_space<vmem_shared>>) target_semaphore(%run_scoped3A : memref<!tpu.dma_semaphore, #tpu.memory_space<semaphore_mem>>)
        %dma_wait3A_144 = arith.constant 0 : i32
        %dma_wait3A_145 = arith.constant 0 : i32
        %dma_wait3A_146 = tpu.memref_slice %arg10[%dma_wait3A_144, %dma_wait3A_145] : memref<80x128xf32, #tpu.memory_space<vmem>> -> memref<16x128xf32, #tpu.memory_space<vmem>>
        %dma_wait3A_147 = arith.constant 9984 : i32
        %dma_wait3A_148 = arith.constant 0 : i32
        %dma_wait3A_149 = tpu.memref_slice %arg7[%dma_wait3A_147, %dma_wait3A_148] : memref<10000x128xf32, #tpu.memory_space<vmem_shared>> -> memref<16x128xf32, #tpu.memory_space<vmem_shared>>
        %dma_wait3A_150 = arith.constant 9984 : i32
        %dma_wait3A_151 = arith.constant 0 : i32
        %dma_wait3A_152 = tpu.memref_slice %arg7[%dma_wait3A_150, %dma_wait3A_151] : memref<10000x128xf32, #tpu.memory_space<vmem_shared>> -> memref<16x128xf32, #tpu.memory_space<vmem_shared>>
        %dma_wait3A_153 = arith.constant 0 : i32
        %dma_wait3A_154 = arith.constant 0 : i32
        %dma_wait3A_155 = tpu.memref_slice %arg10[%dma_wait3A_153, %dma_wait3A_154] : memref<80x128xf32, #tpu.memory_space<vmem>> -> memref<16x128xf32, #tpu.memory_space<vmem>>
        tpu.wait_dma2 semaphore(%run_scoped3A : memref<!tpu.dma_semaphore, #tpu.memory_space<semaphore_mem>>) src(%dma_wait3A_155 : memref<16x128xf32, #tpu.memory_space<vmem>>) dst(%dma_wait3A_152 : memref<16x128xf32, #tpu.memory_space<vmem_shared>>)
        tpu.yield
      }) : () -> ()
    } else {
    }
    %barrier3A = arith.constant 0 : index
    tpu.barrier barrier_id(%barrier3A)
    %add3A_25 = arith.constant 0 : i32
    %add3A_26 = arith.addi %multiple_of3A_10, %add3A_25 : i32
    %multiple_of3A_27 = tpu.assume_multiple %add3A_26, 8 : i32
    %dma_start3A = arith.constant 0 : i32
    %dma_start3A_28 = arith.constant 0 : i32
    %dma_start3A_29 = tpu.memref_slice %arg11[%dma_start3A, %dma_start3A_28] : memref<4x80xi32, #tpu.memory_space<vmem>> -> memref<1x80xi32, #tpu.memory_space<vmem>>
    %dma_start3A_30 = tpu.memref_squeeze %dma_start3A_29 : memref<1x80xi32, #tpu.memory_space<vmem>> -> memref<80xi32, #tpu.memory_space<vmem>>
    %dma_start3A_31 = tpu.memref_slice %arg4[%multiple_of3A_27] : memref<640000xi32, #tpu.memory_space<hbm>> -> memref<80xi32, #tpu.memory_space<hbm>>
    %dma_start3A_32 = arith.constant 0 : i32
    %dma_start3A_33 = tpu.memref_slice %arg11[%dma_start3A, %dma_start3A_32] : memref<4x80xi32, #tpu.memory_space<vmem>> -> memref<1x80xi32, #tpu.memory_space<vmem>>
    %dma_start3A_34 = tpu.memref_squeeze %dma_start3A_33 : memref<1x80xi32, #tpu.memory_space<vmem>> -> memref<80xi32, #tpu.memory_space<vmem>>
    %dma_start3A_35 = tpu.memref_slice %arg4[%multiple_of3A_27] : memref<640000xi32, #tpu.memory_space<hbm>> -> memref<80xi32, #tpu.memory_space<hbm>>
    tpu.enqueue_dma source(%dma_start3A_35 : memref<80xi32, #tpu.memory_space<hbm>>) target(%dma_start3A_34 : memref<80xi32, #tpu.memory_space<vmem>>) target_semaphore(%arg15 : memref<!tpu.dma_semaphore, #tpu.memory_space<semaphore_mem>>)
    %dma_start3A_36 = arith.constant 0 : i32
    %dma_start3A_37 = arith.constant 0 : i32
    %dma_start3A_38 = tpu.memref_slice %arg12[%dma_start3A_36, %dma_start3A_37] : memref<4x80xi32, #tpu.memory_space<vmem>> -> memref<1x80xi32, #tpu.memory_space<vmem>>
    %dma_start3A_39 = tpu.memref_squeeze %dma_start3A_38 : memref<1x80xi32, #tpu.memory_space<vmem>> -> memref<80xi32, #tpu.memory_space<vmem>>
    %dma_start3A_40 = tpu.memref_slice %arg5[%multiple_of3A_27] : memref<640000xi32, #tpu.memory_space<hbm>> -> memref<80xi32, #tpu.memory_space<hbm>>
    %dma_start3A_41 = arith.constant 0 : i32
    %dma_start3A_42 = tpu.memref_slice %arg12[%dma_start3A_36, %dma_start3A_41] : memref<4x80xi32, #tpu.memory_space<vmem>> -> memref<1x80xi32, #tpu.memory_space<vmem>>
    %dma_start3A_43 = tpu.memref_squeeze %dma_start3A_42 : memref<1x80xi32, #tpu.memory_space<vmem>> -> memref<80xi32, #tpu.memory_space<vmem>>
    %dma_start3A_44 = tpu.memref_slice %arg5[%multiple_of3A_27] : memref<640000xi32, #tpu.memory_space<hbm>> -> memref<80xi32, #tpu.memory_space<hbm>>
    tpu.enqueue_dma source(%dma_start3A_44 : memref<80xi32, #tpu.memory_space<hbm>>) target(%dma_start3A_43 : memref<80xi32, #tpu.memory_space<vmem>>) target_semaphore(%arg15 : memref<!tpu.dma_semaphore, #tpu.memory_space<semaphore_mem>>)
    %add3A_45 = arith.constant 80 : i32
    %add3A_46 = arith.addi %multiple_of3A_10, %add3A_45 : i32
    %multiple_of3A_47 = tpu.assume_multiple %add3A_46, 8 : i32
    %dma_start3A_48 = arith.constant 1 : i32
    %dma_start3A_49 = arith.constant 0 : i32
    %dma_start3A_50 = tpu.memref_slice %arg11[%dma_start3A_48, %dma_start3A_49] : memref<4x80xi32, #tpu.memory_space<vmem>> -> memref<1x80xi32, #tpu.memory_space<vmem>>
    %dma_start3A_51 = tpu.memref_squeeze %dma_start3A_50 : memref<1x80xi32, #tpu.memory_space<vmem>> -> memref<80xi32, #tpu.memory_space<vmem>>
    %dma_start3A_52 = tpu.memref_slice %arg4[%multiple_of3A_47] : memref<640000xi32, #tpu.memory_space<hbm>> -> memref<80xi32, #tpu.memory_space<hbm>>
    %dma_start3A_53 = arith.constant 0 : i32
    %dma_start3A_54 = tpu.memref_slice %arg11[%dma_start3A_48, %dma_start3A_53] : memref<4x80xi32, #tpu.memory_space<vmem>> -> memref<1x80xi32, #tpu.memory_space<vmem>>
    %dma_start3A_55 = tpu.memref_squeeze %dma_start3A_54 : memref<1x80xi32, #tpu.memory_space<vmem>> -> memref<80xi32, #tpu.memory_space<vmem>>
    %dma_start3A_56 = tpu.memref_slice %arg4[%multiple_of3A_47] : memref<640000xi32, #tpu.memory_space<hbm>> -> memref<80xi32, #tpu.memory_space<hbm>>
    tpu.enqueue_dma source(%dma_start3A_56 : memref<80xi32, #tpu.memory_space<hbm>>) target(%dma_start3A_55 : memref<80xi32, #tpu.memory_space<vmem>>) target_semaphore(%arg16 : memref<!tpu.dma_semaphore, #tpu.memory_space<semaphore_mem>>)
    %dma_start3A_57 = arith.constant 1 : i32
    %dma_start3A_58 = arith.constant 0 : i32
    %dma_start3A_59 = tpu.memref_slice %arg12[%dma_start3A_57, %dma_start3A_58] : memref<4x80xi32, #tpu.memory_space<vmem>> -> memref<1x80xi32, #tpu.memory_space<vmem>>
    %dma_start3A_60 = tpu.memref_squeeze %dma_start3A_59 : memref<1x80xi32, #tpu.memory_space<vmem>> -> memref<80xi32, #tpu.memory_space<vmem>>
    %dma_start3A_61 = tpu.memref_slice %arg5[%multiple_of3A_47] : memref<640000xi32, #tpu.memory_space<hbm>> -> memref<80xi32, #tpu.memory_space<hbm>>
    %dma_start3A_62 = arith.constant 0 : i32
    %dma_start3A_63 = tpu.memref_slice %arg12[%dma_start3A_57, %dma_start3A_62] : memref<4x80xi32, #tpu.memory_space<vmem>> -> memref<1x80xi32, #tpu.memory_space<vmem>>
    %dma_start3A_64 = tpu.memref_squeeze %dma_start3A_63 : memref<1x80xi32, #tpu.memory_space<vmem>> -> memref<80xi32, #tpu.memory_space<vmem>>
    %dma_start3A_65 = tpu.memref_slice %arg5[%multiple_of3A_47] : memref<640000xi32, #tpu.memory_space<hbm>> -> memref<80xi32, #tpu.memory_space<hbm>>
    tpu.enqueue_dma source(%dma_start3A_65 : memref<80xi32, #tpu.memory_space<hbm>>) target(%dma_start3A_64 : memref<80xi32, #tpu.memory_space<vmem>>) target_semaphore(%arg16 : memref<!tpu.dma_semaphore, #tpu.memory_space<semaphore_mem>>)
    %dma_wait3A = arith.constant 0 : i32
    %dma_wait3A_66 = arith.constant 0 : i32
    %dma_wait3A_67 = tpu.memref_slice %arg11[%dma_wait3A, %dma_wait3A_66] : memref<4x80xi32, #tpu.memory_space<vmem>> -> memref<1x80xi32, #tpu.memory_space<vmem>>
    %dma_wait3A_68 = tpu.memref_squeeze %dma_wait3A_67 : memref<1x80xi32, #tpu.memory_space<vmem>> -> memref<80xi32, #tpu.memory_space<vmem>>
    %dma_wait3A_69 = arith.constant 0 : i32
    %dma_wait3A_70 = tpu.memref_slice %arg4[%dma_wait3A_69] : memref<640000xi32, #tpu.memory_space<hbm>> -> memref<80xi32, #tpu.memory_space<hbm>>
    %dma_wait3A_71 = arith.constant 0 : i32
    %dma_wait3A_72 = tpu.memref_slice %arg11[%dma_wait3A, %dma_wait3A_71] : memref<4x80xi32, #tpu.memory_space<vmem>> -> memref<1x80xi32, #tpu.memory_space<vmem>>
    %dma_wait3A_73 = tpu.memref_squeeze %dma_wait3A_72 : memref<1x80xi32, #tpu.memory_space<vmem>> -> memref<80xi32, #tpu.memory_space<vmem>>
    %dma_wait3A_74 = arith.constant 0 : i32
    %dma_wait3A_75 = tpu.memref_slice %arg4[%dma_wait3A_74] : memref<640000xi32, #tpu.memory_space<hbm>> -> memref<80xi32, #tpu.memory_space<hbm>>
    tpu.wait_dma2 semaphore(%arg15 : memref<!tpu.dma_semaphore, #tpu.memory_space<semaphore_mem>>) src(%dma_wait3A_75 : memref<80xi32, #tpu.memory_space<hbm>>) dst(%dma_wait3A_73 : memref<80xi32, #tpu.memory_space<vmem>>)
    %dma_wait3A_76 = arith.constant 0 : i32
    %dma_wait3A_77 = arith.constant 0 : i32
    %dma_wait3A_78 = tpu.memref_slice %arg12[%dma_wait3A_76, %dma_wait3A_77] : memref<4x80xi32, #tpu.memory_space<vmem>> -> memref<1x80xi32, #tpu.memory_space<vmem>>
    %dma_wait3A_79 = tpu.memref_squeeze %dma_wait3A_78 : memref<1x80xi32, #tpu.memory_space<vmem>> -> memref<80xi32, #tpu.memory_space<vmem>>
    %dma_wait3A_80 = arith.constant 0 : i32
    %dma_wait3A_81 = tpu.memref_slice %arg5[%dma_wait3A_80] : memref<640000xi32, #tpu.memory_space<hbm>> -> memref<80xi32, #tpu.memory_space<hbm>>
    %dma_wait3A_82 = arith.constant 0 : i32
    %dma_wait3A_83 = tpu.memref_slice %arg12[%dma_wait3A_76, %dma_wait3A_82] : memref<4x80xi32, #tpu.memory_space<vmem>> -> memref<1x80xi32, #tpu.memory_space<vmem>>
    %dma_wait3A_84 = tpu.memref_squeeze %dma_wait3A_83 : memref<1x80xi32, #tpu.memory_space<vmem>> -> memref<80xi32, #tpu.memory_space<vmem>>
    %dma_wait3A_85 = arith.constant 0 : i32
    %dma_wait3A_86 = tpu.memref_slice %arg5[%dma_wait3A_85] : memref<640000xi32, #tpu.memory_space<hbm>> -> memref<80xi32, #tpu.memory_space<hbm>>
    tpu.wait_dma2 semaphore(%arg15 : memref<!tpu.dma_semaphore, #tpu.memory_space<semaphore_mem>>) src(%dma_wait3A_86 : memref<80xi32, #tpu.memory_space<hbm>>) dst(%dma_wait3A_84 : memref<80xi32, #tpu.memory_space<vmem>>)
    %add3A_87 = arith.constant 0 : i32
    %add3A_88 = arith.addi %multiple_of3A_5, %add3A_87 : i32
    %multiple_of3A_89 = tpu.assume_multiple %add3A_88, 8 : i32
    %dma_start3A_90 = arith.constant 0 : i32
    %dma_start3A_91 = arith.constant 0 : i32
    %dma_start3A_92 = arith.constant 0 : i32
    %dma_start3A_93 = arith.constant 0 : i32
    %dma_start3A_94 = tpu.memref_slice %arg8[%dma_start3A_91, %dma_start3A_92, %dma_start3A_93] : memref<2x80x128xf32, #tpu.memory_space<vmem>> -> memref<1x80x128xf32, #tpu.memory_space<vmem>>
    %dma_start3A_95 = tpu.memref_squeeze %dma_start3A_94 : memref<1x80x128xf32, #tpu.memory_space<vmem>> -> memref<80x128xf32, #tpu.memory_space<vmem>>
    %dma_start3A_96 = arith.constant 0 : i32
    %dma_start3A_97 = tpu.memref_slice %arg11[%dma_start3A_90, %dma_start3A_96] : memref<4x80xi32, #tpu.memory_space<vmem>> -> memref<1x80xi32, #tpu.memory_space<vmem>>
    %dma_start3A_98 = tpu.memref_squeeze %dma_start3A_97 : memref<1x80xi32, #tpu.memory_space<vmem>> -> memref<80xi32, #tpu.memory_space<vmem>>
    %dma_start3A_99 = arith.constant 0 : i32
    %dma_start3A_100 = arith.constant 0 : i32
    %dma_start3A_101 = tpu.memref_slice %arg2[%dma_start3A_99, %dma_start3A_100] : memref<10000x128xf32, #tpu.memory_space<hbm>> -> memref<10000x128xf32, #tpu.memory_space<hbm>>
    tpu.enqueue_indirect_dma source(%dma_start3A_101 : memref<10000x128xf32, #tpu.memory_space<hbm>>) target(%dma_start3A_95 : memref<80x128xf32, #tpu.memory_space<vmem>>) offsets(%dma_start3A_98 : memref<80xi32, #tpu.memory_space<vmem>>) semaphore(%arg13 : memref<!tpu.dma_semaphore, #tpu.memory_space<semaphore_mem>>)
    %dma_start3A_102 = arith.constant 0 : i32
    %dma_start3A_103 = arith.constant 0 : i32
    %dma_start3A_104 = arith.constant 0 : i32
    %dma_start3A_105 = tpu.memref_slice %arg9[%dma_start3A_102, %dma_start3A_103, %dma_start3A_104] : memref<2x40x64xi32, #tpu.memory_space<vmem>> -> memref<1x40x64xi32, #tpu.memory_space<vmem>>
    %dma_start3A_106 = tpu.memref_squeeze %dma_start3A_105 : memref<1x40x64xi32, #tpu.memory_space<vmem>> -> memref<40x64xi32, #tpu.memory_space<vmem>>
    %dma_start3A_107 = arith.constant 0 : i32
    %dma_start3A_108 = tpu.memref_slice %arg3[%multiple_of3A_89, %dma_start3A_107] : memref<320000x64xi32, #tpu.memory_space<hbm>> -> memref<40x64xi32, #tpu.memory_space<hbm>>
    %dma_start3A_109 = arith.constant 0 : i32
    %dma_start3A_110 = arith.constant 0 : i32
    %dma_start3A_111 = tpu.memref_slice %arg9[%dma_start3A_102, %dma_start3A_109, %dma_start3A_110] : memref<2x40x64xi32, #tpu.memory_space<vmem>> -> memref<1x40x64xi32, #tpu.memory_space<vmem>>
    %dma_start3A_112 = tpu.memref_squeeze %dma_start3A_111 : memref<1x40x64xi32, #tpu.memory_space<vmem>> -> memref<40x64xi32, #tpu.memory_space<vmem>>
    %dma_start3A_113 = arith.constant 0 : i32
    %dma_start3A_114 = tpu.memref_slice %arg3[%multiple_of3A_89, %dma_start3A_113] : memref<320000x64xi32, #tpu.memory_space<hbm>> -> memref<40x64xi32, #tpu.memory_space<hbm>>
    tpu.enqueue_dma source(%dma_start3A_114 : memref<40x64xi32, #tpu.memory_space<hbm>>) target(%dma_start3A_112 : memref<40x64xi32, #tpu.memory_space<vmem>>) target_semaphore(%arg13 : memref<!tpu.dma_semaphore, #tpu.memory_space<semaphore_mem>>)
    %scan3A_115 = arith.constant 0 : i32
    %scan3A_116 = arith.constant 125 : i32
    %scan3A_117 = arith.addi %scan3A_115, %scan3A_116 : i32
    %scan3A_118 = arith.constant 1 : i32
    scf.for %scan3A_132 = %scan3A_115 to %scan3A_117 step %scan3A_118  : i32 {
      %mul3A_133 = arith.constant 2 : i32
      %mul3A_134 = arith.muli %scan3A_132, %mul3A_133 : i32
      %add3A_135 = arith.constant 0 : i32
      %add3A_136 = arith.addi %add3A_135, %mul3A_134 : i32
      %add3A_137 = arith.constant 0 : i32
      %add3A_138 = arith.addi %add3A_136, %add3A_137 : i32
      %add3A_139 = arith.constant 2 : i32
      %add3A_140 = arith.addi %add3A_138, %add3A_139 : i32
      %lt3A = arith.constant 250 : i32
      %lt3A_141 = arith.cmpi slt, %add3A_140, %lt3A : i32
      %convert_element_type3A_142 = arith.extui %lt3A_141 : i1 to i32
      %cond3A_143 = arith.constant 0 : i32
      %cond3A_144 = arith.cmpi ne, %convert_element_type3A_142, %cond3A_143 : i32
      scf.if %cond3A_144 {
        %add3A_286 = arith.constant 2 : i32
        %add3A_287 = arith.addi %add3A_138, %add3A_286 : i32
        %mul3A_288 = arith.constant 80 : i32
        %mul3A_289 = arith.muli %add3A_287, %mul3A_288 : i32
        %add3A_290 = arith.addi %multiple_of3A_10, %mul3A_289 : i32
        %multiple_of3A_291 = tpu.assume_multiple %add3A_290, 8 : i32
        %jit3A_292 = arith.constant 4 : i32
        %eq3A_293 = arith.constant 0 : i32
        %eq3A_294 = arith.cmpi eq, %jit3A_292, %eq3A_293 : i32
        %jit3A_295 = arith.constant 1 : i32
        %select_n3A_296 = arith.select %eq3A_294, %jit3A_295, %jit3A_292 : i32
        %rem3A_297 = arith.remsi %add3A_287, %select_n3A_296 : i32
        %ne3A_298 = arith.constant 0 : i32
        %ne3A_299 = arith.cmpi ne, %rem3A_297, %ne3A_298 : i32
        %lt3A_300 = arith.constant 0 : i32
        %lt3A_301 = arith.cmpi slt, %rem3A_297, %lt3A_300 : i32
        %lt3A_302 = arith.constant 0 : i32
        %lt3A_303 = arith.cmpi slt, %select_n3A_296, %lt3A_302 : i32
        %ne3A_304 = arith.xori %lt3A_301, %lt3A_303 : i1
        %and3A_305 = arith.andi %ne3A_304, %ne3A_299 : i1
        %add3A_306 = arith.addi %rem3A_297, %select_n3A_296 : i32
        %select_n3A_307 = arith.select %and3A_305, %add3A_306, %rem3A_297 : i32
        %dma_start3A_308 = arith.constant 0 : i32
        %dma_start3A_309 = tpu.memref_slice %arg11[%select_n3A_307, %dma_start3A_308] : memref<4x80xi32, #tpu.memory_space<vmem>> -> memref<1x80xi32, #tpu.memory_space<vmem>>
        %dma_start3A_310 = tpu.memref_squeeze %dma_start3A_309 : memref<1x80xi32, #tpu.memory_space<vmem>> -> memref<80xi32, #tpu.memory_space<vmem>>
        %dma_start3A_311 = tpu.memref_slice %arg4[%multiple_of3A_291] : memref<640000xi32, #tpu.memory_space<hbm>> -> memref<80xi32, #tpu.memory_space<hbm>>
        %dma_start3A_312 = arith.constant 0 : i32
        %dma_start3A_313 = tpu.memref_slice %arg11[%select_n3A_307, %dma_start3A_312] : memref<4x80xi32, #tpu.memory_space<vmem>> -> memref<1x80xi32, #tpu.memory_space<vmem>>
        %dma_start3A_314 = tpu.memref_squeeze %dma_start3A_313 : memref<1x80xi32, #tpu.memory_space<vmem>> -> memref<80xi32, #tpu.memory_space<vmem>>
        %dma_start3A_315 = tpu.memref_slice %arg4[%multiple_of3A_291] : memref<640000xi32, #tpu.memory_space<hbm>> -> memref<80xi32, #tpu.memory_space<hbm>>
        tpu.enqueue_dma source(%dma_start3A_315 : memref<80xi32, #tpu.memory_space<hbm>>) target(%dma_start3A_314 : memref<80xi32, #tpu.memory_space<vmem>>) target_semaphore(%arg15 : memref<!tpu.dma_semaphore, #tpu.memory_space<semaphore_mem>>)
        %jit3A_316 = arith.constant 4 : i32
        %eq3A_317 = arith.constant 0 : i32
        %eq3A_318 = arith.cmpi eq, %jit3A_316, %eq3A_317 : i32
        %jit3A_319 = arith.constant 1 : i32
        %select_n3A_320 = arith.select %eq3A_318, %jit3A_319, %jit3A_316 : i32
        %rem3A_321 = arith.remsi %add3A_287, %select_n3A_320 : i32
        %ne3A_322 = arith.constant 0 : i32
        %ne3A_323 = arith.cmpi ne, %rem3A_321, %ne3A_322 : i32
        %lt3A_324 = arith.constant 0 : i32
        %lt3A_325 = arith.cmpi slt, %rem3A_321, %lt3A_324 : i32
        %lt3A_326 = arith.constant 0 : i32
        %lt3A_327 = arith.cmpi slt, %select_n3A_320, %lt3A_326 : i32
        %ne3A_328 = arith.xori %lt3A_325, %lt3A_327 : i1
        %and3A_329 = arith.andi %ne3A_328, %ne3A_323 : i1
        %add3A_330 = arith.addi %rem3A_321, %select_n3A_320 : i32
        %select_n3A_331 = arith.select %and3A_329, %add3A_330, %rem3A_321 : i32
        %dma_start3A_332 = arith.constant 0 : i32
        %dma_start3A_333 = tpu.memref_slice %arg12[%select_n3A_331, %dma_start3A_332] : memref<4x80xi32, #tpu.memory_space<vmem>> -> memref<1x80xi32, #tpu.memory_space<vmem>>
        %dma_start3A_334 = tpu.memref_squeeze %dma_start3A_333 : memref<1x80xi32, #tpu.memory_space<vmem>> -> memref<80xi32, #tpu.memory_space<vmem>>
        %dma_start3A_335 = tpu.memref_slice %arg5[%multiple_of3A_291] : memref<640000xi32, #tpu.memory_space<hbm>> -> memref<80xi32, #tpu.memory_space<hbm>>
        %dma_start3A_336 = arith.constant 0 : i32
        %dma_start3A_337 = tpu.memref_slice %arg12[%select_n3A_331, %dma_start3A_336] : memref<4x80xi32, #tpu.memory_space<vmem>> -> memref<1x80xi32, #tpu.memory_space<vmem>>
        %dma_start3A_338 = tpu.memref_squeeze %dma_start3A_337 : memref<1x80xi32, #tpu.memory_space<vmem>> -> memref<80xi32, #tpu.memory_space<vmem>>
        %dma_start3A_339 = tpu.memref_slice %arg5[%multiple_of3A_291] : memref<640000xi32, #tpu.memory_space<hbm>> -> memref<80xi32, #tpu.memory_space<hbm>>
        tpu.enqueue_dma source(%dma_start3A_339 : memref<80xi32, #tpu.memory_space<hbm>>) target(%dma_start3A_338 : memref<80xi32, #tpu.memory_space<vmem>>) target_semaphore(%arg15 : memref<!tpu.dma_semaphore, #tpu.memory_space<semaphore_mem>>)
      } else {
      }
      %add3A_145 = arith.constant 1 : i32
      %add3A_146 = arith.addi %add3A_138, %add3A_145 : i32
      %lt3A_147 = arith.constant 250 : i32
      %lt3A_148 = arith.cmpi slt, %add3A_146, %lt3A_147 : i32
      %convert_element_type3A_149 = arith.extui %lt3A_148 : i1 to i32
      %cond3A_150 = arith.constant 0 : i32
      %cond3A_151 = arith.cmpi ne, %convert_element_type3A_149, %cond3A_150 : i32
      scf.if %cond3A_151 {
        %dma_wait3A_286 = arith.constant 0 : i32
        %dma_wait3A_287 = arith.constant 0 : i32
        %dma_wait3A_288 = tpu.memref_slice %arg11[%dma_wait3A_286, %dma_wait3A_287] : memref<4x80xi32, #tpu.memory_space<vmem>> -> memref<1x80xi32, #tpu.memory_space<vmem>>
        %dma_wait3A_289 = tpu.memref_squeeze %dma_wait3A_288 : memref<1x80xi32, #tpu.memory_space<vmem>> -> memref<80xi32, #tpu.memory_space<vmem>>
        %dma_wait3A_290 = arith.constant 0 : i32
        %dma_wait3A_291 = tpu.memref_slice %arg4[%dma_wait3A_290] : memref<640000xi32, #tpu.memory_space<hbm>> -> memref<80xi32, #tpu.memory_space<hbm>>
        %dma_wait3A_292 = arith.constant 0 : i32
        %dma_wait3A_293 = tpu.memref_slice %arg11[%dma_wait3A_286, %dma_wait3A_292] : memref<4x80xi32, #tpu.memory_space<vmem>> -> memref<1x80xi32, #tpu.memory_space<vmem>>
        %dma_wait3A_294 = tpu.memref_squeeze %dma_wait3A_293 : memref<1x80xi32, #tpu.memory_space<vmem>> -> memref<80xi32, #tpu.memory_space<vmem>>
        %dma_wait3A_295 = arith.constant 0 : i32
        %dma_wait3A_296 = tpu.memref_slice %arg4[%dma_wait3A_295] : memref<640000xi32, #tpu.memory_space<hbm>> -> memref<80xi32, #tpu.memory_space<hbm>>
        tpu.wait_dma2 semaphore(%arg16 : memref<!tpu.dma_semaphore, #tpu.memory_space<semaphore_mem>>) src(%dma_wait3A_296 : memref<80xi32, #tpu.memory_space<hbm>>) dst(%dma_wait3A_294 : memref<80xi32, #tpu.memory_space<vmem>>)
        %dma_wait3A_297 = arith.constant 0 : i32
        %dma_wait3A_298 = arith.constant 0 : i32
        %dma_wait3A_299 = tpu.memref_slice %arg12[%dma_wait3A_297, %dma_wait3A_298] : memref<4x80xi32, #tpu.memory_space<vmem>> -> memref<1x80xi32, #tpu.memory_space<vmem>>
        %dma_wait3A_300 = tpu.memref_squeeze %dma_wait3A_299 : memref<1x80xi32, #tpu.memory_space<vmem>> -> memref<80xi32, #tpu.memory_space<vmem>>
        %dma_wait3A_301 = arith.constant 0 : i32
        %dma_wait3A_302 = tpu.memref_slice %arg5[%dma_wait3A_301] : memref<640000xi32, #tpu.memory_space<hbm>> -> memref<80xi32, #tpu.memory_space<hbm>>
        %dma_wait3A_303 = arith.constant 0 : i32
        %dma_wait3A_304 = tpu.memref_slice %arg12[%dma_wait3A_297, %dma_wait3A_303] : memref<4x80xi32, #tpu.memory_space<vmem>> -> memref<1x80xi32, #tpu.memory_space<vmem>>
        %dma_wait3A_305 = tpu.memref_squeeze %dma_wait3A_304 : memref<1x80xi32, #tpu.memory_space<vmem>> -> memref<80xi32, #tpu.memory_space<vmem>>
        %dma_wait3A_306 = arith.constant 0 : i32
        %dma_wait3A_307 = tpu.memref_slice %arg5[%dma_wait3A_306] : memref<640000xi32, #tpu.memory_space<hbm>> -> memref<80xi32, #tpu.memory_space<hbm>>
        tpu.wait_dma2 semaphore(%arg16 : memref<!tpu.dma_semaphore, #tpu.memory_space<semaphore_mem>>) src(%dma_wait3A_307 : memref<80xi32, #tpu.memory_space<hbm>>) dst(%dma_wait3A_305 : memref<80xi32, #tpu.memory_space<vmem>>)
        %add3A_308 = arith.constant 1 : i32
        %add3A_309 = arith.addi %add3A_138, %add3A_308 : i32
        %mul3A_310 = arith.constant 40 : i32
        %mul3A_311 = arith.muli %add3A_309, %mul3A_310 : i32
        %add3A_312 = arith.addi %multiple_of3A_5, %mul3A_311 : i32
        %multiple_of3A_313 = tpu.assume_multiple %add3A_312, 8 : i32
        %jit3A_314 = arith.constant 4 : i32
        %eq3A_315 = arith.constant 0 : i32
        %eq3A_316 = arith.cmpi eq, %jit3A_314, %eq3A_315 : i32
        %jit3A_317 = arith.constant 1 : i32
        %select_n3A_318 = arith.select %eq3A_316, %jit3A_317, %jit3A_314 : i32
        %rem3A_319 = arith.remsi %add3A_309, %select_n3A_318 : i32
        %ne3A_320 = arith.constant 0 : i32
        %ne3A_321 = arith.cmpi ne, %rem3A_319, %ne3A_320 : i32
        %lt3A_322 = arith.constant 0 : i32
        %lt3A_323 = arith.cmpi slt, %rem3A_319, %lt3A_322 : i32
        %lt3A_324 = arith.constant 0 : i32
        %lt3A_325 = arith.cmpi slt, %select_n3A_318, %lt3A_324 : i32
        %ne3A_326 = arith.xori %lt3A_323, %lt3A_325 : i1
        %and3A_327 = arith.andi %ne3A_326, %ne3A_321 : i1
        %add3A_328 = arith.addi %rem3A_319, %select_n3A_318 : i32
        %select_n3A_329 = arith.select %and3A_327, %add3A_328, %rem3A_319 : i32
        %dma_start3A_330 = arith.constant 1 : i32
        %dma_start3A_331 = arith.constant 0 : i32
        %dma_start3A_332 = arith.constant 0 : i32
        %dma_start3A_333 = tpu.memref_slice %arg8[%dma_start3A_330, %dma_start3A_331, %dma_start3A_332] : memref<2x80x128xf32, #tpu.memory_space<vmem>> -> memref<1x80x128xf32, #tpu.memory_space<vmem>>
        %dma_start3A_334 = tpu.memref_squeeze %dma_start3A_333 : memref<1x80x128xf32, #tpu.memory_space<vmem>> -> memref<80x128xf32, #tpu.memory_space<vmem>>
        %dma_start3A_335 = arith.constant 0 : i32
        %dma_start3A_336 = tpu.memref_slice %arg11[%select_n3A_329, %dma_start3A_335] : memref<4x80xi32, #tpu.memory_space<vmem>> -> memref<1x80xi32, #tpu.memory_space<vmem>>
        %dma_start3A_337 = tpu.memref_squeeze %dma_start3A_336 : memref<1x80xi32, #tpu.memory_space<vmem>> -> memref<80xi32, #tpu.memory_space<vmem>>
        %dma_start3A_338 = arith.constant 0 : i32
        %dma_start3A_339 = arith.constant 0 : i32
        %dma_start3A_340 = tpu.memref_slice %arg2[%dma_start3A_338, %dma_start3A_339] : memref<10000x128xf32, #tpu.memory_space<hbm>> -> memref<10000x128xf32, #tpu.memory_space<hbm>>
        tpu.enqueue_indirect_dma source(%dma_start3A_340 : memref<10000x128xf32, #tpu.memory_space<hbm>>) target(%dma_start3A_334 : memref<80x128xf32, #tpu.memory_space<vmem>>) offsets(%dma_start3A_337 : memref<80xi32, #tpu.memory_space<vmem>>) semaphore(%arg14 : memref<!tpu.dma_semaphore, #tpu.memory_space<semaphore_mem>>)
        %dma_start3A_341 = arith.constant 1 : i32
        %dma_start3A_342 = arith.constant 0 : i32
        %dma_start3A_343 = arith.constant 0 : i32
        %dma_start3A_344 = tpu.memref_slice %arg9[%dma_start3A_341, %dma_start3A_342, %dma_start3A_343] : memref<2x40x64xi32, #tpu.memory_space<vmem>> -> memref<1x40x64xi32, #tpu.memory_space<vmem>>
        %dma_start3A_345 = tpu.memref_squeeze %dma_start3A_344 : memref<1x40x64xi32, #tpu.memory_space<vmem>> -> memref<40x64xi32, #tpu.memory_space<vmem>>
        %dma_start3A_346 = arith.constant 0 : i32
        %dma_start3A_347 = tpu.memref_slice %arg3[%multiple_of3A_313, %dma_start3A_346] : memref<320000x64xi32, #tpu.memory_space<hbm>> -> memref<40x64xi32, #tpu.memory_space<hbm>>
        %dma_start3A_348 = arith.constant 0 : i32
        %dma_start3A_349 = arith.constant 0 : i32
        %dma_start3A_350 = tpu.memref_slice %arg9[%dma_start3A_341, %dma_start3A_348, %dma_start3A_349] : memref<2x40x64xi32, #tpu.memory_space<vmem>> -> memref<1x40x64xi32, #tpu.memory_space<vmem>>
        %dma_start3A_351 = tpu.memref_squeeze %dma_start3A_350 : memref<1x40x64xi32, #tpu.memory_space<vmem>> -> memref<40x64xi32, #tpu.memory_space<vmem>>
        %dma_start3A_352 = arith.constant 0 : i32
        %dma_start3A_353 = tpu.memref_slice %arg3[%multiple_of3A_313, %dma_start3A_352] : memref<320000x64xi32, #tpu.memory_space<hbm>> -> memref<40x64xi32, #tpu.memory_space<hbm>>
        tpu.enqueue_dma source(%dma_start3A_353 : memref<40x64xi32, #tpu.memory_space<hbm>>) target(%dma_start3A_351 : memref<40x64xi32, #tpu.memory_space<vmem>>) target_semaphore(%arg14 : memref<!tpu.dma_semaphore, #tpu.memory_space<semaphore_mem>>)
      } else {
      }
      %dma_wait3A_152 = arith.constant 0 : i32
      %dma_wait3A_153 = arith.constant 0 : i32
      %dma_wait3A_154 = arith.constant 0 : i32
      %dma_wait3A_155 = tpu.memref_slice %arg8[%dma_wait3A_152, %dma_wait3A_153, %dma_wait3A_154] : memref<2x80x128xf32, #tpu.memory_space<vmem>> -> memref<1x80x128xf32, #tpu.memory_space<vmem>>
      %dma_wait3A_156 = tpu.memref_squeeze %dma_wait3A_155 : memref<1x80x128xf32, #tpu.memory_space<vmem>> -> memref<80x128xf32, #tpu.memory_space<vmem>>
      %dma_wait3A_157 = arith.constant 0 : i32
      %dma_wait3A_158 = arith.constant 0 : i32
      %dma_wait3A_159 = tpu.memref_slice %arg2[%dma_wait3A_157, %dma_wait3A_158] : memref<10000x128xf32, #tpu.memory_space<hbm>> -> memref<80x128xf32, #tpu.memory_space<hbm>>
      %dma_wait3A_160 = arith.constant 0 : i32
      %dma_wait3A_161 = arith.constant 0 : i32
      %dma_wait3A_162 = tpu.memref_slice %arg8[%dma_wait3A_152, %dma_wait3A_160, %dma_wait3A_161] : memref<2x80x128xf32, #tpu.memory_space<vmem>> -> memref<1x80x128xf32, #tpu.memory_space<vmem>>
      %dma_wait3A_163 = tpu.memref_squeeze %dma_wait3A_162 : memref<1x80x128xf32, #tpu.memory_space<vmem>> -> memref<80x128xf32, #tpu.memory_space<vmem>>
      %dma_wait3A_164 = arith.constant 0 : i32
      %dma_wait3A_165 = arith.constant 0 : i32
      %dma_wait3A_166 = tpu.memref_slice %arg2[%dma_wait3A_164, %dma_wait3A_165] : memref<10000x128xf32, #tpu.memory_space<hbm>> -> memref<80x128xf32, #tpu.memory_space<hbm>>
      tpu.wait_dma2 semaphore(%arg13 : memref<!tpu.dma_semaphore, #tpu.memory_space<semaphore_mem>>) src(%dma_wait3A_166 : memref<80x128xf32, #tpu.memory_space<hbm>>) dst(%dma_wait3A_163 : memref<80x128xf32, #tpu.memory_space<vmem>>)
      %dma_wait3A_167 = arith.constant 0 : i32
      %dma_wait3A_168 = arith.constant 0 : i32
      %dma_wait3A_169 = arith.constant 0 : i32
      %dma_wait3A_170 = tpu.memref_slice %arg9[%dma_wait3A_167, %dma_wait3A_168, %dma_wait3A_169] : memref<2x40x64xi32, #tpu.memory_space<vmem>> -> memref<1x40x64xi32, #tpu.memory_space<vmem>>
      %dma_wait3A_171 = tpu.memref_squeeze %dma_wait3A_170 : memref<1x40x64xi32, #tpu.memory_space<vmem>> -> memref<40x64xi32, #tpu.memory_space<vmem>>
      %dma_wait3A_172 = arith.constant 0 : i32
      %dma_wait3A_173 = arith.constant 0 : i32
      %dma_wait3A_174 = tpu.memref_slice %arg3[%dma_wait3A_172, %dma_wait3A_173] : memref<320000x64xi32, #tpu.memory_space<hbm>> -> memref<40x64xi32, #tpu.memory_space<hbm>>
      %dma_wait3A_175 = arith.constant 0 : i32
      %dma_wait3A_176 = arith.constant 0 : i32
      %dma_wait3A_177 = tpu.memref_slice %arg9[%dma_wait3A_167, %dma_wait3A_175, %dma_wait3A_176] : memref<2x40x64xi32, #tpu.memory_space<vmem>> -> memref<1x40x64xi32, #tpu.memory_space<vmem>>
      %dma_wait3A_178 = tpu.memref_squeeze %dma_wait3A_177 : memref<1x40x64xi32, #tpu.memory_space<vmem>> -> memref<40x64xi32, #tpu.memory_space<vmem>>
      %dma_wait3A_179 = arith.constant 0 : i32
      %dma_wait3A_180 = arith.constant 0 : i32
      %dma_wait3A_181 = tpu.memref_slice %arg3[%dma_wait3A_179, %dma_wait3A_180] : memref<320000x64xi32, #tpu.memory_space<hbm>> -> memref<40x64xi32, #tpu.memory_space<hbm>>
      tpu.wait_dma2 semaphore(%arg13 : memref<!tpu.dma_semaphore, #tpu.memory_space<semaphore_mem>>) src(%dma_wait3A_181 : memref<40x64xi32, #tpu.memory_space<hbm>>) dst(%dma_wait3A_178 : memref<40x64xi32, #tpu.memory_space<vmem>>)
      %ge3A = arith.constant 1 : i32
      %ge3A_182 = arith.cmpi sge, %add3A_138, %ge3A : i32
      %convert_element_type3A_183 = arith.extui %ge3A_182 : i1 to i32
      %cond3A_184 = arith.constant 0 : i32
      %cond3A_185 = arith.cmpi ne, %convert_element_type3A_183, %cond3A_184 : i32
      scf.if %cond3A_185 {
        %dma_wait3A_286 = arith.constant 0 : i32
        %dma_wait3A_287 = arith.constant 0 : i32
        %dma_wait3A_288 = tpu.memref_slice %arg7[%dma_wait3A_286, %dma_wait3A_287] : memref<10000x128xf32, #tpu.memory_space<vmem_shared>> -> memref<80x128xf32, #tpu.memory_space<vmem_shared>>
        %dma_wait3A_289 = arith.constant 0 : i32
        %dma_wait3A_290 = arith.constant 0 : i32
        %dma_wait3A_291 = tpu.memref_slice %arg7[%dma_wait3A_289, %dma_wait3A_290] : memref<10000x128xf32, #tpu.memory_space<vmem_shared>> -> memref<80x128xf32, #tpu.memory_space<vmem_shared>>
        tpu.wait_dma2 semaphore(%arg18 : memref<!tpu.dma_semaphore, #tpu.memory_space<semaphore_mem>>) src(%arg10 : memref<80x128xf32, #tpu.memory_space<vmem>>) dst(%dma_wait3A_291 : memref<80x128xf32, #tpu.memory_space<vmem_shared>>)
      } else {
      }
      %scan3A_186 = arith.constant 0 : i32
      %scan3A_187 = arith.constant 40 : i32
      %scan3A_188 = arith.addi %scan3A_186, %scan3A_187 : i32
      %scan3A_189 = arith.constant 1 : i32
      scf.for %scan3A_286 = %scan3A_186 to %scan3A_188 step %scan3A_189  : i32 {
        %mul3A_287 = arith.constant 1 : i32
        %mul3A_288 = arith.muli %scan3A_286, %mul3A_287 : i32
        %add3A_289 = arith.constant 0 : i32
        %add3A_290 = arith.addi %add3A_289, %mul3A_288 : i32
        %get3A = arith.constant 0 : i32
        %get3A_291 = arith.index_cast %get3A : i32 to index
        %get3A_292 = arith.index_cast %add3A_290 : i32 to index
        %get3A_293 = arith.constant 0 : index
        %get3A_294 = tpu.vector_load %arg9[%get3A_291, %get3A_292, %get3A_293] {strides = array<i32>} : memref<2x40x64xi32, #tpu.memory_space<vmem>>, vector<16xi32>,
        %shift_left3A = arith.constant 16 : i32
        %shift_left3A_295 = vector.broadcast %shift_left3A : i32 to vector<16xi32>
        %shift_left3A_296 = arith.shli %get3A_294, %shift_left3A_295 : vector<16xi32>
        %bitcast_convert_type3A = tpu.bitcast %shift_left3A_296 : vector<16xi32> -> vector<16xf32>
        %and3A_297 = arith.constant -65536 : i32
        %and3A_298 = vector.broadcast %and3A_297 : i32 to vector<16xi32>
        %and3A_299 = arith.andi %get3A_294, %and3A_298 : vector<16xi32>
        %bitcast_convert_type3A_300 = tpu.bitcast %and3A_299 : vector<16xi32> -> vector<16xf32>
        %get3A_301 = arith.constant 0 : i32
        %get3A_302 = arith.index_cast %get3A_301 : i32 to index
        %get3A_303 = arith.index_cast %add3A_290 : i32 to index
        %get3A_304 = arith.constant 0 : index
        %get3A_305 = tpu.vector_load %arg8[%get3A_302, %get3A_303, %get3A_304] {strides = array<i32>} : memref<2x80x128xf32, #tpu.memory_space<vmem>>, vector<16xf32>,
        %mul3A_306 = arith.mulf %get3A_305, %bitcast_convert_type3A : vector<16xf32>
        %swap3A = arith.index_cast %add3A_290 : i32 to index
        %swap3A_307 = arith.constant 0 : index
        %swap3A_308 = tpu.vector_load %arg10[%swap3A, %swap3A_307] {strides = array<i32>} : memref<80x128xf32, #tpu.memory_space<vmem>>, vector<16xf32>,
        tpu.vector_store %arg10[%swap3A, %swap3A_307], %mul3A_306 {strides = array<i32>} : memref<80x128xf32, #tpu.memory_space<vmem>>, vector<16xf32>,
        %get3A_309 = arith.constant 0 : i32
        %get3A_310 = arith.index_cast %get3A_309 : i32 to index
        %get3A_311 = arith.index_cast %add3A_290 : i32 to index
        %get3A_312 = arith.constant 64 : index
        %get3A_313 = tpu.vector_load %arg8[%get3A_310, %get3A_311, %get3A_312] {strides = array<i32>} : memref<2x80x128xf32, #tpu.memory_space<vmem>>, vector<16xf32>,
        %mul3A_314 = arith.mulf %get3A_313, %bitcast_convert_type3A_300 : vector<16xf32>
        %swap3A_315 = arith.index_cast %add3A_290 : i32 to index
        %swap3A_316 = arith.constant 64 : index
        %swap3A_317 = tpu.vector_load %arg10[%swap3A_315, %swap3A_316] {strides = array<i32>} : memref<80x128xf32, #tpu.memory_space<vmem>>, vector<16xf32>,
        tpu.vector_store %arg10[%swap3A_315, %swap3A_316], %mul3A_314 {strides = array<i32>} : memref<80x128xf32, #tpu.memory_space<vmem>>, vector<16xf32>,
        %add3A_318 = arith.constant 40 : i32
        %add3A_319 = arith.addi %add3A_318, %add3A_290 : i32
        %get3A_320 = arith.constant 0 : i32
        %get3A_321 = arith.index_cast %get3A_320 : i32 to index
        %get3A_322 = arith.index_cast %add3A_319 : i32 to index
        %get3A_323 = arith.constant 0 : index
        %get3A_324 = tpu.vector_load %arg8[%get3A_321, %get3A_322, %get3A_323] {strides = array<i32>} : memref<2x80x128xf32, #tpu.memory_space<vmem>>, vector<16xf32>,
        %mul3A_325 = arith.mulf %get3A_324, %bitcast_convert_type3A : vector<16xf32>
        %add3A_326 = arith.constant 40 : i32
        %add3A_327 = arith.addi %add3A_326, %add3A_290 : i32
        %swap3A_328 = arith.index_cast %add3A_327 : i32 to index
        %swap3A_329 = arith.constant 0 : index
        %swap3A_330 = tpu.vector_load %arg10[%swap3A_328, %swap3A_329] {strides = array<i32>} : memref<80x128xf32, #tpu.memory_space<vmem>>, vector<16xf32>,
        tpu.vector_store %arg10[%swap3A_328, %swap3A_329], %mul3A_325 {strides = array<i32>} : memref<80x128xf32, #tpu.memory_space<vmem>>, vector<16xf32>,
        %add3A_331 = arith.constant 40 : i32
        %add3A_332 = arith.addi %add3A_331, %add3A_290 : i32
        %get3A_333 = arith.constant 0 : i32
        %get3A_334 = arith.index_cast %get3A_333 : i32 to index
        %get3A_335 = arith.index_cast %add3A_332 : i32 to index
        %get3A_336 = arith.constant 64 : index
        %get3A_337 = tpu.vector_load %arg8[%get3A_334, %get3A_335, %get3A_336] {strides = array<i32>} : memref<2x80x128xf32, #tpu.memory_space<vmem>>, vector<16xf32>,
        %mul3A_338 = arith.mulf %get3A_337, %bitcast_convert_type3A_300 : vector<16xf32>
        %add3A_339 = arith.constant 40 : i32
        %add3A_340 = arith.addi %add3A_339, %add3A_290 : i32
        %swap3A_341 = arith.index_cast %add3A_340 : i32 to index
        %swap3A_342 = arith.constant 64 : index
        %swap3A_343 = tpu.vector_load %arg10[%swap3A_341, %swap3A_342] {strides = array<i32>} : memref<80x128xf32, #tpu.memory_space<vmem>>, vector<16xf32>,
        tpu.vector_store %arg10[%swap3A_341, %swap3A_342], %mul3A_338 {strides = array<i32>} : memref<80x128xf32, #tpu.memory_space<vmem>>, vector<16xf32>,
        %get3A_344 = arith.constant 0 : i32
        %get3A_345 = arith.index_cast %get3A_344 : i32 to index
        %get3A_346 = arith.index_cast %add3A_290 : i32 to index
        %get3A_347 = arith.constant 16 : index
        %get3A_348 = tpu.vector_load %arg9[%get3A_345, %get3A_346, %get3A_347] {strides = array<i32>} : memref<2x40x64xi32, #tpu.memory_space<vmem>>, vector<16xi32>,
        %shift_left3A_349 = arith.constant 16 : i32
        %shift_left3A_350 = vector.broadcast %shift_left3A_349 : i32 to vector<16xi32>
        %shift_left3A_351 = arith.shli %get3A_348, %shift_left3A_350 : vector<16xi32>
        %bitcast_convert_type3A_352 = tpu.bitcast %shift_left3A_351 : vector<16xi32> -> vector<16xf32>
        %and3A_353 = arith.constant -65536 : i32
        %and3A_354 = vector.broadcast %and3A_353 : i32 to vector<16xi32>
        %and3A_355 = arith.andi %get3A_348, %and3A_354 : vector<16xi32>
        %bitcast_convert_type3A_356 = tpu.bitcast %and3A_355 : vector<16xi32> -> vector<16xf32>
        %get3A_357 = arith.constant 0 : i32
        %get3A_358 = arith.index_cast %get3A_357 : i32 to index
        %get3A_359 = arith.index_cast %add3A_290 : i32 to index
        %get3A_360 = arith.constant 16 : index
        %get3A_361 = tpu.vector_load %arg8[%get3A_358, %get3A_359, %get3A_360] {strides = array<i32>} : memref<2x80x128xf32, #tpu.memory_space<vmem>>, vector<16xf32>,
        %mul3A_362 = arith.mulf %get3A_361, %bitcast_convert_type3A_352 : vector<16xf32>
        %swap3A_363 = arith.index_cast %add3A_290 : i32 to index
        %swap3A_364 = arith.constant 16 : index
        %swap3A_365 = tpu.vector_load %arg10[%swap3A_363, %swap3A_364] {strides = array<i32>} : memref<80x128xf32, #tpu.memory_space<vmem>>, vector<16xf32>,
        tpu.vector_store %arg10[%swap3A_363, %swap3A_364], %mul3A_362 {strides = array<i32>} : memref<80x128xf32, #tpu.memory_space<vmem>>, vector<16xf32>,
        %get3A_366 = arith.constant 0 : i32
        %get3A_367 = arith.index_cast %get3A_366 : i32 to index
        %get3A_368 = arith.index_cast %add3A_290 : i32 to index
        %get3A_369 = arith.constant 80 : index
        %get3A_370 = tpu.vector_load %arg8[%get3A_367, %get3A_368, %get3A_369] {strides = array<i32>} : memref<2x80x128xf32, #tpu.memory_space<vmem>>, vector<16xf32>,
        %mul3A_371 = arith.mulf %get3A_370, %bitcast_convert_type3A_356 : vector<16xf32>
        %swap3A_372 = arith.index_cast %add3A_290 : i32 to index
        %swap3A_373 = arith.constant 80 : index
        %swap3A_374 = tpu.vector_load %arg10[%swap3A_372, %swap3A_373] {strides = array<i32>} : memref<80x128xf32, #tpu.memory_space<vmem>>, vector<16xf32>,
        tpu.vector_store %arg10[%swap3A_372, %swap3A_373], %mul3A_371 {strides = array<i32>} : memref<80x128xf32, #tpu.memory_space<vmem>>, vector<16xf32>,
        %add3A_375 = arith.constant 40 : i32
        %add3A_376 = arith.addi %add3A_375, %add3A_290 : i32
        %get3A_377 = arith.constant 0 : i32
        %get3A_378 = arith.index_cast %get3A_377 : i32 to index
        %get3A_379 = arith.index_cast %add3A_376 : i32 to index
        %get3A_380 = arith.constant 16 : index
        %get3A_381 = tpu.vector_load %arg8[%get3A_378, %get3A_379, %get3A_380] {strides = array<i32>} : memref<2x80x128xf32, #tpu.memory_space<vmem>>, vector<16xf32>,
        %mul3A_382 = arith.mulf %get3A_381, %bitcast_convert_type3A_352 : vector<16xf32>
        %add3A_383 = arith.constant 40 : i32
        %add3A_384 = arith.addi %add3A_383, %add3A_290 : i32
        %swap3A_385 = arith.index_cast %add3A_384 : i32 to index
        %swap3A_386 = arith.constant 16 : index
        %swap3A_387 = tpu.vector_load %arg10[%swap3A_385, %swap3A_386] {strides = array<i32>} : memref<80x128xf32, #tpu.memory_space<vmem>>, vector<16xf32>,
        tpu.vector_store %arg10[%swap3A_385, %swap3A_386], %mul3A_382 {strides = array<i32>} : memref<80x128xf32, #tpu.memory_space<vmem>>, vector<16xf32>,
        %add3A_388 = arith.constant 40 : i32
        %add3A_389 = arith.addi %add3A_388, %add3A_290 : i32
        %get3A_390 = arith.constant 0 : i32
        %get3A_391 = arith.index_cast %get3A_390 : i32 to index
        %get3A_392 = arith.index_cast %add3A_389 : i32 to index
        %get3A_393 = arith.constant 80 : index
        %get3A_394 = tpu.vector_load %arg8[%get3A_391, %get3A_392, %get3A_393] {strides = array<i32>} : memref<2x80x128xf32, #tpu.memory_space<vmem>>, vector<16xf32>,
        %mul3A_395 = arith.mulf %get3A_394, %bitcast_convert_type3A_356 : vector<16xf32>
        %add3A_396 = arith.constant 40 : i32
        %add3A_397 = arith.addi %add3A_396, %add3A_290 : i32
        %swap3A_398 = arith.index_cast %add3A_397 : i32 to index
        %swap3A_399 = arith.constant 80 : index
        %swap3A_400 = tpu.vector_load %arg10[%swap3A_398, %swap3A_399] {strides = array<i32>} : memref<80x128xf32, #tpu.memory_space<vmem>>, vector<16xf32>,
        tpu.vector_store %arg10[%swap3A_398, %swap3A_399], %mul3A_395 {strides = array<i32>} : memref<80x128xf32, #tpu.memory_space<vmem>>, vector<16xf32>,
        %get3A_401 = arith.constant 0 : i32
        %get3A_402 = arith.index_cast %get3A_401 : i32 to index
        %get3A_403 = arith.index_cast %add3A_290 : i32 to index
        %get3A_404 = arith.constant 32 : index
        %get3A_405 = tpu.vector_load %arg9[%get3A_402, %get3A_403, %get3A_404] {strides = array<i32>} : memref<2x40x64xi32, #tpu.memory_space<vmem>>, vector<16xi32>,
        %shift_left3A_406 = arith.constant 16 : i32
        %shift_left3A_407 = vector.broadcast %shift_left3A_406 : i32 to vector<16xi32>
        %shift_left3A_408 = arith.shli %get3A_405, %shift_left3A_407 : vector<16xi32>
        %bitcast_convert_type3A_409 = tpu.bitcast %shift_left3A_408 : vector<16xi32> -> vector<16xf32>
        %and3A_410 = arith.constant -65536 : i32
        %and3A_411 = vector.broadcast %and3A_410 : i32 to vector<16xi32>
        %and3A_412 = arith.andi %get3A_405, %and3A_411 : vector<16xi32>
        %bitcast_convert_type3A_413 = tpu.bitcast %and3A_412 : vector<16xi32> -> vector<16xf32>
        %get3A_414 = arith.constant 0 : i32
        %get3A_415 = arith.index_cast %get3A_414 : i32 to index
        %get3A_416 = arith.index_cast %add3A_290 : i32 to index
        %get3A_417 = arith.constant 32 : index
        %get3A_418 = tpu.vector_load %arg8[%get3A_415, %get3A_416, %get3A_417] {strides = array<i32>} : memref<2x80x128xf32, #tpu.memory_space<vmem>>, vector<16xf32>,
        %mul3A_419 = arith.mulf %get3A_418, %bitcast_convert_type3A_409 : vector<16xf32>
        %swap3A_420 = arith.index_cast %add3A_290 : i32 to index
        %swap3A_421 = arith.constant 32 : index
        %swap3A_422 = tpu.vector_load %arg10[%swap3A_420, %swap3A_421] {strides = array<i32>} : memref<80x128xf32, #tpu.memory_space<vmem>>, vector<16xf32>,
        tpu.vector_store %arg10[%swap3A_420, %swap3A_421], %mul3A_419 {strides = array<i32>} : memref<80x128xf32, #tpu.memory_space<vmem>>, vector<16xf32>,
        %get3A_423 = arith.constant 0 : i32
        %get3A_424 = arith.index_cast %get3A_423 : i32 to index
        %get3A_425 = arith.index_cast %add3A_290 : i32 to index
        %get3A_426 = arith.constant 96 : index
        %get3A_427 = tpu.vector_load %arg8[%get3A_424, %get3A_425, %get3A_426] {strides = array<i32>} : memref<2x80x128xf32, #tpu.memory_space<vmem>>, vector<16xf32>,
        %mul3A_428 = arith.mulf %get3A_427, %bitcast_convert_type3A_413 : vector<16xf32>
        %swap3A_429 = arith.index_cast %add3A_290 : i32 to index
        %swap3A_430 = arith.constant 96 : index
        %swap3A_431 = tpu.vector_load %arg10[%swap3A_429, %swap3A_430] {strides = array<i32>} : memref<80x128xf32, #tpu.memory_space<vmem>>, vector<16xf32>,
        tpu.vector_store %arg10[%swap3A_429, %swap3A_430], %mul3A_428 {strides = array<i32>} : memref<80x128xf32, #tpu.memory_space<vmem>>, vector<16xf32>,
        %add3A_432 = arith.constant 40 : i32
        %add3A_433 = arith.addi %add3A_432, %add3A_290 : i32
        %get3A_434 = arith.constant 0 : i32
        %get3A_435 = arith.index_cast %get3A_434 : i32 to index
        %get3A_436 = arith.index_cast %add3A_433 : i32 to index
        %get3A_437 = arith.constant 32 : index
        %get3A_438 = tpu.vector_load %arg8[%get3A_435, %get3A_436, %get3A_437] {strides = array<i32>} : memref<2x80x128xf32, #tpu.memory_space<vmem>>, vector<16xf32>,
        %mul3A_439 = arith.mulf %get3A_438, %bitcast_convert_type3A_409 : vector<16xf32>
        %add3A_440 = arith.constant 40 : i32
        %add3A_441 = arith.addi %add3A_440, %add3A_290 : i32
        %swap3A_442 = arith.index_cast %add3A_441 : i32 to index
        %swap3A_443 = arith.constant 32 : index
        %swap3A_444 = tpu.vector_load %arg10[%swap3A_442, %swap3A_443] {strides = array<i32>} : memref<80x128xf32, #tpu.memory_space<vmem>>, vector<16xf32>,
        tpu.vector_store %arg10[%swap3A_442, %swap3A_443], %mul3A_439 {strides = array<i32>} : memref<80x128xf32, #tpu.memory_space<vmem>>, vector<16xf32>,
        %add3A_445 = arith.constant 40 : i32
        %add3A_446 = arith.addi %add3A_445, %add3A_290 : i32
        %get3A_447 = arith.constant 0 : i32
        %get3A_448 = arith.index_cast %get3A_447 : i32 to index
        %get3A_449 = arith.index_cast %add3A_446 : i32 to index
        %get3A_450 = arith.constant 96 : index
        %get3A_451 = tpu.vector_load %arg8[%get3A_448, %get3A_449, %get3A_450] {strides = array<i32>} : memref<2x80x128xf32, #tpu.memory_space<vmem>>, vector<16xf32>,
        %mul3A_452 = arith.mulf %get3A_451, %bitcast_convert_type3A_413 : vector<16xf32>
        %add3A_453 = arith.constant 40 : i32
        %add3A_454 = arith.addi %add3A_453, %add3A_290 : i32
        %swap3A_455 = arith.index_cast %add3A_454 : i32 to index
        %swap3A_456 = arith.constant 96 : index
        %swap3A_457 = tpu.vector_load %arg10[%swap3A_455, %swap3A_456] {strides = array<i32>} : memref<80x128xf32, #tpu.memory_space<vmem>>, vector<16xf32>,
        tpu.vector_store %arg10[%swap3A_455, %swap3A_456], %mul3A_452 {strides = array<i32>} : memref<80x128xf32, #tpu.memory_space<vmem>>, vector<16xf32>,
        %get3A_458 = arith.constant 0 : i32
        %get3A_459 = arith.index_cast %get3A_458 : i32 to index
        %get3A_460 = arith.index_cast %add3A_290 : i32 to index
        %get3A_461 = arith.constant 48 : index
        %get3A_462 = tpu.vector_load %arg9[%get3A_459, %get3A_460, %get3A_461] {strides = array<i32>} : memref<2x40x64xi32, #tpu.memory_space<vmem>>, vector<16xi32>,
        %shift_left3A_463 = arith.constant 16 : i32
        %shift_left3A_464 = vector.broadcast %shift_left3A_463 : i32 to vector<16xi32>
        %shift_left3A_465 = arith.shli %get3A_462, %shift_left3A_464 : vector<16xi32>
        %bitcast_convert_type3A_466 = tpu.bitcast %shift_left3A_465 : vector<16xi32> -> vector<16xf32>
        %and3A_467 = arith.constant -65536 : i32
        %and3A_468 = vector.broadcast %and3A_467 : i32 to vector<16xi32>
        %and3A_469 = arith.andi %get3A_462, %and3A_468 : vector<16xi32>
        %bitcast_convert_type3A_470 = tpu.bitcast %and3A_469 : vector<16xi32> -> vector<16xf32>
        %get3A_471 = arith.constant 0 : i32
        %get3A_472 = arith.index_cast %get3A_471 : i32 to index
        %get3A_473 = arith.index_cast %add3A_290 : i32 to index
        %get3A_474 = arith.constant 48 : index
        %get3A_475 = tpu.vector_load %arg8[%get3A_472, %get3A_473, %get3A_474] {strides = array<i32>} : memref<2x80x128xf32, #tpu.memory_space<vmem>>, vector<16xf32>,
        %mul3A_476 = arith.mulf %get3A_475, %bitcast_convert_type3A_466 : vector<16xf32>
        %swap3A_477 = arith.index_cast %add3A_290 : i32 to index
        %swap3A_478 = arith.constant 48 : index
        %swap3A_479 = tpu.vector_load %arg10[%swap3A_477, %swap3A_478] {strides = array<i32>} : memref<80x128xf32, #tpu.memory_space<vmem>>, vector<16xf32>,
        tpu.vector_store %arg10[%swap3A_477, %swap3A_478], %mul3A_476 {strides = array<i32>} : memref<80x128xf32, #tpu.memory_space<vmem>>, vector<16xf32>,
        %get3A_480 = arith.constant 0 : i32
        %get3A_481 = arith.index_cast %get3A_480 : i32 to index
        %get3A_482 = arith.index_cast %add3A_290 : i32 to index
        %get3A_483 = arith.constant 112 : index
        %get3A_484 = tpu.vector_load %arg8[%get3A_481, %get3A_482, %get3A_483] {strides = array<i32>} : memref<2x80x128xf32, #tpu.memory_space<vmem>>, vector<16xf32>,
        %mul3A_485 = arith.mulf %get3A_484, %bitcast_convert_type3A_470 : vector<16xf32>
        %swap3A_486 = arith.index_cast %add3A_290 : i32 to index
        %swap3A_487 = arith.constant 112 : index
        %swap3A_488 = tpu.vector_load %arg10[%swap3A_486, %swap3A_487] {strides = array<i32>} : memref<80x128xf32, #tpu.memory_space<vmem>>, vector<16xf32>,
        tpu.vector_store %arg10[%swap3A_486, %swap3A_487], %mul3A_485 {strides = array<i32>} : memref<80x128xf32, #tpu.memory_space<vmem>>, vector<16xf32>,
        %add3A_489 = arith.constant 40 : i32
        %add3A_490 = arith.addi %add3A_489, %add3A_290 : i32
        %get3A_491 = arith.constant 0 : i32
        %get3A_492 = arith.index_cast %get3A_491 : i32 to index
        %get3A_493 = arith.index_cast %add3A_490 : i32 to index
        %get3A_494 = arith.constant 48 : index
        %get3A_495 = tpu.vector_load %arg8[%get3A_492, %get3A_493, %get3A_494] {strides = array<i32>} : memref<2x80x128xf32, #tpu.memory_space<vmem>>, vector<16xf32>,
        %mul3A_496 = arith.mulf %get3A_495, %bitcast_convert_type3A_466 : vector<16xf32>
        %add3A_497 = arith.constant 40 : i32
        %add3A_498 = arith.addi %add3A_497, %add3A_290 : i32
        %swap3A_499 = arith.index_cast %add3A_498 : i32 to index
        %swap3A_500 = arith.constant 48 : index
        %swap3A_501 = tpu.vector_load %arg10[%swap3A_499, %swap3A_500] {strides = array<i32>} : memref<80x128xf32, #tpu.memory_space<vmem>>, vector<16xf32>,
        tpu.vector_store %arg10[%swap3A_499, %swap3A_500], %mul3A_496 {strides = array<i32>} : memref<80x128xf32, #tpu.memory_space<vmem>>, vector<16xf32>,
        %add3A_502 = arith.constant 40 : i32
        %add3A_503 = arith.addi %add3A_502, %add3A_290 : i32
        %get3A_504 = arith.constant 0 : i32
        %get3A_505 = arith.index_cast %get3A_504 : i32 to index
        %get3A_506 = arith.index_cast %add3A_503 : i32 to index
        %get3A_507 = arith.constant 112 : index
        %get3A_508 = tpu.vector_load %arg8[%get3A_505, %get3A_506, %get3A_507] {strides = array<i32>} : memref<2x80x128xf32, #tpu.memory_space<vmem>>, vector<16xf32>,
        %mul3A_509 = arith.mulf %get3A_508, %bitcast_convert_type3A_470 : vector<16xf32>
        %add3A_510 = arith.constant 40 : i32
        %add3A_511 = arith.addi %add3A_510, %add3A_290 : i32
        %swap3A_512 = arith.index_cast %add3A_511 : i32 to index
        %swap3A_513 = arith.constant 112 : index
        %swap3A_514 = tpu.vector_load %arg10[%swap3A_512, %swap3A_513] {strides = array<i32>} : memref<80x128xf32, #tpu.memory_space<vmem>>, vector<16xf32>,
        tpu.vector_store %arg10[%swap3A_512, %swap3A_513], %mul3A_509 {strides = array<i32>} : memref<80x128xf32, #tpu.memory_space<vmem>>, vector<16xf32>,
      }
      %scan3A_190 = arith.constant 40 : i32
      %jit3A = arith.constant 4 : i32
      %eq3A_191 = arith.constant 0 : i32
      %eq3A_192 = arith.cmpi eq, %jit3A, %eq3A_191 : i32
      %jit3A_193 = arith.constant 1 : i32
      %select_n3A = arith.select %eq3A_192, %jit3A_193, %jit3A : i32
      %rem3A = arith.remsi %add3A_138, %select_n3A : i32
      %ne3A = arith.constant 0 : i32
      %ne3A_194 = arith.cmpi ne, %rem3A, %ne3A : i32
      %lt3A_195 = arith.constant 0 : i32
      %lt3A_196 = arith.cmpi slt, %rem3A, %lt3A_195 : i32
      %lt3A_197 = arith.constant 0 : i32
      %lt3A_198 = arith.cmpi slt, %select_n3A, %lt3A_197 : i32
      %ne3A_199 = arith.xori %lt3A_196, %lt3A_198 : i1
      %and3A = arith.andi %ne3A_199, %ne3A_194 : i1
      %add3A_200 = arith.addi %rem3A, %select_n3A : i32
      %select_n3A_201 = arith.select %and3A, %add3A_200, %rem3A : i32
      %dma_start3A_202 = arith.constant 0 : i32
      %dma_start3A_203 = tpu.memref_slice %arg12[%select_n3A_201, %dma_start3A_202] : memref<4x80xi32, #tpu.memory_space<vmem>> -> memref<1x80xi32, #tpu.memory_space<vmem>>
      %dma_start3A_204 = tpu.memref_squeeze %dma_start3A_203 : memref<1x80xi32, #tpu.memory_space<vmem>> -> memref<80xi32, #tpu.memory_space<vmem>>
      %dma_start3A_205 = arith.constant 0 : i32
      %dma_start3A_206 = arith.constant 0 : i32
      %dma_start3A_207 = tpu.memref_slice %arg7[%dma_start3A_205, %dma_start3A_206] : memref<10000x128xf32, #tpu.memory_space<vmem_shared>> -> memref<10000x128xf32, #tpu.memory_space<vmem_shared>>
      tpu.enqueue_indirect_dma source(%arg10 : memref<80x128xf32, #tpu.memory_space<vmem>>) target(%dma_start3A_207 : memref<10000x128xf32, #tpu.memory_space<vmem_shared>>) offsets(%dma_start3A_204 : memref<80xi32, #tpu.memory_space<vmem>>) semaphore(%arg17 : memref<!tpu.dma_semaphore, #tpu.memory_space<semaphore_mem>>) {add = true}
      %add3A_208 = arith.constant 1 : i32
      %add3A_209 = arith.addi %add3A_136, %add3A_208 : i32
      %add3A_210 = arith.constant 2 : i32
      %add3A_211 = arith.addi %add3A_209, %add3A_210 : i32
      %lt3A_212 = arith.constant 250 : i32
      %lt3A_213 = arith.cmpi slt, %add3A_211, %lt3A_212 : i32
      %convert_element_type3A_214 = arith.extui %lt3A_213 : i1 to i32
      %cond3A_215 = arith.constant 0 : i32
      %cond3A_216 = arith.cmpi ne, %convert_element_type3A_214, %cond3A_215 : i32
      scf.if %cond3A_216 {
        %add3A_286 = arith.constant 2 : i32
        %add3A_287 = arith.addi %add3A_209, %add3A_286 : i32
        %mul3A_288 = arith.constant 80 : i32
        %mul3A_289 = arith.muli %add3A_287, %mul3A_288 : i32
        %add3A_290 = arith.addi %multiple_of3A_10, %mul3A_289 : i32
        %multiple_of3A_291 = tpu.assume_multiple %add3A_290, 8 : i32
        %jit3A_292 = arith.constant 4 : i32
        %eq3A_293 = arith.constant 0 : i32
        %eq3A_294 = arith.cmpi eq, %jit3A_292, %eq3A_293 : i32
        %jit3A_295 = arith.constant 1 : i32
        %select_n3A_296 = arith.select %eq3A_294, %jit3A_295, %jit3A_292 : i32
        %rem3A_297 = arith.remsi %add3A_287, %select_n3A_296 : i32
        %ne3A_298 = arith.constant 0 : i32
        %ne3A_299 = arith.cmpi ne, %rem3A_297, %ne3A_298 : i32
        %lt3A_300 = arith.constant 0 : i32
        %lt3A_301 = arith.cmpi slt, %rem3A_297, %lt3A_300 : i32
        %lt3A_302 = arith.constant 0 : i32
        %lt3A_303 = arith.cmpi slt, %select_n3A_296, %lt3A_302 : i32
        %ne3A_304 = arith.xori %lt3A_301, %lt3A_303 : i1
        %and3A_305 = arith.andi %ne3A_304, %ne3A_299 : i1
        %add3A_306 = arith.addi %rem3A_297, %select_n3A_296 : i32
        %select_n3A_307 = arith.select %and3A_305, %add3A_306, %rem3A_297 : i32
        %dma_start3A_308 = arith.constant 0 : i32
        %dma_start3A_309 = tpu.memref_slice %arg11[%select_n3A_307, %dma_start3A_308] : memref<4x80xi32, #tpu.memory_space<vmem>> -> memref<1x80xi32, #tpu.memory_space<vmem>>
        %dma_start3A_310 = tpu.memref_squeeze %dma_start3A_309 : memref<1x80xi32, #tpu.memory_space<vmem>> -> memref<80xi32, #tpu.memory_space<vmem>>
        %dma_start3A_311 = tpu.memref_slice %arg4[%multiple_of3A_291] : memref<640000xi32, #tpu.memory_space<hbm>> -> memref<80xi32, #tpu.memory_space<hbm>>
        %dma_start3A_312 = arith.constant 0 : i32
        %dma_start3A_313 = tpu.memref_slice %arg11[%select_n3A_307, %dma_start3A_312] : memref<4x80xi32, #tpu.memory_space<vmem>> -> memref<1x80xi32, #tpu.memory_space<vmem>>
        %dma_start3A_314 = tpu.memref_squeeze %dma_start3A_313 : memref<1x80xi32, #tpu.memory_space<vmem>> -> memref<80xi32, #tpu.memory_space<vmem>>
        %dma_start3A_315 = tpu.memref_slice %arg4[%multiple_of3A_291] : memref<640000xi32, #tpu.memory_space<hbm>> -> memref<80xi32, #tpu.memory_space<hbm>>
        tpu.enqueue_dma source(%dma_start3A_315 : memref<80xi32, #tpu.memory_space<hbm>>) target(%dma_start3A_314 : memref<80xi32, #tpu.memory_space<vmem>>) target_semaphore(%arg16 : memref<!tpu.dma_semaphore, #tpu.memory_space<semaphore_mem>>)
        %jit3A_316 = arith.constant 4 : i32
        %eq3A_317 = arith.constant 0 : i32
        %eq3A_318 = arith.cmpi eq, %jit3A_316, %eq3A_317 : i32
        %jit3A_319 = arith.constant 1 : i32
        %select_n3A_320 = arith.select %eq3A_318, %jit3A_319, %jit3A_316 : i32
        %rem3A_321 = arith.remsi %add3A_287, %select_n3A_320 : i32
        %ne3A_322 = arith.constant 0 : i32
        %ne3A_323 = arith.cmpi ne, %rem3A_321, %ne3A_322 : i32
        %lt3A_324 = arith.constant 0 : i32
        %lt3A_325 = arith.cmpi slt, %rem3A_321, %lt3A_324 : i32
        %lt3A_326 = arith.constant 0 : i32
        %lt3A_327 = arith.cmpi slt, %select_n3A_320, %lt3A_326 : i32
        %ne3A_328 = arith.xori %lt3A_325, %lt3A_327 : i1
        %and3A_329 = arith.andi %ne3A_328, %ne3A_323 : i1
        %add3A_330 = arith.addi %rem3A_321, %select_n3A_320 : i32
        %select_n3A_331 = arith.select %and3A_329, %add3A_330, %rem3A_321 : i32
        %dma_start3A_332 = arith.constant 0 : i32
        %dma_start3A_333 = tpu.memref_slice %arg12[%select_n3A_331, %dma_start3A_332] : memref<4x80xi32, #tpu.memory_space<vmem>> -> memref<1x80xi32, #tpu.memory_space<vmem>>
        %dma_start3A_334 = tpu.memref_squeeze %dma_start3A_333 : memref<1x80xi32, #tpu.memory_space<vmem>> -> memref<80xi32, #tpu.memory_space<vmem>>
        %dma_start3A_335 = tpu.memref_slice %arg5[%multiple_of3A_291] : memref<640000xi32, #tpu.memory_space<hbm>> -> memref<80xi32, #tpu.memory_space<hbm>>
        %dma_start3A_336 = arith.constant 0 : i32
        %dma_start3A_337 = tpu.memref_slice %arg12[%select_n3A_331, %dma_start3A_336] : memref<4x80xi32, #tpu.memory_space<vmem>> -> memref<1x80xi32, #tpu.memory_space<vmem>>
        %dma_start3A_338 = tpu.memref_squeeze %dma_start3A_337 : memref<1x80xi32, #tpu.memory_space<vmem>> -> memref<80xi32, #tpu.memory_space<vmem>>
        %dma_start3A_339 = tpu.memref_slice %arg5[%multiple_of3A_291] : memref<640000xi32, #tpu.memory_space<hbm>> -> memref<80xi32, #tpu.memory_space<hbm>>
        tpu.enqueue_dma source(%dma_start3A_339 : memref<80xi32, #tpu.memory_space<hbm>>) target(%dma_start3A_338 : memref<80xi32, #tpu.memory_space<vmem>>) target_semaphore(%arg16 : memref<!tpu.dma_semaphore, #tpu.memory_space<semaphore_mem>>)
      } else {
      }
      %add3A_217 = arith.constant 1 : i32
      %add3A_218 = arith.addi %add3A_209, %add3A_217 : i32
      %lt3A_219 = arith.constant 250 : i32
      %lt3A_220 = arith.cmpi slt, %add3A_218, %lt3A_219 : i32
      %convert_element_type3A_221 = arith.extui %lt3A_220 : i1 to i32
      %cond3A_222 = arith.constant 0 : i32
      %cond3A_223 = arith.cmpi ne, %convert_element_type3A_221, %cond3A_222 : i32
      scf.if %cond3A_223 {
        %dma_wait3A_286 = arith.constant 0 : i32
        %dma_wait3A_287 = arith.constant 0 : i32
        %dma_wait3A_288 = tpu.memref_slice %arg11[%dma_wait3A_286, %dma_wait3A_287] : memref<4x80xi32, #tpu.memory_space<vmem>> -> memref<1x80xi32, #tpu.memory_space<vmem>>
        %dma_wait3A_289 = tpu.memref_squeeze %dma_wait3A_288 : memref<1x80xi32, #tpu.memory_space<vmem>> -> memref<80xi32, #tpu.memory_space<vmem>>
        %dma_wait3A_290 = arith.constant 0 : i32
        %dma_wait3A_291 = tpu.memref_slice %arg4[%dma_wait3A_290] : memref<640000xi32, #tpu.memory_space<hbm>> -> memref<80xi32, #tpu.memory_space<hbm>>
        %dma_wait3A_292 = arith.constant 0 : i32
        %dma_wait3A_293 = tpu.memref_slice %arg11[%dma_wait3A_286, %dma_wait3A_292] : memref<4x80xi32, #tpu.memory_space<vmem>> -> memref<1x80xi32, #tpu.memory_space<vmem>>
        %dma_wait3A_294 = tpu.memref_squeeze %dma_wait3A_293 : memref<1x80xi32, #tpu.memory_space<vmem>> -> memref<80xi32, #tpu.memory_space<vmem>>
        %dma_wait3A_295 = arith.constant 0 : i32
        %dma_wait3A_296 = tpu.memref_slice %arg4[%dma_wait3A_295] : memref<640000xi32, #tpu.memory_space<hbm>> -> memref<80xi32, #tpu.memory_space<hbm>>
        tpu.wait_dma2 semaphore(%arg15 : memref<!tpu.dma_semaphore, #tpu.memory_space<semaphore_mem>>) src(%dma_wait3A_296 : memref<80xi32, #tpu.memory_space<hbm>>) dst(%dma_wait3A_294 : memref<80xi32, #tpu.memory_space<vmem>>)
        %dma_wait3A_297 = arith.constant 0 : i32
        %dma_wait3A_298 = arith.constant 0 : i32
        %dma_wait3A_299 = tpu.memref_slice %arg12[%dma_wait3A_297, %dma_wait3A_298] : memref<4x80xi32, #tpu.memory_space<vmem>> -> memref<1x80xi32, #tpu.memory_space<vmem>>
        %dma_wait3A_300 = tpu.memref_squeeze %dma_wait3A_299 : memref<1x80xi32, #tpu.memory_space<vmem>> -> memref<80xi32, #tpu.memory_space<vmem>>
        %dma_wait3A_301 = arith.constant 0 : i32
        %dma_wait3A_302 = tpu.memref_slice %arg5[%dma_wait3A_301] : memref<640000xi32, #tpu.memory_space<hbm>> -> memref<80xi32, #tpu.memory_space<hbm>>
        %dma_wait3A_303 = arith.constant 0 : i32
        %dma_wait3A_304 = tpu.memref_slice %arg12[%dma_wait3A_297, %dma_wait3A_303] : memref<4x80xi32, #tpu.memory_space<vmem>> -> memref<1x80xi32, #tpu.memory_space<vmem>>
        %dma_wait3A_305 = tpu.memref_squeeze %dma_wait3A_304 : memref<1x80xi32, #tpu.memory_space<vmem>> -> memref<80xi32, #tpu.memory_space<vmem>>
        %dma_wait3A_306 = arith.constant 0 : i32
        %dma_wait3A_307 = tpu.memref_slice %arg5[%dma_wait3A_306] : memref<640000xi32, #tpu.memory_space<hbm>> -> memref<80xi32, #tpu.memory_space<hbm>>
        tpu.wait_dma2 semaphore(%arg15 : memref<!tpu.dma_semaphore, #tpu.memory_space<semaphore_mem>>) src(%dma_wait3A_307 : memref<80xi32, #tpu.memory_space<hbm>>) dst(%dma_wait3A_305 : memref<80xi32, #tpu.memory_space<vmem>>)
        %add3A_308 = arith.constant 1 : i32
        %add3A_309 = arith.addi %add3A_209, %add3A_308 : i32
        %mul3A_310 = arith.constant 40 : i32
        %mul3A_311 = arith.muli %add3A_309, %mul3A_310 : i32
        %add3A_312 = arith.addi %multiple_of3A_5, %mul3A_311 : i32
        %multiple_of3A_313 = tpu.assume_multiple %add3A_312, 8 : i32
        %jit3A_314 = arith.constant 4 : i32
        %eq3A_315 = arith.constant 0 : i32
        %eq3A_316 = arith.cmpi eq, %jit3A_314, %eq3A_315 : i32
        %jit3A_317 = arith.constant 1 : i32
        %select_n3A_318 = arith.select %eq3A_316, %jit3A_317, %jit3A_314 : i32
        %rem3A_319 = arith.remsi %add3A_309, %select_n3A_318 : i32
        %ne3A_320 = arith.constant 0 : i32
        %ne3A_321 = arith.cmpi ne, %rem3A_319, %ne3A_320 : i32
        %lt3A_322 = arith.constant 0 : i32
        %lt3A_323 = arith.cmpi slt, %rem3A_319, %lt3A_322 : i32
        %lt3A_324 = arith.constant 0 : i32
        %lt3A_325 = arith.cmpi slt, %select_n3A_318, %lt3A_324 : i32
        %ne3A_326 = arith.xori %lt3A_323, %lt3A_325 : i1
        %and3A_327 = arith.andi %ne3A_326, %ne3A_321 : i1
        %add3A_328 = arith.addi %rem3A_319, %select_n3A_318 : i32
        %select_n3A_329 = arith.select %and3A_327, %add3A_328, %rem3A_319 : i32
        %dma_start3A_330 = arith.constant 0 : i32
        %dma_start3A_331 = arith.constant 0 : i32
        %dma_start3A_332 = arith.constant 0 : i32
        %dma_start3A_333 = tpu.memref_slice %arg8[%dma_start3A_330, %dma_start3A_331, %dma_start3A_332] : memref<2x80x128xf32, #tpu.memory_space<vmem>> -> memref<1x80x128xf32, #tpu.memory_space<vmem>>
        %dma_start3A_334 = tpu.memref_squeeze %dma_start3A_333 : memref<1x80x128xf32, #tpu.memory_space<vmem>> -> memref<80x128xf32, #tpu.memory_space<vmem>>
        %dma_start3A_335 = arith.constant 0 : i32
        %dma_start3A_336 = tpu.memref_slice %arg11[%select_n3A_329, %dma_start3A_335] : memref<4x80xi32, #tpu.memory_space<vmem>> -> memref<1x80xi32, #tpu.memory_space<vmem>>
        %dma_start3A_337 = tpu.memref_squeeze %dma_start3A_336 : memref<1x80xi32, #tpu.memory_space<vmem>> -> memref<80xi32, #tpu.memory_space<vmem>>
        %dma_start3A_338 = arith.constant 0 : i32
        %dma_start3A_339 = arith.constant 0 : i32
        %dma_start3A_340 = tpu.memref_slice %arg2[%dma_start3A_338, %dma_start3A_339] : memref<10000x128xf32, #tpu.memory_space<hbm>> -> memref<10000x128xf32, #tpu.memory_space<hbm>>
        tpu.enqueue_indirect_dma source(%dma_start3A_340 : memref<10000x128xf32, #tpu.memory_space<hbm>>) target(%dma_start3A_334 : memref<80x128xf32, #tpu.memory_space<vmem>>) offsets(%dma_start3A_337 : memref<80xi32, #tpu.memory_space<vmem>>) semaphore(%arg13 : memref<!tpu.dma_semaphore, #tpu.memory_space<semaphore_mem>>)
        %dma_start3A_341 = arith.constant 0 : i32
        %dma_start3A_342 = arith.constant 0 : i32
        %dma_start3A_343 = arith.constant 0 : i32
        %dma_start3A_344 = tpu.memref_slice %arg9[%dma_start3A_341, %dma_start3A_342, %dma_start3A_343] : memref<2x40x64xi32, #tpu.memory_space<vmem>> -> memref<1x40x64xi32, #tpu.memory_space<vmem>>
        %dma_start3A_345 = tpu.memref_squeeze %dma_start3A_344 : memref<1x40x64xi32, #tpu.memory_space<vmem>> -> memref<40x64xi32, #tpu.memory_space<vmem>>
        %dma_start3A_346 = arith.constant 0 : i32
        %dma_start3A_347 = tpu.memref_slice %arg3[%multiple_of3A_313, %dma_start3A_346] : memref<320000x64xi32, #tpu.memory_space<hbm>> -> memref<40x64xi32, #tpu.memory_space<hbm>>
        %dma_start3A_348 = arith.constant 0 : i32
        %dma_start3A_349 = arith.constant 0 : i32
        %dma_start3A_350 = tpu.memref_slice %arg9[%dma_start3A_341, %dma_start3A_348, %dma_start3A_349] : memref<2x40x64xi32, #tpu.memory_space<vmem>> -> memref<1x40x64xi32, #tpu.memory_space<vmem>>
        %dma_start3A_351 = tpu.memref_squeeze %dma_start3A_350 : memref<1x40x64xi32, #tpu.memory_space<vmem>> -> memref<40x64xi32, #tpu.memory_space<vmem>>
        %dma_start3A_352 = arith.constant 0 : i32
        %dma_start3A_353 = tpu.memref_slice %arg3[%multiple_of3A_313, %dma_start3A_352] : memref<320000x64xi32, #tpu.memory_space<hbm>> -> memref<40x64xi32, #tpu.memory_space<hbm>>
        tpu.enqueue_dma source(%dma_start3A_353 : memref<40x64xi32, #tpu.memory_space<hbm>>) target(%dma_start3A_351 : memref<40x64xi32, #tpu.memory_space<vmem>>) target_semaphore(%arg13 : memref<!tpu.dma_semaphore, #tpu.memory_space<semaphore_mem>>)
      } else {
      }
      %dma_wait3A_224 = arith.constant 1 : i32
      %dma_wait3A_225 = arith.constant 0 : i32
      %dma_wait3A_226 = arith.constant 0 : i32
      %dma_wait3A_227 = tpu.memref_slice %arg8[%dma_wait3A_224, %dma_wait3A_225, %dma_wait3A_226] : memref<2x80x128xf32, #tpu.memory_space<vmem>> -> memref<1x80x128xf32, #tpu.memory_space<vmem>>
      %dma_wait3A_228 = tpu.memref_squeeze %dma_wait3A_227 : memref<1x80x128xf32, #tpu.memory_space<vmem>> -> memref<80x128xf32, #tpu.memory_space<vmem>>
      %dma_wait3A_229 = arith.constant 0 : i32
      %dma_wait3A_230 = arith.constant 0 : i32
      %dma_wait3A_231 = tpu.memref_slice %arg2[%dma_wait3A_229, %dma_wait3A_230] : memref<10000x128xf32, #tpu.memory_space<hbm>> -> memref<80x128xf32, #tpu.memory_space<hbm>>
      %dma_wait3A_232 = arith.constant 0 : i32
      %dma_wait3A_233 = arith.constant 0 : i32
      %dma_wait3A_234 = tpu.memref_slice %arg8[%dma_wait3A_224, %dma_wait3A_232, %dma_wait3A_233] : memref<2x80x128xf32, #tpu.memory_space<vmem>> -> memref<1x80x128xf32, #tpu.memory_space<vmem>>
      %dma_wait3A_235 = tpu.memref_squeeze %dma_wait3A_234 : memref<1x80x128xf32, #tpu.memory_space<vmem>> -> memref<80x128xf32, #tpu.memory_space<vmem>>
      %dma_wait3A_236 = arith.constant 0 : i32
      %dma_wait3A_237 = arith.constant 0 : i32
      %dma_wait3A_238 = tpu.memref_slice %arg2[%dma_wait3A_236, %dma_wait3A_237] : memref<10000x128xf32, #tpu.memory_space<hbm>> -> memref<80x128xf32, #tpu.memory_space<hbm>>
      tpu.wait_dma2 semaphore(%arg14 : memref<!tpu.dma_semaphore, #tpu.memory_space<semaphore_mem>>) src(%dma_wait3A_238 : memref<80x128xf32, #tpu.memory_space<hbm>>) dst(%dma_wait3A_235 : memref<80x128xf32, #tpu.memory_space<vmem>>)
      %dma_wait3A_239 = arith.constant 1 : i32
      %dma_wait3A_240 = arith.constant 0 : i32
      %dma_wait3A_241 = arith.constant 0 : i32
      %dma_wait3A_242 = tpu.memref_slice %arg9[%dma_wait3A_239, %dma_wait3A_240, %dma_wait3A_241] : memref<2x40x64xi32, #tpu.memory_space<vmem>> -> memref<1x40x64xi32, #tpu.memory_space<vmem>>
      %dma_wait3A_243 = tpu.memref_squeeze %dma_wait3A_242 : memref<1x40x64xi32, #tpu.memory_space<vmem>> -> memref<40x64xi32, #tpu.memory_space<vmem>>
      %dma_wait3A_244 = arith.constant 0 : i32
      %dma_wait3A_245 = arith.constant 0 : i32
      %dma_wait3A_246 = tpu.memref_slice %arg3[%dma_wait3A_244, %dma_wait3A_245] : memref<320000x64xi32, #tpu.memory_space<hbm>> -> memref<40x64xi32, #tpu.memory_space<hbm>>
      %dma_wait3A_247 = arith.constant 0 : i32
      %dma_wait3A_248 = arith.constant 0 : i32
      %dma_wait3A_249 = tpu.memref_slice %arg9[%dma_wait3A_239, %dma_wait3A_247, %dma_wait3A_248] : memref<2x40x64xi32, #tpu.memory_space<vmem>> -> memref<1x40x64xi32, #tpu.memory_space<vmem>>
      %dma_wait3A_250 = tpu.memref_squeeze %dma_wait3A_249 : memref<1x40x64xi32, #tpu.memory_space<vmem>> -> memref<40x64xi32, #tpu.memory_space<vmem>>
      %dma_wait3A_251 = arith.constant 0 : i32
      %dma_wait3A_252 = arith.constant 0 : i32
      %dma_wait3A_253 = tpu.memref_slice %arg3[%dma_wait3A_251, %dma_wait3A_252] : memref<320000x64xi32, #tpu.memory_space<hbm>> -> memref<40x64xi32, #tpu.memory_space<hbm>>
      tpu.wait_dma2 semaphore(%arg14 : memref<!tpu.dma_semaphore, #tpu.memory_space<semaphore_mem>>) src(%dma_wait3A_253 : memref<40x64xi32, #tpu.memory_space<hbm>>) dst(%dma_wait3A_250 : memref<40x64xi32, #tpu.memory_space<vmem>>)
      %ge3A_254 = arith.constant 1 : i32
      %ge3A_255 = arith.cmpi sge, %add3A_209, %ge3A_254 : i32
      %convert_element_type3A_256 = arith.extui %ge3A_255 : i1 to i32
      %cond3A_257 = arith.constant 0 : i32
      %cond3A_258 = arith.cmpi ne, %convert_element_type3A_256, %cond3A_257 : i32
      scf.if %cond3A_258 {
        %dma_wait3A_286 = arith.constant 0 : i32
        %dma_wait3A_287 = arith.constant 0 : i32
        %dma_wait3A_288 = tpu.memref_slice %arg7[%dma_wait3A_286, %dma_wait3A_287] : memref<10000x128xf32, #tpu.memory_space<vmem_shared>> -> memref<80x128xf32, #tpu.memory_space<vmem_shared>>
        %dma_wait3A_289 = arith.constant 0 : i32
        %dma_wait3A_290 = arith.constant 0 : i32
        %dma_wait3A_291 = tpu.memref_slice %arg7[%dma_wait3A_289, %dma_wait3A_290] : memref<10000x128xf32, #tpu.memory_space<vmem_shared>> -> memref<80x128xf32, #tpu.memory_space<vmem_shared>>
        tpu.wait_dma2 semaphore(%arg17 : memref<!tpu.dma_semaphore, #tpu.memory_space<semaphore_mem>>) src(%arg10 : memref<80x128xf32, #tpu.memory_space<vmem>>) dst(%dma_wait3A_291 : memref<80x128xf32, #tpu.memory_space<vmem_shared>>)
      } else {
      }
      %scan3A_259 = arith.constant 0 : i32
      %scan3A_260 = arith.constant 40 : i32
      %scan3A_261 = arith.addi %scan3A_259, %scan3A_260 : i32
      %scan3A_262 = arith.constant 1 : i32
      scf.for %scan3A_286 = %scan3A_259 to %scan3A_261 step %scan3A_262  : i32 {
        %mul3A_287 = arith.constant 1 : i32
        %mul3A_288 = arith.muli %scan3A_286, %mul3A_287 : i32
        %add3A_289 = arith.constant 0 : i32
        %add3A_290 = arith.addi %add3A_289, %mul3A_288 : i32
        %get3A = arith.constant 1 : i32
        %get3A_291 = arith.index_cast %get3A : i32 to index
        %get3A_292 = arith.index_cast %add3A_290 : i32 to index
        %get3A_293 = arith.constant 0 : index
        %get3A_294 = tpu.vector_load %arg9[%get3A_291, %get3A_292, %get3A_293] {strides = array<i32>} : memref<2x40x64xi32, #tpu.memory_space<vmem>>, vector<16xi32>,
        %shift_left3A = arith.constant 16 : i32
        %shift_left3A_295 = vector.broadcast %shift_left3A : i32 to vector<16xi32>
        %shift_left3A_296 = arith.shli %get3A_294, %shift_left3A_295 : vector<16xi32>
        %bitcast_convert_type3A = tpu.bitcast %shift_left3A_296 : vector<16xi32> -> vector<16xf32>
        %and3A_297 = arith.constant -65536 : i32
        %and3A_298 = vector.broadcast %and3A_297 : i32 to vector<16xi32>
        %and3A_299 = arith.andi %get3A_294, %and3A_298 : vector<16xi32>
        %bitcast_convert_type3A_300 = tpu.bitcast %and3A_299 : vector<16xi32> -> vector<16xf32>
        %get3A_301 = arith.constant 1 : i32
        %get3A_302 = arith.index_cast %get3A_301 : i32 to index
        %get3A_303 = arith.index_cast %add3A_290 : i32 to index
        %get3A_304 = arith.constant 0 : index
        %get3A_305 = tpu.vector_load %arg8[%get3A_302, %get3A_303, %get3A_304] {strides = array<i32>} : memref<2x80x128xf32, #tpu.memory_space<vmem>>, vector<16xf32>,
        %mul3A_306 = arith.mulf %get3A_305, %bitcast_convert_type3A : vector<16xf32>
        %swap3A = arith.index_cast %add3A_290 : i32 to index
        %swap3A_307 = arith.constant 0 : index
        %swap3A_308 = tpu.vector_load %arg10[%swap3A, %swap3A_307] {strides = array<i32>} : memref<80x128xf32, #tpu.memory_space<vmem>>, vector<16xf32>,
        tpu.vector_store %arg10[%swap3A, %swap3A_307], %mul3A_306 {strides = array<i32>} : memref<80x128xf32, #tpu.memory_space<vmem>>, vector<16xf32>,
        %get3A_309 = arith.constant 1 : i32
        %get3A_310 = arith.index_cast %get3A_309 : i32 to index
        %get3A_311 = arith.index_cast %add3A_290 : i32 to index
        %get3A_312 = arith.constant 64 : index
        %get3A_313 = tpu.vector_load %arg8[%get3A_310, %get3A_311, %get3A_312] {strides = array<i32>} : memref<2x80x128xf32, #tpu.memory_space<vmem>>, vector<16xf32>,
        %mul3A_314 = arith.mulf %get3A_313, %bitcast_convert_type3A_300 : vector<16xf32>
        %swap3A_315 = arith.index_cast %add3A_290 : i32 to index
        %swap3A_316 = arith.constant 64 : index
        %swap3A_317 = tpu.vector_load %arg10[%swap3A_315, %swap3A_316] {strides = array<i32>} : memref<80x128xf32, #tpu.memory_space<vmem>>, vector<16xf32>,
        tpu.vector_store %arg10[%swap3A_315, %swap3A_316], %mul3A_314 {strides = array<i32>} : memref<80x128xf32, #tpu.memory_space<vmem>>, vector<16xf32>,
        %add3A_318 = arith.constant 40 : i32
        %add3A_319 = arith.addi %add3A_318, %add3A_290 : i32
        %get3A_320 = arith.constant 1 : i32
        %get3A_321 = arith.index_cast %get3A_320 : i32 to index
        %get3A_322 = arith.index_cast %add3A_319 : i32 to index
        %get3A_323 = arith.constant 0 : index
        %get3A_324 = tpu.vector_load %arg8[%get3A_321, %get3A_322, %get3A_323] {strides = array<i32>} : memref<2x80x128xf32, #tpu.memory_space<vmem>>, vector<16xf32>,
        %mul3A_325 = arith.mulf %get3A_324, %bitcast_convert_type3A : vector<16xf32>
        %add3A_326 = arith.constant 40 : i32
        %add3A_327 = arith.addi %add3A_326, %add3A_290 : i32
        %swap3A_328 = arith.index_cast %add3A_327 : i32 to index
        %swap3A_329 = arith.constant 0 : index
        %swap3A_330 = tpu.vector_load %arg10[%swap3A_328, %swap3A_329] {strides = array<i32>} : memref<80x128xf32, #tpu.memory_space<vmem>>, vector<16xf32>,
        tpu.vector_store %arg10[%swap3A_328, %swap3A_329], %mul3A_325 {strides = array<i32>} : memref<80x128xf32, #tpu.memory_space<vmem>>, vector<16xf32>,
        %add3A_331 = arith.constant 40 : i32
        %add3A_332 = arith.addi %add3A_331, %add3A_290 : i32
        %get3A_333 = arith.constant 1 : i32
        %get3A_334 = arith.index_cast %get3A_333 : i32 to index
        %get3A_335 = arith.index_cast %add3A_332 : i32 to index
        %get3A_336 = arith.constant 64 : index
        %get3A_337 = tpu.vector_load %arg8[%get3A_334, %get3A_335, %get3A_336] {strides = array<i32>} : memref<2x80x128xf32, #tpu.memory_space<vmem>>, vector<16xf32>,
        %mul3A_338 = arith.mulf %get3A_337, %bitcast_convert_type3A_300 : vector<16xf32>
        %add3A_339 = arith.constant 40 : i32
        %add3A_340 = arith.addi %add3A_339, %add3A_290 : i32
        %swap3A_341 = arith.index_cast %add3A_340 : i32 to index
        %swap3A_342 = arith.constant 64 : index
        %swap3A_343 = tpu.vector_load %arg10[%swap3A_341, %swap3A_342] {strides = array<i32>} : memref<80x128xf32, #tpu.memory_space<vmem>>, vector<16xf32>,
        tpu.vector_store %arg10[%swap3A_341, %swap3A_342], %mul3A_338 {strides = array<i32>} : memref<80x128xf32, #tpu.memory_space<vmem>>, vector<16xf32>,
        %get3A_344 = arith.constant 1 : i32
        %get3A_345 = arith.index_cast %get3A_344 : i32 to index
        %get3A_346 = arith.index_cast %add3A_290 : i32 to index
        %get3A_347 = arith.constant 16 : index
        %get3A_348 = tpu.vector_load %arg9[%get3A_345, %get3A_346, %get3A_347] {strides = array<i32>} : memref<2x40x64xi32, #tpu.memory_space<vmem>>, vector<16xi32>,
        %shift_left3A_349 = arith.constant 16 : i32
        %shift_left3A_350 = vector.broadcast %shift_left3A_349 : i32 to vector<16xi32>
        %shift_left3A_351 = arith.shli %get3A_348, %shift_left3A_350 : vector<16xi32>
        %bitcast_convert_type3A_352 = tpu.bitcast %shift_left3A_351 : vector<16xi32> -> vector<16xf32>
        %and3A_353 = arith.constant -65536 : i32
        %and3A_354 = vector.broadcast %and3A_353 : i32 to vector<16xi32>
        %and3A_355 = arith.andi %get3A_348, %and3A_354 : vector<16xi32>
        %bitcast_convert_type3A_356 = tpu.bitcast %and3A_355 : vector<16xi32> -> vector<16xf32>
        %get3A_357 = arith.constant 1 : i32
        %get3A_358 = arith.index_cast %get3A_357 : i32 to index
        %get3A_359 = arith.index_cast %add3A_290 : i32 to index
        %get3A_360 = arith.constant 16 : index
        %get3A_361 = tpu.vector_load %arg8[%get3A_358, %get3A_359, %get3A_360] {strides = array<i32>} : memref<2x80x128xf32, #tpu.memory_space<vmem>>, vector<16xf32>,
        %mul3A_362 = arith.mulf %get3A_361, %bitcast_convert_type3A_352 : vector<16xf32>
        %swap3A_363 = arith.index_cast %add3A_290 : i32 to index
        %swap3A_364 = arith.constant 16 : index
        %swap3A_365 = tpu.vector_load %arg10[%swap3A_363, %swap3A_364] {strides = array<i32>} : memref<80x128xf32, #tpu.memory_space<vmem>>, vector<16xf32>,
        tpu.vector_store %arg10[%swap3A_363, %swap3A_364], %mul3A_362 {strides = array<i32>} : memref<80x128xf32, #tpu.memory_space<vmem>>, vector<16xf32>,
        %get3A_366 = arith.constant 1 : i32
        %get3A_367 = arith.index_cast %get3A_366 : i32 to index
        %get3A_368 = arith.index_cast %add3A_290 : i32 to index
        %get3A_369 = arith.constant 80 : index
        %get3A_370 = tpu.vector_load %arg8[%get3A_367, %get3A_368, %get3A_369] {strides = array<i32>} : memref<2x80x128xf32, #tpu.memory_space<vmem>>, vector<16xf32>,
        %mul3A_371 = arith.mulf %get3A_370, %bitcast_convert_type3A_356 : vector<16xf32>
        %swap3A_372 = arith.index_cast %add3A_290 : i32 to index
        %swap3A_373 = arith.constant 80 : index
        %swap3A_374 = tpu.vector_load %arg10[%swap3A_372, %swap3A_373] {strides = array<i32>} : memref<80x128xf32, #tpu.memory_space<vmem>>, vector<16xf32>,
        tpu.vector_store %arg10[%swap3A_372, %swap3A_373], %mul3A_371 {strides = array<i32>} : memref<80x128xf32, #tpu.memory_space<vmem>>, vector<16xf32>,
        %add3A_375 = arith.constant 40 : i32
        %add3A_376 = arith.addi %add3A_375, %add3A_290 : i32
        %get3A_377 = arith.constant 1 : i32
        %get3A_378 = arith.index_cast %get3A_377 : i32 to index
        %get3A_379 = arith.index_cast %add3A_376 : i32 to index
        %get3A_380 = arith.constant 16 : index
        %get3A_381 = tpu.vector_load %arg8[%get3A_378, %get3A_379, %get3A_380] {strides = array<i32>} : memref<2x80x128xf32, #tpu.memory_space<vmem>>, vector<16xf32>,
        %mul3A_382 = arith.mulf %get3A_381, %bitcast_convert_type3A_352 : vector<16xf32>
        %add3A_383 = arith.constant 40 : i32
        %add3A_384 = arith.addi %add3A_383, %add3A_290 : i32
        %swap3A_385 = arith.index_cast %add3A_384 : i32 to index
        %swap3A_386 = arith.constant 16 : index
        %swap3A_387 = tpu.vector_load %arg10[%swap3A_385, %swap3A_386] {strides = array<i32>} : memref<80x128xf32, #tpu.memory_space<vmem>>, vector<16xf32>,
        tpu.vector_store %arg10[%swap3A_385, %swap3A_386], %mul3A_382 {strides = array<i32>} : memref<80x128xf32, #tpu.memory_space<vmem>>, vector<16xf32>,
        %add3A_388 = arith.constant 40 : i32
        %add3A_389 = arith.addi %add3A_388, %add3A_290 : i32
        %get3A_390 = arith.constant 1 : i32
        %get3A_391 = arith.index_cast %get3A_390 : i32 to index
        %get3A_392 = arith.index_cast %add3A_389 : i32 to index
        %get3A_393 = arith.constant 80 : index
        %get3A_394 = tpu.vector_load %arg8[%get3A_391, %get3A_392, %get3A_393] {strides = array<i32>} : memref<2x80x128xf32, #tpu.memory_space<vmem>>, vector<16xf32>,
        %mul3A_395 = arith.mulf %get3A_394, %bitcast_convert_type3A_356 : vector<16xf32>
        %add3A_396 = arith.constant 40 : i32
        %add3A_397 = arith.addi %add3A_396, %add3A_290 : i32
        %swap3A_398 = arith.index_cast %add3A_397 : i32 to index
        %swap3A_399 = arith.constant 80 : index
        %swap3A_400 = tpu.vector_load %arg10[%swap3A_398, %swap3A_399] {strides = array<i32>} : memref<80x128xf32, #tpu.memory_space<vmem>>, vector<16xf32>,
        tpu.vector_store %arg10[%swap3A_398, %swap3A_399], %mul3A_395 {strides = array<i32>} : memref<80x128xf32, #tpu.memory_space<vmem>>, vector<16xf32>,
        %get3A_401 = arith.constant 1 : i32
        %get3A_402 = arith.index_cast %get3A_401 : i32 to index
        %get3A_403 = arith.index_cast %add3A_290 : i32 to index
        %get3A_404 = arith.constant 32 : index
        %get3A_405 = tpu.vector_load %arg9[%get3A_402, %get3A_403, %get3A_404] {strides = array<i32>} : memref<2x40x64xi32, #tpu.memory_space<vmem>>, vector<16xi32>,
        %shift_left3A_406 = arith.constant 16 : i32
        %shift_left3A_407 = vector.broadcast %shift_left3A_406 : i32 to vector<16xi32>
        %shift_left3A_408 = arith.shli %get3A_405, %shift_left3A_407 : vector<16xi32>
        %bitcast_convert_type3A_409 = tpu.bitcast %shift_left3A_408 : vector<16xi32> -> vector<16xf32>
        %and3A_410 = arith.constant -65536 : i32
        %and3A_411 = vector.broadcast %and3A_410 : i32 to vector<16xi32>
        %and3A_412 = arith.andi %get3A_405, %and3A_411 : vector<16xi32>
        %bitcast_convert_type3A_413 = tpu.bitcast %and3A_412 : vector<16xi32> -> vector<16xf32>
        %get3A_414 = arith.constant 1 : i32
        %get3A_415 = arith.index_cast %get3A_414 : i32 to index
        %get3A_416 = arith.index_cast %add3A_290 : i32 to index
        %get3A_417 = arith.constant 32 : index
        %get3A_418 = tpu.vector_load %arg8[%get3A_415, %get3A_416, %get3A_417] {strides = array<i32>} : memref<2x80x128xf32, #tpu.memory_space<vmem>>, vector<16xf32>,
        %mul3A_419 = arith.mulf %get3A_418, %bitcast_convert_type3A_409 : vector<16xf32>
        %swap3A_420 = arith.index_cast %add3A_290 : i32 to index
        %swap3A_421 = arith.constant 32 : index
        %swap3A_422 = tpu.vector_load %arg10[%swap3A_420, %swap3A_421] {strides = array<i32>} : memref<80x128xf32, #tpu.memory_space<vmem>>, vector<16xf32>,
        tpu.vector_store %arg10[%swap3A_420, %swap3A_421], %mul3A_419 {strides = array<i32>} : memref<80x128xf32, #tpu.memory_space<vmem>>, vector<16xf32>,
        %get3A_423 = arith.constant 1 : i32
        %get3A_424 = arith.index_cast %get3A_423 : i32 to index
        %get3A_425 = arith.index_cast %add3A_290 : i32 to index
        %get3A_426 = arith.constant 96 : index
        %get3A_427 = tpu.vector_load %arg8[%get3A_424, %get3A_425, %get3A_426] {strides = array<i32>} : memref<2x80x128xf32, #tpu.memory_space<vmem>>, vector<16xf32>,
        %mul3A_428 = arith.mulf %get3A_427, %bitcast_convert_type3A_413 : vector<16xf32>
        %swap3A_429 = arith.index_cast %add3A_290 : i32 to index
        %swap3A_430 = arith.constant 96 : index
        %swap3A_431 = tpu.vector_load %arg10[%swap3A_429, %swap3A_430] {strides = array<i32>} : memref<80x128xf32, #tpu.memory_space<vmem>>, vector<16xf32>,
        tpu.vector_store %arg10[%swap3A_429, %swap3A_430], %mul3A_428 {strides = array<i32>} : memref<80x128xf32, #tpu.memory_space<vmem>>, vector<16xf32>,
        %add3A_432 = arith.constant 40 : i32
        %add3A_433 = arith.addi %add3A_432, %add3A_290 : i32
        %get3A_434 = arith.constant 1 : i32
        %get3A_435 = arith.index_cast %get3A_434 : i32 to index
        %get3A_436 = arith.index_cast %add3A_433 : i32 to index
        %get3A_437 = arith.constant 32 : index
        %get3A_438 = tpu.vector_load %arg8[%get3A_435, %get3A_436, %get3A_437] {strides = array<i32>} : memref<2x80x128xf32, #tpu.memory_space<vmem>>, vector<16xf32>,
        %mul3A_439 = arith.mulf %get3A_438, %bitcast_convert_type3A_409 : vector<16xf32>
        %add3A_440 = arith.constant 40 : i32
        %add3A_441 = arith.addi %add3A_440, %add3A_290 : i32
        %swap3A_442 = arith.index_cast %add3A_441 : i32 to index
        %swap3A_443 = arith.constant 32 : index
        %swap3A_444 = tpu.vector_load %arg10[%swap3A_442, %swap3A_443] {strides = array<i32>} : memref<80x128xf32, #tpu.memory_space<vmem>>, vector<16xf32>,
        tpu.vector_store %arg10[%swap3A_442, %swap3A_443], %mul3A_439 {strides = array<i32>} : memref<80x128xf32, #tpu.memory_space<vmem>>, vector<16xf32>,
        %add3A_445 = arith.constant 40 : i32
        %add3A_446 = arith.addi %add3A_445, %add3A_290 : i32
        %get3A_447 = arith.constant 1 : i32
        %get3A_448 = arith.index_cast %get3A_447 : i32 to index
        %get3A_449 = arith.index_cast %add3A_446 : i32 to index
        %get3A_450 = arith.constant 96 : index
        %get3A_451 = tpu.vector_load %arg8[%get3A_448, %get3A_449, %get3A_450] {strides = array<i32>} : memref<2x80x128xf32, #tpu.memory_space<vmem>>, vector<16xf32>,
        %mul3A_452 = arith.mulf %get3A_451, %bitcast_convert_type3A_413 : vector<16xf32>
        %add3A_453 = arith.constant 40 : i32
        %add3A_454 = arith.addi %add3A_453, %add3A_290 : i32
        %swap3A_455 = arith.index_cast %add3A_454 : i32 to index
        %swap3A_456 = arith.constant 96 : index
        %swap3A_457 = tpu.vector_load %arg10[%swap3A_455, %swap3A_456] {strides = array<i32>} : memref<80x128xf32, #tpu.memory_space<vmem>>, vector<16xf32>,
        tpu.vector_store %arg10[%swap3A_455, %swap3A_456], %mul3A_452 {strides = array<i32>} : memref<80x128xf32, #tpu.memory_space<vmem>>, vector<16xf32>,
        %get3A_458 = arith.constant 1 : i32
        %get3A_459 = arith.index_cast %get3A_458 : i32 to index
        %get3A_460 = arith.index_cast %add3A_290 : i32 to index
        %get3A_461 = arith.constant 48 : index
        %get3A_462 = tpu.vector_load %arg9[%get3A_459, %get3A_460, %get3A_461] {strides = array<i32>} : memref<2x40x64xi32, #tpu.memory_space<vmem>>, vector<16xi32>,
        %shift_left3A_463 = arith.constant 16 : i32
        %shift_left3A_464 = vector.broadcast %shift_left3A_463 : i32 to vector<16xi32>
        %shift_left3A_465 = arith.shli %get3A_462, %shift_left3A_464 : vector<16xi32>
        %bitcast_convert_type3A_466 = tpu.bitcast %shift_left3A_465 : vector<16xi32> -> vector<16xf32>
        %and3A_467 = arith.constant -65536 : i32
        %and3A_468 = vector.broadcast %and3A_467 : i32 to vector<16xi32>
        %and3A_469 = arith.andi %get3A_462, %and3A_468 : vector<16xi32>
        %bitcast_convert_type3A_470 = tpu.bitcast %and3A_469 : vector<16xi32> -> vector<16xf32>
        %get3A_471 = arith.constant 1 : i32
        %get3A_472 = arith.index_cast %get3A_471 : i32 to index
        %get3A_473 = arith.index_cast %add3A_290 : i32 to index
        %get3A_474 = arith.constant 48 : index
        %get3A_475 = tpu.vector_load %arg8[%get3A_472, %get3A_473, %get3A_474] {strides = array<i32>} : memref<2x80x128xf32, #tpu.memory_space<vmem>>, vector<16xf32>,
        %mul3A_476 = arith.mulf %get3A_475, %bitcast_convert_type3A_466 : vector<16xf32>
        %swap3A_477 = arith.index_cast %add3A_290 : i32 to index
        %swap3A_478 = arith.constant 48 : index
        %swap3A_479 = tpu.vector_load %arg10[%swap3A_477, %swap3A_478] {strides = array<i32>} : memref<80x128xf32, #tpu.memory_space<vmem>>, vector<16xf32>,
        tpu.vector_store %arg10[%swap3A_477, %swap3A_478], %mul3A_476 {strides = array<i32>} : memref<80x128xf32, #tpu.memory_space<vmem>>, vector<16xf32>,
        %get3A_480 = arith.constant 1 : i32
        %get3A_481 = arith.index_cast %get3A_480 : i32 to index
        %get3A_482 = arith.index_cast %add3A_290 : i32 to index
        %get3A_483 = arith.constant 112 : index
        %get3A_484 = tpu.vector_load %arg8[%get3A_481, %get3A_482, %get3A_483] {strides = array<i32>} : memref<2x80x128xf32, #tpu.memory_space<vmem>>, vector<16xf32>,
        %mul3A_485 = arith.mulf %get3A_484, %bitcast_convert_type3A_470 : vector<16xf32>
        %swap3A_486 = arith.index_cast %add3A_290 : i32 to index
        %swap3A_487 = arith.constant 112 : index
        %swap3A_488 = tpu.vector_load %arg10[%swap3A_486, %swap3A_487] {strides = array<i32>} : memref<80x128xf32, #tpu.memory_space<vmem>>, vector<16xf32>,
        tpu.vector_store %arg10[%swap3A_486, %swap3A_487], %mul3A_485 {strides = array<i32>} : memref<80x128xf32, #tpu.memory_space<vmem>>, vector<16xf32>,
        %add3A_489 = arith.constant 40 : i32
        %add3A_490 = arith.addi %add3A_489, %add3A_290 : i32
        %get3A_491 = arith.constant 1 : i32
        %get3A_492 = arith.index_cast %get3A_491 : i32 to index
        %get3A_493 = arith.index_cast %add3A_490 : i32 to index
        %get3A_494 = arith.constant 48 : index
        %get3A_495 = tpu.vector_load %arg8[%get3A_492, %get3A_493, %get3A_494] {strides = array<i32>} : memref<2x80x128xf32, #tpu.memory_space<vmem>>, vector<16xf32>,
        %mul3A_496 = arith.mulf %get3A_495, %bitcast_convert_type3A_466 : vector<16xf32>
        %add3A_497 = arith.constant 40 : i32
        %add3A_498 = arith.addi %add3A_497, %add3A_290 : i32
        %swap3A_499 = arith.index_cast %add3A_498 : i32 to index
        %swap3A_500 = arith.constant 48 : index
        %swap3A_501 = tpu.vector_load %arg10[%swap3A_499, %swap3A_500] {strides = array<i32>} : memref<80x128xf32, #tpu.memory_space<vmem>>, vector<16xf32>,
        tpu.vector_store %arg10[%swap3A_499, %swap3A_500], %mul3A_496 {strides = array<i32>} : memref<80x128xf32, #tpu.memory_space<vmem>>, vector<16xf32>,
        %add3A_502 = arith.constant 40 : i32
        %add3A_503 = arith.addi %add3A_502, %add3A_290 : i32
        %get3A_504 = arith.constant 1 : i32
        %get3A_505 = arith.index_cast %get3A_504 : i32 to index
        %get3A_506 = arith.index_cast %add3A_503 : i32 to index
        %get3A_507 = arith.constant 112 : index
        %get3A_508 = tpu.vector_load %arg8[%get3A_505, %get3A_506, %get3A_507] {strides = array<i32>} : memref<2x80x128xf32, #tpu.memory_space<vmem>>, vector<16xf32>,
        %mul3A_509 = arith.mulf %get3A_508, %bitcast_convert_type3A_470 : vector<16xf32>
        %add3A_510 = arith.constant 40 : i32
        %add3A_511 = arith.addi %add3A_510, %add3A_290 : i32
        %swap3A_512 = arith.index_cast %add3A_511 : i32 to index
        %swap3A_513 = arith.constant 112 : index
        %swap3A_514 = tpu.vector_load %arg10[%swap3A_512, %swap3A_513] {strides = array<i32>} : memref<80x128xf32, #tpu.memory_space<vmem>>, vector<16xf32>,
        tpu.vector_store %arg10[%swap3A_512, %swap3A_513], %mul3A_509 {strides = array<i32>} : memref<80x128xf32, #tpu.memory_space<vmem>>, vector<16xf32>,
      }
      %scan3A_263 = arith.constant 40 : i32
      %jit3A_264 = arith.constant 4 : i32
      %eq3A_265 = arith.constant 0 : i32
      %eq3A_266 = arith.cmpi eq, %jit3A_264, %eq3A_265 : i32
      %jit3A_267 = arith.constant 1 : i32
      %select_n3A_268 = arith.select %eq3A_266, %jit3A_267, %jit3A_264 : i32
      %rem3A_269 = arith.remsi %add3A_209, %select_n3A_268 : i32
      %ne3A_270 = arith.constant 0 : i32
      %ne3A_271 = arith.cmpi ne, %rem3A_269, %ne3A_270 : i32
      %lt3A_272 = arith.constant 0 : i32
      %lt3A_273 = arith.cmpi slt, %rem3A_269, %lt3A_272 : i32
      %lt3A_274 = arith.constant 0 : i32
      %lt3A_275 = arith.cmpi slt, %select_n3A_268, %lt3A_274 : i32
      %ne3A_276 = arith.xori %lt3A_273, %lt3A_275 : i1
      %and3A_277 = arith.andi %ne3A_276, %ne3A_271 : i1
      %add3A_278 = arith.addi %rem3A_269, %select_n3A_268 : i32
      %select_n3A_279 = arith.select %and3A_277, %add3A_278, %rem3A_269 : i32
      %dma_start3A_280 = arith.constant 0 : i32
      %dma_start3A_281 = tpu.memref_slice %arg12[%select_n3A_279, %dma_start3A_280] : memref<4x80xi32, #tpu.memory_space<vmem>> -> memref<1x80xi32, #tpu.memory_space<vmem>>
      %dma_start3A_282 = tpu.memref_squeeze %dma_start3A_281 : memref<1x80xi32, #tpu.memory_space<vmem>> -> memref<80xi32, #tpu.memory_space<vmem>>
      %dma_start3A_283 = arith.constant 0 : i32
      %dma_start3A_284 = arith.constant 0 : i32
      %dma_start3A_285 = tpu.memref_slice %arg7[%dma_start3A_283, %dma_start3A_284] : memref<10000x128xf32, #tpu.memory_space<vmem_shared>> -> memref<10000x128xf32, #tpu.memory_space<vmem_shared>>
      tpu.enqueue_indirect_dma source(%arg10 : memref<80x128xf32, #tpu.memory_space<vmem>>) target(%dma_start3A_285 : memref<10000x128xf32, #tpu.memory_space<vmem_shared>>) offsets(%dma_start3A_282 : memref<80xi32, #tpu.memory_space<vmem>>) semaphore(%arg18 : memref<!tpu.dma_semaphore, #tpu.memory_space<semaphore_mem>>) {add = true}
    }
    %scan3A_119 = arith.constant 125 : i32
    %dma_wait3A_120 = arith.constant 0 : i32
    %dma_wait3A_121 = arith.constant 0 : i32
    %dma_wait3A_122 = tpu.memref_slice %arg7[%dma_wait3A_120, %dma_wait3A_121] : memref<10000x128xf32, #tpu.memory_space<vmem_shared>> -> memref<80x128xf32, #tpu.memory_space<vmem_shared>>
    %dma_wait3A_123 = arith.constant 0 : i32
    %dma_wait3A_124 = arith.constant 0 : i32
    %dma_wait3A_125 = tpu.memref_slice %arg7[%dma_wait3A_123, %dma_wait3A_124] : memref<10000x128xf32, #tpu.memory_space<vmem_shared>> -> memref<80x128xf32, #tpu.memory_space<vmem_shared>>
    tpu.wait_dma2 semaphore(%arg18 : memref<!tpu.dma_semaphore, #tpu.memory_space<semaphore_mem>>) src(%arg10 : memref<80x128xf32, #tpu.memory_space<vmem>>) dst(%dma_wait3A_125 : memref<80x128xf32, #tpu.memory_space<vmem_shared>>)
    %barrier3A_126 = arith.constant 0 : index
    tpu.barrier barrier_id(%barrier3A_126)
    "tpu.region"() ({
      %run_scoped3A = tpu.sem_alloc : memref<!tpu.dma_semaphore, #tpu.memory_space<semaphore_mem>>
      %dma_start3A_132 = arith.constant 0 : i32
      %dma_start3A_133 = tpu.memref_slice %arg6[%arg0, %multiple_of3A, %dma_start3A_132] : memref<2x10000x128xf32, #tpu.memory_space<hbm>> -> memref<1x624x128xf32, #tpu.memory_space<hbm>>
      %dma_start3A_134 = tpu.memref_squeeze %dma_start3A_133 : memref<1x624x128xf32, #tpu.memory_space<hbm>> -> memref<624x128xf32, #tpu.memory_space<hbm>>
      %dma_start3A_135 = arith.constant 0 : i32
      %dma_start3A_136 = tpu.memref_slice %arg7[%multiple_of3A, %dma_start3A_135] : memref<10000x128xf32, #tpu.memory_space<vmem_shared>> -> memref<624x128xf32, #tpu.memory_space<vmem_shared>>
      tpu.enqueue_dma source(%dma_start3A_136 : memref<624x128xf32, #tpu.memory_space<vmem_shared>>) target(%dma_start3A_134 : memref<624x128xf32, #tpu.memory_space<hbm>>) target_semaphore(%run_scoped3A : memref<!tpu.dma_semaphore, #tpu.memory_space<semaphore_mem>>)
      %dma_wait3A_137 = arith.constant 0 : i32
      %dma_wait3A_138 = tpu.memref_slice %arg6[%arg0, %multiple_of3A, %dma_wait3A_137] : memref<2x10000x128xf32, #tpu.memory_space<hbm>> -> memref<1x624x128xf32, #tpu.memory_space<hbm>>
      %dma_wait3A_139 = tpu.memref_squeeze %dma_wait3A_138 : memref<1x624x128xf32, #tpu.memory_space<hbm>> -> memref<624x128xf32, #tpu.memory_space<hbm>>
      %dma_wait3A_140 = arith.constant 0 : i32
      %dma_wait3A_141 = tpu.memref_slice %arg7[%multiple_of3A, %dma_wait3A_140] : memref<10000x128xf32, #tpu.memory_space<vmem_shared>> -> memref<624x128xf32, #tpu.memory_space<vmem_shared>>
      tpu.wait_dma2 semaphore(%run_scoped3A : memref<!tpu.dma_semaphore, #tpu.memory_space<semaphore_mem>>) src(%dma_wait3A_141 : memref<624x128xf32, #tpu.memory_space<vmem_shared>>) dst(%dma_wait3A_139 : memref<624x128xf32, #tpu.memory_space<hbm>>)
      tpu.yield
    }) : () -> ()
    %eq3A_127 = arith.constant 15 : i32
    %eq3A_128 = arith.cmpi eq, %arg1, %eq3A_127 : i32
    %convert_element_type3A_129 = arith.extui %eq3A_128 : i1 to i32
    %cond3A_130 = arith.constant 0 : i32
    %cond3A_131 = arith.cmpi ne, %convert_element_type3A_129, %cond3A_130 : i32
    scf.if %cond3A_131 {
      "tpu.region"() ({
        %run_scoped3A = tpu.sem_alloc : memref<!tpu.dma_semaphore, #tpu.memory_space<semaphore_mem>>
        %dma_start3A_132 = arith.constant 9984 : i32
        %dma_start3A_133 = arith.constant 0 : i32
        %dma_start3A_134 = tpu.memref_slice %arg6[%arg0, %dma_start3A_132, %dma_start3A_133] : memref<2x10000x128xf32, #tpu.memory_space<hbm>> -> memref<1x16x128xf32, #tpu.memory_space<hbm>>
        %dma_start3A_135 = tpu.memref_squeeze %dma_start3A_134 : memref<1x16x128xf32, #tpu.memory_space<hbm>> -> memref<16x128xf32, #tpu.memory_space<hbm>>
        %dma_start3A_136 = arith.constant 9984 : i32
        %dma_start3A_137 = arith.constant 0 : i32
        %dma_start3A_138 = tpu.memref_slice %arg7[%dma_start3A_136, %dma_start3A_137] : memref<10000x128xf32, #tpu.memory_space<vmem_shared>> -> memref<16x128xf32, #tpu.memory_space<vmem_shared>>
        tpu.enqueue_dma source(%dma_start3A_138 : memref<16x128xf32, #tpu.memory_space<vmem_shared>>) target(%dma_start3A_135 : memref<16x128xf32, #tpu.memory_space<hbm>>) target_semaphore(%run_scoped3A : memref<!tpu.dma_semaphore, #tpu.memory_space<semaphore_mem>>)
        %dma_wait3A_139 = arith.constant 9984 : i32
        %dma_wait3A_140 = arith.constant 0 : i32
        %dma_wait3A_141 = tpu.memref_slice %arg6[%arg0, %dma_wait3A_139, %dma_wait3A_140] : memref<2x10000x128xf32, #tpu.memory_space<hbm>> -> memref<1x16x128xf32, #tpu.memory_space<hbm>>
        %dma_wait3A_142 = tpu.memref_squeeze %dma_wait3A_141 : memref<1x16x128xf32, #tpu.memory_space<hbm>> -> memref<16x128xf32, #tpu.memory_space<hbm>>
        %dma_wait3A_143 = arith.constant 9984 : i32
        %dma_wait3A_144 = arith.constant 0 : i32
        %dma_wait3A_145 = tpu.memref_slice %arg7[%dma_wait3A_143, %dma_wait3A_144] : memref<10000x128xf32, #tpu.memory_space<vmem_shared>> -> memref<16x128xf32, #tpu.memory_space<vmem_shared>>
        tpu.wait_dma2 semaphore(%run_scoped3A : memref<!tpu.dma_semaphore, #tpu.memory_space<semaphore_mem>>) src(%dma_wait3A_145 : memref<16x128xf32, #tpu.memory_space<vmem_shared>>) dst(%dma_wait3A_142 : memref<16x128xf32, #tpu.memory_space<hbm>>)
        tpu.yield
      }) : () -> ()
    } else {
    }
    return
  }
}

#map = affine_map<(d0, d1) -> (0)>
module attributes {stable_mosaic.version = 14 : i64} {
  func.func @k(%arg0: i32, %arg1: i32, %arg2: memref<10000xf32, #tpu.memory_space<hbm>>, %arg3: memref<10000xf32, #tpu.memory_space<hbm>>, %arg4: memref<10000xf32, #tpu.memory_space<hbm>>, %arg5: memref<320000xi32, #tpu.memory_space<hbm>>, %arg6: memref<320000xi32, #tpu.memory_space<hbm>>, %arg7: memref<320000xf32, #tpu.memory_space<hbm>>, %arg8: memref<10000xf32, #tpu.memory_space<vmem>>, %arg9: memref<10000xf32, #tpu.memory_space<vmem>>, %arg10: memref<10000xf32, #tpu.memory_space<vmem>>, %arg11: memref<10000xi32, #tpu.memory_space<vmem>>, %arg12: memref<10000xi32, #tpu.memory_space<vmem>>, %arg13: memref<10000xf32, #tpu.memory_space<vmem>>) attributes {dimension_semantics = [#tpu.dimension_semantics<core_parallel>, #tpu.dimension_semantics<subcore_parallel>], iteration_bounds = array<i64: 2, 16>, scalar_prefetch = 0 : i64, scratch_operands = 6 : i64, tpu.core_type = #tpu.core_type<sc_vector_subcore>, window_params = [{transform_indices = #map}, {transform_indices = #map}, {transform_indices = #map}, {transform_indices = #map}, {transform_indices = #map}, {transform_indices = #map}]} {
    %mul3A = arith.constant 2 : i32
    %mul3A_0 = arith.muli %arg1, %mul3A : i32
    %add3A = arith.addi %mul3A_0, %arg0 : i32
    %mul3A_1 = arith.constant 10000 : i32
    %mul3A_2 = arith.muli %add3A, %mul3A_1 : i32
    %multiple_of3A = tpu.assume_multiple %mul3A_2, 8 : i32
    "tpu.region"() ({
      %run_scoped3A = tpu.sem_alloc : memref<!tpu.dma_semaphore, #tpu.memory_space<semaphore_mem>>
      tpu.enqueue_dma source(%arg2 : memref<10000xf32, #tpu.memory_space<hbm>>) target(%arg8 : memref<10000xf32, #tpu.memory_space<vmem>>) target_semaphore(%run_scoped3A : memref<!tpu.dma_semaphore, #tpu.memory_space<semaphore_mem>>)
      tpu.wait_dma2 semaphore(%run_scoped3A : memref<!tpu.dma_semaphore, #tpu.memory_space<semaphore_mem>>) src(%arg2 : memref<10000xf32, #tpu.memory_space<hbm>>) dst(%arg8 : memref<10000xf32, #tpu.memory_space<vmem>>)
      tpu.yield
    }) : () -> ()
    "tpu.region"() ({
      %run_scoped3A = tpu.sem_alloc : memref<!tpu.dma_semaphore, #tpu.memory_space<semaphore_mem>>
      tpu.enqueue_dma source(%arg3 : memref<10000xf32, #tpu.memory_space<hbm>>) target(%arg9 : memref<10000xf32, #tpu.memory_space<vmem>>) target_semaphore(%run_scoped3A : memref<!tpu.dma_semaphore, #tpu.memory_space<semaphore_mem>>)
      tpu.wait_dma2 semaphore(%run_scoped3A : memref<!tpu.dma_semaphore, #tpu.memory_space<semaphore_mem>>) src(%arg3 : memref<10000xf32, #tpu.memory_space<hbm>>) dst(%arg9 : memref<10000xf32, #tpu.memory_space<vmem>>)
      tpu.yield
    }) : () -> ()
    "tpu.region"() ({
      %run_scoped3A = tpu.sem_alloc : memref<!tpu.dma_semaphore, #tpu.memory_space<semaphore_mem>>
      tpu.enqueue_dma source(%arg4 : memref<10000xf32, #tpu.memory_space<hbm>>) target(%arg10 : memref<10000xf32, #tpu.memory_space<vmem>>) target_semaphore(%run_scoped3A : memref<!tpu.dma_semaphore, #tpu.memory_space<semaphore_mem>>)
      tpu.wait_dma2 semaphore(%run_scoped3A : memref<!tpu.dma_semaphore, #tpu.memory_space<semaphore_mem>>) src(%arg4 : memref<10000xf32, #tpu.memory_space<hbm>>) dst(%arg10 : memref<10000xf32, #tpu.memory_space<vmem>>)
      tpu.yield
    }) : () -> ()
    "tpu.region"() ({
      %run_scoped3A = tpu.sem_alloc : memref<!tpu.dma_semaphore, #tpu.memory_space<semaphore_mem>>
      %dma_start3A = tpu.memref_slice %arg5[%multiple_of3A] : memref<320000xi32, #tpu.memory_space<hbm>> -> memref<10000xi32, #tpu.memory_space<hbm>>
      %dma_start3A_7 = tpu.memref_slice %arg5[%multiple_of3A] : memref<320000xi32, #tpu.memory_space<hbm>> -> memref<10000xi32, #tpu.memory_space<hbm>>
      tpu.enqueue_dma source(%dma_start3A_7 : memref<10000xi32, #tpu.memory_space<hbm>>) target(%arg11 : memref<10000xi32, #tpu.memory_space<vmem>>) target_semaphore(%run_scoped3A : memref<!tpu.dma_semaphore, #tpu.memory_space<semaphore_mem>>)
      %dma_wait3A = tpu.memref_slice %arg5[%multiple_of3A] : memref<320000xi32, #tpu.memory_space<hbm>> -> memref<10000xi32, #tpu.memory_space<hbm>>
      %dma_wait3A_8 = tpu.memref_slice %arg5[%multiple_of3A] : memref<320000xi32, #tpu.memory_space<hbm>> -> memref<10000xi32, #tpu.memory_space<hbm>>
      tpu.wait_dma2 semaphore(%run_scoped3A : memref<!tpu.dma_semaphore, #tpu.memory_space<semaphore_mem>>) src(%dma_wait3A_8 : memref<10000xi32, #tpu.memory_space<hbm>>) dst(%arg11 : memref<10000xi32, #tpu.memory_space<vmem>>)
      tpu.yield
    }) : () -> ()
    "tpu.region"() ({
      %run_scoped3A = tpu.sem_alloc : memref<!tpu.dma_semaphore, #tpu.memory_space<semaphore_mem>>
      %dma_start3A = tpu.memref_slice %arg6[%multiple_of3A] : memref<320000xi32, #tpu.memory_space<hbm>> -> memref<10000xi32, #tpu.memory_space<hbm>>
      %dma_start3A_7 = tpu.memref_slice %arg6[%multiple_of3A] : memref<320000xi32, #tpu.memory_space<hbm>> -> memref<10000xi32, #tpu.memory_space<hbm>>
      tpu.enqueue_dma source(%dma_start3A_7 : memref<10000xi32, #tpu.memory_space<hbm>>) target(%arg12 : memref<10000xi32, #tpu.memory_space<vmem>>) target_semaphore(%run_scoped3A : memref<!tpu.dma_semaphore, #tpu.memory_space<semaphore_mem>>)
      %dma_wait3A = tpu.memref_slice %arg6[%multiple_of3A] : memref<320000xi32, #tpu.memory_space<hbm>> -> memref<10000xi32, #tpu.memory_space<hbm>>
      %dma_wait3A_8 = tpu.memref_slice %arg6[%multiple_of3A] : memref<320000xi32, #tpu.memory_space<hbm>> -> memref<10000xi32, #tpu.memory_space<hbm>>
      tpu.wait_dma2 semaphore(%run_scoped3A : memref<!tpu.dma_semaphore, #tpu.memory_space<semaphore_mem>>) src(%dma_wait3A_8 : memref<10000xi32, #tpu.memory_space<hbm>>) dst(%arg12 : memref<10000xi32, #tpu.memory_space<vmem>>)
      tpu.yield
    }) : () -> ()
    %scan3A = arith.constant 0 : i32
    %scan3A_3 = arith.constant 625 : i32
    %scan3A_4 = arith.addi %scan3A, %scan3A_3 : i32
    %scan3A_5 = arith.constant 1 : i32
    scf.for %scan3A_7 = %scan3A to %scan3A_4 step %scan3A_5  : i32 {
      %mul3A_8 = arith.constant 16 : i32
      %mul3A_9 = arith.muli %scan3A_7, %mul3A_8 : i32
      %add3A_10 = arith.constant 0 : i32
      %add3A_11 = arith.addi %add3A_10, %mul3A_9 : i32
      %get3A = arith.index_cast %add3A_11 : i32 to index
      %get3A_12 = tpu.vector_load %arg11[%get3A] {strides = array<i32>} : memref<10000xi32, #tpu.memory_space<vmem>>, vector<16xi32>,
      %get3A_13 = arith.index_cast %add3A_11 : i32 to index
      %get3A_14 = tpu.vector_load %arg12[%get3A_13] {strides = array<i32>} : memref<10000xi32, #tpu.memory_space<vmem>>, vector<16xi32>,
      %gather3A = tpu.vector_load_idx %arg8[%get3A_12] : memref<10000xf32, #tpu.memory_space<vmem>>[vector<16xi32>], vector<16xf32>,
      %gather3A_15 = tpu.vector_load_idx %arg8[%get3A_14] : memref<10000xf32, #tpu.memory_space<vmem>>[vector<16xi32>], vector<16xf32>,
      %sub3A = arith.subf %gather3A, %gather3A_15 : vector<16xf32>
      %gather3A_16 = tpu.vector_load_idx %arg9[%get3A_12] : memref<10000xf32, #tpu.memory_space<vmem>>[vector<16xi32>], vector<16xf32>,
      %gather3A_17 = tpu.vector_load_idx %arg9[%get3A_14] : memref<10000xf32, #tpu.memory_space<vmem>>[vector<16xi32>], vector<16xf32>,
      %sub3A_18 = arith.subf %gather3A_16, %gather3A_17 : vector<16xf32>
      %gather3A_19 = tpu.vector_load_idx %arg10[%get3A_12] : memref<10000xf32, #tpu.memory_space<vmem>>[vector<16xi32>], vector<16xf32>,
      %gather3A_20 = tpu.vector_load_idx %arg10[%get3A_14] : memref<10000xf32, #tpu.memory_space<vmem>>[vector<16xi32>], vector<16xf32>,
      %sub3A_21 = arith.subf %gather3A_19, %gather3A_20 : vector<16xf32>
      %mul3A_22 = arith.mulf %sub3A, %sub3A : vector<16xf32>
      %mul3A_23 = arith.mulf %sub3A_18, %sub3A_18 : vector<16xf32>
      %add3A_24 = arith.addf %mul3A_22, %mul3A_23 : vector<16xf32>
      %mul3A_25 = arith.mulf %sub3A_21, %sub3A_21 : vector<16xf32>
      %add3A_26 = arith.addf %add3A_24, %mul3A_25 : vector<16xf32>
      %swap3A = arith.index_cast %add3A_11 : i32 to index
      %swap3A_27 = tpu.vector_load %arg13[%swap3A] {strides = array<i32>} : memref<10000xf32, #tpu.memory_space<vmem>>, vector<16xf32>,
      tpu.vector_store %arg13[%swap3A], %add3A_26 {strides = array<i32>} : memref<10000xf32, #tpu.memory_space<vmem>>, vector<16xf32>,
    }
    %scan3A_6 = arith.constant 625 : i32
    "tpu.region"() ({
      %run_scoped3A = tpu.sem_alloc : memref<!tpu.dma_semaphore, #tpu.memory_space<semaphore_mem>>
      %dma_start3A = tpu.memref_slice %arg7[%multiple_of3A] : memref<320000xf32, #tpu.memory_space<hbm>> -> memref<10000xf32, #tpu.memory_space<hbm>>
      %dma_start3A_7 = tpu.memref_slice %arg7[%multiple_of3A] : memref<320000xf32, #tpu.memory_space<hbm>> -> memref<10000xf32, #tpu.memory_space<hbm>>
      tpu.enqueue_dma source(%arg13 : memref<10000xf32, #tpu.memory_space<vmem>>) target(%dma_start3A_7 : memref<10000xf32, #tpu.memory_space<hbm>>) target_semaphore(%run_scoped3A : memref<!tpu.dma_semaphore, #tpu.memory_space<semaphore_mem>>)
      %dma_wait3A = tpu.memref_slice %arg7[%multiple_of3A] : memref<320000xf32, #tpu.memory_space<hbm>> -> memref<10000xf32, #tpu.memory_space<hbm>>
      %dma_wait3A_8 = tpu.memref_slice %arg7[%multiple_of3A] : memref<320000xf32, #tpu.memory_space<hbm>> -> memref<10000xf32, #tpu.memory_space<hbm>>
      tpu.wait_dma2 semaphore(%run_scoped3A : memref<!tpu.dma_semaphore, #tpu.memory_space<semaphore_mem>>) src(%arg13 : memref<10000xf32, #tpu.memory_space<vmem>>) dst(%dma_wait3A_8 : memref<10000xf32, #tpu.memory_space<hbm>>)
      tpu.yield
    }) : () -> ()
    return
  }
}

#map = affine_map<(d0, d1) -> (0, 0)>
#map1 = affine_map<(d0, d1) -> (0)>
#map2 = affine_map<(d0, d1) -> (0, 0, 0)>
module attributes {stable_mosaic.version = 14 : i64} {
  func.func @k(%arg0: i32, %arg1: i32, %arg2: memref<10000x128xf32, #tpu.memory_space<hbm>>, %arg3: memref<320000x64xi32, #tpu.memory_space<hbm>>, %arg4: memref<640000xi32, #tpu.memory_space<hbm>>, %arg5: memref<640000xi32, #tpu.memory_space<hbm>>, %arg6: memref<2x10000x128xf32, #tpu.memory_space<hbm>>, %arg7: memref<10000x128xf32, #tpu.memory_space<vmem_shared>>, %arg8: memref<2x80x128xf32, #tpu.memory_space<vmem>>, %arg9: memref<2x40x64xi32, #tpu.memory_space<vmem>>, %arg10: memref<80x128xf32, #tpu.memory_space<vmem>>, %arg11: memref<4x80xi32, #tpu.memory_space<vmem>>, %arg12: memref<4x80xi32, #tpu.memory_space<vmem>>, %arg13: memref<!tpu.dma_semaphore, #tpu.memory_space<semaphore_mem>>, %arg14: memref<!tpu.dma_semaphore, #tpu.memory_space<semaphore_mem>>, %arg15: memref<!tpu.dma_semaphore, #tpu.memory_space<semaphore_mem>>, %arg16: memref<!tpu.dma_semaphore, #tpu.memory_space<semaphore_mem>>, %arg17: memref<!tpu.dma_semaphore, #tpu.memory_space<semaphore_mem>>, %arg18: memref<!tpu.dma_semaphore, #tpu.memory_space<semaphore_mem>>) attributes {dimension_semantics = [#tpu.dimension_semantics<core_parallel>, #tpu.dimension_semantics<subcore_parallel>], iteration_bounds = array<i64: 2, 16>, scalar_prefetch = 0 : i64, scratch_operands = 12 : i64, tpu.core_type = #tpu.core_type<sc_vector_subcore>, window_params = [{transform_indices = #map}, {transform_indices = #map}, {transform_indices = #map1}, {transform_indices = #map1}, {transform_indices = #map2}]} {
    %mul3A = arith.constant 2 : i32
    %mul3A_0 = arith.muli %arg1, %mul3A : i32
    %add3A = arith.addi %mul3A_0, %arg0 : i32
    %mul3A_1 = arith.constant 624 : i32
    %mul3A_2 = arith.muli %arg1, %mul3A_1 : i32
    %multiple_of3A = tpu.assume_multiple %mul3A_2, 8 : i32
    %mul3A_3 = arith.constant 10000 : i32
    %mul3A_4 = arith.muli %add3A, %mul3A_3 : i32
    %multiple_of3A_5 = tpu.assume_multiple %mul3A_4, 8 : i32
    %mul3A_6 = arith.constant 10000 : i32
    %mul3A_7 = arith.muli %add3A, %mul3A_6 : i32
    %mul3A_8 = arith.constant 2 : i32
    %mul3A_9 = arith.muli %mul3A_7, %mul3A_8 : i32
    %multiple_of3A_10 = tpu.assume_multiple %mul3A_9, 8 : i32
    %scan3A = arith.constant 0 : i32
    %scan3A_11 = arith.constant 80 : i32
    %scan3A_12 = arith.addi %scan3A, %scan3A_11 : i32
    %scan3A_13 = arith.constant 1 : i32
    scf.for %scan3A_132 = %scan3A to %scan3A_12 step %scan3A_13  : i32 {
      %mul3A_133 = arith.constant 1 : i32
      %mul3A_134 = arith.muli %scan3A_132, %mul3A_133 : i32
      %add3A_135 = arith.constant 0 : i32
      %add3A_136 = arith.addi %add3A_135, %mul3A_134 : i32
      %scan3A_137 = arith.constant 0 : i32
      %scan3A_138 = arith.constant 8 : i32
      %scan3A_139 = arith.addi %scan3A_137, %scan3A_138 : i32
      %scan3A_140 = arith.constant 1 : i32
      scf.for %scan3A_142 = %scan3A_137 to %scan3A_139 step %scan3A_140  : i32 {
        %mul3A_143 = arith.constant 16 : i32
        %mul3A_144 = arith.muli %scan3A_142, %mul3A_143 : i32
        %add3A_145 = arith.constant 0 : i32
        %add3A_146 = arith.addi %add3A_145, %mul3A_144 : i32
        %broadcast_in_dim3A = arith.constant 0.000000e+00 : f32
        %broadcast_in_dim3A_147 = vector.broadcast %broadcast_in_dim3A : f32 to vector<16xf32>
        %swap3A = arith.index_cast %add3A_136 : i32 to index
        %swap3A_148 = arith.index_cast %add3A_146 : i32 to index
        %swap3A_149 = tpu.vector_load %arg10[%swap3A, %swap3A_148] {strides = array<i32>} : memref<80x128xf32, #tpu.memory_space<vmem>>, vector<16xf32>,
        tpu.vector_store %arg10[%swap3A, %swap3A_148], %broadcast_in_dim3A_147 {strides = array<i32>} : memref<80x128xf32, #tpu.memory_space<vmem>>, vector<16xf32>,
      }
      %scan3A_141 = arith.constant 8 : i32
    }
    %scan3A_14 = arith.constant 80 : i32
    %scan3A_15 = arith.constant 0 : i32
    %scan3A_16 = arith.constant 7 : i32
    %scan3A_17 = arith.addi %scan3A_15, %scan3A_16 : i32
    %scan3A_18 = arith.constant 1 : i32
    scf.for %scan3A_132 = %scan3A_15 to %scan3A_17 step %scan3A_18  : i32 {
      %mul3A_133 = arith.constant 80 : i32
      %mul3A_134 = arith.muli %scan3A_132, %mul3A_133 : i32
      %add3A_135 = arith.constant 0 : i32
      %add3A_136 = arith.addi %add3A_135, %mul3A_134 : i32
      %add3A_137 = arith.addi %multiple_of3A, %add3A_136 : i32
      "tpu.region"() ({
        %run_scoped3A = tpu.sem_alloc : memref<!tpu.dma_semaphore, #tpu.memory_space<semaphore_mem>>
        %dma_start3A_138 = arith.constant 0 : i32
        %dma_start3A_139 = tpu.memref_slice %arg7[%add3A_137, %dma_start3A_138] : memref<10000x128xf32, #tpu.memory_space<vmem_shared>> -> memref<80x128xf32, #tpu.memory_space<vmem_shared>>
        %dma_start3A_140 = arith.constant 0 : i32
        %dma_start3A_141 = tpu.memref_slice %arg7[%add3A_137, %dma_start3A_140] : memref<10000x128xf32, #tpu.memory_space<vmem_shared>> -> memref<80x128xf32, #tpu.memory_space<vmem_shared>>
        tpu.enqueue_dma source(%arg10 : memref<80x128xf32, #tpu.memory_space<vmem>>) target(%dma_start3A_141 : memref<80x128xf32, #tpu.memory_space<vmem_shared>>) target_semaphore(%run_scoped3A : memref<!tpu.dma_semaphore, #tpu.memory_space<semaphore_mem>>)
        %dma_wait3A_142 = arith.constant 0 : i32
        %dma_wait3A_143 = tpu.memref_slice %arg7[%add3A_137, %dma_wait3A_142] : memref<10000x128xf32, #tpu.memory_space<vmem_shared>> -> memref<80x128xf32, #tpu.memory_space<vmem_shared>>
        %dma_wait3A_144 = arith.constant 0 : i32
        %dma_wait3A_145 = tpu.memref_slice %arg7[%add3A_137, %dma_wait3A_144] : memref<10000x128xf32, #tpu.memory_space<vmem_shared>> -> memref<80x128xf32, #tpu.memory_space<vmem_shared>>
        tpu.wait_dma2 semaphore(%run_scoped3A : memref<!tpu.dma_semaphore, #tpu.memory_space<semaphore_mem>>) src(%arg10 : memref<80x128xf32, #tpu.memory_space<vmem>>) dst(%dma_wait3A_145 : memref<80x128xf32, #tpu.memory_space<vmem_shared>>)
        tpu.yield
      }) : () -> ()
    }
    %scan3A_19 = arith.constant 7 : i32
    %add3A_20 = arith.constant 624 : i32
    %add3A_21 = arith.addi %multiple_of3A, %add3A_20 : i32
    %sub3A = arith.constant 64 : i32
    %sub3A_22 = arith.subi %add3A_21, %sub3A : i32
    "tpu.region"() ({
      %run_scoped3A = tpu.sem_alloc : memref<!tpu.dma_semaphore, #tpu.memory_space<semaphore_mem>>
      %dma_start3A_132 = arith.constant 0 : i32
      %dma_start3A_133 = arith.constant 0 : i32
      %dma_start3A_134 = tpu.memref_slice %arg10[%dma_start3A_132, %dma_start3A_133] : memref<80x128xf32, #tpu.memory_space<vmem>> -> memref<64x128xf32, #tpu.memory_space<vmem>>
      %dma_start3A_135 = arith.constant 0 : i32
      %dma_start3A_136 = tpu.memref_slice %arg7[%sub3A_22, %dma_start3A_135] : memref<10000x128xf32, #tpu.memory_space<vmem_shared>> -> memref<64x128xf32, #tpu.memory_space<vmem_shared>>
      %dma_start3A_137 = arith.constant 0 : i32
      %dma_start3A_138 = tpu.memref_slice %arg7[%sub3A_22, %dma_start3A_137] : memref<10000x128xf32, #tpu.memory_space<vmem_shared>> -> memref<64x128xf32, #tpu.memory_space<vmem_shared>>
      %dma_start3A_139 = arith.constant 0 : i32
      %dma_start3A_140 = arith.constant 0 : i32
      %dma_start3A_141 = tpu.memref_slice %arg10[%dma_start3A_139, %dma_start3A_140] : memref<80x128xf32, #tpu.memory_space<vmem>> -> memref<64x128xf32, #tpu.memory_space<vmem>>
      tpu.enqueue_dma source(%dma_start3A_141 : memref<64x128xf32, #tpu.memory_space<vmem>>) target(%dma_start3A_138 : memref<64x128xf32, #tpu.memory_space<vmem_shared>>) target_semaphore(%run_scoped3A : memref<!tpu.dma_semaphore, #tpu.memory_space<semaphore_mem>>)
      %dma_wait3A_142 = arith.constant 0 : i32
      %dma_wait3A_143 = arith.constant 0 : i32
      %dma_wait3A_144 = tpu.memref_slice %arg10[%dma_wait3A_142, %dma_wait3A_143] : memref<80x128xf32, #tpu.memory_space<vmem>> -> memref<64x128xf32, #tpu.memory_space<vmem>>
      %dma_wait3A_145 = arith.constant 0 : i32
      %dma_wait3A_146 = tpu.memref_slice %arg7[%sub3A_22, %dma_wait3A_145] : memref<10000x128xf32, #tpu.memory_space<vmem_shared>> -> memref<64x128xf32, #tpu.memory_space<vmem_shared>>
      %dma_wait3A_147 = arith.constant 0 : i32
      %dma_wait3A_148 = tpu.memref_slice %arg7[%sub3A_22, %dma_wait3A_147] : memref<10000x128xf32, #tpu.memory_space<vmem_shared>> -> memref<64x128xf32, #tpu.memory_space<vmem_shared>>
      %dma_wait3A_149 = arith.constant 0 : i32
      %dma_wait3A_150 = arith.constant 0 : i32
      %dma_wait3A_151 = tpu.memref_slice %arg10[%dma_wait3A_149, %dma_wait3A_150] : memref<80x128xf32, #tpu.memory_space<vmem>> -> memref<64x128xf32, #tpu.memory_space<vmem>>
      tpu.wait_dma2 semaphore(%run_scoped3A : memref<!tpu.dma_semaphore, #tpu.memory_space<semaphore_mem>>) src(%dma_wait3A_151 : memref<64x128xf32, #tpu.memory_space<vmem>>) dst(%dma_wait3A_148 : memref<64x128xf32, #tpu.memory_space<vmem_shared>>)
      tpu.yield
    }) : () -> ()
    %eq3A = arith.constant 15 : i32
    %eq3A_23 = arith.cmpi eq, %arg1, %eq3A : i32
    %convert_element_type3A = arith.extui %eq3A_23 : i1 to i32
    %cond3A = arith.constant 0 : i32
    %cond3A_24 = arith.cmpi ne, %convert_element_type3A, %cond3A : i32
    scf.if %cond3A_24 {
      "tpu.region"() ({
        %run_scoped3A = tpu.sem_alloc : memref<!tpu.dma_semaphore, #tpu.memory_space<semaphore_mem>>
        %dma_start3A_132 = arith.constant 0 : i32
        %dma_start3A_133 = arith.constant 0 : i32
        %dma_start3A_134 = tpu.memref_slice %arg10[%dma_start3A_132, %dma_start3A_133] : memref<80x128xf32, #tpu.memory_space<vmem>> -> memref<16x128xf32, #tpu.memory_space<vmem>>
        %dma_start3A_135 = arith.constant 9984 : i32
        %dma_start3A_136 = arith.constant 0 : i32
        %dma_start3A_137 = tpu.memref_slice %arg7[%dma_start3A_135, %dma_start3A_136] : memref<10000x128xf32, #tpu.memory_space<vmem_shared>> -> memref<16x128xf32, #tpu.memory_space<vmem_shared>>
        %dma_start3A_138 = arith.constant 9984 : i32
        %dma_start3A_139 = arith.constant 0 : i32
        %dma_start3A_140 = tpu.memref_slice %arg7[%dma_start3A_138, %dma_start3A_139] : memref<10000x128xf32, #tpu.memory_space<vmem_shared>> -> memref<16x128xf32, #tpu.memory_space<vmem_shared>>
        %dma_start3A_141 = arith.constant 0 : i32
        %dma_start3A_142 = arith.constant 0 : i32
        %dma_start3A_143 = tpu.memref_slice %arg10[%dma_start3A_141, %dma_start3A_142] : memref<80x128xf32, #tpu.memory_space<vmem>> -> memref<16x128xf32, #tpu.memory_space<vmem>>
        tpu.enqueue_dma source(%dma_start3A_143 : memref<16x128xf32, #tpu.memory_space<vmem>>) target(%dma_start3A_140 : memref<16x128xf32, #tpu.memory_space<vmem_shared>>) target_semaphore(%run_scoped3A : memref<!tpu.dma_semaphore, #tpu.memory_space<semaphore_mem>>)
        %dma_wait3A_144 = arith.constant 0 : i32
        %dma_wait3A_145 = arith.constant 0 : i32
        %dma_wait3A_146 = tpu.memref_slice %arg10[%dma_wait3A_144, %dma_wait3A_145] : memref<80x128xf32, #tpu.memory_space<vmem>> -> memref<16x128xf32, #tpu.memory_space<vmem>>
        %dma_wait3A_147 = arith.constant 9984 : i32
        %dma_wait3A_148 = arith.constant 0 : i32
        %dma_wait3A_149 = tpu.memref_slice %arg7[%dma_wait3A_147, %dma_wait3A_148] : memref<10000x128xf32, #tpu.memory_space<vmem_shared>> -> memref<16x128xf32, #tpu.memory_space<vmem_shared>>
        %dma_wait3A_150 = arith.constant 9984 : i32
        %dma_wait3A_151 = arith.constant 0 : i32
        %dma_wait3A_152 = tpu.memref_slice %arg7[%dma_wait3A_150, %dma_wait3A_151] : memref<10000x128xf32, #tpu.memory_space<vmem_shared>> -> memref<16x128xf32, #tpu.memory_space<vmem_shared>>
        %dma_wait3A_153 = arith.constant 0 : i32
        %dma_wait3A_154 = arith.constant 0 : i32
        %dma_wait3A_155 = tpu.memref_slice %arg10[%dma_wait3A_153, %dma_wait3A_154] : memref<80x128xf32, #tpu.memory_space<vmem>> -> memref<16x128xf32, #tpu.memory_space<vmem>>
        tpu.wait_dma2 semaphore(%run_scoped3A : memref<!tpu.dma_semaphore, #tpu.memory_space<semaphore_mem>>) src(%dma_wait3A_155 : memref<16x128xf32, #tpu.memory_space<vmem>>) dst(%dma_wait3A_152 : memref<16x128xf32, #tpu.memory_space<vmem_shared>>)
        tpu.yield
      }) : () -> ()
    } else {
    }
    %barrier3A = arith.constant 0 : index
    tpu.barrier barrier_id(%barrier3A)
    %add3A_25 = arith.constant 0 : i32
    %add3A_26 = arith.addi %multiple_of3A_10, %add3A_25 : i32
    %multiple_of3A_27 = tpu.assume_multiple %add3A_26, 8 : i32
    %dma_start3A = arith.constant 0 : i32
    %dma_start3A_28 = arith.constant 0 : i32
    %dma_start3A_29 = tpu.memref_slice %arg11[%dma_start3A, %dma_start3A_28] : memref<4x80xi32, #tpu.memory_space<vmem>> -> memref<1x80xi32, #tpu.memory_space<vmem>>
    %dma_start3A_30 = tpu.memref_squeeze %dma_start3A_29 : memref<1x80xi32, #tpu.memory_space<vmem>> -> memref<80xi32, #tpu.memory_space<vmem>>
    %dma_start3A_31 = tpu.memref_slice %arg4[%multiple_of3A_27] : memref<640000xi32, #tpu.memory_space<hbm>> -> memref<80xi32, #tpu.memory_space<hbm>>
    %dma_start3A_32 = arith.constant 0 : i32
    %dma_start3A_33 = tpu.memref_slice %arg11[%dma_start3A, %dma_start3A_32] : memref<4x80xi32, #tpu.memory_space<vmem>> -> memref<1x80xi32, #tpu.memory_space<vmem>>
    %dma_start3A_34 = tpu.memref_squeeze %dma_start3A_33 : memref<1x80xi32, #tpu.memory_space<vmem>> -> memref<80xi32, #tpu.memory_space<vmem>>
    %dma_start3A_35 = tpu.memref_slice %arg4[%multiple_of3A_27] : memref<640000xi32, #tpu.memory_space<hbm>> -> memref<80xi32, #tpu.memory_space<hbm>>
    tpu.enqueue_dma source(%dma_start3A_35 : memref<80xi32, #tpu.memory_space<hbm>>) target(%dma_start3A_34 : memref<80xi32, #tpu.memory_space<vmem>>) target_semaphore(%arg15 : memref<!tpu.dma_semaphore, #tpu.memory_space<semaphore_mem>>)
    %dma_start3A_36 = arith.constant 0 : i32
    %dma_start3A_37 = arith.constant 0 : i32
    %dma_start3A_38 = tpu.memref_slice %arg12[%dma_start3A_36, %dma_start3A_37] : memref<4x80xi32, #tpu.memory_space<vmem>> -> memref<1x80xi32, #tpu.memory_space<vmem>>
    %dma_start3A_39 = tpu.memref_squeeze %dma_start3A_38 : memref<1x80xi32, #tpu.memory_space<vmem>> -> memref<80xi32, #tpu.memory_space<vmem>>
    %dma_start3A_40 = tpu.memref_slice %arg5[%multiple_of3A_27] : memref<640000xi32, #tpu.memory_space<hbm>> -> memref<80xi32, #tpu.memory_space<hbm>>
    %dma_start3A_41 = arith.constant 0 : i32
    %dma_start3A_42 = tpu.memref_slice %arg12[%dma_start3A_36, %dma_start3A_41] : memref<4x80xi32, #tpu.memory_space<vmem>> -> memref<1x80xi32, #tpu.memory_space<vmem>>
    %dma_start3A_43 = tpu.memref_squeeze %dma_start3A_42 : memref<1x80xi32, #tpu.memory_space<vmem>> -> memref<80xi32, #tpu.memory_space<vmem>>
    %dma_start3A_44 = tpu.memref_slice %arg5[%multiple_of3A_27] : memref<640000xi32, #tpu.memory_space<hbm>> -> memref<80xi32, #tpu.memory_space<hbm>>
    tpu.enqueue_dma source(%dma_start3A_44 : memref<80xi32, #tpu.memory_space<hbm>>) target(%dma_start3A_43 : memref<80xi32, #tpu.memory_space<vmem>>) target_semaphore(%arg15 : memref<!tpu.dma_semaphore, #tpu.memory_space<semaphore_mem>>)
    %add3A_45 = arith.constant 80 : i32
    %add3A_46 = arith.addi %multiple_of3A_10, %add3A_45 : i32
    %multiple_of3A_47 = tpu.assume_multiple %add3A_46, 8 : i32
    %dma_start3A_48 = arith.constant 1 : i32
    %dma_start3A_49 = arith.constant 0 : i32
    %dma_start3A_50 = tpu.memref_slice %arg11[%dma_start3A_48, %dma_start3A_49] : memref<4x80xi32, #tpu.memory_space<vmem>> -> memref<1x80xi32, #tpu.memory_space<vmem>>
    %dma_start3A_51 = tpu.memref_squeeze %dma_start3A_50 : memref<1x80xi32, #tpu.memory_space<vmem>> -> memref<80xi32, #tpu.memory_space<vmem>>
    %dma_start3A_52 = tpu.memref_slice %arg4[%multiple_of3A_47] : memref<640000xi32, #tpu.memory_space<hbm>> -> memref<80xi32, #tpu.memory_space<hbm>>
    %dma_start3A_53 = arith.constant 0 : i32
    %dma_start3A_54 = tpu.memref_slice %arg11[%dma_start3A_48, %dma_start3A_53] : memref<4x80xi32, #tpu.memory_space<vmem>> -> memref<1x80xi32, #tpu.memory_space<vmem>>
    %dma_start3A_55 = tpu.memref_squeeze %dma_start3A_54 : memref<1x80xi32, #tpu.memory_space<vmem>> -> memref<80xi32, #tpu.memory_space<vmem>>
    %dma_start3A_56 = tpu.memref_slice %arg4[%multiple_of3A_47] : memref<640000xi32, #tpu.memory_space<hbm>> -> memref<80xi32, #tpu.memory_space<hbm>>
    tpu.enqueue_dma source(%dma_start3A_56 : memref<80xi32, #tpu.memory_space<hbm>>) target(%dma_start3A_55 : memref<80xi32, #tpu.memory_space<vmem>>) target_semaphore(%arg16 : memref<!tpu.dma_semaphore, #tpu.memory_space<semaphore_mem>>)
    %dma_start3A_57 = arith.constant 1 : i32
    %dma_start3A_58 = arith.constant 0 : i32
    %dma_start3A_59 = tpu.memref_slice %arg12[%dma_start3A_57, %dma_start3A_58] : memref<4x80xi32, #tpu.memory_space<vmem>> -> memref<1x80xi32, #tpu.memory_space<vmem>>
    %dma_start3A_60 = tpu.memref_squeeze %dma_start3A_59 : memref<1x80xi32, #tpu.memory_space<vmem>> -> memref<80xi32, #tpu.memory_space<vmem>>
    %dma_start3A_61 = tpu.memref_slice %arg5[%multiple_of3A_47] : memref<640000xi32, #tpu.memory_space<hbm>> -> memref<80xi32, #tpu.memory_space<hbm>>
    %dma_start3A_62 = arith.constant 0 : i32
    %dma_start3A_63 = tpu.memref_slice %arg12[%dma_start3A_57, %dma_start3A_62] : memref<4x80xi32, #tpu.memory_space<vmem>> -> memref<1x80xi32, #tpu.memory_space<vmem>>
    %dma_start3A_64 = tpu.memref_squeeze %dma_start3A_63 : memref<1x80xi32, #tpu.memory_space<vmem>> -> memref<80xi32, #tpu.memory_space<vmem>>
    %dma_start3A_65 = tpu.memref_slice %arg5[%multiple_of3A_47] : memref<640000xi32, #tpu.memory_space<hbm>> -> memref<80xi32, #tpu.memory_space<hbm>>
    tpu.enqueue_dma source(%dma_start3A_65 : memref<80xi32, #tpu.memory_space<hbm>>) target(%dma_start3A_64 : memref<80xi32, #tpu.memory_space<vmem>>) target_semaphore(%arg16 : memref<!tpu.dma_semaphore, #tpu.memory_space<semaphore_mem>>)
    %dma_wait3A = arith.constant 0 : i32
    %dma_wait3A_66 = arith.constant 0 : i32
    %dma_wait3A_67 = tpu.memref_slice %arg11[%dma_wait3A, %dma_wait3A_66] : memref<4x80xi32, #tpu.memory_space<vmem>> -> memref<1x80xi32, #tpu.memory_space<vmem>>
    %dma_wait3A_68 = tpu.memref_squeeze %dma_wait3A_67 : memref<1x80xi32, #tpu.memory_space<vmem>> -> memref<80xi32, #tpu.memory_space<vmem>>
    %dma_wait3A_69 = arith.constant 0 : i32
    %dma_wait3A_70 = tpu.memref_slice %arg4[%dma_wait3A_69] : memref<640000xi32, #tpu.memory_space<hbm>> -> memref<80xi32, #tpu.memory_space<hbm>>
    %dma_wait3A_71 = arith.constant 0 : i32
    %dma_wait3A_72 = tpu.memref_slice %arg11[%dma_wait3A, %dma_wait3A_71] : memref<4x80xi32, #tpu.memory_space<vmem>> -> memref<1x80xi32, #tpu.memory_space<vmem>>
    %dma_wait3A_73 = tpu.memref_squeeze %dma_wait3A_72 : memref<1x80xi32, #tpu.memory_space<vmem>> -> memref<80xi32, #tpu.memory_space<vmem>>
    %dma_wait3A_74 = arith.constant 0 : i32
    %dma_wait3A_75 = tpu.memref_slice %arg4[%dma_wait3A_74] : memref<640000xi32, #tpu.memory_space<hbm>> -> memref<80xi32, #tpu.memory_space<hbm>>
    tpu.wait_dma2 semaphore(%arg15 : memref<!tpu.dma_semaphore, #tpu.memory_space<semaphore_mem>>) src(%dma_wait3A_75 : memref<80xi32, #tpu.memory_space<hbm>>) dst(%dma_wait3A_73 : memref<80xi32, #tpu.memory_space<vmem>>)
    %dma_wait3A_76 = arith.constant 0 : i32
    %dma_wait3A_77 = arith.constant 0 : i32
    %dma_wait3A_78 = tpu.memref_slice %arg12[%dma_wait3A_76, %dma_wait3A_77] : memref<4x80xi32, #tpu.memory_space<vmem>> -> memref<1x80xi32, #tpu.memory_space<vmem>>
    %dma_wait3A_79 = tpu.memref_squeeze %dma_wait3A_78 : memref<1x80xi32, #tpu.memory_space<vmem>> -> memref<80xi32, #tpu.memory_space<vmem>>
    %dma_wait3A_80 = arith.constant 0 : i32
    %dma_wait3A_81 = tpu.memref_slice %arg5[%dma_wait3A_80] : memref<640000xi32, #tpu.memory_space<hbm>> -> memref<80xi32, #tpu.memory_space<hbm>>
    %dma_wait3A_82 = arith.constant 0 : i32
    %dma_wait3A_83 = tpu.memref_slice %arg12[%dma_wait3A_76, %dma_wait3A_82] : memref<4x80xi32, #tpu.memory_space<vmem>> -> memref<1x80xi32, #tpu.memory_space<vmem>>
    %dma_wait3A_84 = tpu.memref_squeeze %dma_wait3A_83 : memref<1x80xi32, #tpu.memory_space<vmem>> -> memref<80xi32, #tpu.memory_space<vmem>>
    %dma_wait3A_85 = arith.constant 0 : i32
    %dma_wait3A_86 = tpu.memref_slice %arg5[%dma_wait3A_85] : memref<640000xi32, #tpu.memory_space<hbm>> -> memref<80xi32, #tpu.memory_space<hbm>>
    tpu.wait_dma2 semaphore(%arg15 : memref<!tpu.dma_semaphore, #tpu.memory_space<semaphore_mem>>) src(%dma_wait3A_86 : memref<80xi32, #tpu.memory_space<hbm>>) dst(%dma_wait3A_84 : memref<80xi32, #tpu.memory_space<vmem>>)
    %add3A_87 = arith.constant 0 : i32
    %add3A_88 = arith.addi %multiple_of3A_5, %add3A_87 : i32
    %multiple_of3A_89 = tpu.assume_multiple %add3A_88, 8 : i32
    %dma_start3A_90 = arith.constant 0 : i32
    %dma_start3A_91 = arith.constant 0 : i32
    %dma_start3A_92 = arith.constant 0 : i32
    %dma_start3A_93 = arith.constant 0 : i32
    %dma_start3A_94 = tpu.memref_slice %arg8[%dma_start3A_91, %dma_start3A_92, %dma_start3A_93] : memref<2x80x128xf32, #tpu.memory_space<vmem>> -> memref<1x80x128xf32, #tpu.memory_space<vmem>>
    %dma_start3A_95 = tpu.memref_squeeze %dma_start3A_94 : memref<1x80x128xf32, #tpu.memory_space<vmem>> -> memref<80x128xf32, #tpu.memory_space<vmem>>
    %dma_start3A_96 = arith.constant 0 : i32
    %dma_start3A_97 = tpu.memref_slice %arg11[%dma_start3A_90, %dma_start3A_96] : memref<4x80xi32, #tpu.memory_space<vmem>> -> memref<1x80xi32, #tpu.memory_space<vmem>>
    %dma_start3A_98 = tpu.memref_squeeze %dma_start3A_97 : memref<1x80xi32, #tpu.memory_space<vmem>> -> memref<80xi32, #tpu.memory_space<vmem>>
    %dma_start3A_99 = arith.constant 0 : i32
    %dma_start3A_100 = arith.constant 0 : i32
    %dma_start3A_101 = tpu.memref_slice %arg2[%dma_start3A_99, %dma_start3A_100] : memref<10000x128xf32, #tpu.memory_space<hbm>> -> memref<10000x128xf32, #tpu.memory_space<hbm>>
    tpu.enqueue_indirect_dma source(%dma_start3A_101 : memref<10000x128xf32, #tpu.memory_space<hbm>>) target(%dma_start3A_95 : memref<80x128xf32, #tpu.memory_space<vmem>>) offsets(%dma_start3A_98 : memref<80xi32, #tpu.memory_space<vmem>>) semaphore(%arg13 : memref<!tpu.dma_semaphore, #tpu.memory_space<semaphore_mem>>)
    %dma_start3A_102 = arith.constant 0 : i32
    %dma_start3A_103 = arith.constant 0 : i32
    %dma_start3A_104 = arith.constant 0 : i32
    %dma_start3A_105 = tpu.memref_slice %arg9[%dma_start3A_102, %dma_start3A_103, %dma_start3A_104] : memref<2x40x64xi32, #tpu.memory_space<vmem>> -> memref<1x40x64xi32, #tpu.memory_space<vmem>>
    %dma_start3A_106 = tpu.memref_squeeze %dma_start3A_105 : memref<1x40x64xi32, #tpu.memory_space<vmem>> -> memref<40x64xi32, #tpu.memory_space<vmem>>
    %dma_start3A_107 = arith.constant 0 : i32
    %dma_start3A_108 = tpu.memref_slice %arg3[%multiple_of3A_89, %dma_start3A_107] : memref<320000x64xi32, #tpu.memory_space<hbm>> -> memref<40x64xi32, #tpu.memory_space<hbm>>
    %dma_start3A_109 = arith.constant 0 : i32
    %dma_start3A_110 = arith.constant 0 : i32
    %dma_start3A_111 = tpu.memref_slice %arg9[%dma_start3A_102, %dma_start3A_109, %dma_start3A_110] : memref<2x40x64xi32, #tpu.memory_space<vmem>> -> memref<1x40x64xi32, #tpu.memory_space<vmem>>
    %dma_start3A_112 = tpu.memref_squeeze %dma_start3A_111 : memref<1x40x64xi32, #tpu.memory_space<vmem>> -> memref<40x64xi32, #tpu.memory_space<vmem>>
    %dma_start3A_113 = arith.constant 0 : i32
    %dma_start3A_114 = tpu.memref_slice %arg3[%multiple_of3A_89, %dma_start3A_113] : memref<320000x64xi32, #tpu.memory_space<hbm>> -> memref<40x64xi32, #tpu.memory_space<hbm>>
    tpu.enqueue_dma source(%dma_start3A_114 : memref<40x64xi32, #tpu.memory_space<hbm>>) target(%dma_start3A_112 : memref<40x64xi32, #tpu.memory_space<vmem>>) target_semaphore(%arg13 : memref<!tpu.dma_semaphore, #tpu.memory_space<semaphore_mem>>)
    %scan3A_115 = arith.constant 0 : i32
    %scan3A_116 = arith.constant 125 : i32
    %scan3A_117 = arith.addi %scan3A_115, %scan3A_116 : i32
    %scan3A_118 = arith.constant 1 : i32
    scf.for %scan3A_132 = %scan3A_115 to %scan3A_117 step %scan3A_118  : i32 {
      %mul3A_133 = arith.constant 2 : i32
      %mul3A_134 = arith.muli %scan3A_132, %mul3A_133 : i32
      %add3A_135 = arith.constant 0 : i32
      %add3A_136 = arith.addi %add3A_135, %mul3A_134 : i32
      %add3A_137 = arith.constant 0 : i32
      %add3A_138 = arith.addi %add3A_136, %add3A_137 : i32
      %add3A_139 = arith.constant 2 : i32
      %add3A_140 = arith.addi %add3A_138, %add3A_139 : i32
      %lt3A = arith.constant 250 : i32
      %lt3A_141 = arith.cmpi slt, %add3A_140, %lt3A : i32
      %convert_element_type3A_142 = arith.extui %lt3A_141 : i1 to i32
      %cond3A_143 = arith.constant 0 : i32
      %cond3A_144 = arith.cmpi ne, %convert_element_type3A_142, %cond3A_143 : i32
      scf.if %cond3A_144 {
        %add3A_286 = arith.constant 2 : i32
        %add3A_287 = arith.addi %add3A_138, %add3A_286 : i32
        %mul3A_288 = arith.constant 80 : i32
        %mul3A_289 = arith.muli %add3A_287, %mul3A_288 : i32
        %add3A_290 = arith.addi %multiple_of3A_10, %mul3A_289 : i32
        %multiple_of3A_291 = tpu.assume_multiple %add3A_290, 8 : i32
        %jit3A_292 = arith.constant 4 : i32
        %eq3A_293 = arith.constant 0 : i32
        %eq3A_294 = arith.cmpi eq, %jit3A_292, %eq3A_293 : i32
        %jit3A_295 = arith.constant 1 : i32
        %select_n3A_296 = arith.select %eq3A_294, %jit3A_295, %jit3A_292 : i32
        %rem3A_297 = arith.remsi %add3A_287, %select_n3A_296 : i32
        %ne3A_298 = arith.constant 0 : i32
        %ne3A_299 = arith.cmpi ne, %rem3A_297, %ne3A_298 : i32
        %lt3A_300 = arith.constant 0 : i32
        %lt3A_301 = arith.cmpi slt, %rem3A_297, %lt3A_300 : i32
        %lt3A_302 = arith.constant 0 : i32
        %lt3A_303 = arith.cmpi slt, %select_n3A_296, %lt3A_302 : i32
        %ne3A_304 = arith.xori %lt3A_301, %lt3A_303 : i1
        %and3A_305 = arith.andi %ne3A_304, %ne3A_299 : i1
        %add3A_306 = arith.addi %rem3A_297, %select_n3A_296 : i32
        %select_n3A_307 = arith.select %and3A_305, %add3A_306, %rem3A_297 : i32
        %dma_start3A_308 = arith.constant 0 : i32
        %dma_start3A_309 = tpu.memref_slice %arg11[%select_n3A_307, %dma_start3A_308] : memref<4x80xi32, #tpu.memory_space<vmem>> -> memref<1x80xi32, #tpu.memory_space<vmem>>
        %dma_start3A_310 = tpu.memref_squeeze %dma_start3A_309 : memref<1x80xi32, #tpu.memory_space<vmem>> -> memref<80xi32, #tpu.memory_space<vmem>>
        %dma_start3A_311 = tpu.memref_slice %arg4[%multiple_of3A_291] : memref<640000xi32, #tpu.memory_space<hbm>> -> memref<80xi32, #tpu.memory_space<hbm>>
        %dma_start3A_312 = arith.constant 0 : i32
        %dma_start3A_313 = tpu.memref_slice %arg11[%select_n3A_307, %dma_start3A_312] : memref<4x80xi32, #tpu.memory_space<vmem>> -> memref<1x80xi32, #tpu.memory_space<vmem>>
        %dma_start3A_314 = tpu.memref_squeeze %dma_start3A_313 : memref<1x80xi32, #tpu.memory_space<vmem>> -> memref<80xi32, #tpu.memory_space<vmem>>
        %dma_start3A_315 = tpu.memref_slice %arg4[%multiple_of3A_291] : memref<640000xi32, #tpu.memory_space<hbm>> -> memref<80xi32, #tpu.memory_space<hbm>>
        tpu.enqueue_dma source(%dma_start3A_315 : memref<80xi32, #tpu.memory_space<hbm>>) target(%dma_start3A_314 : memref<80xi32, #tpu.memory_space<vmem>>) target_semaphore(%arg15 : memref<!tpu.dma_semaphore, #tpu.memory_space<semaphore_mem>>)
        %jit3A_316 = arith.constant 4 : i32
        %eq3A_317 = arith.constant 0 : i32
        %eq3A_318 = arith.cmpi eq, %jit3A_316, %eq3A_317 : i32
        %jit3A_319 = arith.constant 1 : i32
        %select_n3A_320 = arith.select %eq3A_318, %jit3A_319, %jit3A_316 : i32
        %rem3A_321 = arith.remsi %add3A_287, %select_n3A_320 : i32
        %ne3A_322 = arith.constant 0 : i32
        %ne3A_323 = arith.cmpi ne, %rem3A_321, %ne3A_322 : i32
        %lt3A_324 = arith.constant 0 : i32
        %lt3A_325 = arith.cmpi slt, %rem3A_321, %lt3A_324 : i32
        %lt3A_326 = arith.constant 0 : i32
        %lt3A_327 = arith.cmpi slt, %select_n3A_320, %lt3A_326 : i32
        %ne3A_328 = arith.xori %lt3A_325, %lt3A_327 : i1
        %and3A_329 = arith.andi %ne3A_328, %ne3A_323 : i1
        %add3A_330 = arith.addi %rem3A_321, %select_n3A_320 : i32
        %select_n3A_331 = arith.select %and3A_329, %add3A_330, %rem3A_321 : i32
        %dma_start3A_332 = arith.constant 0 : i32
        %dma_start3A_333 = tpu.memref_slice %arg12[%select_n3A_331, %dma_start3A_332] : memref<4x80xi32, #tpu.memory_space<vmem>> -> memref<1x80xi32, #tpu.memory_space<vmem>>
        %dma_start3A_334 = tpu.memref_squeeze %dma_start3A_333 : memref<1x80xi32, #tpu.memory_space<vmem>> -> memref<80xi32, #tpu.memory_space<vmem>>
        %dma_start3A_335 = tpu.memref_slice %arg5[%multiple_of3A_291] : memref<640000xi32, #tpu.memory_space<hbm>> -> memref<80xi32, #tpu.memory_space<hbm>>
        %dma_start3A_336 = arith.constant 0 : i32
        %dma_start3A_337 = tpu.memref_slice %arg12[%select_n3A_331, %dma_start3A_336] : memref<4x80xi32, #tpu.memory_space<vmem>> -> memref<1x80xi32, #tpu.memory_space<vmem>>
        %dma_start3A_338 = tpu.memref_squeeze %dma_start3A_337 : memref<1x80xi32, #tpu.memory_space<vmem>> -> memref<80xi32, #tpu.memory_space<vmem>>
        %dma_start3A_339 = tpu.memref_slice %arg5[%multiple_of3A_291] : memref<640000xi32, #tpu.memory_space<hbm>> -> memref<80xi32, #tpu.memory_space<hbm>>
        tpu.enqueue_dma source(%dma_start3A_339 : memref<80xi32, #tpu.memory_space<hbm>>) target(%dma_start3A_338 : memref<80xi32, #tpu.memory_space<vmem>>) target_semaphore(%arg15 : memref<!tpu.dma_semaphore, #tpu.memory_space<semaphore_mem>>)
      } else {
      }
      %add3A_145 = arith.constant 1 : i32
      %add3A_146 = arith.addi %add3A_138, %add3A_145 : i32
      %lt3A_147 = arith.constant 250 : i32
      %lt3A_148 = arith.cmpi slt, %add3A_146, %lt3A_147 : i32
      %convert_element_type3A_149 = arith.extui %lt3A_148 : i1 to i32
      %cond3A_150 = arith.constant 0 : i32
      %cond3A_151 = arith.cmpi ne, %convert_element_type3A_149, %cond3A_150 : i32
      scf.if %cond3A_151 {
        %dma_wait3A_286 = arith.constant 0 : i32
        %dma_wait3A_287 = arith.constant 0 : i32
        %dma_wait3A_288 = tpu.memref_slice %arg11[%dma_wait3A_286, %dma_wait3A_287] : memref<4x80xi32, #tpu.memory_space<vmem>> -> memref<1x80xi32, #tpu.memory_space<vmem>>
        %dma_wait3A_289 = tpu.memref_squeeze %dma_wait3A_288 : memref<1x80xi32, #tpu.memory_space<vmem>> -> memref<80xi32, #tpu.memory_space<vmem>>
        %dma_wait3A_290 = arith.constant 0 : i32
        %dma_wait3A_291 = tpu.memref_slice %arg4[%dma_wait3A_290] : memref<640000xi32, #tpu.memory_space<hbm>> -> memref<80xi32, #tpu.memory_space<hbm>>
        %dma_wait3A_292 = arith.constant 0 : i32
        %dma_wait3A_293 = tpu.memref_slice %arg11[%dma_wait3A_286, %dma_wait3A_292] : memref<4x80xi32, #tpu.memory_space<vmem>> -> memref<1x80xi32, #tpu.memory_space<vmem>>
        %dma_wait3A_294 = tpu.memref_squeeze %dma_wait3A_293 : memref<1x80xi32, #tpu.memory_space<vmem>> -> memref<80xi32, #tpu.memory_space<vmem>>
        %dma_wait3A_295 = arith.constant 0 : i32
        %dma_wait3A_296 = tpu.memref_slice %arg4[%dma_wait3A_295] : memref<640000xi32, #tpu.memory_space<hbm>> -> memref<80xi32, #tpu.memory_space<hbm>>
        tpu.wait_dma2 semaphore(%arg16 : memref<!tpu.dma_semaphore, #tpu.memory_space<semaphore_mem>>) src(%dma_wait3A_296 : memref<80xi32, #tpu.memory_space<hbm>>) dst(%dma_wait3A_294 : memref<80xi32, #tpu.memory_space<vmem>>)
        %dma_wait3A_297 = arith.constant 0 : i32
        %dma_wait3A_298 = arith.constant 0 : i32
        %dma_wait3A_299 = tpu.memref_slice %arg12[%dma_wait3A_297, %dma_wait3A_298] : memref<4x80xi32, #tpu.memory_space<vmem>> -> memref<1x80xi32, #tpu.memory_space<vmem>>
        %dma_wait3A_300 = tpu.memref_squeeze %dma_wait3A_299 : memref<1x80xi32, #tpu.memory_space<vmem>> -> memref<80xi32, #tpu.memory_space<vmem>>
        %dma_wait3A_301 = arith.constant 0 : i32
        %dma_wait3A_302 = tpu.memref_slice %arg5[%dma_wait3A_301] : memref<640000xi32, #tpu.memory_space<hbm>> -> memref<80xi32, #tpu.memory_space<hbm>>
        %dma_wait3A_303 = arith.constant 0 : i32
        %dma_wait3A_304 = tpu.memref_slice %arg12[%dma_wait3A_297, %dma_wait3A_303] : memref<4x80xi32, #tpu.memory_space<vmem>> -> memref<1x80xi32, #tpu.memory_space<vmem>>
        %dma_wait3A_305 = tpu.memref_squeeze %dma_wait3A_304 : memref<1x80xi32, #tpu.memory_space<vmem>> -> memref<80xi32, #tpu.memory_space<vmem>>
        %dma_wait3A_306 = arith.constant 0 : i32
        %dma_wait3A_307 = tpu.memref_slice %arg5[%dma_wait3A_306] : memref<640000xi32, #tpu.memory_space<hbm>> -> memref<80xi32, #tpu.memory_space<hbm>>
        tpu.wait_dma2 semaphore(%arg16 : memref<!tpu.dma_semaphore, #tpu.memory_space<semaphore_mem>>) src(%dma_wait3A_307 : memref<80xi32, #tpu.memory_space<hbm>>) dst(%dma_wait3A_305 : memref<80xi32, #tpu.memory_space<vmem>>)
        %add3A_308 = arith.constant 1 : i32
        %add3A_309 = arith.addi %add3A_138, %add3A_308 : i32
        %mul3A_310 = arith.constant 40 : i32
        %mul3A_311 = arith.muli %add3A_309, %mul3A_310 : i32
        %add3A_312 = arith.addi %multiple_of3A_5, %mul3A_311 : i32
        %multiple_of3A_313 = tpu.assume_multiple %add3A_312, 8 : i32
        %jit3A_314 = arith.constant 4 : i32
        %eq3A_315 = arith.constant 0 : i32
        %eq3A_316 = arith.cmpi eq, %jit3A_314, %eq3A_315 : i32
        %jit3A_317 = arith.constant 1 : i32
        %select_n3A_318 = arith.select %eq3A_316, %jit3A_317, %jit3A_314 : i32
        %rem3A_319 = arith.remsi %add3A_309, %select_n3A_318 : i32
        %ne3A_320 = arith.constant 0 : i32
        %ne3A_321 = arith.cmpi ne, %rem3A_319, %ne3A_320 : i32
        %lt3A_322 = arith.constant 0 : i32
        %lt3A_323 = arith.cmpi slt, %rem3A_319, %lt3A_322 : i32
        %lt3A_324 = arith.constant 0 : i32
        %lt3A_325 = arith.cmpi slt, %select_n3A_318, %lt3A_324 : i32
        %ne3A_326 = arith.xori %lt3A_323, %lt3A_325 : i1
        %and3A_327 = arith.andi %ne3A_326, %ne3A_321 : i1
        %add3A_328 = arith.addi %rem3A_319, %select_n3A_318 : i32
        %select_n3A_329 = arith.select %and3A_327, %add3A_328, %rem3A_319 : i32
        %dma_start3A_330 = arith.constant 1 : i32
        %dma_start3A_331 = arith.constant 0 : i32
        %dma_start3A_332 = arith.constant 0 : i32
        %dma_start3A_333 = tpu.memref_slice %arg8[%dma_start3A_330, %dma_start3A_331, %dma_start3A_332] : memref<2x80x128xf32, #tpu.memory_space<vmem>> -> memref<1x80x128xf32, #tpu.memory_space<vmem>>
        %dma_start3A_334 = tpu.memref_squeeze %dma_start3A_333 : memref<1x80x128xf32, #tpu.memory_space<vmem>> -> memref<80x128xf32, #tpu.memory_space<vmem>>
        %dma_start3A_335 = arith.constant 0 : i32
        %dma_start3A_336 = tpu.memref_slice %arg11[%select_n3A_329, %dma_start3A_335] : memref<4x80xi32, #tpu.memory_space<vmem>> -> memref<1x80xi32, #tpu.memory_space<vmem>>
        %dma_start3A_337 = tpu.memref_squeeze %dma_start3A_336 : memref<1x80xi32, #tpu.memory_space<vmem>> -> memref<80xi32, #tpu.memory_space<vmem>>
        %dma_start3A_338 = arith.constant 0 : i32
        %dma_start3A_339 = arith.constant 0 : i32
        %dma_start3A_340 = tpu.memref_slice %arg2[%dma_start3A_338, %dma_start3A_339] : memref<10000x128xf32, #tpu.memory_space<hbm>> -> memref<10000x128xf32, #tpu.memory_space<hbm>>
        tpu.enqueue_indirect_dma source(%dma_start3A_340 : memref<10000x128xf32, #tpu.memory_space<hbm>>) target(%dma_start3A_334 : memref<80x128xf32, #tpu.memory_space<vmem>>) offsets(%dma_start3A_337 : memref<80xi32, #tpu.memory_space<vmem>>) semaphore(%arg14 : memref<!tpu.dma_semaphore, #tpu.memory_space<semaphore_mem>>)
        %dma_start3A_341 = arith.constant 1 : i32
        %dma_start3A_342 = arith.constant 0 : i32
        %dma_start3A_343 = arith.constant 0 : i32
        %dma_start3A_344 = tpu.memref_slice %arg9[%dma_start3A_341, %dma_start3A_342, %dma_start3A_343] : memref<2x40x64xi32, #tpu.memory_space<vmem>> -> memref<1x40x64xi32, #tpu.memory_space<vmem>>
        %dma_start3A_345 = tpu.memref_squeeze %dma_start3A_344 : memref<1x40x64xi32, #tpu.memory_space<vmem>> -> memref<40x64xi32, #tpu.memory_space<vmem>>
        %dma_start3A_346 = arith.constant 0 : i32
        %dma_start3A_347 = tpu.memref_slice %arg3[%multiple_of3A_313, %dma_start3A_346] : memref<320000x64xi32, #tpu.memory_space<hbm>> -> memref<40x64xi32, #tpu.memory_space<hbm>>
        %dma_start3A_348 = arith.constant 0 : i32
        %dma_start3A_349 = arith.constant 0 : i32
        %dma_start3A_350 = tpu.memref_slice %arg9[%dma_start3A_341, %dma_start3A_348, %dma_start3A_349] : memref<2x40x64xi32, #tpu.memory_space<vmem>> -> memref<1x40x64xi32, #tpu.memory_space<vmem>>
        %dma_start3A_351 = tpu.memref_squeeze %dma_start3A_350 : memref<1x40x64xi32, #tpu.memory_space<vmem>> -> memref<40x64xi32, #tpu.memory_space<vmem>>
        %dma_start3A_352 = arith.constant 0 : i32
        %dma_start3A_353 = tpu.memref_slice %arg3[%multiple_of3A_313, %dma_start3A_352] : memref<320000x64xi32, #tpu.memory_space<hbm>> -> memref<40x64xi32, #tpu.memory_space<hbm>>
        tpu.enqueue_dma source(%dma_start3A_353 : memref<40x64xi32, #tpu.memory_space<hbm>>) target(%dma_start3A_351 : memref<40x64xi32, #tpu.memory_space<vmem>>) target_semaphore(%arg14 : memref<!tpu.dma_semaphore, #tpu.memory_space<semaphore_mem>>)
      } else {
      }
      %dma_wait3A_152 = arith.constant 0 : i32
      %dma_wait3A_153 = arith.constant 0 : i32
      %dma_wait3A_154 = arith.constant 0 : i32
      %dma_wait3A_155 = tpu.memref_slice %arg8[%dma_wait3A_152, %dma_wait3A_153, %dma_wait3A_154] : memref<2x80x128xf32, #tpu.memory_space<vmem>> -> memref<1x80x128xf32, #tpu.memory_space<vmem>>
      %dma_wait3A_156 = tpu.memref_squeeze %dma_wait3A_155 : memref<1x80x128xf32, #tpu.memory_space<vmem>> -> memref<80x128xf32, #tpu.memory_space<vmem>>
      %dma_wait3A_157 = arith.constant 0 : i32
      %dma_wait3A_158 = arith.constant 0 : i32
      %dma_wait3A_159 = tpu.memref_slice %arg2[%dma_wait3A_157, %dma_wait3A_158] : memref<10000x128xf32, #tpu.memory_space<hbm>> -> memref<80x128xf32, #tpu.memory_space<hbm>>
      %dma_wait3A_160 = arith.constant 0 : i32
      %dma_wait3A_161 = arith.constant 0 : i32
      %dma_wait3A_162 = tpu.memref_slice %arg8[%dma_wait3A_152, %dma_wait3A_160, %dma_wait3A_161] : memref<2x80x128xf32, #tpu.memory_space<vmem>> -> memref<1x80x128xf32, #tpu.memory_space<vmem>>
      %dma_wait3A_163 = tpu.memref_squeeze %dma_wait3A_162 : memref<1x80x128xf32, #tpu.memory_space<vmem>> -> memref<80x128xf32, #tpu.memory_space<vmem>>
      %dma_wait3A_164 = arith.constant 0 : i32
      %dma_wait3A_165 = arith.constant 0 : i32
      %dma_wait3A_166 = tpu.memref_slice %arg2[%dma_wait3A_164, %dma_wait3A_165] : memref<10000x128xf32, #tpu.memory_space<hbm>> -> memref<80x128xf32, #tpu.memory_space<hbm>>
      tpu.wait_dma2 semaphore(%arg13 : memref<!tpu.dma_semaphore, #tpu.memory_space<semaphore_mem>>) src(%dma_wait3A_166 : memref<80x128xf32, #tpu.memory_space<hbm>>) dst(%dma_wait3A_163 : memref<80x128xf32, #tpu.memory_space<vmem>>)
      %dma_wait3A_167 = arith.constant 0 : i32
      %dma_wait3A_168 = arith.constant 0 : i32
      %dma_wait3A_169 = arith.constant 0 : i32
      %dma_wait3A_170 = tpu.memref_slice %arg9[%dma_wait3A_167, %dma_wait3A_168, %dma_wait3A_169] : memref<2x40x64xi32, #tpu.memory_space<vmem>> -> memref<1x40x64xi32, #tpu.memory_space<vmem>>
      %dma_wait3A_171 = tpu.memref_squeeze %dma_wait3A_170 : memref<1x40x64xi32, #tpu.memory_space<vmem>> -> memref<40x64xi32, #tpu.memory_space<vmem>>
      %dma_wait3A_172 = arith.constant 0 : i32
      %dma_wait3A_173 = arith.constant 0 : i32
      %dma_wait3A_174 = tpu.memref_slice %arg3[%dma_wait3A_172, %dma_wait3A_173] : memref<320000x64xi32, #tpu.memory_space<hbm>> -> memref<40x64xi32, #tpu.memory_space<hbm>>
      %dma_wait3A_175 = arith.constant 0 : i32
      %dma_wait3A_176 = arith.constant 0 : i32
      %dma_wait3A_177 = tpu.memref_slice %arg9[%dma_wait3A_167, %dma_wait3A_175, %dma_wait3A_176] : memref<2x40x64xi32, #tpu.memory_space<vmem>> -> memref<1x40x64xi32, #tpu.memory_space<vmem>>
      %dma_wait3A_178 = tpu.memref_squeeze %dma_wait3A_177 : memref<1x40x64xi32, #tpu.memory_space<vmem>> -> memref<40x64xi32, #tpu.memory_space<vmem>>
      %dma_wait3A_179 = arith.constant 0 : i32
      %dma_wait3A_180 = arith.constant 0 : i32
      %dma_wait3A_181 = tpu.memref_slice %arg3[%dma_wait3A_179, %dma_wait3A_180] : memref<320000x64xi32, #tpu.memory_space<hbm>> -> memref<40x64xi32, #tpu.memory_space<hbm>>
      tpu.wait_dma2 semaphore(%arg13 : memref<!tpu.dma_semaphore, #tpu.memory_space<semaphore_mem>>) src(%dma_wait3A_181 : memref<40x64xi32, #tpu.memory_space<hbm>>) dst(%dma_wait3A_178 : memref<40x64xi32, #tpu.memory_space<vmem>>)
      %ge3A = arith.constant 1 : i32
      %ge3A_182 = arith.cmpi sge, %add3A_138, %ge3A : i32
      %convert_element_type3A_183 = arith.extui %ge3A_182 : i1 to i32
      %cond3A_184 = arith.constant 0 : i32
      %cond3A_185 = arith.cmpi ne, %convert_element_type3A_183, %cond3A_184 : i32
      scf.if %cond3A_185 {
        %dma_wait3A_286 = arith.constant 0 : i32
        %dma_wait3A_287 = arith.constant 0 : i32
        %dma_wait3A_288 = tpu.memref_slice %arg7[%dma_wait3A_286, %dma_wait3A_287] : memref<10000x128xf32, #tpu.memory_space<vmem_shared>> -> memref<80x128xf32, #tpu.memory_space<vmem_shared>>
        %dma_wait3A_289 = arith.constant 0 : i32
        %dma_wait3A_290 = arith.constant 0 : i32
        %dma_wait3A_291 = tpu.memref_slice %arg7[%dma_wait3A_289, %dma_wait3A_290] : memref<10000x128xf32, #tpu.memory_space<vmem_shared>> -> memref<80x128xf32, #tpu.memory_space<vmem_shared>>
        tpu.wait_dma2 semaphore(%arg18 : memref<!tpu.dma_semaphore, #tpu.memory_space<semaphore_mem>>) src(%arg10 : memref<80x128xf32, #tpu.memory_space<vmem>>) dst(%dma_wait3A_291 : memref<80x128xf32, #tpu.memory_space<vmem_shared>>)
      } else {
      }
      %scan3A_186 = arith.constant 0 : i32
      %scan3A_187 = arith.constant 40 : i32
      %scan3A_188 = arith.addi %scan3A_186, %scan3A_187 : i32
      %scan3A_189 = arith.constant 1 : i32
      scf.for %scan3A_286 = %scan3A_186 to %scan3A_188 step %scan3A_189  : i32 {
        %mul3A_287 = arith.constant 1 : i32
        %mul3A_288 = arith.muli %scan3A_286, %mul3A_287 : i32
        %add3A_289 = arith.constant 0 : i32
        %add3A_290 = arith.addi %add3A_289, %mul3A_288 : i32
        %get3A = arith.constant 0 : i32
        %get3A_291 = arith.index_cast %get3A : i32 to index
        %get3A_292 = arith.index_cast %add3A_290 : i32 to index
        %get3A_293 = arith.constant 0 : index
        %get3A_294 = tpu.vector_load %arg9[%get3A_291, %get3A_292, %get3A_293] {strides = array<i32>} : memref<2x40x64xi32, #tpu.memory_space<vmem>>, vector<16xi32>,
        %shift_left3A = arith.constant 16 : i32
        %shift_left3A_295 = vector.broadcast %shift_left3A : i32 to vector<16xi32>
        %shift_left3A_296 = arith.shli %get3A_294, %shift_left3A_295 : vector<16xi32>
        %bitcast_convert_type3A = tpu.bitcast %shift_left3A_296 : vector<16xi32> -> vector<16xf32>
        %and3A_297 = arith.constant -65536 : i32
        %and3A_298 = vector.broadcast %and3A_297 : i32 to vector<16xi32>
        %and3A_299 = arith.andi %get3A_294, %and3A_298 : vector<16xi32>
        %bitcast_convert_type3A_300 = tpu.bitcast %and3A_299 : vector<16xi32> -> vector<16xf32>
        %get3A_301 = arith.constant 0 : i32
        %get3A_302 = arith.index_cast %get3A_301 : i32 to index
        %get3A_303 = arith.index_cast %add3A_290 : i32 to index
        %get3A_304 = arith.constant 0 : index
        %get3A_305 = tpu.vector_load %arg8[%get3A_302, %get3A_303, %get3A_304] {strides = array<i32>} : memref<2x80x128xf32, #tpu.memory_space<vmem>>, vector<16xf32>,
        %mul3A_306 = arith.mulf %get3A_305, %bitcast_convert_type3A : vector<16xf32>
        %swap3A = arith.index_cast %add3A_290 : i32 to index
        %swap3A_307 = arith.constant 0 : index
        %swap3A_308 = tpu.vector_load %arg10[%swap3A, %swap3A_307] {strides = array<i32>} : memref<80x128xf32, #tpu.memory_space<vmem>>, vector<16xf32>,
        tpu.vector_store %arg10[%swap3A, %swap3A_307], %mul3A_306 {strides = array<i32>} : memref<80x128xf32, #tpu.memory_space<vmem>>, vector<16xf32>,
        %get3A_309 = arith.constant 0 : i32
        %get3A_310 = arith.index_cast %get3A_309 : i32 to index
        %get3A_311 = arith.index_cast %add3A_290 : i32 to index
        %get3A_312 = arith.constant 64 : index
        %get3A_313 = tpu.vector_load %arg8[%get3A_310, %get3A_311, %get3A_312] {strides = array<i32>} : memref<2x80x128xf32, #tpu.memory_space<vmem>>, vector<16xf32>,
        %mul3A_314 = arith.mulf %get3A_313, %bitcast_convert_type3A_300 : vector<16xf32>
        %swap3A_315 = arith.index_cast %add3A_290 : i32 to index
        %swap3A_316 = arith.constant 64 : index
        %swap3A_317 = tpu.vector_load %arg10[%swap3A_315, %swap3A_316] {strides = array<i32>} : memref<80x128xf32, #tpu.memory_space<vmem>>, vector<16xf32>,
        tpu.vector_store %arg10[%swap3A_315, %swap3A_316], %mul3A_314 {strides = array<i32>} : memref<80x128xf32, #tpu.memory_space<vmem>>, vector<16xf32>,
        %add3A_318 = arith.constant 40 : i32
        %add3A_319 = arith.addi %add3A_318, %add3A_290 : i32
        %get3A_320 = arith.constant 0 : i32
        %get3A_321 = arith.index_cast %get3A_320 : i32 to index
        %get3A_322 = arith.index_cast %add3A_319 : i32 to index
        %get3A_323 = arith.constant 0 : index
        %get3A_324 = tpu.vector_load %arg8[%get3A_321, %get3A_322, %get3A_323] {strides = array<i32>} : memref<2x80x128xf32, #tpu.memory_space<vmem>>, vector<16xf32>,
        %mul3A_325 = arith.mulf %get3A_324, %bitcast_convert_type3A : vector<16xf32>
        %add3A_326 = arith.constant 40 : i32
        %add3A_327 = arith.addi %add3A_326, %add3A_290 : i32
        %swap3A_328 = arith.index_cast %add3A_327 : i32 to index
        %swap3A_329 = arith.constant 0 : index
        %swap3A_330 = tpu.vector_load %arg10[%swap3A_328, %swap3A_329] {strides = array<i32>} : memref<80x128xf32, #tpu.memory_space<vmem>>, vector<16xf32>,
        tpu.vector_store %arg10[%swap3A_328, %swap3A_329], %mul3A_325 {strides = array<i32>} : memref<80x128xf32, #tpu.memory_space<vmem>>, vector<16xf32>,
        %add3A_331 = arith.constant 40 : i32
        %add3A_332 = arith.addi %add3A_331, %add3A_290 : i32
        %get3A_333 = arith.constant 0 : i32
        %get3A_334 = arith.index_cast %get3A_333 : i32 to index
        %get3A_335 = arith.index_cast %add3A_332 : i32 to index
        %get3A_336 = arith.constant 64 : index
        %get3A_337 = tpu.vector_load %arg8[%get3A_334, %get3A_335, %get3A_336] {strides = array<i32>} : memref<2x80x128xf32, #tpu.memory_space<vmem>>, vector<16xf32>,
        %mul3A_338 = arith.mulf %get3A_337, %bitcast_convert_type3A_300 : vector<16xf32>
        %add3A_339 = arith.constant 40 : i32
        %add3A_340 = arith.addi %add3A_339, %add3A_290 : i32
        %swap3A_341 = arith.index_cast %add3A_340 : i32 to index
        %swap3A_342 = arith.constant 64 : index
        %swap3A_343 = tpu.vector_load %arg10[%swap3A_341, %swap3A_342] {strides = array<i32>} : memref<80x128xf32, #tpu.memory_space<vmem>>, vector<16xf32>,
        tpu.vector_store %arg10[%swap3A_341, %swap3A_342], %mul3A_338 {strides = array<i32>} : memref<80x128xf32, #tpu.memory_space<vmem>>, vector<16xf32>,
        %get3A_344 = arith.constant 0 : i32
        %get3A_345 = arith.index_cast %get3A_344 : i32 to index
        %get3A_346 = arith.index_cast %add3A_290 : i32 to index
        %get3A_347 = arith.constant 16 : index
        %get3A_348 = tpu.vector_load %arg9[%get3A_345, %get3A_346, %get3A_347] {strides = array<i32>} : memref<2x40x64xi32, #tpu.memory_space<vmem>>, vector<16xi32>,
        %shift_left3A_349 = arith.constant 16 : i32
        %shift_left3A_350 = vector.broadcast %shift_left3A_349 : i32 to vector<16xi32>
        %shift_left3A_351 = arith.shli %get3A_348, %shift_left3A_350 : vector<16xi32>
        %bitcast_convert_type3A_352 = tpu.bitcast %shift_left3A_351 : vector<16xi32> -> vector<16xf32>
        %and3A_353 = arith.constant -65536 : i32
        %and3A_354 = vector.broadcast %and3A_353 : i32 to vector<16xi32>
        %and3A_355 = arith.andi %get3A_348, %and3A_354 : vector<16xi32>
        %bitcast_convert_type3A_356 = tpu.bitcast %and3A_355 : vector<16xi32> -> vector<16xf32>
        %get3A_357 = arith.constant 0 : i32
        %get3A_358 = arith.index_cast %get3A_357 : i32 to index
        %get3A_359 = arith.index_cast %add3A_290 : i32 to index
        %get3A_360 = arith.constant 16 : index
        %get3A_361 = tpu.vector_load %arg8[%get3A_358, %get3A_359, %get3A_360] {strides = array<i32>} : memref<2x80x128xf32, #tpu.memory_space<vmem>>, vector<16xf32>,
        %mul3A_362 = arith.mulf %get3A_361, %bitcast_convert_type3A_352 : vector<16xf32>
        %swap3A_363 = arith.index_cast %add3A_290 : i32 to index
        %swap3A_364 = arith.constant 16 : index
        %swap3A_365 = tpu.vector_load %arg10[%swap3A_363, %swap3A_364] {strides = array<i32>} : memref<80x128xf32, #tpu.memory_space<vmem>>, vector<16xf32>,
        tpu.vector_store %arg10[%swap3A_363, %swap3A_364], %mul3A_362 {strides = array<i32>} : memref<80x128xf32, #tpu.memory_space<vmem>>, vector<16xf32>,
        %get3A_366 = arith.constant 0 : i32
        %get3A_367 = arith.index_cast %get3A_366 : i32 to index
        %get3A_368 = arith.index_cast %add3A_290 : i32 to index
        %get3A_369 = arith.constant 80 : index
        %get3A_370 = tpu.vector_load %arg8[%get3A_367, %get3A_368, %get3A_369] {strides = array<i32>} : memref<2x80x128xf32, #tpu.memory_space<vmem>>, vector<16xf32>,
        %mul3A_371 = arith.mulf %get3A_370, %bitcast_convert_type3A_356 : vector<16xf32>
        %swap3A_372 = arith.index_cast %add3A_290 : i32 to index
        %swap3A_373 = arith.constant 80 : index
        %swap3A_374 = tpu.vector_load %arg10[%swap3A_372, %swap3A_373] {strides = array<i32>} : memref<80x128xf32, #tpu.memory_space<vmem>>, vector<16xf32>,
        tpu.vector_store %arg10[%swap3A_372, %swap3A_373], %mul3A_371 {strides = array<i32>} : memref<80x128xf32, #tpu.memory_space<vmem>>, vector<16xf32>,
        %add3A_375 = arith.constant 40 : i32
        %add3A_376 = arith.addi %add3A_375, %add3A_290 : i32
        %get3A_377 = arith.constant 0 : i32
        %get3A_378 = arith.index_cast %get3A_377 : i32 to index
        %get3A_379 = arith.index_cast %add3A_376 : i32 to index
        %get3A_380 = arith.constant 16 : index
        %get3A_381 = tpu.vector_load %arg8[%get3A_378, %get3A_379, %get3A_380] {strides = array<i32>} : memref<2x80x128xf32, #tpu.memory_space<vmem>>, vector<16xf32>,
        %mul3A_382 = arith.mulf %get3A_381, %bitcast_convert_type3A_352 : vector<16xf32>
        %add3A_383 = arith.constant 40 : i32
        %add3A_384 = arith.addi %add3A_383, %add3A_290 : i32
        %swap3A_385 = arith.index_cast %add3A_384 : i32 to index
        %swap3A_386 = arith.constant 16 : index
        %swap3A_387 = tpu.vector_load %arg10[%swap3A_385, %swap3A_386] {strides = array<i32>} : memref<80x128xf32, #tpu.memory_space<vmem>>, vector<16xf32>,
        tpu.vector_store %arg10[%swap3A_385, %swap3A_386], %mul3A_382 {strides = array<i32>} : memref<80x128xf32, #tpu.memory_space<vmem>>, vector<16xf32>,
        %add3A_388 = arith.constant 40 : i32
        %add3A_389 = arith.addi %add3A_388, %add3A_290 : i32
        %get3A_390 = arith.constant 0 : i32
        %get3A_391 = arith.index_cast %get3A_390 : i32 to index
        %get3A_392 = arith.index_cast %add3A_389 : i32 to index
        %get3A_393 = arith.constant 80 : index
        %get3A_394 = tpu.vector_load %arg8[%get3A_391, %get3A_392, %get3A_393] {strides = array<i32>} : memref<2x80x128xf32, #tpu.memory_space<vmem>>, vector<16xf32>,
        %mul3A_395 = arith.mulf %get3A_394, %bitcast_convert_type3A_356 : vector<16xf32>
        %add3A_396 = arith.constant 40 : i32
        %add3A_397 = arith.addi %add3A_396, %add3A_290 : i32
        %swap3A_398 = arith.index_cast %add3A_397 : i32 to index
        %swap3A_399 = arith.constant 80 : index
        %swap3A_400 = tpu.vector_load %arg10[%swap3A_398, %swap3A_399] {strides = array<i32>} : memref<80x128xf32, #tpu.memory_space<vmem>>, vector<16xf32>,
        tpu.vector_store %arg10[%swap3A_398, %swap3A_399], %mul3A_395 {strides = array<i32>} : memref<80x128xf32, #tpu.memory_space<vmem>>, vector<16xf32>,
        %get3A_401 = arith.constant 0 : i32
        %get3A_402 = arith.index_cast %get3A_401 : i32 to index
        %get3A_403 = arith.index_cast %add3A_290 : i32 to index
        %get3A_404 = arith.constant 32 : index
        %get3A_405 = tpu.vector_load %arg9[%get3A_402, %get3A_403, %get3A_404] {strides = array<i32>} : memref<2x40x64xi32, #tpu.memory_space<vmem>>, vector<16xi32>,
        %shift_left3A_406 = arith.constant 16 : i32
        %shift_left3A_407 = vector.broadcast %shift_left3A_406 : i32 to vector<16xi32>
        %shift_left3A_408 = arith.shli %get3A_405, %shift_left3A_407 : vector<16xi32>
        %bitcast_convert_type3A_409 = tpu.bitcast %shift_left3A_408 : vector<16xi32> -> vector<16xf32>
        %and3A_410 = arith.constant -65536 : i32
        %and3A_411 = vector.broadcast %and3A_410 : i32 to vector<16xi32>
        %and3A_412 = arith.andi %get3A_405, %and3A_411 : vector<16xi32>
        %bitcast_convert_type3A_413 = tpu.bitcast %and3A_412 : vector<16xi32> -> vector<16xf32>
        %get3A_414 = arith.constant 0 : i32
        %get3A_415 = arith.index_cast %get3A_414 : i32 to index
        %get3A_416 = arith.index_cast %add3A_290 : i32 to index
        %get3A_417 = arith.constant 32 : index
        %get3A_418 = tpu.vector_load %arg8[%get3A_415, %get3A_416, %get3A_417] {strides = array<i32>} : memref<2x80x128xf32, #tpu.memory_space<vmem>>, vector<16xf32>,
        %mul3A_419 = arith.mulf %get3A_418, %bitcast_convert_type3A_409 : vector<16xf32>
        %swap3A_420 = arith.index_cast %add3A_290 : i32 to index
        %swap3A_421 = arith.constant 32 : index
        %swap3A_422 = tpu.vector_load %arg10[%swap3A_420, %swap3A_421] {strides = array<i32>} : memref<80x128xf32, #tpu.memory_space<vmem>>, vector<16xf32>,
        tpu.vector_store %arg10[%swap3A_420, %swap3A_421], %mul3A_419 {strides = array<i32>} : memref<80x128xf32, #tpu.memory_space<vmem>>, vector<16xf32>,
        %get3A_423 = arith.constant 0 : i32
        %get3A_424 = arith.index_cast %get3A_423 : i32 to index
        %get3A_425 = arith.index_cast %add3A_290 : i32 to index
        %get3A_426 = arith.constant 96 : index
        %get3A_427 = tpu.vector_load %arg8[%get3A_424, %get3A_425, %get3A_426] {strides = array<i32>} : memref<2x80x128xf32, #tpu.memory_space<vmem>>, vector<16xf32>,
        %mul3A_428 = arith.mulf %get3A_427, %bitcast_convert_type3A_413 : vector<16xf32>
        %swap3A_429 = arith.index_cast %add3A_290 : i32 to index
        %swap3A_430 = arith.constant 96 : index
        %swap3A_431 = tpu.vector_load %arg10[%swap3A_429, %swap3A_430] {strides = array<i32>} : memref<80x128xf32, #tpu.memory_space<vmem>>, vector<16xf32>,
        tpu.vector_store %arg10[%swap3A_429, %swap3A_430], %mul3A_428 {strides = array<i32>} : memref<80x128xf32, #tpu.memory_space<vmem>>, vector<16xf32>,
        %add3A_432 = arith.constant 40 : i32
        %add3A_433 = arith.addi %add3A_432, %add3A_290 : i32
        %get3A_434 = arith.constant 0 : i32
        %get3A_435 = arith.index_cast %get3A_434 : i32 to index
        %get3A_436 = arith.index_cast %add3A_433 : i32 to index
        %get3A_437 = arith.constant 32 : index
        %get3A_438 = tpu.vector_load %arg8[%get3A_435, %get3A_436, %get3A_437] {strides = array<i32>} : memref<2x80x128xf32, #tpu.memory_space<vmem>>, vector<16xf32>,
        %mul3A_439 = arith.mulf %get3A_438, %bitcast_convert_type3A_409 : vector<16xf32>
        %add3A_440 = arith.constant 40 : i32
        %add3A_441 = arith.addi %add3A_440, %add3A_290 : i32
        %swap3A_442 = arith.index_cast %add3A_441 : i32 to index
        %swap3A_443 = arith.constant 32 : index
        %swap3A_444 = tpu.vector_load %arg10[%swap3A_442, %swap3A_443] {strides = array<i32>} : memref<80x128xf32, #tpu.memory_space<vmem>>, vector<16xf32>,
        tpu.vector_store %arg10[%swap3A_442, %swap3A_443], %mul3A_439 {strides = array<i32>} : memref<80x128xf32, #tpu.memory_space<vmem>>, vector<16xf32>,
        %add3A_445 = arith.constant 40 : i32
        %add3A_446 = arith.addi %add3A_445, %add3A_290 : i32
        %get3A_447 = arith.constant 0 : i32
        %get3A_448 = arith.index_cast %get3A_447 : i32 to index
        %get3A_449 = arith.index_cast %add3A_446 : i32 to index
        %get3A_450 = arith.constant 96 : index
        %get3A_451 = tpu.vector_load %arg8[%get3A_448, %get3A_449, %get3A_450] {strides = array<i32>} : memref<2x80x128xf32, #tpu.memory_space<vmem>>, vector<16xf32>,
        %mul3A_452 = arith.mulf %get3A_451, %bitcast_convert_type3A_413 : vector<16xf32>
        %add3A_453 = arith.constant 40 : i32
        %add3A_454 = arith.addi %add3A_453, %add3A_290 : i32
        %swap3A_455 = arith.index_cast %add3A_454 : i32 to index
        %swap3A_456 = arith.constant 96 : index
        %swap3A_457 = tpu.vector_load %arg10[%swap3A_455, %swap3A_456] {strides = array<i32>} : memref<80x128xf32, #tpu.memory_space<vmem>>, vector<16xf32>,
        tpu.vector_store %arg10[%swap3A_455, %swap3A_456], %mul3A_452 {strides = array<i32>} : memref<80x128xf32, #tpu.memory_space<vmem>>, vector<16xf32>,
        %get3A_458 = arith.constant 0 : i32
        %get3A_459 = arith.index_cast %get3A_458 : i32 to index
        %get3A_460 = arith.index_cast %add3A_290 : i32 to index
        %get3A_461 = arith.constant 48 : index
        %get3A_462 = tpu.vector_load %arg9[%get3A_459, %get3A_460, %get3A_461] {strides = array<i32>} : memref<2x40x64xi32, #tpu.memory_space<vmem>>, vector<16xi32>,
        %shift_left3A_463 = arith.constant 16 : i32
        %shift_left3A_464 = vector.broadcast %shift_left3A_463 : i32 to vector<16xi32>
        %shift_left3A_465 = arith.shli %get3A_462, %shift_left3A_464 : vector<16xi32>
        %bitcast_convert_type3A_466 = tpu.bitcast %shift_left3A_465 : vector<16xi32> -> vector<16xf32>
        %and3A_467 = arith.constant -65536 : i32
        %and3A_468 = vector.broadcast %and3A_467 : i32 to vector<16xi32>
        %and3A_469 = arith.andi %get3A_462, %and3A_468 : vector<16xi32>
        %bitcast_convert_type3A_470 = tpu.bitcast %and3A_469 : vector<16xi32> -> vector<16xf32>
        %get3A_471 = arith.constant 0 : i32
        %get3A_472 = arith.index_cast %get3A_471 : i32 to index
        %get3A_473 = arith.index_cast %add3A_290 : i32 to index
        %get3A_474 = arith.constant 48 : index
        %get3A_475 = tpu.vector_load %arg8[%get3A_472, %get3A_473, %get3A_474] {strides = array<i32>} : memref<2x80x128xf32, #tpu.memory_space<vmem>>, vector<16xf32>,
        %mul3A_476 = arith.mulf %get3A_475, %bitcast_convert_type3A_466 : vector<16xf32>
        %swap3A_477 = arith.index_cast %add3A_290 : i32 to index
        %swap3A_478 = arith.constant 48 : index
        %swap3A_479 = tpu.vector_load %arg10[%swap3A_477, %swap3A_478] {strides = array<i32>} : memref<80x128xf32, #tpu.memory_space<vmem>>, vector<16xf32>,
        tpu.vector_store %arg10[%swap3A_477, %swap3A_478], %mul3A_476 {strides = array<i32>} : memref<80x128xf32, #tpu.memory_space<vmem>>, vector<16xf32>,
        %get3A_480 = arith.constant 0 : i32
        %get3A_481 = arith.index_cast %get3A_480 : i32 to index
        %get3A_482 = arith.index_cast %add3A_290 : i32 to index
        %get3A_483 = arith.constant 112 : index
        %get3A_484 = tpu.vector_load %arg8[%get3A_481, %get3A_482, %get3A_483] {strides = array<i32>} : memref<2x80x128xf32, #tpu.memory_space<vmem>>, vector<16xf32>,
        %mul3A_485 = arith.mulf %get3A_484, %bitcast_convert_type3A_470 : vector<16xf32>
        %swap3A_486 = arith.index_cast %add3A_290 : i32 to index
        %swap3A_487 = arith.constant 112 : index
        %swap3A_488 = tpu.vector_load %arg10[%swap3A_486, %swap3A_487] {strides = array<i32>} : memref<80x128xf32, #tpu.memory_space<vmem>>, vector<16xf32>,
        tpu.vector_store %arg10[%swap3A_486, %swap3A_487], %mul3A_485 {strides = array<i32>} : memref<80x128xf32, #tpu.memory_space<vmem>>, vector<16xf32>,
        %add3A_489 = arith.constant 40 : i32
        %add3A_490 = arith.addi %add3A_489, %add3A_290 : i32
        %get3A_491 = arith.constant 0 : i32
        %get3A_492 = arith.index_cast %get3A_491 : i32 to index
        %get3A_493 = arith.index_cast %add3A_490 : i32 to index
        %get3A_494 = arith.constant 48 : index
        %get3A_495 = tpu.vector_load %arg8[%get3A_492, %get3A_493, %get3A_494] {strides = array<i32>} : memref<2x80x128xf32, #tpu.memory_space<vmem>>, vector<16xf32>,
        %mul3A_496 = arith.mulf %get3A_495, %bitcast_convert_type3A_466 : vector<16xf32>
        %add3A_497 = arith.constant 40 : i32
        %add3A_498 = arith.addi %add3A_497, %add3A_290 : i32
        %swap3A_499 = arith.index_cast %add3A_498 : i32 to index
        %swap3A_500 = arith.constant 48 : index
        %swap3A_501 = tpu.vector_load %arg10[%swap3A_499, %swap3A_500] {strides = array<i32>} : memref<80x128xf32, #tpu.memory_space<vmem>>, vector<16xf32>,
        tpu.vector_store %arg10[%swap3A_499, %swap3A_500], %mul3A_496 {strides = array<i32>} : memref<80x128xf32, #tpu.memory_space<vmem>>, vector<16xf32>,
        %add3A_502 = arith.constant 40 : i32
        %add3A_503 = arith.addi %add3A_502, %add3A_290 : i32
        %get3A_504 = arith.constant 0 : i32
        %get3A_505 = arith.index_cast %get3A_504 : i32 to index
        %get3A_506 = arith.index_cast %add3A_503 : i32 to index
        %get3A_507 = arith.constant 112 : index
        %get3A_508 = tpu.vector_load %arg8[%get3A_505, %get3A_506, %get3A_507] {strides = array<i32>} : memref<2x80x128xf32, #tpu.memory_space<vmem>>, vector<16xf32>,
        %mul3A_509 = arith.mulf %get3A_508, %bitcast_convert_type3A_470 : vector<16xf32>
        %add3A_510 = arith.constant 40 : i32
        %add3A_511 = arith.addi %add3A_510, %add3A_290 : i32
        %swap3A_512 = arith.index_cast %add3A_511 : i32 to index
        %swap3A_513 = arith.constant 112 : index
        %swap3A_514 = tpu.vector_load %arg10[%swap3A_512, %swap3A_513] {strides = array<i32>} : memref<80x128xf32, #tpu.memory_space<vmem>>, vector<16xf32>,
        tpu.vector_store %arg10[%swap3A_512, %swap3A_513], %mul3A_509 {strides = array<i32>} : memref<80x128xf32, #tpu.memory_space<vmem>>, vector<16xf32>,
      }
      %scan3A_190 = arith.constant 40 : i32
      %jit3A = arith.constant 4 : i32
      %eq3A_191 = arith.constant 0 : i32
      %eq3A_192 = arith.cmpi eq, %jit3A, %eq3A_191 : i32
      %jit3A_193 = arith.constant 1 : i32
      %select_n3A = arith.select %eq3A_192, %jit3A_193, %jit3A : i32
      %rem3A = arith.remsi %add3A_138, %select_n3A : i32
      %ne3A = arith.constant 0 : i32
      %ne3A_194 = arith.cmpi ne, %rem3A, %ne3A : i32
      %lt3A_195 = arith.constant 0 : i32
      %lt3A_196 = arith.cmpi slt, %rem3A, %lt3A_195 : i32
      %lt3A_197 = arith.constant 0 : i32
      %lt3A_198 = arith.cmpi slt, %select_n3A, %lt3A_197 : i32
      %ne3A_199 = arith.xori %lt3A_196, %lt3A_198 : i1
      %and3A = arith.andi %ne3A_199, %ne3A_194 : i1
      %add3A_200 = arith.addi %rem3A, %select_n3A : i32
      %select_n3A_201 = arith.select %and3A, %add3A_200, %rem3A : i32
      %dma_start3A_202 = arith.constant 0 : i32
      %dma_start3A_203 = tpu.memref_slice %arg12[%select_n3A_201, %dma_start3A_202] : memref<4x80xi32, #tpu.memory_space<vmem>> -> memref<1x80xi32, #tpu.memory_space<vmem>>
      %dma_start3A_204 = tpu.memref_squeeze %dma_start3A_203 : memref<1x80xi32, #tpu.memory_space<vmem>> -> memref<80xi32, #tpu.memory_space<vmem>>
      %dma_start3A_205 = arith.constant 0 : i32
      %dma_start3A_206 = arith.constant 0 : i32
      %dma_start3A_207 = tpu.memref_slice %arg7[%dma_start3A_205, %dma_start3A_206] : memref<10000x128xf32, #tpu.memory_space<vmem_shared>> -> memref<10000x128xf32, #tpu.memory_space<vmem_shared>>
      tpu.enqueue_indirect_dma source(%arg10 : memref<80x128xf32, #tpu.memory_space<vmem>>) target(%dma_start3A_207 : memref<10000x128xf32, #tpu.memory_space<vmem_shared>>) offsets(%dma_start3A_204 : memref<80xi32, #tpu.memory_space<vmem>>) semaphore(%arg17 : memref<!tpu.dma_semaphore, #tpu.memory_space<semaphore_mem>>) {add = true}
      %add3A_208 = arith.constant 1 : i32
      %add3A_209 = arith.addi %add3A_136, %add3A_208 : i32
      %add3A_210 = arith.constant 2 : i32
      %add3A_211 = arith.addi %add3A_209, %add3A_210 : i32
      %lt3A_212 = arith.constant 250 : i32
      %lt3A_213 = arith.cmpi slt, %add3A_211, %lt3A_212 : i32
      %convert_element_type3A_214 = arith.extui %lt3A_213 : i1 to i32
      %cond3A_215 = arith.constant 0 : i32
      %cond3A_216 = arith.cmpi ne, %convert_element_type3A_214, %cond3A_215 : i32
      scf.if %cond3A_216 {
        %add3A_286 = arith.constant 2 : i32
        %add3A_287 = arith.addi %add3A_209, %add3A_286 : i32
        %mul3A_288 = arith.constant 80 : i32
        %mul3A_289 = arith.muli %add3A_287, %mul3A_288 : i32
        %add3A_290 = arith.addi %multiple_of3A_10, %mul3A_289 : i32
        %multiple_of3A_291 = tpu.assume_multiple %add3A_290, 8 : i32
        %jit3A_292 = arith.constant 4 : i32
        %eq3A_293 = arith.constant 0 : i32
        %eq3A_294 = arith.cmpi eq, %jit3A_292, %eq3A_293 : i32
        %jit3A_295 = arith.constant 1 : i32
        %select_n3A_296 = arith.select %eq3A_294, %jit3A_295, %jit3A_292 : i32
        %rem3A_297 = arith.remsi %add3A_287, %select_n3A_296 : i32
        %ne3A_298 = arith.constant 0 : i32
        %ne3A_299 = arith.cmpi ne, %rem3A_297, %ne3A_298 : i32
        %lt3A_300 = arith.constant 0 : i32
        %lt3A_301 = arith.cmpi slt, %rem3A_297, %lt3A_300 : i32
        %lt3A_302 = arith.constant 0 : i32
        %lt3A_303 = arith.cmpi slt, %select_n3A_296, %lt3A_302 : i32
        %ne3A_304 = arith.xori %lt3A_301, %lt3A_303 : i1
        %and3A_305 = arith.andi %ne3A_304, %ne3A_299 : i1
        %add3A_306 = arith.addi %rem3A_297, %select_n3A_296 : i32
        %select_n3A_307 = arith.select %and3A_305, %add3A_306, %rem3A_297 : i32
        %dma_start3A_308 = arith.constant 0 : i32
        %dma_start3A_309 = tpu.memref_slice %arg11[%select_n3A_307, %dma_start3A_308] : memref<4x80xi32, #tpu.memory_space<vmem>> -> memref<1x80xi32, #tpu.memory_space<vmem>>
        %dma_start3A_310 = tpu.memref_squeeze %dma_start3A_309 : memref<1x80xi32, #tpu.memory_space<vmem>> -> memref<80xi32, #tpu.memory_space<vmem>>
        %dma_start3A_311 = tpu.memref_slice %arg4[%multiple_of3A_291] : memref<640000xi32, #tpu.memory_space<hbm>> -> memref<80xi32, #tpu.memory_space<hbm>>
        %dma_start3A_312 = arith.constant 0 : i32
        %dma_start3A_313 = tpu.memref_slice %arg11[%select_n3A_307, %dma_start3A_312] : memref<4x80xi32, #tpu.memory_space<vmem>> -> memref<1x80xi32, #tpu.memory_space<vmem>>
        %dma_start3A_314 = tpu.memref_squeeze %dma_start3A_313 : memref<1x80xi32, #tpu.memory_space<vmem>> -> memref<80xi32, #tpu.memory_space<vmem>>
        %dma_start3A_315 = tpu.memref_slice %arg4[%multiple_of3A_291] : memref<640000xi32, #tpu.memory_space<hbm>> -> memref<80xi32, #tpu.memory_space<hbm>>
        tpu.enqueue_dma source(%dma_start3A_315 : memref<80xi32, #tpu.memory_space<hbm>>) target(%dma_start3A_314 : memref<80xi32, #tpu.memory_space<vmem>>) target_semaphore(%arg16 : memref<!tpu.dma_semaphore, #tpu.memory_space<semaphore_mem>>)
        %jit3A_316 = arith.constant 4 : i32
        %eq3A_317 = arith.constant 0 : i32
        %eq3A_318 = arith.cmpi eq, %jit3A_316, %eq3A_317 : i32
        %jit3A_319 = arith.constant 1 : i32
        %select_n3A_320 = arith.select %eq3A_318, %jit3A_319, %jit3A_316 : i32
        %rem3A_321 = arith.remsi %add3A_287, %select_n3A_320 : i32
        %ne3A_322 = arith.constant 0 : i32
        %ne3A_323 = arith.cmpi ne, %rem3A_321, %ne3A_322 : i32
        %lt3A_324 = arith.constant 0 : i32
        %lt3A_325 = arith.cmpi slt, %rem3A_321, %lt3A_324 : i32
        %lt3A_326 = arith.constant 0 : i32
        %lt3A_327 = arith.cmpi slt, %select_n3A_320, %lt3A_326 : i32
        %ne3A_328 = arith.xori %lt3A_325, %lt3A_327 : i1
        %and3A_329 = arith.andi %ne3A_328, %ne3A_323 : i1
        %add3A_330 = arith.addi %rem3A_321, %select_n3A_320 : i32
        %select_n3A_331 = arith.select %and3A_329, %add3A_330, %rem3A_321 : i32
        %dma_start3A_332 = arith.constant 0 : i32
        %dma_start3A_333 = tpu.memref_slice %arg12[%select_n3A_331, %dma_start3A_332] : memref<4x80xi32, #tpu.memory_space<vmem>> -> memref<1x80xi32, #tpu.memory_space<vmem>>
        %dma_start3A_334 = tpu.memref_squeeze %dma_start3A_333 : memref<1x80xi32, #tpu.memory_space<vmem>> -> memref<80xi32, #tpu.memory_space<vmem>>
        %dma_start3A_335 = tpu.memref_slice %arg5[%multiple_of3A_291] : memref<640000xi32, #tpu.memory_space<hbm>> -> memref<80xi32, #tpu.memory_space<hbm>>
        %dma_start3A_336 = arith.constant 0 : i32
        %dma_start3A_337 = tpu.memref_slice %arg12[%select_n3A_331, %dma_start3A_336] : memref<4x80xi32, #tpu.memory_space<vmem>> -> memref<1x80xi32, #tpu.memory_space<vmem>>
        %dma_start3A_338 = tpu.memref_squeeze %dma_start3A_337 : memref<1x80xi32, #tpu.memory_space<vmem>> -> memref<80xi32, #tpu.memory_space<vmem>>
        %dma_start3A_339 = tpu.memref_slice %arg5[%multiple_of3A_291] : memref<640000xi32, #tpu.memory_space<hbm>> -> memref<80xi32, #tpu.memory_space<hbm>>
        tpu.enqueue_dma source(%dma_start3A_339 : memref<80xi32, #tpu.memory_space<hbm>>) target(%dma_start3A_338 : memref<80xi32, #tpu.memory_space<vmem>>) target_semaphore(%arg16 : memref<!tpu.dma_semaphore, #tpu.memory_space<semaphore_mem>>)
      } else {
      }
      %add3A_217 = arith.constant 1 : i32
      %add3A_218 = arith.addi %add3A_209, %add3A_217 : i32
      %lt3A_219 = arith.constant 250 : i32
      %lt3A_220 = arith.cmpi slt, %add3A_218, %lt3A_219 : i32
      %convert_element_type3A_221 = arith.extui %lt3A_220 : i1 to i32
      %cond3A_222 = arith.constant 0 : i32
      %cond3A_223 = arith.cmpi ne, %convert_element_type3A_221, %cond3A_222 : i32
      scf.if %cond3A_223 {
        %dma_wait3A_286 = arith.constant 0 : i32
        %dma_wait3A_287 = arith.constant 0 : i32
        %dma_wait3A_288 = tpu.memref_slice %arg11[%dma_wait3A_286, %dma_wait3A_287] : memref<4x80xi32, #tpu.memory_space<vmem>> -> memref<1x80xi32, #tpu.memory_space<vmem>>
        %dma_wait3A_289 = tpu.memref_squeeze %dma_wait3A_288 : memref<1x80xi32, #tpu.memory_space<vmem>> -> memref<80xi32, #tpu.memory_space<vmem>>
        %dma_wait3A_290 = arith.constant 0 : i32
        %dma_wait3A_291 = tpu.memref_slice %arg4[%dma_wait3A_290] : memref<640000xi32, #tpu.memory_space<hbm>> -> memref<80xi32, #tpu.memory_space<hbm>>
        %dma_wait3A_292 = arith.constant 0 : i32
        %dma_wait3A_293 = tpu.memref_slice %arg11[%dma_wait3A_286, %dma_wait3A_292] : memref<4x80xi32, #tpu.memory_space<vmem>> -> memref<1x80xi32, #tpu.memory_space<vmem>>
        %dma_wait3A_294 = tpu.memref_squeeze %dma_wait3A_293 : memref<1x80xi32, #tpu.memory_space<vmem>> -> memref<80xi32, #tpu.memory_space<vmem>>
        %dma_wait3A_295 = arith.constant 0 : i32
        %dma_wait3A_296 = tpu.memref_slice %arg4[%dma_wait3A_295] : memref<640000xi32, #tpu.memory_space<hbm>> -> memref<80xi32, #tpu.memory_space<hbm>>
        tpu.wait_dma2 semaphore(%arg15 : memref<!tpu.dma_semaphore, #tpu.memory_space<semaphore_mem>>) src(%dma_wait3A_296 : memref<80xi32, #tpu.memory_space<hbm>>) dst(%dma_wait3A_294 : memref<80xi32, #tpu.memory_space<vmem>>)
        %dma_wait3A_297 = arith.constant 0 : i32
        %dma_wait3A_298 = arith.constant 0 : i32
        %dma_wait3A_299 = tpu.memref_slice %arg12[%dma_wait3A_297, %dma_wait3A_298] : memref<4x80xi32, #tpu.memory_space<vmem>> -> memref<1x80xi32, #tpu.memory_space<vmem>>
        %dma_wait3A_300 = tpu.memref_squeeze %dma_wait3A_299 : memref<1x80xi32, #tpu.memory_space<vmem>> -> memref<80xi32, #tpu.memory_space<vmem>>
        %dma_wait3A_301 = arith.constant 0 : i32
        %dma_wait3A_302 = tpu.memref_slice %arg5[%dma_wait3A_301] : memref<640000xi32, #tpu.memory_space<hbm>> -> memref<80xi32, #tpu.memory_space<hbm>>
        %dma_wait3A_303 = arith.constant 0 : i32
        %dma_wait3A_304 = tpu.memref_slice %arg12[%dma_wait3A_297, %dma_wait3A_303] : memref<4x80xi32, #tpu.memory_space<vmem>> -> memref<1x80xi32, #tpu.memory_space<vmem>>
        %dma_wait3A_305 = tpu.memref_squeeze %dma_wait3A_304 : memref<1x80xi32, #tpu.memory_space<vmem>> -> memref<80xi32, #tpu.memory_space<vmem>>
        %dma_wait3A_306 = arith.constant 0 : i32
        %dma_wait3A_307 = tpu.memref_slice %arg5[%dma_wait3A_306] : memref<640000xi32, #tpu.memory_space<hbm>> -> memref<80xi32, #tpu.memory_space<hbm>>
        tpu.wait_dma2 semaphore(%arg15 : memref<!tpu.dma_semaphore, #tpu.memory_space<semaphore_mem>>) src(%dma_wait3A_307 : memref<80xi32, #tpu.memory_space<hbm>>) dst(%dma_wait3A_305 : memref<80xi32, #tpu.memory_space<vmem>>)
        %add3A_308 = arith.constant 1 : i32
        %add3A_309 = arith.addi %add3A_209, %add3A_308 : i32
        %mul3A_310 = arith.constant 40 : i32
        %mul3A_311 = arith.muli %add3A_309, %mul3A_310 : i32
        %add3A_312 = arith.addi %multiple_of3A_5, %mul3A_311 : i32
        %multiple_of3A_313 = tpu.assume_multiple %add3A_312, 8 : i32
        %jit3A_314 = arith.constant 4 : i32
        %eq3A_315 = arith.constant 0 : i32
        %eq3A_316 = arith.cmpi eq, %jit3A_314, %eq3A_315 : i32
        %jit3A_317 = arith.constant 1 : i32
        %select_n3A_318 = arith.select %eq3A_316, %jit3A_317, %jit3A_314 : i32
        %rem3A_319 = arith.remsi %add3A_309, %select_n3A_318 : i32
        %ne3A_320 = arith.constant 0 : i32
        %ne3A_321 = arith.cmpi ne, %rem3A_319, %ne3A_320 : i32
        %lt3A_322 = arith.constant 0 : i32
        %lt3A_323 = arith.cmpi slt, %rem3A_319, %lt3A_322 : i32
        %lt3A_324 = arith.constant 0 : i32
        %lt3A_325 = arith.cmpi slt, %select_n3A_318, %lt3A_324 : i32
        %ne3A_326 = arith.xori %lt3A_323, %lt3A_325 : i1
        %and3A_327 = arith.andi %ne3A_326, %ne3A_321 : i1
        %add3A_328 = arith.addi %rem3A_319, %select_n3A_318 : i32
        %select_n3A_329 = arith.select %and3A_327, %add3A_328, %rem3A_319 : i32
        %dma_start3A_330 = arith.constant 0 : i32
        %dma_start3A_331 = arith.constant 0 : i32
        %dma_start3A_332 = arith.constant 0 : i32
        %dma_start3A_333 = tpu.memref_slice %arg8[%dma_start3A_330, %dma_start3A_331, %dma_start3A_332] : memref<2x80x128xf32, #tpu.memory_space<vmem>> -> memref<1x80x128xf32, #tpu.memory_space<vmem>>
        %dma_start3A_334 = tpu.memref_squeeze %dma_start3A_333 : memref<1x80x128xf32, #tpu.memory_space<vmem>> -> memref<80x128xf32, #tpu.memory_space<vmem>>
        %dma_start3A_335 = arith.constant 0 : i32
        %dma_start3A_336 = tpu.memref_slice %arg11[%select_n3A_329, %dma_start3A_335] : memref<4x80xi32, #tpu.memory_space<vmem>> -> memref<1x80xi32, #tpu.memory_space<vmem>>
        %dma_start3A_337 = tpu.memref_squeeze %dma_start3A_336 : memref<1x80xi32, #tpu.memory_space<vmem>> -> memref<80xi32, #tpu.memory_space<vmem>>
        %dma_start3A_338 = arith.constant 0 : i32
        %dma_start3A_339 = arith.constant 0 : i32
        %dma_start3A_340 = tpu.memref_slice %arg2[%dma_start3A_338, %dma_start3A_339] : memref<10000x128xf32, #tpu.memory_space<hbm>> -> memref<10000x128xf32, #tpu.memory_space<hbm>>
        tpu.enqueue_indirect_dma source(%dma_start3A_340 : memref<10000x128xf32, #tpu.memory_space<hbm>>) target(%dma_start3A_334 : memref<80x128xf32, #tpu.memory_space<vmem>>) offsets(%dma_start3A_337 : memref<80xi32, #tpu.memory_space<vmem>>) semaphore(%arg13 : memref<!tpu.dma_semaphore, #tpu.memory_space<semaphore_mem>>)
        %dma_start3A_341 = arith.constant 0 : i32
        %dma_start3A_342 = arith.constant 0 : i32
        %dma_start3A_343 = arith.constant 0 : i32
        %dma_start3A_344 = tpu.memref_slice %arg9[%dma_start3A_341, %dma_start3A_342, %dma_start3A_343] : memref<2x40x64xi32, #tpu.memory_space<vmem>> -> memref<1x40x64xi32, #tpu.memory_space<vmem>>
        %dma_start3A_345 = tpu.memref_squeeze %dma_start3A_344 : memref<1x40x64xi32, #tpu.memory_space<vmem>> -> memref<40x64xi32, #tpu.memory_space<vmem>>
        %dma_start3A_346 = arith.constant 0 : i32
        %dma_start3A_347 = tpu.memref_slice %arg3[%multiple_of3A_313, %dma_start3A_346] : memref<320000x64xi32, #tpu.memory_space<hbm>> -> memref<40x64xi32, #tpu.memory_space<hbm>>
        %dma_start3A_348 = arith.constant 0 : i32
        %dma_start3A_349 = arith.constant 0 : i32
        %dma_start3A_350 = tpu.memref_slice %arg9[%dma_start3A_341, %dma_start3A_348, %dma_start3A_349] : memref<2x40x64xi32, #tpu.memory_space<vmem>> -> memref<1x40x64xi32, #tpu.memory_space<vmem>>
        %dma_start3A_351 = tpu.memref_squeeze %dma_start3A_350 : memref<1x40x64xi32, #tpu.memory_space<vmem>> -> memref<40x64xi32, #tpu.memory_space<vmem>>
        %dma_start3A_352 = arith.constant 0 : i32
        %dma_start3A_353 = tpu.memref_slice %arg3[%multiple_of3A_313, %dma_start3A_352] : memref<320000x64xi32, #tpu.memory_space<hbm>> -> memref<40x64xi32, #tpu.memory_space<hbm>>
        tpu.enqueue_dma source(%dma_start3A_353 : memref<40x64xi32, #tpu.memory_space<hbm>>) target(%dma_start3A_351 : memref<40x64xi32, #tpu.memory_space<vmem>>) target_semaphore(%arg13 : memref<!tpu.dma_semaphore, #tpu.memory_space<semaphore_mem>>)
      } else {
      }
      %dma_wait3A_224 = arith.constant 1 : i32
      %dma_wait3A_225 = arith.constant 0 : i32
      %dma_wait3A_226 = arith.constant 0 : i32
      %dma_wait3A_227 = tpu.memref_slice %arg8[%dma_wait3A_224, %dma_wait3A_225, %dma_wait3A_226] : memref<2x80x128xf32, #tpu.memory_space<vmem>> -> memref<1x80x128xf32, #tpu.memory_space<vmem>>
      %dma_wait3A_228 = tpu.memref_squeeze %dma_wait3A_227 : memref<1x80x128xf32, #tpu.memory_space<vmem>> -> memref<80x128xf32, #tpu.memory_space<vmem>>
      %dma_wait3A_229 = arith.constant 0 : i32
      %dma_wait3A_230 = arith.constant 0 : i32
      %dma_wait3A_231 = tpu.memref_slice %arg2[%dma_wait3A_229, %dma_wait3A_230] : memref<10000x128xf32, #tpu.memory_space<hbm>> -> memref<80x128xf32, #tpu.memory_space<hbm>>
      %dma_wait3A_232 = arith.constant 0 : i32
      %dma_wait3A_233 = arith.constant 0 : i32
      %dma_wait3A_234 = tpu.memref_slice %arg8[%dma_wait3A_224, %dma_wait3A_232, %dma_wait3A_233] : memref<2x80x128xf32, #tpu.memory_space<vmem>> -> memref<1x80x128xf32, #tpu.memory_space<vmem>>
      %dma_wait3A_235 = tpu.memref_squeeze %dma_wait3A_234 : memref<1x80x128xf32, #tpu.memory_space<vmem>> -> memref<80x128xf32, #tpu.memory_space<vmem>>
      %dma_wait3A_236 = arith.constant 0 : i32
      %dma_wait3A_237 = arith.constant 0 : i32
      %dma_wait3A_238 = tpu.memref_slice %arg2[%dma_wait3A_236, %dma_wait3A_237] : memref<10000x128xf32, #tpu.memory_space<hbm>> -> memref<80x128xf32, #tpu.memory_space<hbm>>
      tpu.wait_dma2 semaphore(%arg14 : memref<!tpu.dma_semaphore, #tpu.memory_space<semaphore_mem>>) src(%dma_wait3A_238 : memref<80x128xf32, #tpu.memory_space<hbm>>) dst(%dma_wait3A_235 : memref<80x128xf32, #tpu.memory_space<vmem>>)
      %dma_wait3A_239 = arith.constant 1 : i32
      %dma_wait3A_240 = arith.constant 0 : i32
      %dma_wait3A_241 = arith.constant 0 : i32
      %dma_wait3A_242 = tpu.memref_slice %arg9[%dma_wait3A_239, %dma_wait3A_240, %dma_wait3A_241] : memref<2x40x64xi32, #tpu.memory_space<vmem>> -> memref<1x40x64xi32, #tpu.memory_space<vmem>>
      %dma_wait3A_243 = tpu.memref_squeeze %dma_wait3A_242 : memref<1x40x64xi32, #tpu.memory_space<vmem>> -> memref<40x64xi32, #tpu.memory_space<vmem>>
      %dma_wait3A_244 = arith.constant 0 : i32
      %dma_wait3A_245 = arith.constant 0 : i32
      %dma_wait3A_246 = tpu.memref_slice %arg3[%dma_wait3A_244, %dma_wait3A_245] : memref<320000x64xi32, #tpu.memory_space<hbm>> -> memref<40x64xi32, #tpu.memory_space<hbm>>
      %dma_wait3A_247 = arith.constant 0 : i32
      %dma_wait3A_248 = arith.constant 0 : i32
      %dma_wait3A_249 = tpu.memref_slice %arg9[%dma_wait3A_239, %dma_wait3A_247, %dma_wait3A_248] : memref<2x40x64xi32, #tpu.memory_space<vmem>> -> memref<1x40x64xi32, #tpu.memory_space<vmem>>
      %dma_wait3A_250 = tpu.memref_squeeze %dma_wait3A_249 : memref<1x40x64xi32, #tpu.memory_space<vmem>> -> memref<40x64xi32, #tpu.memory_space<vmem>>
      %dma_wait3A_251 = arith.constant 0 : i32
      %dma_wait3A_252 = arith.constant 0 : i32
      %dma_wait3A_253 = tpu.memref_slice %arg3[%dma_wait3A_251, %dma_wait3A_252] : memref<320000x64xi32, #tpu.memory_space<hbm>> -> memref<40x64xi32, #tpu.memory_space<hbm>>
      tpu.wait_dma2 semaphore(%arg14 : memref<!tpu.dma_semaphore, #tpu.memory_space<semaphore_mem>>) src(%dma_wait3A_253 : memref<40x64xi32, #tpu.memory_space<hbm>>) dst(%dma_wait3A_250 : memref<40x64xi32, #tpu.memory_space<vmem>>)
      %ge3A_254 = arith.constant 1 : i32
      %ge3A_255 = arith.cmpi sge, %add3A_209, %ge3A_254 : i32
      %convert_element_type3A_256 = arith.extui %ge3A_255 : i1 to i32
      %cond3A_257 = arith.constant 0 : i32
      %cond3A_258 = arith.cmpi ne, %convert_element_type3A_256, %cond3A_257 : i32
      scf.if %cond3A_258 {
        %dma_wait3A_286 = arith.constant 0 : i32
        %dma_wait3A_287 = arith.constant 0 : i32
        %dma_wait3A_288 = tpu.memref_slice %arg7[%dma_wait3A_286, %dma_wait3A_287] : memref<10000x128xf32, #tpu.memory_space<vmem_shared>> -> memref<80x128xf32, #tpu.memory_space<vmem_shared>>
        %dma_wait3A_289 = arith.constant 0 : i32
        %dma_wait3A_290 = arith.constant 0 : i32
        %dma_wait3A_291 = tpu.memref_slice %arg7[%dma_wait3A_289, %dma_wait3A_290] : memref<10000x128xf32, #tpu.memory_space<vmem_shared>> -> memref<80x128xf32, #tpu.memory_space<vmem_shared>>
        tpu.wait_dma2 semaphore(%arg17 : memref<!tpu.dma_semaphore, #tpu.memory_space<semaphore_mem>>) src(%arg10 : memref<80x128xf32, #tpu.memory_space<vmem>>) dst(%dma_wait3A_291 : memref<80x128xf32, #tpu.memory_space<vmem_shared>>)
      } else {
      }
      %scan3A_259 = arith.constant 0 : i32
      %scan3A_260 = arith.constant 40 : i32
      %scan3A_261 = arith.addi %scan3A_259, %scan3A_260 : i32
      %scan3A_262 = arith.constant 1 : i32
      scf.for %scan3A_286 = %scan3A_259 to %scan3A_261 step %scan3A_262  : i32 {
        %mul3A_287 = arith.constant 1 : i32
        %mul3A_288 = arith.muli %scan3A_286, %mul3A_287 : i32
        %add3A_289 = arith.constant 0 : i32
        %add3A_290 = arith.addi %add3A_289, %mul3A_288 : i32
        %get3A = arith.constant 1 : i32
        %get3A_291 = arith.index_cast %get3A : i32 to index
        %get3A_292 = arith.index_cast %add3A_290 : i32 to index
        %get3A_293 = arith.constant 0 : index
        %get3A_294 = tpu.vector_load %arg9[%get3A_291, %get3A_292, %get3A_293] {strides = array<i32>} : memref<2x40x64xi32, #tpu.memory_space<vmem>>, vector<16xi32>,
        %shift_left3A = arith.constant 16 : i32
        %shift_left3A_295 = vector.broadcast %shift_left3A : i32 to vector<16xi32>
        %shift_left3A_296 = arith.shli %get3A_294, %shift_left3A_295 : vector<16xi32>
        %bitcast_convert_type3A = tpu.bitcast %shift_left3A_296 : vector<16xi32> -> vector<16xf32>
        %and3A_297 = arith.constant -65536 : i32
        %and3A_298 = vector.broadcast %and3A_297 : i32 to vector<16xi32>
        %and3A_299 = arith.andi %get3A_294, %and3A_298 : vector<16xi32>
        %bitcast_convert_type3A_300 = tpu.bitcast %and3A_299 : vector<16xi32> -> vector<16xf32>
        %get3A_301 = arith.constant 1 : i32
        %get3A_302 = arith.index_cast %get3A_301 : i32 to index
        %get3A_303 = arith.index_cast %add3A_290 : i32 to index
        %get3A_304 = arith.constant 0 : index
        %get3A_305 = tpu.vector_load %arg8[%get3A_302, %get3A_303, %get3A_304] {strides = array<i32>} : memref<2x80x128xf32, #tpu.memory_space<vmem>>, vector<16xf32>,
        %mul3A_306 = arith.mulf %get3A_305, %bitcast_convert_type3A : vector<16xf32>
        %swap3A = arith.index_cast %add3A_290 : i32 to index
        %swap3A_307 = arith.constant 0 : index
        %swap3A_308 = tpu.vector_load %arg10[%swap3A, %swap3A_307] {strides = array<i32>} : memref<80x128xf32, #tpu.memory_space<vmem>>, vector<16xf32>,
        tpu.vector_store %arg10[%swap3A, %swap3A_307], %mul3A_306 {strides = array<i32>} : memref<80x128xf32, #tpu.memory_space<vmem>>, vector<16xf32>,
        %get3A_309 = arith.constant 1 : i32
        %get3A_310 = arith.index_cast %get3A_309 : i32 to index
        %get3A_311 = arith.index_cast %add3A_290 : i32 to index
        %get3A_312 = arith.constant 64 : index
        %get3A_313 = tpu.vector_load %arg8[%get3A_310, %get3A_311, %get3A_312] {strides = array<i32>} : memref<2x80x128xf32, #tpu.memory_space<vmem>>, vector<16xf32>,
        %mul3A_314 = arith.mulf %get3A_313, %bitcast_convert_type3A_300 : vector<16xf32>
        %swap3A_315 = arith.index_cast %add3A_290 : i32 to index
        %swap3A_316 = arith.constant 64 : index
        %swap3A_317 = tpu.vector_load %arg10[%swap3A_315, %swap3A_316] {strides = array<i32>} : memref<80x128xf32, #tpu.memory_space<vmem>>, vector<16xf32>,
        tpu.vector_store %arg10[%swap3A_315, %swap3A_316], %mul3A_314 {strides = array<i32>} : memref<80x128xf32, #tpu.memory_space<vmem>>, vector<16xf32>,
        %add3A_318 = arith.constant 40 : i32
        %add3A_319 = arith.addi %add3A_318, %add3A_290 : i32
        %get3A_320 = arith.constant 1 : i32
        %get3A_321 = arith.index_cast %get3A_320 : i32 to index
        %get3A_322 = arith.index_cast %add3A_319 : i32 to index
        %get3A_323 = arith.constant 0 : index
        %get3A_324 = tpu.vector_load %arg8[%get3A_321, %get3A_322, %get3A_323] {strides = array<i32>} : memref<2x80x128xf32, #tpu.memory_space<vmem>>, vector<16xf32>,
        %mul3A_325 = arith.mulf %get3A_324, %bitcast_convert_type3A : vector<16xf32>
        %add3A_326 = arith.constant 40 : i32
        %add3A_327 = arith.addi %add3A_326, %add3A_290 : i32
        %swap3A_328 = arith.index_cast %add3A_327 : i32 to index
        %swap3A_329 = arith.constant 0 : index
        %swap3A_330 = tpu.vector_load %arg10[%swap3A_328, %swap3A_329] {strides = array<i32>} : memref<80x128xf32, #tpu.memory_space<vmem>>, vector<16xf32>,
        tpu.vector_store %arg10[%swap3A_328, %swap3A_329], %mul3A_325 {strides = array<i32>} : memref<80x128xf32, #tpu.memory_space<vmem>>, vector<16xf32>,
        %add3A_331 = arith.constant 40 : i32
        %add3A_332 = arith.addi %add3A_331, %add3A_290 : i32
        %get3A_333 = arith.constant 1 : i32
        %get3A_334 = arith.index_cast %get3A_333 : i32 to index
        %get3A_335 = arith.index_cast %add3A_332 : i32 to index
        %get3A_336 = arith.constant 64 : index
        %get3A_337 = tpu.vector_load %arg8[%get3A_334, %get3A_335, %get3A_336] {strides = array<i32>} : memref<2x80x128xf32, #tpu.memory_space<vmem>>, vector<16xf32>,
        %mul3A_338 = arith.mulf %get3A_337, %bitcast_convert_type3A_300 : vector<16xf32>
        %add3A_339 = arith.constant 40 : i32
        %add3A_340 = arith.addi %add3A_339, %add3A_290 : i32
        %swap3A_341 = arith.index_cast %add3A_340 : i32 to index
        %swap3A_342 = arith.constant 64 : index
        %swap3A_343 = tpu.vector_load %arg10[%swap3A_341, %swap3A_342] {strides = array<i32>} : memref<80x128xf32, #tpu.memory_space<vmem>>, vector<16xf32>,
        tpu.vector_store %arg10[%swap3A_341, %swap3A_342], %mul3A_338 {strides = array<i32>} : memref<80x128xf32, #tpu.memory_space<vmem>>, vector<16xf32>,
        %get3A_344 = arith.constant 1 : i32
        %get3A_345 = arith.index_cast %get3A_344 : i32 to index
        %get3A_346 = arith.index_cast %add3A_290 : i32 to index
        %get3A_347 = arith.constant 16 : index
        %get3A_348 = tpu.vector_load %arg9[%get3A_345, %get3A_346, %get3A_347] {strides = array<i32>} : memref<2x40x64xi32, #tpu.memory_space<vmem>>, vector<16xi32>,
        %shift_left3A_349 = arith.constant 16 : i32
        %shift_left3A_350 = vector.broadcast %shift_left3A_349 : i32 to vector<16xi32>
        %shift_left3A_351 = arith.shli %get3A_348, %shift_left3A_350 : vector<16xi32>
        %bitcast_convert_type3A_352 = tpu.bitcast %shift_left3A_351 : vector<16xi32> -> vector<16xf32>
        %and3A_353 = arith.constant -65536 : i32
        %and3A_354 = vector.broadcast %and3A_353 : i32 to vector<16xi32>
        %and3A_355 = arith.andi %get3A_348, %and3A_354 : vector<16xi32>
        %bitcast_convert_type3A_356 = tpu.bitcast %and3A_355 : vector<16xi32> -> vector<16xf32>
        %get3A_357 = arith.constant 1 : i32
        %get3A_358 = arith.index_cast %get3A_357 : i32 to index
        %get3A_359 = arith.index_cast %add3A_290 : i32 to index
        %get3A_360 = arith.constant 16 : index
        %get3A_361 = tpu.vector_load %arg8[%get3A_358, %get3A_359, %get3A_360] {strides = array<i32>} : memref<2x80x128xf32, #tpu.memory_space<vmem>>, vector<16xf32>,
        %mul3A_362 = arith.mulf %get3A_361, %bitcast_convert_type3A_352 : vector<16xf32>
        %swap3A_363 = arith.index_cast %add3A_290 : i32 to index
        %swap3A_364 = arith.constant 16 : index
        %swap3A_365 = tpu.vector_load %arg10[%swap3A_363, %swap3A_364] {strides = array<i32>} : memref<80x128xf32, #tpu.memory_space<vmem>>, vector<16xf32>,
        tpu.vector_store %arg10[%swap3A_363, %swap3A_364], %mul3A_362 {strides = array<i32>} : memref<80x128xf32, #tpu.memory_space<vmem>>, vector<16xf32>,
        %get3A_366 = arith.constant 1 : i32
        %get3A_367 = arith.index_cast %get3A_366 : i32 to index
        %get3A_368 = arith.index_cast %add3A_290 : i32 to index
        %get3A_369 = arith.constant 80 : index
        %get3A_370 = tpu.vector_load %arg8[%get3A_367, %get3A_368, %get3A_369] {strides = array<i32>} : memref<2x80x128xf32, #tpu.memory_space<vmem>>, vector<16xf32>,
        %mul3A_371 = arith.mulf %get3A_370, %bitcast_convert_type3A_356 : vector<16xf32>
        %swap3A_372 = arith.index_cast %add3A_290 : i32 to index
        %swap3A_373 = arith.constant 80 : index
        %swap3A_374 = tpu.vector_load %arg10[%swap3A_372, %swap3A_373] {strides = array<i32>} : memref<80x128xf32, #tpu.memory_space<vmem>>, vector<16xf32>,
        tpu.vector_store %arg10[%swap3A_372, %swap3A_373], %mul3A_371 {strides = array<i32>} : memref<80x128xf32, #tpu.memory_space<vmem>>, vector<16xf32>,
        %add3A_375 = arith.constant 40 : i32
        %add3A_376 = arith.addi %add3A_375, %add3A_290 : i32
        %get3A_377 = arith.constant 1 : i32
        %get3A_378 = arith.index_cast %get3A_377 : i32 to index
        %get3A_379 = arith.index_cast %add3A_376 : i32 to index
        %get3A_380 = arith.constant 16 : index
        %get3A_381 = tpu.vector_load %arg8[%get3A_378, %get3A_379, %get3A_380] {strides = array<i32>} : memref<2x80x128xf32, #tpu.memory_space<vmem>>, vector<16xf32>,
        %mul3A_382 = arith.mulf %get3A_381, %bitcast_convert_type3A_352 : vector<16xf32>
        %add3A_383 = arith.constant 40 : i32
        %add3A_384 = arith.addi %add3A_383, %add3A_290 : i32
        %swap3A_385 = arith.index_cast %add3A_384 : i32 to index
        %swap3A_386 = arith.constant 16 : index
        %swap3A_387 = tpu.vector_load %arg10[%swap3A_385, %swap3A_386] {strides = array<i32>} : memref<80x128xf32, #tpu.memory_space<vmem>>, vector<16xf32>,
        tpu.vector_store %arg10[%swap3A_385, %swap3A_386], %mul3A_382 {strides = array<i32>} : memref<80x128xf32, #tpu.memory_space<vmem>>, vector<16xf32>,
        %add3A_388 = arith.constant 40 : i32
        %add3A_389 = arith.addi %add3A_388, %add3A_290 : i32
        %get3A_390 = arith.constant 1 : i32
        %get3A_391 = arith.index_cast %get3A_390 : i32 to index
        %get3A_392 = arith.index_cast %add3A_389 : i32 to index
        %get3A_393 = arith.constant 80 : index
        %get3A_394 = tpu.vector_load %arg8[%get3A_391, %get3A_392, %get3A_393] {strides = array<i32>} : memref<2x80x128xf32, #tpu.memory_space<vmem>>, vector<16xf32>,
        %mul3A_395 = arith.mulf %get3A_394, %bitcast_convert_type3A_356 : vector<16xf32>
        %add3A_396 = arith.constant 40 : i32
        %add3A_397 = arith.addi %add3A_396, %add3A_290 : i32
        %swap3A_398 = arith.index_cast %add3A_397 : i32 to index
        %swap3A_399 = arith.constant 80 : index
        %swap3A_400 = tpu.vector_load %arg10[%swap3A_398, %swap3A_399] {strides = array<i32>} : memref<80x128xf32, #tpu.memory_space<vmem>>, vector<16xf32>,
        tpu.vector_store %arg10[%swap3A_398, %swap3A_399], %mul3A_395 {strides = array<i32>} : memref<80x128xf32, #tpu.memory_space<vmem>>, vector<16xf32>,
        %get3A_401 = arith.constant 1 : i32
        %get3A_402 = arith.index_cast %get3A_401 : i32 to index
        %get3A_403 = arith.index_cast %add3A_290 : i32 to index
        %get3A_404 = arith.constant 32 : index
        %get3A_405 = tpu.vector_load %arg9[%get3A_402, %get3A_403, %get3A_404] {strides = array<i32>} : memref<2x40x64xi32, #tpu.memory_space<vmem>>, vector<16xi32>,
        %shift_left3A_406 = arith.constant 16 : i32
        %shift_left3A_407 = vector.broadcast %shift_left3A_406 : i32 to vector<16xi32>
        %shift_left3A_408 = arith.shli %get3A_405, %shift_left3A_407 : vector<16xi32>
        %bitcast_convert_type3A_409 = tpu.bitcast %shift_left3A_408 : vector<16xi32> -> vector<16xf32>
        %and3A_410 = arith.constant -65536 : i32
        %and3A_411 = vector.broadcast %and3A_410 : i32 to vector<16xi32>
        %and3A_412 = arith.andi %get3A_405, %and3A_411 : vector<16xi32>
        %bitcast_convert_type3A_413 = tpu.bitcast %and3A_412 : vector<16xi32> -> vector<16xf32>
        %get3A_414 = arith.constant 1 : i32
        %get3A_415 = arith.index_cast %get3A_414 : i32 to index
        %get3A_416 = arith.index_cast %add3A_290 : i32 to index
        %get3A_417 = arith.constant 32 : index
        %get3A_418 = tpu.vector_load %arg8[%get3A_415, %get3A_416, %get3A_417] {strides = array<i32>} : memref<2x80x128xf32, #tpu.memory_space<vmem>>, vector<16xf32>,
        %mul3A_419 = arith.mulf %get3A_418, %bitcast_convert_type3A_409 : vector<16xf32>
        %swap3A_420 = arith.index_cast %add3A_290 : i32 to index
        %swap3A_421 = arith.constant 32 : index
        %swap3A_422 = tpu.vector_load %arg10[%swap3A_420, %swap3A_421] {strides = array<i32>} : memref<80x128xf32, #tpu.memory_space<vmem>>, vector<16xf32>,
        tpu.vector_store %arg10[%swap3A_420, %swap3A_421], %mul3A_419 {strides = array<i32>} : memref<80x128xf32, #tpu.memory_space<vmem>>, vector<16xf32>,
        %get3A_423 = arith.constant 1 : i32
        %get3A_424 = arith.index_cast %get3A_423 : i32 to index
        %get3A_425 = arith.index_cast %add3A_290 : i32 to index
        %get3A_426 = arith.constant 96 : index
        %get3A_427 = tpu.vector_load %arg8[%get3A_424, %get3A_425, %get3A_426] {strides = array<i32>} : memref<2x80x128xf32, #tpu.memory_space<vmem>>, vector<16xf32>,
        %mul3A_428 = arith.mulf %get3A_427, %bitcast_convert_type3A_413 : vector<16xf32>
        %swap3A_429 = arith.index_cast %add3A_290 : i32 to index
        %swap3A_430 = arith.constant 96 : index
        %swap3A_431 = tpu.vector_load %arg10[%swap3A_429, %swap3A_430] {strides = array<i32>} : memref<80x128xf32, #tpu.memory_space<vmem>>, vector<16xf32>,
        tpu.vector_store %arg10[%swap3A_429, %swap3A_430], %mul3A_428 {strides = array<i32>} : memref<80x128xf32, #tpu.memory_space<vmem>>, vector<16xf32>,
        %add3A_432 = arith.constant 40 : i32
        %add3A_433 = arith.addi %add3A_432, %add3A_290 : i32
        %get3A_434 = arith.constant 1 : i32
        %get3A_435 = arith.index_cast %get3A_434 : i32 to index
        %get3A_436 = arith.index_cast %add3A_433 : i32 to index
        %get3A_437 = arith.constant 32 : index
        %get3A_438 = tpu.vector_load %arg8[%get3A_435, %get3A_436, %get3A_437] {strides = array<i32>} : memref<2x80x128xf32, #tpu.memory_space<vmem>>, vector<16xf32>,
        %mul3A_439 = arith.mulf %get3A_438, %bitcast_convert_type3A_409 : vector<16xf32>
        %add3A_440 = arith.constant 40 : i32
        %add3A_441 = arith.addi %add3A_440, %add3A_290 : i32
        %swap3A_442 = arith.index_cast %add3A_441 : i32 to index
        %swap3A_443 = arith.constant 32 : index
        %swap3A_444 = tpu.vector_load %arg10[%swap3A_442, %swap3A_443] {strides = array<i32>} : memref<80x128xf32, #tpu.memory_space<vmem>>, vector<16xf32>,
        tpu.vector_store %arg10[%swap3A_442, %swap3A_443], %mul3A_439 {strides = array<i32>} : memref<80x128xf32, #tpu.memory_space<vmem>>, vector<16xf32>,
        %add3A_445 = arith.constant 40 : i32
        %add3A_446 = arith.addi %add3A_445, %add3A_290 : i32
        %get3A_447 = arith.constant 1 : i32
        %get3A_448 = arith.index_cast %get3A_447 : i32 to index
        %get3A_449 = arith.index_cast %add3A_446 : i32 to index
        %get3A_450 = arith.constant 96 : index
        %get3A_451 = tpu.vector_load %arg8[%get3A_448, %get3A_449, %get3A_450] {strides = array<i32>} : memref<2x80x128xf32, #tpu.memory_space<vmem>>, vector<16xf32>,
        %mul3A_452 = arith.mulf %get3A_451, %bitcast_convert_type3A_413 : vector<16xf32>
        %add3A_453 = arith.constant 40 : i32
        %add3A_454 = arith.addi %add3A_453, %add3A_290 : i32
        %swap3A_455 = arith.index_cast %add3A_454 : i32 to index
        %swap3A_456 = arith.constant 96 : index
        %swap3A_457 = tpu.vector_load %arg10[%swap3A_455, %swap3A_456] {strides = array<i32>} : memref<80x128xf32, #tpu.memory_space<vmem>>, vector<16xf32>,
        tpu.vector_store %arg10[%swap3A_455, %swap3A_456], %mul3A_452 {strides = array<i32>} : memref<80x128xf32, #tpu.memory_space<vmem>>, vector<16xf32>,
        %get3A_458 = arith.constant 1 : i32
        %get3A_459 = arith.index_cast %get3A_458 : i32 to index
        %get3A_460 = arith.index_cast %add3A_290 : i32 to index
        %get3A_461 = arith.constant 48 : index
        %get3A_462 = tpu.vector_load %arg9[%get3A_459, %get3A_460, %get3A_461] {strides = array<i32>} : memref<2x40x64xi32, #tpu.memory_space<vmem>>, vector<16xi32>,
        %shift_left3A_463 = arith.constant 16 : i32
        %shift_left3A_464 = vector.broadcast %shift_left3A_463 : i32 to vector<16xi32>
        %shift_left3A_465 = arith.shli %get3A_462, %shift_left3A_464 : vector<16xi32>
        %bitcast_convert_type3A_466 = tpu.bitcast %shift_left3A_465 : vector<16xi32> -> vector<16xf32>
        %and3A_467 = arith.constant -65536 : i32
        %and3A_468 = vector.broadcast %and3A_467 : i32 to vector<16xi32>
        %and3A_469 = arith.andi %get3A_462, %and3A_468 : vector<16xi32>
        %bitcast_convert_type3A_470 = tpu.bitcast %and3A_469 : vector<16xi32> -> vector<16xf32>
        %get3A_471 = arith.constant 1 : i32
        %get3A_472 = arith.index_cast %get3A_471 : i32 to index
        %get3A_473 = arith.index_cast %add3A_290 : i32 to index
        %get3A_474 = arith.constant 48 : index
        %get3A_475 = tpu.vector_load %arg8[%get3A_472, %get3A_473, %get3A_474] {strides = array<i32>} : memref<2x80x128xf32, #tpu.memory_space<vmem>>, vector<16xf32>,
        %mul3A_476 = arith.mulf %get3A_475, %bitcast_convert_type3A_466 : vector<16xf32>
        %swap3A_477 = arith.index_cast %add3A_290 : i32 to index
        %swap3A_478 = arith.constant 48 : index
        %swap3A_479 = tpu.vector_load %arg10[%swap3A_477, %swap3A_478] {strides = array<i32>} : memref<80x128xf32, #tpu.memory_space<vmem>>, vector<16xf32>,
        tpu.vector_store %arg10[%swap3A_477, %swap3A_478], %mul3A_476 {strides = array<i32>} : memref<80x128xf32, #tpu.memory_space<vmem>>, vector<16xf32>,
        %get3A_480 = arith.constant 1 : i32
        %get3A_481 = arith.index_cast %get3A_480 : i32 to index
        %get3A_482 = arith.index_cast %add3A_290 : i32 to index
        %get3A_483 = arith.constant 112 : index
        %get3A_484 = tpu.vector_load %arg8[%get3A_481, %get3A_482, %get3A_483] {strides = array<i32>} : memref<2x80x128xf32, #tpu.memory_space<vmem>>, vector<16xf32>,
        %mul3A_485 = arith.mulf %get3A_484, %bitcast_convert_type3A_470 : vector<16xf32>
        %swap3A_486 = arith.index_cast %add3A_290 : i32 to index
        %swap3A_487 = arith.constant 112 : index
        %swap3A_488 = tpu.vector_load %arg10[%swap3A_486, %swap3A_487] {strides = array<i32>} : memref<80x128xf32, #tpu.memory_space<vmem>>, vector<16xf32>,
        tpu.vector_store %arg10[%swap3A_486, %swap3A_487], %mul3A_485 {strides = array<i32>} : memref<80x128xf32, #tpu.memory_space<vmem>>, vector<16xf32>,
        %add3A_489 = arith.constant 40 : i32
        %add3A_490 = arith.addi %add3A_489, %add3A_290 : i32
        %get3A_491 = arith.constant 1 : i32
        %get3A_492 = arith.index_cast %get3A_491 : i32 to index
        %get3A_493 = arith.index_cast %add3A_490 : i32 to index
        %get3A_494 = arith.constant 48 : index
        %get3A_495 = tpu.vector_load %arg8[%get3A_492, %get3A_493, %get3A_494] {strides = array<i32>} : memref<2x80x128xf32, #tpu.memory_space<vmem>>, vector<16xf32>,
        %mul3A_496 = arith.mulf %get3A_495, %bitcast_convert_type3A_466 : vector<16xf32>
        %add3A_497 = arith.constant 40 : i32
        %add3A_498 = arith.addi %add3A_497, %add3A_290 : i32
        %swap3A_499 = arith.index_cast %add3A_498 : i32 to index
        %swap3A_500 = arith.constant 48 : index
        %swap3A_501 = tpu.vector_load %arg10[%swap3A_499, %swap3A_500] {strides = array<i32>} : memref<80x128xf32, #tpu.memory_space<vmem>>, vector<16xf32>,
        tpu.vector_store %arg10[%swap3A_499, %swap3A_500], %mul3A_496 {strides = array<i32>} : memref<80x128xf32, #tpu.memory_space<vmem>>, vector<16xf32>,
        %add3A_502 = arith.constant 40 : i32
        %add3A_503 = arith.addi %add3A_502, %add3A_290 : i32
        %get3A_504 = arith.constant 1 : i32
        %get3A_505 = arith.index_cast %get3A_504 : i32 to index
        %get3A_506 = arith.index_cast %add3A_503 : i32 to index
        %get3A_507 = arith.constant 112 : index
        %get3A_508 = tpu.vector_load %arg8[%get3A_505, %get3A_506, %get3A_507] {strides = array<i32>} : memref<2x80x128xf32, #tpu.memory_space<vmem>>, vector<16xf32>,
        %mul3A_509 = arith.mulf %get3A_508, %bitcast_convert_type3A_470 : vector<16xf32>
        %add3A_510 = arith.constant 40 : i32
        %add3A_511 = arith.addi %add3A_510, %add3A_290 : i32
        %swap3A_512 = arith.index_cast %add3A_511 : i32 to index
        %swap3A_513 = arith.constant 112 : index
        %swap3A_514 = tpu.vector_load %arg10[%swap3A_512, %swap3A_513] {strides = array<i32>} : memref<80x128xf32, #tpu.memory_space<vmem>>, vector<16xf32>,
        tpu.vector_store %arg10[%swap3A_512, %swap3A_513], %mul3A_509 {strides = array<i32>} : memref<80x128xf32, #tpu.memory_space<vmem>>, vector<16xf32>,
      }
      %scan3A_263 = arith.constant 40 : i32
      %jit3A_264 = arith.constant 4 : i32
      %eq3A_265 = arith.constant 0 : i32
      %eq3A_266 = arith.cmpi eq, %jit3A_264, %eq3A_265 : i32
      %jit3A_267 = arith.constant 1 : i32
      %select_n3A_268 = arith.select %eq3A_266, %jit3A_267, %jit3A_264 : i32
      %rem3A_269 = arith.remsi %add3A_209, %select_n3A_268 : i32
      %ne3A_270 = arith.constant 0 : i32
      %ne3A_271 = arith.cmpi ne, %rem3A_269, %ne3A_270 : i32
      %lt3A_272 = arith.constant 0 : i32
      %lt3A_273 = arith.cmpi slt, %rem3A_269, %lt3A_272 : i32
      %lt3A_274 = arith.constant 0 : i32
      %lt3A_275 = arith.cmpi slt, %select_n3A_268, %lt3A_274 : i32
      %ne3A_276 = arith.xori %lt3A_273, %lt3A_275 : i1
      %and3A_277 = arith.andi %ne3A_276, %ne3A_271 : i1
      %add3A_278 = arith.addi %rem3A_269, %select_n3A_268 : i32
      %select_n3A_279 = arith.select %and3A_277, %add3A_278, %rem3A_269 : i32
      %dma_start3A_280 = arith.constant 0 : i32
      %dma_start3A_281 = tpu.memref_slice %arg12[%select_n3A_279, %dma_start3A_280] : memref<4x80xi32, #tpu.memory_space<vmem>> -> memref<1x80xi32, #tpu.memory_space<vmem>>
      %dma_start3A_282 = tpu.memref_squeeze %dma_start3A_281 : memref<1x80xi32, #tpu.memory_space<vmem>> -> memref<80xi32, #tpu.memory_space<vmem>>
      %dma_start3A_283 = arith.constant 0 : i32
      %dma_start3A_284 = arith.constant 0 : i32
      %dma_start3A_285 = tpu.memref_slice %arg7[%dma_start3A_283, %dma_start3A_284] : memref<10000x128xf32, #tpu.memory_space<vmem_shared>> -> memref<10000x128xf32, #tpu.memory_space<vmem_shared>>
      tpu.enqueue_indirect_dma source(%arg10 : memref<80x128xf32, #tpu.memory_space<vmem>>) target(%dma_start3A_285 : memref<10000x128xf32, #tpu.memory_space<vmem_shared>>) offsets(%dma_start3A_282 : memref<80xi32, #tpu.memory_space<vmem>>) semaphore(%arg18 : memref<!tpu.dma_semaphore, #tpu.memory_space<semaphore_mem>>) {add = true}
    }
    %scan3A_119 = arith.constant 125 : i32
    %dma_wait3A_120 = arith.constant 0 : i32
    %dma_wait3A_121 = arith.constant 0 : i32
    %dma_wait3A_122 = tpu.memref_slice %arg7[%dma_wait3A_120, %dma_wait3A_121] : memref<10000x128xf32, #tpu.memory_space<vmem_shared>> -> memref<80x128xf32, #tpu.memory_space<vmem_shared>>
    %dma_wait3A_123 = arith.constant 0 : i32
    %dma_wait3A_124 = arith.constant 0 : i32
    %dma_wait3A_125 = tpu.memref_slice %arg7[%dma_wait3A_123, %dma_wait3A_124] : memref<10000x128xf32, #tpu.memory_space<vmem_shared>> -> memref<80x128xf32, #tpu.memory_space<vmem_shared>>
    tpu.wait_dma2 semaphore(%arg18 : memref<!tpu.dma_semaphore, #tpu.memory_space<semaphore_mem>>) src(%arg10 : memref<80x128xf32, #tpu.memory_space<vmem>>) dst(%dma_wait3A_125 : memref<80x128xf32, #tpu.memory_space<vmem_shared>>)
    %barrier3A_126 = arith.constant 0 : index
    tpu.barrier barrier_id(%barrier3A_126)
    "tpu.region"() ({
      %run_scoped3A = tpu.sem_alloc : memref<!tpu.dma_semaphore, #tpu.memory_space<semaphore_mem>>
      %dma_start3A_132 = arith.constant 0 : i32
      %dma_start3A_133 = tpu.memref_slice %arg6[%arg0, %multiple_of3A, %dma_start3A_132] : memref<2x10000x128xf32, #tpu.memory_space<hbm>> -> memref<1x624x128xf32, #tpu.memory_space<hbm>>
      %dma_start3A_134 = tpu.memref_squeeze %dma_start3A_133 : memref<1x624x128xf32, #tpu.memory_space<hbm>> -> memref<624x128xf32, #tpu.memory_space<hbm>>
      %dma_start3A_135 = arith.constant 0 : i32
      %dma_start3A_136 = tpu.memref_slice %arg7[%multiple_of3A, %dma_start3A_135] : memref<10000x128xf32, #tpu.memory_space<vmem_shared>> -> memref<624x128xf32, #tpu.memory_space<vmem_shared>>
      tpu.enqueue_dma source(%dma_start3A_136 : memref<624x128xf32, #tpu.memory_space<vmem_shared>>) target(%dma_start3A_134 : memref<624x128xf32, #tpu.memory_space<hbm>>) target_semaphore(%run_scoped3A : memref<!tpu.dma_semaphore, #tpu.memory_space<semaphore_mem>>)
      %dma_wait3A_137 = arith.constant 0 : i32
      %dma_wait3A_138 = tpu.memref_slice %arg6[%arg0, %multiple_of3A, %dma_wait3A_137] : memref<2x10000x128xf32, #tpu.memory_space<hbm>> -> memref<1x624x128xf32, #tpu.memory_space<hbm>>
      %dma_wait3A_139 = tpu.memref_squeeze %dma_wait3A_138 : memref<1x624x128xf32, #tpu.memory_space<hbm>> -> memref<624x128xf32, #tpu.memory_space<hbm>>
      %dma_wait3A_140 = arith.constant 0 : i32
      %dma_wait3A_141 = tpu.memref_slice %arg7[%multiple_of3A, %dma_wait3A_140] : memref<10000x128xf32, #tpu.memory_space<vmem_shared>> -> memref<624x128xf32, #tpu.memory_space<vmem_shared>>
      tpu.wait_dma2 semaphore(%run_scoped3A : memref<!tpu.dma_semaphore, #tpu.memory_space<semaphore_mem>>) src(%dma_wait3A_141 : memref<624x128xf32, #tpu.memory_space<vmem_shared>>) dst(%dma_wait3A_139 : memref<624x128xf32, #tpu.memory_space<hbm>>)
      tpu.yield
    }) : () -> ()
    %eq3A_127 = arith.constant 15 : i32
    %eq3A_128 = arith.cmpi eq, %arg1, %eq3A_127 : i32
    %convert_element_type3A_129 = arith.extui %eq3A_128 : i1 to i32
    %cond3A_130 = arith.constant 0 : i32
    %cond3A_131 = arith.cmpi ne, %convert_element_type3A_129, %cond3A_130 : i32
    scf.if %cond3A_131 {
      "tpu.region"() ({
        %run_scoped3A = tpu.sem_alloc : memref<!tpu.dma_semaphore, #tpu.memory_space<semaphore_mem>>
        %dma_start3A_132 = arith.constant 9984 : i32
        %dma_start3A_133 = arith.constant 0 : i32
        %dma_start3A_134 = tpu.memref_slice %arg6[%arg0, %dma_start3A_132, %dma_start3A_133] : memref<2x10000x128xf32, #tpu.memory_space<hbm>> -> memref<1x16x128xf32, #tpu.memory_space<hbm>>
        %dma_start3A_135 = tpu.memref_squeeze %dma_start3A_134 : memref<1x16x128xf32, #tpu.memory_space<hbm>> -> memref<16x128xf32, #tpu.memory_space<hbm>>
        %dma_start3A_136 = arith.constant 9984 : i32
        %dma_start3A_137 = arith.constant 0 : i32
        %dma_start3A_138 = tpu.memref_slice %arg7[%dma_start3A_136, %dma_start3A_137] : memref<10000x128xf32, #tpu.memory_space<vmem_shared>> -> memref<16x128xf32, #tpu.memory_space<vmem_shared>>
        tpu.enqueue_dma source(%dma_start3A_138 : memref<16x128xf32, #tpu.memory_space<vmem_shared>>) target(%dma_start3A_135 : memref<16x128xf32, #tpu.memory_space<hbm>>) target_semaphore(%run_scoped3A : memref<!tpu.dma_semaphore, #tpu.memory_space<semaphore_mem>>)
        %dma_wait3A_139 = arith.constant 9984 : i32
        %dma_wait3A_140 = arith.constant 0 : i32
        %dma_wait3A_141 = tpu.memref_slice %arg6[%arg0, %dma_wait3A_139, %dma_wait3A_140] : memref<2x10000x128xf32, #tpu.memory_space<hbm>> -> memref<1x16x128xf32, #tpu.memory_space<hbm>>
        %dma_wait3A_142 = tpu.memref_squeeze %dma_wait3A_141 : memref<1x16x128xf32, #tpu.memory_space<hbm>> -> memref<16x128xf32, #tpu.memory_space<hbm>>
        %dma_wait3A_143 = arith.constant 9984 : i32
        %dma_wait3A_144 = arith.constant 0 : i32
        %dma_wait3A_145 = tpu.memref_slice %arg7[%dma_wait3A_143, %dma_wait3A_144] : memref<10000x128xf32, #tpu.memory_space<vmem_shared>> -> memref<16x128xf32, #tpu.memory_space<vmem_shared>>
        tpu.wait_dma2 semaphore(%run_scoped3A : memref<!tpu.dma_semaphore, #tpu.memory_space<semaphore_mem>>) src(%dma_wait3A_145 : memref<16x128xf32, #tpu.memory_space<vmem_shared>>) dst(%dma_wait3A_142 : memref<16x128xf32, #tpu.memory_space<hbm>>)
        tpu.yield
      }) : () -> ()
    } else {
    }
    return
  }
}

#map = affine_map<(d0, d1) -> (0, 0)>
#map1 = affine_map<(d0, d1) -> (0)>
#map2 = affine_map<(d0, d1) -> (0, 0, 0)>
module attributes {stable_mosaic.version = 14 : i64} {
  func.func @k(%arg0: i32, %arg1: i32, %arg2: memref<10000x128xf32, #tpu.memory_space<hbm>>, %arg3: memref<320000x64xi32, #tpu.memory_space<hbm>>, %arg4: memref<640000xi32, #tpu.memory_space<hbm>>, %arg5: memref<640000xi32, #tpu.memory_space<hbm>>, %arg6: memref<2x10000x128xf32, #tpu.memory_space<hbm>>, %arg7: memref<10000x128xf32, #tpu.memory_space<vmem_shared>>, %arg8: memref<2x80x128xf32, #tpu.memory_space<vmem>>, %arg9: memref<2x40x64xi32, #tpu.memory_space<vmem>>, %arg10: memref<80x128xf32, #tpu.memory_space<vmem>>, %arg11: memref<4x80xi32, #tpu.memory_space<vmem>>, %arg12: memref<4x80xi32, #tpu.memory_space<vmem>>, %arg13: memref<!tpu.dma_semaphore, #tpu.memory_space<semaphore_mem>>, %arg14: memref<!tpu.dma_semaphore, #tpu.memory_space<semaphore_mem>>, %arg15: memref<!tpu.dma_semaphore, #tpu.memory_space<semaphore_mem>>, %arg16: memref<!tpu.dma_semaphore, #tpu.memory_space<semaphore_mem>>, %arg17: memref<!tpu.dma_semaphore, #tpu.memory_space<semaphore_mem>>, %arg18: memref<!tpu.dma_semaphore, #tpu.memory_space<semaphore_mem>>) attributes {dimension_semantics = [#tpu.dimension_semantics<core_parallel>, #tpu.dimension_semantics<subcore_parallel>], iteration_bounds = array<i64: 2, 16>, scalar_prefetch = 0 : i64, scratch_operands = 12 : i64, tpu.core_type = #tpu.core_type<sc_vector_subcore>, window_params = [{transform_indices = #map}, {transform_indices = #map}, {transform_indices = #map1}, {transform_indices = #map1}, {transform_indices = #map2}]} {
    %mul3A = arith.constant 2 : i32
    %mul3A_0 = arith.muli %arg1, %mul3A : i32
    %add3A = arith.addi %mul3A_0, %arg0 : i32
    %mul3A_1 = arith.constant 624 : i32
    %mul3A_2 = arith.muli %arg1, %mul3A_1 : i32
    %multiple_of3A = tpu.assume_multiple %mul3A_2, 8 : i32
    %mul3A_3 = arith.constant 10000 : i32
    %mul3A_4 = arith.muli %add3A, %mul3A_3 : i32
    %multiple_of3A_5 = tpu.assume_multiple %mul3A_4, 8 : i32
    %mul3A_6 = arith.constant 10000 : i32
    %mul3A_7 = arith.muli %add3A, %mul3A_6 : i32
    %mul3A_8 = arith.constant 2 : i32
    %mul3A_9 = arith.muli %mul3A_7, %mul3A_8 : i32
    %multiple_of3A_10 = tpu.assume_multiple %mul3A_9, 8 : i32
    %scan3A = arith.constant 0 : i32
    %scan3A_11 = arith.constant 80 : i32
    %scan3A_12 = arith.addi %scan3A, %scan3A_11 : i32
    %scan3A_13 = arith.constant 1 : i32
    scf.for %scan3A_132 = %scan3A to %scan3A_12 step %scan3A_13  : i32 {
      %mul3A_133 = arith.constant 1 : i32
      %mul3A_134 = arith.muli %scan3A_132, %mul3A_133 : i32
      %add3A_135 = arith.constant 0 : i32
      %add3A_136 = arith.addi %add3A_135, %mul3A_134 : i32
      %scan3A_137 = arith.constant 0 : i32
      %scan3A_138 = arith.constant 8 : i32
      %scan3A_139 = arith.addi %scan3A_137, %scan3A_138 : i32
      %scan3A_140 = arith.constant 1 : i32
      scf.for %scan3A_142 = %scan3A_137 to %scan3A_139 step %scan3A_140  : i32 {
        %mul3A_143 = arith.constant 16 : i32
        %mul3A_144 = arith.muli %scan3A_142, %mul3A_143 : i32
        %add3A_145 = arith.constant 0 : i32
        %add3A_146 = arith.addi %add3A_145, %mul3A_144 : i32
        %broadcast_in_dim3A = arith.constant 0.000000e+00 : f32
        %broadcast_in_dim3A_147 = vector.broadcast %broadcast_in_dim3A : f32 to vector<16xf32>
        %swap3A = arith.index_cast %add3A_136 : i32 to index
        %swap3A_148 = arith.index_cast %add3A_146 : i32 to index
        %swap3A_149 = tpu.vector_load %arg10[%swap3A, %swap3A_148] {strides = array<i32>} : memref<80x128xf32, #tpu.memory_space<vmem>>, vector<16xf32>,
        tpu.vector_store %arg10[%swap3A, %swap3A_148], %broadcast_in_dim3A_147 {strides = array<i32>} : memref<80x128xf32, #tpu.memory_space<vmem>>, vector<16xf32>,
      }
      %scan3A_141 = arith.constant 8 : i32
    }
    %scan3A_14 = arith.constant 80 : i32
    %scan3A_15 = arith.constant 0 : i32
    %scan3A_16 = arith.constant 7 : i32
    %scan3A_17 = arith.addi %scan3A_15, %scan3A_16 : i32
    %scan3A_18 = arith.constant 1 : i32
    scf.for %scan3A_132 = %scan3A_15 to %scan3A_17 step %scan3A_18  : i32 {
      %mul3A_133 = arith.constant 80 : i32
      %mul3A_134 = arith.muli %scan3A_132, %mul3A_133 : i32
      %add3A_135 = arith.constant 0 : i32
      %add3A_136 = arith.addi %add3A_135, %mul3A_134 : i32
      %add3A_137 = arith.addi %multiple_of3A, %add3A_136 : i32
      "tpu.region"() ({
        %run_scoped3A = tpu.sem_alloc : memref<!tpu.dma_semaphore, #tpu.memory_space<semaphore_mem>>
        %dma_start3A_138 = arith.constant 0 : i32
        %dma_start3A_139 = tpu.memref_slice %arg7[%add3A_137, %dma_start3A_138] : memref<10000x128xf32, #tpu.memory_space<vmem_shared>> -> memref<80x128xf32, #tpu.memory_space<vmem_shared>>
        %dma_start3A_140 = arith.constant 0 : i32
        %dma_start3A_141 = tpu.memref_slice %arg7[%add3A_137, %dma_start3A_140] : memref<10000x128xf32, #tpu.memory_space<vmem_shared>> -> memref<80x128xf32, #tpu.memory_space<vmem_shared>>
        tpu.enqueue_dma source(%arg10 : memref<80x128xf32, #tpu.memory_space<vmem>>) target(%dma_start3A_141 : memref<80x128xf32, #tpu.memory_space<vmem_shared>>) target_semaphore(%run_scoped3A : memref<!tpu.dma_semaphore, #tpu.memory_space<semaphore_mem>>)
        %dma_wait3A_142 = arith.constant 0 : i32
        %dma_wait3A_143 = tpu.memref_slice %arg7[%add3A_137, %dma_wait3A_142] : memref<10000x128xf32, #tpu.memory_space<vmem_shared>> -> memref<80x128xf32, #tpu.memory_space<vmem_shared>>
        %dma_wait3A_144 = arith.constant 0 : i32
        %dma_wait3A_145 = tpu.memref_slice %arg7[%add3A_137, %dma_wait3A_144] : memref<10000x128xf32, #tpu.memory_space<vmem_shared>> -> memref<80x128xf32, #tpu.memory_space<vmem_shared>>
        tpu.wait_dma2 semaphore(%run_scoped3A : memref<!tpu.dma_semaphore, #tpu.memory_space<semaphore_mem>>) src(%arg10 : memref<80x128xf32, #tpu.memory_space<vmem>>) dst(%dma_wait3A_145 : memref<80x128xf32, #tpu.memory_space<vmem_shared>>)
        tpu.yield
      }) : () -> ()
    }
    %scan3A_19 = arith.constant 7 : i32
    %add3A_20 = arith.constant 624 : i32
    %add3A_21 = arith.addi %multiple_of3A, %add3A_20 : i32
    %sub3A = arith.constant 64 : i32
    %sub3A_22 = arith.subi %add3A_21, %sub3A : i32
    "tpu.region"() ({
      %run_scoped3A = tpu.sem_alloc : memref<!tpu.dma_semaphore, #tpu.memory_space<semaphore_mem>>
      %dma_start3A_132 = arith.constant 0 : i32
      %dma_start3A_133 = arith.constant 0 : i32
      %dma_start3A_134 = tpu.memref_slice %arg10[%dma_start3A_132, %dma_start3A_133] : memref<80x128xf32, #tpu.memory_space<vmem>> -> memref<64x128xf32, #tpu.memory_space<vmem>>
      %dma_start3A_135 = arith.constant 0 : i32
      %dma_start3A_136 = tpu.memref_slice %arg7[%sub3A_22, %dma_start3A_135] : memref<10000x128xf32, #tpu.memory_space<vmem_shared>> -> memref<64x128xf32, #tpu.memory_space<vmem_shared>>
      %dma_start3A_137 = arith.constant 0 : i32
      %dma_start3A_138 = tpu.memref_slice %arg7[%sub3A_22, %dma_start3A_137] : memref<10000x128xf32, #tpu.memory_space<vmem_shared>> -> memref<64x128xf32, #tpu.memory_space<vmem_shared>>
      %dma_start3A_139 = arith.constant 0 : i32
      %dma_start3A_140 = arith.constant 0 : i32
      %dma_start3A_141 = tpu.memref_slice %arg10[%dma_start3A_139, %dma_start3A_140] : memref<80x128xf32, #tpu.memory_space<vmem>> -> memref<64x128xf32, #tpu.memory_space<vmem>>
      tpu.enqueue_dma source(%dma_start3A_141 : memref<64x128xf32, #tpu.memory_space<vmem>>) target(%dma_start3A_138 : memref<64x128xf32, #tpu.memory_space<vmem_shared>>) target_semaphore(%run_scoped3A : memref<!tpu.dma_semaphore, #tpu.memory_space<semaphore_mem>>)
      %dma_wait3A_142 = arith.constant 0 : i32
      %dma_wait3A_143 = arith.constant 0 : i32
      %dma_wait3A_144 = tpu.memref_slice %arg10[%dma_wait3A_142, %dma_wait3A_143] : memref<80x128xf32, #tpu.memory_space<vmem>> -> memref<64x128xf32, #tpu.memory_space<vmem>>
      %dma_wait3A_145 = arith.constant 0 : i32
      %dma_wait3A_146 = tpu.memref_slice %arg7[%sub3A_22, %dma_wait3A_145] : memref<10000x128xf32, #tpu.memory_space<vmem_shared>> -> memref<64x128xf32, #tpu.memory_space<vmem_shared>>
      %dma_wait3A_147 = arith.constant 0 : i32
      %dma_wait3A_148 = tpu.memref_slice %arg7[%sub3A_22, %dma_wait3A_147] : memref<10000x128xf32, #tpu.memory_space<vmem_shared>> -> memref<64x128xf32, #tpu.memory_space<vmem_shared>>
      %dma_wait3A_149 = arith.constant 0 : i32
      %dma_wait3A_150 = arith.constant 0 : i32
      %dma_wait3A_151 = tpu.memref_slice %arg10[%dma_wait3A_149, %dma_wait3A_150] : memref<80x128xf32, #tpu.memory_space<vmem>> -> memref<64x128xf32, #tpu.memory_space<vmem>>
      tpu.wait_dma2 semaphore(%run_scoped3A : memref<!tpu.dma_semaphore, #tpu.memory_space<semaphore_mem>>) src(%dma_wait3A_151 : memref<64x128xf32, #tpu.memory_space<vmem>>) dst(%dma_wait3A_148 : memref<64x128xf32, #tpu.memory_space<vmem_shared>>)
      tpu.yield
    }) : () -> ()
    %eq3A = arith.constant 15 : i32
    %eq3A_23 = arith.cmpi eq, %arg1, %eq3A : i32
    %convert_element_type3A = arith.extui %eq3A_23 : i1 to i32
    %cond3A = arith.constant 0 : i32
    %cond3A_24 = arith.cmpi ne, %convert_element_type3A, %cond3A : i32
    scf.if %cond3A_24 {
      "tpu.region"() ({
        %run_scoped3A = tpu.sem_alloc : memref<!tpu.dma_semaphore, #tpu.memory_space<semaphore_mem>>
        %dma_start3A_132 = arith.constant 0 : i32
        %dma_start3A_133 = arith.constant 0 : i32
        %dma_start3A_134 = tpu.memref_slice %arg10[%dma_start3A_132, %dma_start3A_133] : memref<80x128xf32, #tpu.memory_space<vmem>> -> memref<16x128xf32, #tpu.memory_space<vmem>>
        %dma_start3A_135 = arith.constant 9984 : i32
        %dma_start3A_136 = arith.constant 0 : i32
        %dma_start3A_137 = tpu.memref_slice %arg7[%dma_start3A_135, %dma_start3A_136] : memref<10000x128xf32, #tpu.memory_space<vmem_shared>> -> memref<16x128xf32, #tpu.memory_space<vmem_shared>>
        %dma_start3A_138 = arith.constant 9984 : i32
        %dma_start3A_139 = arith.constant 0 : i32
        %dma_start3A_140 = tpu.memref_slice %arg7[%dma_start3A_138, %dma_start3A_139] : memref<10000x128xf32, #tpu.memory_space<vmem_shared>> -> memref<16x128xf32, #tpu.memory_space<vmem_shared>>
        %dma_start3A_141 = arith.constant 0 : i32
        %dma_start3A_142 = arith.constant 0 : i32
        %dma_start3A_143 = tpu.memref_slice %arg10[%dma_start3A_141, %dma_start3A_142] : memref<80x128xf32, #tpu.memory_space<vmem>> -> memref<16x128xf32, #tpu.memory_space<vmem>>
        tpu.enqueue_dma source(%dma_start3A_143 : memref<16x128xf32, #tpu.memory_space<vmem>>) target(%dma_start3A_140 : memref<16x128xf32, #tpu.memory_space<vmem_shared>>) target_semaphore(%run_scoped3A : memref<!tpu.dma_semaphore, #tpu.memory_space<semaphore_mem>>)
        %dma_wait3A_144 = arith.constant 0 : i32
        %dma_wait3A_145 = arith.constant 0 : i32
        %dma_wait3A_146 = tpu.memref_slice %arg10[%dma_wait3A_144, %dma_wait3A_145] : memref<80x128xf32, #tpu.memory_space<vmem>> -> memref<16x128xf32, #tpu.memory_space<vmem>>
        %dma_wait3A_147 = arith.constant 9984 : i32
        %dma_wait3A_148 = arith.constant 0 : i32
        %dma_wait3A_149 = tpu.memref_slice %arg7[%dma_wait3A_147, %dma_wait3A_148] : memref<10000x128xf32, #tpu.memory_space<vmem_shared>> -> memref<16x128xf32, #tpu.memory_space<vmem_shared>>
        %dma_wait3A_150 = arith.constant 9984 : i32
        %dma_wait3A_151 = arith.constant 0 : i32
        %dma_wait3A_152 = tpu.memref_slice %arg7[%dma_wait3A_150, %dma_wait3A_151] : memref<10000x128xf32, #tpu.memory_space<vmem_shared>> -> memref<16x128xf32, #tpu.memory_space<vmem_shared>>
        %dma_wait3A_153 = arith.constant 0 : i32
        %dma_wait3A_154 = arith.constant 0 : i32
        %dma_wait3A_155 = tpu.memref_slice %arg10[%dma_wait3A_153, %dma_wait3A_154] : memref<80x128xf32, #tpu.memory_space<vmem>> -> memref<16x128xf32, #tpu.memory_space<vmem>>
        tpu.wait_dma2 semaphore(%run_scoped3A : memref<!tpu.dma_semaphore, #tpu.memory_space<semaphore_mem>>) src(%dma_wait3A_155 : memref<16x128xf32, #tpu.memory_space<vmem>>) dst(%dma_wait3A_152 : memref<16x128xf32, #tpu.memory_space<vmem_shared>>)
        tpu.yield
      }) : () -> ()
    } else {
    }
    %barrier3A = arith.constant 0 : index
    tpu.barrier barrier_id(%barrier3A)
    %add3A_25 = arith.constant 0 : i32
    %add3A_26 = arith.addi %multiple_of3A_10, %add3A_25 : i32
    %multiple_of3A_27 = tpu.assume_multiple %add3A_26, 8 : i32
    %dma_start3A = arith.constant 0 : i32
    %dma_start3A_28 = arith.constant 0 : i32
    %dma_start3A_29 = tpu.memref_slice %arg11[%dma_start3A, %dma_start3A_28] : memref<4x80xi32, #tpu.memory_space<vmem>> -> memref<1x80xi32, #tpu.memory_space<vmem>>
    %dma_start3A_30 = tpu.memref_squeeze %dma_start3A_29 : memref<1x80xi32, #tpu.memory_space<vmem>> -> memref<80xi32, #tpu.memory_space<vmem>>
    %dma_start3A_31 = tpu.memref_slice %arg4[%multiple_of3A_27] : memref<640000xi32, #tpu.memory_space<hbm>> -> memref<80xi32, #tpu.memory_space<hbm>>
    %dma_start3A_32 = arith.constant 0 : i32
    %dma_start3A_33 = tpu.memref_slice %arg11[%dma_start3A, %dma_start3A_32] : memref<4x80xi32, #tpu.memory_space<vmem>> -> memref<1x80xi32, #tpu.memory_space<vmem>>
    %dma_start3A_34 = tpu.memref_squeeze %dma_start3A_33 : memref<1x80xi32, #tpu.memory_space<vmem>> -> memref<80xi32, #tpu.memory_space<vmem>>
    %dma_start3A_35 = tpu.memref_slice %arg4[%multiple_of3A_27] : memref<640000xi32, #tpu.memory_space<hbm>> -> memref<80xi32, #tpu.memory_space<hbm>>
    tpu.enqueue_dma source(%dma_start3A_35 : memref<80xi32, #tpu.memory_space<hbm>>) target(%dma_start3A_34 : memref<80xi32, #tpu.memory_space<vmem>>) target_semaphore(%arg15 : memref<!tpu.dma_semaphore, #tpu.memory_space<semaphore_mem>>)
    %dma_start3A_36 = arith.constant 0 : i32
    %dma_start3A_37 = arith.constant 0 : i32
    %dma_start3A_38 = tpu.memref_slice %arg12[%dma_start3A_36, %dma_start3A_37] : memref<4x80xi32, #tpu.memory_space<vmem>> -> memref<1x80xi32, #tpu.memory_space<vmem>>
    %dma_start3A_39 = tpu.memref_squeeze %dma_start3A_38 : memref<1x80xi32, #tpu.memory_space<vmem>> -> memref<80xi32, #tpu.memory_space<vmem>>
    %dma_start3A_40 = tpu.memref_slice %arg5[%multiple_of3A_27] : memref<640000xi32, #tpu.memory_space<hbm>> -> memref<80xi32, #tpu.memory_space<hbm>>
    %dma_start3A_41 = arith.constant 0 : i32
    %dma_start3A_42 = tpu.memref_slice %arg12[%dma_start3A_36, %dma_start3A_41] : memref<4x80xi32, #tpu.memory_space<vmem>> -> memref<1x80xi32, #tpu.memory_space<vmem>>
    %dma_start3A_43 = tpu.memref_squeeze %dma_start3A_42 : memref<1x80xi32, #tpu.memory_space<vmem>> -> memref<80xi32, #tpu.memory_space<vmem>>
    %dma_start3A_44 = tpu.memref_slice %arg5[%multiple_of3A_27] : memref<640000xi32, #tpu.memory_space<hbm>> -> memref<80xi32, #tpu.memory_space<hbm>>
    tpu.enqueue_dma source(%dma_start3A_44 : memref<80xi32, #tpu.memory_space<hbm>>) target(%dma_start3A_43 : memref<80xi32, #tpu.memory_space<vmem>>) target_semaphore(%arg15 : memref<!tpu.dma_semaphore, #tpu.memory_space<semaphore_mem>>)
    %add3A_45 = arith.constant 80 : i32
    %add3A_46 = arith.addi %multiple_of3A_10, %add3A_45 : i32
    %multiple_of3A_47 = tpu.assume_multiple %add3A_46, 8 : i32
    %dma_start3A_48 = arith.constant 1 : i32
    %dma_start3A_49 = arith.constant 0 : i32
    %dma_start3A_50 = tpu.memref_slice %arg11[%dma_start3A_48, %dma_start3A_49] : memref<4x80xi32, #tpu.memory_space<vmem>> -> memref<1x80xi32, #tpu.memory_space<vmem>>
    %dma_start3A_51 = tpu.memref_squeeze %dma_start3A_50 : memref<1x80xi32, #tpu.memory_space<vmem>> -> memref<80xi32, #tpu.memory_space<vmem>>
    %dma_start3A_52 = tpu.memref_slice %arg4[%multiple_of3A_47] : memref<640000xi32, #tpu.memory_space<hbm>> -> memref<80xi32, #tpu.memory_space<hbm>>
    %dma_start3A_53 = arith.constant 0 : i32
    %dma_start3A_54 = tpu.memref_slice %arg11[%dma_start3A_48, %dma_start3A_53] : memref<4x80xi32, #tpu.memory_space<vmem>> -> memref<1x80xi32, #tpu.memory_space<vmem>>
    %dma_start3A_55 = tpu.memref_squeeze %dma_start3A_54 : memref<1x80xi32, #tpu.memory_space<vmem>> -> memref<80xi32, #tpu.memory_space<vmem>>
    %dma_start3A_56 = tpu.memref_slice %arg4[%multiple_of3A_47] : memref<640000xi32, #tpu.memory_space<hbm>> -> memref<80xi32, #tpu.memory_space<hbm>>
    tpu.enqueue_dma source(%dma_start3A_56 : memref<80xi32, #tpu.memory_space<hbm>>) target(%dma_start3A_55 : memref<80xi32, #tpu.memory_space<vmem>>) target_semaphore(%arg16 : memref<!tpu.dma_semaphore, #tpu.memory_space<semaphore_mem>>)
    %dma_start3A_57 = arith.constant 1 : i32
    %dma_start3A_58 = arith.constant 0 : i32
    %dma_start3A_59 = tpu.memref_slice %arg12[%dma_start3A_57, %dma_start3A_58] : memref<4x80xi32, #tpu.memory_space<vmem>> -> memref<1x80xi32, #tpu.memory_space<vmem>>
    %dma_start3A_60 = tpu.memref_squeeze %dma_start3A_59 : memref<1x80xi32, #tpu.memory_space<vmem>> -> memref<80xi32, #tpu.memory_space<vmem>>
    %dma_start3A_61 = tpu.memref_slice %arg5[%multiple_of3A_47] : memref<640000xi32, #tpu.memory_space<hbm>> -> memref<80xi32, #tpu.memory_space<hbm>>
    %dma_start3A_62 = arith.constant 0 : i32
    %dma_start3A_63 = tpu.memref_slice %arg12[%dma_start3A_57, %dma_start3A_62] : memref<4x80xi32, #tpu.memory_space<vmem>> -> memref<1x80xi32, #tpu.memory_space<vmem>>
    %dma_start3A_64 = tpu.memref_squeeze %dma_start3A_63 : memref<1x80xi32, #tpu.memory_space<vmem>> -> memref<80xi32, #tpu.memory_space<vmem>>
    %dma_start3A_65 = tpu.memref_slice %arg5[%multiple_of3A_47] : memref<640000xi32, #tpu.memory_space<hbm>> -> memref<80xi32, #tpu.memory_space<hbm>>
    tpu.enqueue_dma source(%dma_start3A_65 : memref<80xi32, #tpu.memory_space<hbm>>) target(%dma_start3A_64 : memref<80xi32, #tpu.memory_space<vmem>>) target_semaphore(%arg16 : memref<!tpu.dma_semaphore, #tpu.memory_space<semaphore_mem>>)
    %dma_wait3A = arith.constant 0 : i32
    %dma_wait3A_66 = arith.constant 0 : i32
    %dma_wait3A_67 = tpu.memref_slice %arg11[%dma_wait3A, %dma_wait3A_66] : memref<4x80xi32, #tpu.memory_space<vmem>> -> memref<1x80xi32, #tpu.memory_space<vmem>>
    %dma_wait3A_68 = tpu.memref_squeeze %dma_wait3A_67 : memref<1x80xi32, #tpu.memory_space<vmem>> -> memref<80xi32, #tpu.memory_space<vmem>>
    %dma_wait3A_69 = arith.constant 0 : i32
    %dma_wait3A_70 = tpu.memref_slice %arg4[%dma_wait3A_69] : memref<640000xi32, #tpu.memory_space<hbm>> -> memref<80xi32, #tpu.memory_space<hbm>>
    %dma_wait3A_71 = arith.constant 0 : i32
    %dma_wait3A_72 = tpu.memref_slice %arg11[%dma_wait3A, %dma_wait3A_71] : memref<4x80xi32, #tpu.memory_space<vmem>> -> memref<1x80xi32, #tpu.memory_space<vmem>>
    %dma_wait3A_73 = tpu.memref_squeeze %dma_wait3A_72 : memref<1x80xi32, #tpu.memory_space<vmem>> -> memref<80xi32, #tpu.memory_space<vmem>>
    %dma_wait3A_74 = arith.constant 0 : i32
    %dma_wait3A_75 = tpu.memref_slice %arg4[%dma_wait3A_74] : memref<640000xi32, #tpu.memory_space<hbm>> -> memref<80xi32, #tpu.memory_space<hbm>>
    tpu.wait_dma2 semaphore(%arg15 : memref<!tpu.dma_semaphore, #tpu.memory_space<semaphore_mem>>) src(%dma_wait3A_75 : memref<80xi32, #tpu.memory_space<hbm>>) dst(%dma_wait3A_73 : memref<80xi32, #tpu.memory_space<vmem>>)
    %dma_wait3A_76 = arith.constant 0 : i32
    %dma_wait3A_77 = arith.constant 0 : i32
    %dma_wait3A_78 = tpu.memref_slice %arg12[%dma_wait3A_76, %dma_wait3A_77] : memref<4x80xi32, #tpu.memory_space<vmem>> -> memref<1x80xi32, #tpu.memory_space<vmem>>
    %dma_wait3A_79 = tpu.memref_squeeze %dma_wait3A_78 : memref<1x80xi32, #tpu.memory_space<vmem>> -> memref<80xi32, #tpu.memory_space<vmem>>
    %dma_wait3A_80 = arith.constant 0 : i32
    %dma_wait3A_81 = tpu.memref_slice %arg5[%dma_wait3A_80] : memref<640000xi32, #tpu.memory_space<hbm>> -> memref<80xi32, #tpu.memory_space<hbm>>
    %dma_wait3A_82 = arith.constant 0 : i32
    %dma_wait3A_83 = tpu.memref_slice %arg12[%dma_wait3A_76, %dma_wait3A_82] : memref<4x80xi32, #tpu.memory_space<vmem>> -> memref<1x80xi32, #tpu.memory_space<vmem>>
    %dma_wait3A_84 = tpu.memref_squeeze %dma_wait3A_83 : memref<1x80xi32, #tpu.memory_space<vmem>> -> memref<80xi32, #tpu.memory_space<vmem>>
    %dma_wait3A_85 = arith.constant 0 : i32
    %dma_wait3A_86 = tpu.memref_slice %arg5[%dma_wait3A_85] : memref<640000xi32, #tpu.memory_space<hbm>> -> memref<80xi32, #tpu.memory_space<hbm>>
    tpu.wait_dma2 semaphore(%arg15 : memref<!tpu.dma_semaphore, #tpu.memory_space<semaphore_mem>>) src(%dma_wait3A_86 : memref<80xi32, #tpu.memory_space<hbm>>) dst(%dma_wait3A_84 : memref<80xi32, #tpu.memory_space<vmem>>)
    %add3A_87 = arith.constant 0 : i32
    %add3A_88 = arith.addi %multiple_of3A_5, %add3A_87 : i32
    %multiple_of3A_89 = tpu.assume_multiple %add3A_88, 8 : i32
    %dma_start3A_90 = arith.constant 0 : i32
    %dma_start3A_91 = arith.constant 0 : i32
    %dma_start3A_92 = arith.constant 0 : i32
    %dma_start3A_93 = arith.constant 0 : i32
    %dma_start3A_94 = tpu.memref_slice %arg8[%dma_start3A_91, %dma_start3A_92, %dma_start3A_93] : memref<2x80x128xf32, #tpu.memory_space<vmem>> -> memref<1x80x128xf32, #tpu.memory_space<vmem>>
    %dma_start3A_95 = tpu.memref_squeeze %dma_start3A_94 : memref<1x80x128xf32, #tpu.memory_space<vmem>> -> memref<80x128xf32, #tpu.memory_space<vmem>>
    %dma_start3A_96 = arith.constant 0 : i32
    %dma_start3A_97 = tpu.memref_slice %arg11[%dma_start3A_90, %dma_start3A_96] : memref<4x80xi32, #tpu.memory_space<vmem>> -> memref<1x80xi32, #tpu.memory_space<vmem>>
    %dma_start3A_98 = tpu.memref_squeeze %dma_start3A_97 : memref<1x80xi32, #tpu.memory_space<vmem>> -> memref<80xi32, #tpu.memory_space<vmem>>
    %dma_start3A_99 = arith.constant 0 : i32
    %dma_start3A_100 = arith.constant 0 : i32
    %dma_start3A_101 = tpu.memref_slice %arg2[%dma_start3A_99, %dma_start3A_100] : memref<10000x128xf32, #tpu.memory_space<hbm>> -> memref<10000x128xf32, #tpu.memory_space<hbm>>
    tpu.enqueue_indirect_dma source(%dma_start3A_101 : memref<10000x128xf32, #tpu.memory_space<hbm>>) target(%dma_start3A_95 : memref<80x128xf32, #tpu.memory_space<vmem>>) offsets(%dma_start3A_98 : memref<80xi32, #tpu.memory_space<vmem>>) semaphore(%arg13 : memref<!tpu.dma_semaphore, #tpu.memory_space<semaphore_mem>>)
    %dma_start3A_102 = arith.constant 0 : i32
    %dma_start3A_103 = arith.constant 0 : i32
    %dma_start3A_104 = arith.constant 0 : i32
    %dma_start3A_105 = tpu.memref_slice %arg9[%dma_start3A_102, %dma_start3A_103, %dma_start3A_104] : memref<2x40x64xi32, #tpu.memory_space<vmem>> -> memref<1x40x64xi32, #tpu.memory_space<vmem>>
    %dma_start3A_106 = tpu.memref_squeeze %dma_start3A_105 : memref<1x40x64xi32, #tpu.memory_space<vmem>> -> memref<40x64xi32, #tpu.memory_space<vmem>>
    %dma_start3A_107 = arith.constant 0 : i32
    %dma_start3A_108 = tpu.memref_slice %arg3[%multiple_of3A_89, %dma_start3A_107] : memref<320000x64xi32, #tpu.memory_space<hbm>> -> memref<40x64xi32, #tpu.memory_space<hbm>>
    %dma_start3A_109 = arith.constant 0 : i32
    %dma_start3A_110 = arith.constant 0 : i32
    %dma_start3A_111 = tpu.memref_slice %arg9[%dma_start3A_102, %dma_start3A_109, %dma_start3A_110] : memref<2x40x64xi32, #tpu.memory_space<vmem>> -> memref<1x40x64xi32, #tpu.memory_space<vmem>>
    %dma_start3A_112 = tpu.memref_squeeze %dma_start3A_111 : memref<1x40x64xi32, #tpu.memory_space<vmem>> -> memref<40x64xi32, #tpu.memory_space<vmem>>
    %dma_start3A_113 = arith.constant 0 : i32
    %dma_start3A_114 = tpu.memref_slice %arg3[%multiple_of3A_89, %dma_start3A_113] : memref<320000x64xi32, #tpu.memory_space<hbm>> -> memref<40x64xi32, #tpu.memory_space<hbm>>
    tpu.enqueue_dma source(%dma_start3A_114 : memref<40x64xi32, #tpu.memory_space<hbm>>) target(%dma_start3A_112 : memref<40x64xi32, #tpu.memory_space<vmem>>) target_semaphore(%arg13 : memref<!tpu.dma_semaphore, #tpu.memory_space<semaphore_mem>>)
    %scan3A_115 = arith.constant 0 : i32
    %scan3A_116 = arith.constant 125 : i32
    %scan3A_117 = arith.addi %scan3A_115, %scan3A_116 : i32
    %scan3A_118 = arith.constant 1 : i32
    scf.for %scan3A_132 = %scan3A_115 to %scan3A_117 step %scan3A_118  : i32 {
      %mul3A_133 = arith.constant 2 : i32
      %mul3A_134 = arith.muli %scan3A_132, %mul3A_133 : i32
      %add3A_135 = arith.constant 0 : i32
      %add3A_136 = arith.addi %add3A_135, %mul3A_134 : i32
      %add3A_137 = arith.constant 0 : i32
      %add3A_138 = arith.addi %add3A_136, %add3A_137 : i32
      %add3A_139 = arith.constant 2 : i32
      %add3A_140 = arith.addi %add3A_138, %add3A_139 : i32
      %lt3A = arith.constant 250 : i32
      %lt3A_141 = arith.cmpi slt, %add3A_140, %lt3A : i32
      %convert_element_type3A_142 = arith.extui %lt3A_141 : i1 to i32
      %cond3A_143 = arith.constant 0 : i32
      %cond3A_144 = arith.cmpi ne, %convert_element_type3A_142, %cond3A_143 : i32
      scf.if %cond3A_144 {
        %add3A_286 = arith.constant 2 : i32
        %add3A_287 = arith.addi %add3A_138, %add3A_286 : i32
        %mul3A_288 = arith.constant 80 : i32
        %mul3A_289 = arith.muli %add3A_287, %mul3A_288 : i32
        %add3A_290 = arith.addi %multiple_of3A_10, %mul3A_289 : i32
        %multiple_of3A_291 = tpu.assume_multiple %add3A_290, 8 : i32
        %jit3A_292 = arith.constant 4 : i32
        %eq3A_293 = arith.constant 0 : i32
        %eq3A_294 = arith.cmpi eq, %jit3A_292, %eq3A_293 : i32
        %jit3A_295 = arith.constant 1 : i32
        %select_n3A_296 = arith.select %eq3A_294, %jit3A_295, %jit3A_292 : i32
        %rem3A_297 = arith.remsi %add3A_287, %select_n3A_296 : i32
        %ne3A_298 = arith.constant 0 : i32
        %ne3A_299 = arith.cmpi ne, %rem3A_297, %ne3A_298 : i32
        %lt3A_300 = arith.constant 0 : i32
        %lt3A_301 = arith.cmpi slt, %rem3A_297, %lt3A_300 : i32
        %lt3A_302 = arith.constant 0 : i32
        %lt3A_303 = arith.cmpi slt, %select_n3A_296, %lt3A_302 : i32
        %ne3A_304 = arith.xori %lt3A_301, %lt3A_303 : i1
        %and3A_305 = arith.andi %ne3A_304, %ne3A_299 : i1
        %add3A_306 = arith.addi %rem3A_297, %select_n3A_296 : i32
        %select_n3A_307 = arith.select %and3A_305, %add3A_306, %rem3A_297 : i32
        %dma_start3A_308 = arith.constant 0 : i32
        %dma_start3A_309 = tpu.memref_slice %arg11[%select_n3A_307, %dma_start3A_308] : memref<4x80xi32, #tpu.memory_space<vmem>> -> memref<1x80xi32, #tpu.memory_space<vmem>>
        %dma_start3A_310 = tpu.memref_squeeze %dma_start3A_309 : memref<1x80xi32, #tpu.memory_space<vmem>> -> memref<80xi32, #tpu.memory_space<vmem>>
        %dma_start3A_311 = tpu.memref_slice %arg4[%multiple_of3A_291] : memref<640000xi32, #tpu.memory_space<hbm>> -> memref<80xi32, #tpu.memory_space<hbm>>
        %dma_start3A_312 = arith.constant 0 : i32
        %dma_start3A_313 = tpu.memref_slice %arg11[%select_n3A_307, %dma_start3A_312] : memref<4x80xi32, #tpu.memory_space<vmem>> -> memref<1x80xi32, #tpu.memory_space<vmem>>
        %dma_start3A_314 = tpu.memref_squeeze %dma_start3A_313 : memref<1x80xi32, #tpu.memory_space<vmem>> -> memref<80xi32, #tpu.memory_space<vmem>>
        %dma_start3A_315 = tpu.memref_slice %arg4[%multiple_of3A_291] : memref<640000xi32, #tpu.memory_space<hbm>> -> memref<80xi32, #tpu.memory_space<hbm>>
        tpu.enqueue_dma source(%dma_start3A_315 : memref<80xi32, #tpu.memory_space<hbm>>) target(%dma_start3A_314 : memref<80xi32, #tpu.memory_space<vmem>>) target_semaphore(%arg15 : memref<!tpu.dma_semaphore, #tpu.memory_space<semaphore_mem>>)
        %jit3A_316 = arith.constant 4 : i32
        %eq3A_317 = arith.constant 0 : i32
        %eq3A_318 = arith.cmpi eq, %jit3A_316, %eq3A_317 : i32
        %jit3A_319 = arith.constant 1 : i32
        %select_n3A_320 = arith.select %eq3A_318, %jit3A_319, %jit3A_316 : i32
        %rem3A_321 = arith.remsi %add3A_287, %select_n3A_320 : i32
        %ne3A_322 = arith.constant 0 : i32
        %ne3A_323 = arith.cmpi ne, %rem3A_321, %ne3A_322 : i32
        %lt3A_324 = arith.constant 0 : i32
        %lt3A_325 = arith.cmpi slt, %rem3A_321, %lt3A_324 : i32
        %lt3A_326 = arith.constant 0 : i32
        %lt3A_327 = arith.cmpi slt, %select_n3A_320, %lt3A_326 : i32
        %ne3A_328 = arith.xori %lt3A_325, %lt3A_327 : i1
        %and3A_329 = arith.andi %ne3A_328, %ne3A_323 : i1
        %add3A_330 = arith.addi %rem3A_321, %select_n3A_320 : i32
        %select_n3A_331 = arith.select %and3A_329, %add3A_330, %rem3A_321 : i32
        %dma_start3A_332 = arith.constant 0 : i32
        %dma_start3A_333 = tpu.memref_slice %arg12[%select_n3A_331, %dma_start3A_332] : memref<4x80xi32, #tpu.memory_space<vmem>> -> memref<1x80xi32, #tpu.memory_space<vmem>>
        %dma_start3A_334 = tpu.memref_squeeze %dma_start3A_333 : memref<1x80xi32, #tpu.memory_space<vmem>> -> memref<80xi32, #tpu.memory_space<vmem>>
        %dma_start3A_335 = tpu.memref_slice %arg5[%multiple_of3A_291] : memref<640000xi32, #tpu.memory_space<hbm>> -> memref<80xi32, #tpu.memory_space<hbm>>
        %dma_start3A_336 = arith.constant 0 : i32
        %dma_start3A_337 = tpu.memref_slice %arg12[%select_n3A_331, %dma_start3A_336] : memref<4x80xi32, #tpu.memory_space<vmem>> -> memref<1x80xi32, #tpu.memory_space<vmem>>
        %dma_start3A_338 = tpu.memref_squeeze %dma_start3A_337 : memref<1x80xi32, #tpu.memory_space<vmem>> -> memref<80xi32, #tpu.memory_space<vmem>>
        %dma_start3A_339 = tpu.memref_slice %arg5[%multiple_of3A_291] : memref<640000xi32, #tpu.memory_space<hbm>> -> memref<80xi32, #tpu.memory_space<hbm>>
        tpu.enqueue_dma source(%dma_start3A_339 : memref<80xi32, #tpu.memory_space<hbm>>) target(%dma_start3A_338 : memref<80xi32, #tpu.memory_space<vmem>>) target_semaphore(%arg15 : memref<!tpu.dma_semaphore, #tpu.memory_space<semaphore_mem>>)
      } else {
      }
      %add3A_145 = arith.constant 1 : i32
      %add3A_146 = arith.addi %add3A_138, %add3A_145 : i32
      %lt3A_147 = arith.constant 250 : i32
      %lt3A_148 = arith.cmpi slt, %add3A_146, %lt3A_147 : i32
      %convert_element_type3A_149 = arith.extui %lt3A_148 : i1 to i32
      %cond3A_150 = arith.constant 0 : i32
      %cond3A_151 = arith.cmpi ne, %convert_element_type3A_149, %cond3A_150 : i32
      scf.if %cond3A_151 {
        %dma_wait3A_286 = arith.constant 0 : i32
        %dma_wait3A_287 = arith.constant 0 : i32
        %dma_wait3A_288 = tpu.memref_slice %arg11[%dma_wait3A_286, %dma_wait3A_287] : memref<4x80xi32, #tpu.memory_space<vmem>> -> memref<1x80xi32, #tpu.memory_space<vmem>>
        %dma_wait3A_289 = tpu.memref_squeeze %dma_wait3A_288 : memref<1x80xi32, #tpu.memory_space<vmem>> -> memref<80xi32, #tpu.memory_space<vmem>>
        %dma_wait3A_290 = arith.constant 0 : i32
        %dma_wait3A_291 = tpu.memref_slice %arg4[%dma_wait3A_290] : memref<640000xi32, #tpu.memory_space<hbm>> -> memref<80xi32, #tpu.memory_space<hbm>>
        %dma_wait3A_292 = arith.constant 0 : i32
        %dma_wait3A_293 = tpu.memref_slice %arg11[%dma_wait3A_286, %dma_wait3A_292] : memref<4x80xi32, #tpu.memory_space<vmem>> -> memref<1x80xi32, #tpu.memory_space<vmem>>
        %dma_wait3A_294 = tpu.memref_squeeze %dma_wait3A_293 : memref<1x80xi32, #tpu.memory_space<vmem>> -> memref<80xi32, #tpu.memory_space<vmem>>
        %dma_wait3A_295 = arith.constant 0 : i32
        %dma_wait3A_296 = tpu.memref_slice %arg4[%dma_wait3A_295] : memref<640000xi32, #tpu.memory_space<hbm>> -> memref<80xi32, #tpu.memory_space<hbm>>
        tpu.wait_dma2 semaphore(%arg16 : memref<!tpu.dma_semaphore, #tpu.memory_space<semaphore_mem>>) src(%dma_wait3A_296 : memref<80xi32, #tpu.memory_space<hbm>>) dst(%dma_wait3A_294 : memref<80xi32, #tpu.memory_space<vmem>>)
        %dma_wait3A_297 = arith.constant 0 : i32
        %dma_wait3A_298 = arith.constant 0 : i32
        %dma_wait3A_299 = tpu.memref_slice %arg12[%dma_wait3A_297, %dma_wait3A_298] : memref<4x80xi32, #tpu.memory_space<vmem>> -> memref<1x80xi32, #tpu.memory_space<vmem>>
        %dma_wait3A_300 = tpu.memref_squeeze %dma_wait3A_299 : memref<1x80xi32, #tpu.memory_space<vmem>> -> memref<80xi32, #tpu.memory_space<vmem>>
        %dma_wait3A_301 = arith.constant 0 : i32
        %dma_wait3A_302 = tpu.memref_slice %arg5[%dma_wait3A_301] : memref<640000xi32, #tpu.memory_space<hbm>> -> memref<80xi32, #tpu.memory_space<hbm>>
        %dma_wait3A_303 = arith.constant 0 : i32
        %dma_wait3A_304 = tpu.memref_slice %arg12[%dma_wait3A_297, %dma_wait3A_303] : memref<4x80xi32, #tpu.memory_space<vmem>> -> memref<1x80xi32, #tpu.memory_space<vmem>>
        %dma_wait3A_305 = tpu.memref_squeeze %dma_wait3A_304 : memref<1x80xi32, #tpu.memory_space<vmem>> -> memref<80xi32, #tpu.memory_space<vmem>>
        %dma_wait3A_306 = arith.constant 0 : i32
        %dma_wait3A_307 = tpu.memref_slice %arg5[%dma_wait3A_306] : memref<640000xi32, #tpu.memory_space<hbm>> -> memref<80xi32, #tpu.memory_space<hbm>>
        tpu.wait_dma2 semaphore(%arg16 : memref<!tpu.dma_semaphore, #tpu.memory_space<semaphore_mem>>) src(%dma_wait3A_307 : memref<80xi32, #tpu.memory_space<hbm>>) dst(%dma_wait3A_305 : memref<80xi32, #tpu.memory_space<vmem>>)
        %add3A_308 = arith.constant 1 : i32
        %add3A_309 = arith.addi %add3A_138, %add3A_308 : i32
        %mul3A_310 = arith.constant 40 : i32
        %mul3A_311 = arith.muli %add3A_309, %mul3A_310 : i32
        %add3A_312 = arith.addi %multiple_of3A_5, %mul3A_311 : i32
        %multiple_of3A_313 = tpu.assume_multiple %add3A_312, 8 : i32
        %jit3A_314 = arith.constant 4 : i32
        %eq3A_315 = arith.constant 0 : i32
        %eq3A_316 = arith.cmpi eq, %jit3A_314, %eq3A_315 : i32
        %jit3A_317 = arith.constant 1 : i32
        %select_n3A_318 = arith.select %eq3A_316, %jit3A_317, %jit3A_314 : i32
        %rem3A_319 = arith.remsi %add3A_309, %select_n3A_318 : i32
        %ne3A_320 = arith.constant 0 : i32
        %ne3A_321 = arith.cmpi ne, %rem3A_319, %ne3A_320 : i32
        %lt3A_322 = arith.constant 0 : i32
        %lt3A_323 = arith.cmpi slt, %rem3A_319, %lt3A_322 : i32
        %lt3A_324 = arith.constant 0 : i32
        %lt3A_325 = arith.cmpi slt, %select_n3A_318, %lt3A_324 : i32
        %ne3A_326 = arith.xori %lt3A_323, %lt3A_325 : i1
        %and3A_327 = arith.andi %ne3A_326, %ne3A_321 : i1
        %add3A_328 = arith.addi %rem3A_319, %select_n3A_318 : i32
        %select_n3A_329 = arith.select %and3A_327, %add3A_328, %rem3A_319 : i32
        %dma_start3A_330 = arith.constant 1 : i32
        %dma_start3A_331 = arith.constant 0 : i32
        %dma_start3A_332 = arith.constant 0 : i32
        %dma_start3A_333 = tpu.memref_slice %arg8[%dma_start3A_330, %dma_start3A_331, %dma_start3A_332] : memref<2x80x128xf32, #tpu.memory_space<vmem>> -> memref<1x80x128xf32, #tpu.memory_space<vmem>>
        %dma_start3A_334 = tpu.memref_squeeze %dma_start3A_333 : memref<1x80x128xf32, #tpu.memory_space<vmem>> -> memref<80x128xf32, #tpu.memory_space<vmem>>
        %dma_start3A_335 = arith.constant 0 : i32
        %dma_start3A_336 = tpu.memref_slice %arg11[%select_n3A_329, %dma_start3A_335] : memref<4x80xi32, #tpu.memory_space<vmem>> -> memref<1x80xi32, #tpu.memory_space<vmem>>
        %dma_start3A_337 = tpu.memref_squeeze %dma_start3A_336 : memref<1x80xi32, #tpu.memory_space<vmem>> -> memref<80xi32, #tpu.memory_space<vmem>>
        %dma_start3A_338 = arith.constant 0 : i32
        %dma_start3A_339 = arith.constant 0 : i32
        %dma_start3A_340 = tpu.memref_slice %arg2[%dma_start3A_338, %dma_start3A_339] : memref<10000x128xf32, #tpu.memory_space<hbm>> -> memref<10000x128xf32, #tpu.memory_space<hbm>>
        tpu.enqueue_indirect_dma source(%dma_start3A_340 : memref<10000x128xf32, #tpu.memory_space<hbm>>) target(%dma_start3A_334 : memref<80x128xf32, #tpu.memory_space<vmem>>) offsets(%dma_start3A_337 : memref<80xi32, #tpu.memory_space<vmem>>) semaphore(%arg14 : memref<!tpu.dma_semaphore, #tpu.memory_space<semaphore_mem>>)
        %dma_start3A_341 = arith.constant 1 : i32
        %dma_start3A_342 = arith.constant 0 : i32
        %dma_start3A_343 = arith.constant 0 : i32
        %dma_start3A_344 = tpu.memref_slice %arg9[%dma_start3A_341, %dma_start3A_342, %dma_start3A_343] : memref<2x40x64xi32, #tpu.memory_space<vmem>> -> memref<1x40x64xi32, #tpu.memory_space<vmem>>
        %dma_start3A_345 = tpu.memref_squeeze %dma_start3A_344 : memref<1x40x64xi32, #tpu.memory_space<vmem>> -> memref<40x64xi32, #tpu.memory_space<vmem>>
        %dma_start3A_346 = arith.constant 0 : i32
        %dma_start3A_347 = tpu.memref_slice %arg3[%multiple_of3A_313, %dma_start3A_346] : memref<320000x64xi32, #tpu.memory_space<hbm>> -> memref<40x64xi32, #tpu.memory_space<hbm>>
        %dma_start3A_348 = arith.constant 0 : i32
        %dma_start3A_349 = arith.constant 0 : i32
        %dma_start3A_350 = tpu.memref_slice %arg9[%dma_start3A_341, %dma_start3A_348, %dma_start3A_349] : memref<2x40x64xi32, #tpu.memory_space<vmem>> -> memref<1x40x64xi32, #tpu.memory_space<vmem>>
        %dma_start3A_351 = tpu.memref_squeeze %dma_start3A_350 : memref<1x40x64xi32, #tpu.memory_space<vmem>> -> memref<40x64xi32, #tpu.memory_space<vmem>>
        %dma_start3A_352 = arith.constant 0 : i32
        %dma_start3A_353 = tpu.memref_slice %arg3[%multiple_of3A_313, %dma_start3A_352] : memref<320000x64xi32, #tpu.memory_space<hbm>> -> memref<40x64xi32, #tpu.memory_space<hbm>>
        tpu.enqueue_dma source(%dma_start3A_353 : memref<40x64xi32, #tpu.memory_space<hbm>>) target(%dma_start3A_351 : memref<40x64xi32, #tpu.memory_space<vmem>>) target_semaphore(%arg14 : memref<!tpu.dma_semaphore, #tpu.memory_space<semaphore_mem>>)
      } else {
      }
      %dma_wait3A_152 = arith.constant 0 : i32
      %dma_wait3A_153 = arith.constant 0 : i32
      %dma_wait3A_154 = arith.constant 0 : i32
      %dma_wait3A_155 = tpu.memref_slice %arg8[%dma_wait3A_152, %dma_wait3A_153, %dma_wait3A_154] : memref<2x80x128xf32, #tpu.memory_space<vmem>> -> memref<1x80x128xf32, #tpu.memory_space<vmem>>
      %dma_wait3A_156 = tpu.memref_squeeze %dma_wait3A_155 : memref<1x80x128xf32, #tpu.memory_space<vmem>> -> memref<80x128xf32, #tpu.memory_space<vmem>>
      %dma_wait3A_157 = arith.constant 0 : i32
      %dma_wait3A_158 = arith.constant 0 : i32
      %dma_wait3A_159 = tpu.memref_slice %arg2[%dma_wait3A_157, %dma_wait3A_158] : memref<10000x128xf32, #tpu.memory_space<hbm>> -> memref<80x128xf32, #tpu.memory_space<hbm>>
      %dma_wait3A_160 = arith.constant 0 : i32
      %dma_wait3A_161 = arith.constant 0 : i32
      %dma_wait3A_162 = tpu.memref_slice %arg8[%dma_wait3A_152, %dma_wait3A_160, %dma_wait3A_161] : memref<2x80x128xf32, #tpu.memory_space<vmem>> -> memref<1x80x128xf32, #tpu.memory_space<vmem>>
      %dma_wait3A_163 = tpu.memref_squeeze %dma_wait3A_162 : memref<1x80x128xf32, #tpu.memory_space<vmem>> -> memref<80x128xf32, #tpu.memory_space<vmem>>
      %dma_wait3A_164 = arith.constant 0 : i32
      %dma_wait3A_165 = arith.constant 0 : i32
      %dma_wait3A_166 = tpu.memref_slice %arg2[%dma_wait3A_164, %dma_wait3A_165] : memref<10000x128xf32, #tpu.memory_space<hbm>> -> memref<80x128xf32, #tpu.memory_space<hbm>>
      tpu.wait_dma2 semaphore(%arg13 : memref<!tpu.dma_semaphore, #tpu.memory_space<semaphore_mem>>) src(%dma_wait3A_166 : memref<80x128xf32, #tpu.memory_space<hbm>>) dst(%dma_wait3A_163 : memref<80x128xf32, #tpu.memory_space<vmem>>)
      %dma_wait3A_167 = arith.constant 0 : i32
      %dma_wait3A_168 = arith.constant 0 : i32
      %dma_wait3A_169 = arith.constant 0 : i32
      %dma_wait3A_170 = tpu.memref_slice %arg9[%dma_wait3A_167, %dma_wait3A_168, %dma_wait3A_169] : memref<2x40x64xi32, #tpu.memory_space<vmem>> -> memref<1x40x64xi32, #tpu.memory_space<vmem>>
      %dma_wait3A_171 = tpu.memref_squeeze %dma_wait3A_170 : memref<1x40x64xi32, #tpu.memory_space<vmem>> -> memref<40x64xi32, #tpu.memory_space<vmem>>
      %dma_wait3A_172 = arith.constant 0 : i32
      %dma_wait3A_173 = arith.constant 0 : i32
      %dma_wait3A_174 = tpu.memref_slice %arg3[%dma_wait3A_172, %dma_wait3A_173] : memref<320000x64xi32, #tpu.memory_space<hbm>> -> memref<40x64xi32, #tpu.memory_space<hbm>>
      %dma_wait3A_175 = arith.constant 0 : i32
      %dma_wait3A_176 = arith.constant 0 : i32
      %dma_wait3A_177 = tpu.memref_slice %arg9[%dma_wait3A_167, %dma_wait3A_175, %dma_wait3A_176] : memref<2x40x64xi32, #tpu.memory_space<vmem>> -> memref<1x40x64xi32, #tpu.memory_space<vmem>>
      %dma_wait3A_178 = tpu.memref_squeeze %dma_wait3A_177 : memref<1x40x64xi32, #tpu.memory_space<vmem>> -> memref<40x64xi32, #tpu.memory_space<vmem>>
      %dma_wait3A_179 = arith.constant 0 : i32
      %dma_wait3A_180 = arith.constant 0 : i32
      %dma_wait3A_181 = tpu.memref_slice %arg3[%dma_wait3A_179, %dma_wait3A_180] : memref<320000x64xi32, #tpu.memory_space<hbm>> -> memref<40x64xi32, #tpu.memory_space<hbm>>
      tpu.wait_dma2 semaphore(%arg13 : memref<!tpu.dma_semaphore, #tpu.memory_space<semaphore_mem>>) src(%dma_wait3A_181 : memref<40x64xi32, #tpu.memory_space<hbm>>) dst(%dma_wait3A_178 : memref<40x64xi32, #tpu.memory_space<vmem>>)
      %ge3A = arith.constant 1 : i32
      %ge3A_182 = arith.cmpi sge, %add3A_138, %ge3A : i32
      %convert_element_type3A_183 = arith.extui %ge3A_182 : i1 to i32
      %cond3A_184 = arith.constant 0 : i32
      %cond3A_185 = arith.cmpi ne, %convert_element_type3A_183, %cond3A_184 : i32
      scf.if %cond3A_185 {
        %dma_wait3A_286 = arith.constant 0 : i32
        %dma_wait3A_287 = arith.constant 0 : i32
        %dma_wait3A_288 = tpu.memref_slice %arg7[%dma_wait3A_286, %dma_wait3A_287] : memref<10000x128xf32, #tpu.memory_space<vmem_shared>> -> memref<80x128xf32, #tpu.memory_space<vmem_shared>>
        %dma_wait3A_289 = arith.constant 0 : i32
        %dma_wait3A_290 = arith.constant 0 : i32
        %dma_wait3A_291 = tpu.memref_slice %arg7[%dma_wait3A_289, %dma_wait3A_290] : memref<10000x128xf32, #tpu.memory_space<vmem_shared>> -> memref<80x128xf32, #tpu.memory_space<vmem_shared>>
        tpu.wait_dma2 semaphore(%arg18 : memref<!tpu.dma_semaphore, #tpu.memory_space<semaphore_mem>>) src(%arg10 : memref<80x128xf32, #tpu.memory_space<vmem>>) dst(%dma_wait3A_291 : memref<80x128xf32, #tpu.memory_space<vmem_shared>>)
      } else {
      }
      %scan3A_186 = arith.constant 0 : i32
      %scan3A_187 = arith.constant 40 : i32
      %scan3A_188 = arith.addi %scan3A_186, %scan3A_187 : i32
      %scan3A_189 = arith.constant 1 : i32
      scf.for %scan3A_286 = %scan3A_186 to %scan3A_188 step %scan3A_189  : i32 {
        %mul3A_287 = arith.constant 1 : i32
        %mul3A_288 = arith.muli %scan3A_286, %mul3A_287 : i32
        %add3A_289 = arith.constant 0 : i32
        %add3A_290 = arith.addi %add3A_289, %mul3A_288 : i32
        %get3A = arith.constant 0 : i32
        %get3A_291 = arith.index_cast %get3A : i32 to index
        %get3A_292 = arith.index_cast %add3A_290 : i32 to index
        %get3A_293 = arith.constant 0 : index
        %get3A_294 = tpu.vector_load %arg9[%get3A_291, %get3A_292, %get3A_293] {strides = array<i32>} : memref<2x40x64xi32, #tpu.memory_space<vmem>>, vector<16xi32>,
        %shift_left3A = arith.constant 16 : i32
        %shift_left3A_295 = vector.broadcast %shift_left3A : i32 to vector<16xi32>
        %shift_left3A_296 = arith.shli %get3A_294, %shift_left3A_295 : vector<16xi32>
        %bitcast_convert_type3A = tpu.bitcast %shift_left3A_296 : vector<16xi32> -> vector<16xf32>
        %and3A_297 = arith.constant -65536 : i32
        %and3A_298 = vector.broadcast %and3A_297 : i32 to vector<16xi32>
        %and3A_299 = arith.andi %get3A_294, %and3A_298 : vector<16xi32>
        %bitcast_convert_type3A_300 = tpu.bitcast %and3A_299 : vector<16xi32> -> vector<16xf32>
        %get3A_301 = arith.constant 0 : i32
        %get3A_302 = arith.index_cast %get3A_301 : i32 to index
        %get3A_303 = arith.index_cast %add3A_290 : i32 to index
        %get3A_304 = arith.constant 0 : index
        %get3A_305 = tpu.vector_load %arg8[%get3A_302, %get3A_303, %get3A_304] {strides = array<i32>} : memref<2x80x128xf32, #tpu.memory_space<vmem>>, vector<16xf32>,
        %mul3A_306 = arith.mulf %get3A_305, %bitcast_convert_type3A : vector<16xf32>
        %swap3A = arith.index_cast %add3A_290 : i32 to index
        %swap3A_307 = arith.constant 0 : index
        %swap3A_308 = tpu.vector_load %arg10[%swap3A, %swap3A_307] {strides = array<i32>} : memref<80x128xf32, #tpu.memory_space<vmem>>, vector<16xf32>,
        tpu.vector_store %arg10[%swap3A, %swap3A_307], %mul3A_306 {strides = array<i32>} : memref<80x128xf32, #tpu.memory_space<vmem>>, vector<16xf32>,
        %get3A_309 = arith.constant 0 : i32
        %get3A_310 = arith.index_cast %get3A_309 : i32 to index
        %get3A_311 = arith.index_cast %add3A_290 : i32 to index
        %get3A_312 = arith.constant 64 : index
        %get3A_313 = tpu.vector_load %arg8[%get3A_310, %get3A_311, %get3A_312] {strides = array<i32>} : memref<2x80x128xf32, #tpu.memory_space<vmem>>, vector<16xf32>,
        %mul3A_314 = arith.mulf %get3A_313, %bitcast_convert_type3A_300 : vector<16xf32>
        %swap3A_315 = arith.index_cast %add3A_290 : i32 to index
        %swap3A_316 = arith.constant 64 : index
        %swap3A_317 = tpu.vector_load %arg10[%swap3A_315, %swap3A_316] {strides = array<i32>} : memref<80x128xf32, #tpu.memory_space<vmem>>, vector<16xf32>,
        tpu.vector_store %arg10[%swap3A_315, %swap3A_316], %mul3A_314 {strides = array<i32>} : memref<80x128xf32, #tpu.memory_space<vmem>>, vector<16xf32>,
        %add3A_318 = arith.constant 40 : i32
        %add3A_319 = arith.addi %add3A_318, %add3A_290 : i32
        %get3A_320 = arith.constant 0 : i32
        %get3A_321 = arith.index_cast %get3A_320 : i32 to index
        %get3A_322 = arith.index_cast %add3A_319 : i32 to index
        %get3A_323 = arith.constant 0 : index
        %get3A_324 = tpu.vector_load %arg8[%get3A_321, %get3A_322, %get3A_323] {strides = array<i32>} : memref<2x80x128xf32, #tpu.memory_space<vmem>>, vector<16xf32>,
        %mul3A_325 = arith.mulf %get3A_324, %bitcast_convert_type3A : vector<16xf32>
        %add3A_326 = arith.constant 40 : i32
        %add3A_327 = arith.addi %add3A_326, %add3A_290 : i32
        %swap3A_328 = arith.index_cast %add3A_327 : i32 to index
        %swap3A_329 = arith.constant 0 : index
        %swap3A_330 = tpu.vector_load %arg10[%swap3A_328, %swap3A_329] {strides = array<i32>} : memref<80x128xf32, #tpu.memory_space<vmem>>, vector<16xf32>,
        tpu.vector_store %arg10[%swap3A_328, %swap3A_329], %mul3A_325 {strides = array<i32>} : memref<80x128xf32, #tpu.memory_space<vmem>>, vector<16xf32>,
        %add3A_331 = arith.constant 40 : i32
        %add3A_332 = arith.addi %add3A_331, %add3A_290 : i32
        %get3A_333 = arith.constant 0 : i32
        %get3A_334 = arith.index_cast %get3A_333 : i32 to index
        %get3A_335 = arith.index_cast %add3A_332 : i32 to index
        %get3A_336 = arith.constant 64 : index
        %get3A_337 = tpu.vector_load %arg8[%get3A_334, %get3A_335, %get3A_336] {strides = array<i32>} : memref<2x80x128xf32, #tpu.memory_space<vmem>>, vector<16xf32>,
        %mul3A_338 = arith.mulf %get3A_337, %bitcast_convert_type3A_300 : vector<16xf32>
        %add3A_339 = arith.constant 40 : i32
        %add3A_340 = arith.addi %add3A_339, %add3A_290 : i32
        %swap3A_341 = arith.index_cast %add3A_340 : i32 to index
        %swap3A_342 = arith.constant 64 : index
        %swap3A_343 = tpu.vector_load %arg10[%swap3A_341, %swap3A_342] {strides = array<i32>} : memref<80x128xf32, #tpu.memory_space<vmem>>, vector<16xf32>,
        tpu.vector_store %arg10[%swap3A_341, %swap3A_342], %mul3A_338 {strides = array<i32>} : memref<80x128xf32, #tpu.memory_space<vmem>>, vector<16xf32>,
        %get3A_344 = arith.constant 0 : i32
        %get3A_345 = arith.index_cast %get3A_344 : i32 to index
        %get3A_346 = arith.index_cast %add3A_290 : i32 to index
        %get3A_347 = arith.constant 16 : index
        %get3A_348 = tpu.vector_load %arg9[%get3A_345, %get3A_346, %get3A_347] {strides = array<i32>} : memref<2x40x64xi32, #tpu.memory_space<vmem>>, vector<16xi32>,
        %shift_left3A_349 = arith.constant 16 : i32
        %shift_left3A_350 = vector.broadcast %shift_left3A_349 : i32 to vector<16xi32>
        %shift_left3A_351 = arith.shli %get3A_348, %shift_left3A_350 : vector<16xi32>
        %bitcast_convert_type3A_352 = tpu.bitcast %shift_left3A_351 : vector<16xi32> -> vector<16xf32>
        %and3A_353 = arith.constant -65536 : i32
        %and3A_354 = vector.broadcast %and3A_353 : i32 to vector<16xi32>
        %and3A_355 = arith.andi %get3A_348, %and3A_354 : vector<16xi32>
        %bitcast_convert_type3A_356 = tpu.bitcast %and3A_355 : vector<16xi32> -> vector<16xf32>
        %get3A_357 = arith.constant 0 : i32
        %get3A_358 = arith.index_cast %get3A_357 : i32 to index
        %get3A_359 = arith.index_cast %add3A_290 : i32 to index
        %get3A_360 = arith.constant 16 : index
        %get3A_361 = tpu.vector_load %arg8[%get3A_358, %get3A_359, %get3A_360] {strides = array<i32>} : memref<2x80x128xf32, #tpu.memory_space<vmem>>, vector<16xf32>,
        %mul3A_362 = arith.mulf %get3A_361, %bitcast_convert_type3A_352 : vector<16xf32>
        %swap3A_363 = arith.index_cast %add3A_290 : i32 to index
        %swap3A_364 = arith.constant 16 : index
        %swap3A_365 = tpu.vector_load %arg10[%swap3A_363, %swap3A_364] {strides = array<i32>} : memref<80x128xf32, #tpu.memory_space<vmem>>, vector<16xf32>,
        tpu.vector_store %arg10[%swap3A_363, %swap3A_364], %mul3A_362 {strides = array<i32>} : memref<80x128xf32, #tpu.memory_space<vmem>>, vector<16xf32>,
        %get3A_366 = arith.constant 0 : i32
        %get3A_367 = arith.index_cast %get3A_366 : i32 to index
        %get3A_368 = arith.index_cast %add3A_290 : i32 to index
        %get3A_369 = arith.constant 80 : index
        %get3A_370 = tpu.vector_load %arg8[%get3A_367, %get3A_368, %get3A_369] {strides = array<i32>} : memref<2x80x128xf32, #tpu.memory_space<vmem>>, vector<16xf32>,
        %mul3A_371 = arith.mulf %get3A_370, %bitcast_convert_type3A_356 : vector<16xf32>
        %swap3A_372 = arith.index_cast %add3A_290 : i32 to index
        %swap3A_373 = arith.constant 80 : index
        %swap3A_374 = tpu.vector_load %arg10[%swap3A_372, %swap3A_373] {strides = array<i32>} : memref<80x128xf32, #tpu.memory_space<vmem>>, vector<16xf32>,
        tpu.vector_store %arg10[%swap3A_372, %swap3A_373], %mul3A_371 {strides = array<i32>} : memref<80x128xf32, #tpu.memory_space<vmem>>, vector<16xf32>,
        %add3A_375 = arith.constant 40 : i32
        %add3A_376 = arith.addi %add3A_375, %add3A_290 : i32
        %get3A_377 = arith.constant 0 : i32
        %get3A_378 = arith.index_cast %get3A_377 : i32 to index
        %get3A_379 = arith.index_cast %add3A_376 : i32 to index
        %get3A_380 = arith.constant 16 : index
        %get3A_381 = tpu.vector_load %arg8[%get3A_378, %get3A_379, %get3A_380] {strides = array<i32>} : memref<2x80x128xf32, #tpu.memory_space<vmem>>, vector<16xf32>,
        %mul3A_382 = arith.mulf %get3A_381, %bitcast_convert_type3A_352 : vector<16xf32>
        %add3A_383 = arith.constant 40 : i32
        %add3A_384 = arith.addi %add3A_383, %add3A_290 : i32
        %swap3A_385 = arith.index_cast %add3A_384 : i32 to index
        %swap3A_386 = arith.constant 16 : index
        %swap3A_387 = tpu.vector_load %arg10[%swap3A_385, %swap3A_386] {strides = array<i32>} : memref<80x128xf32, #tpu.memory_space<vmem>>, vector<16xf32>,
        tpu.vector_store %arg10[%swap3A_385, %swap3A_386], %mul3A_382 {strides = array<i32>} : memref<80x128xf32, #tpu.memory_space<vmem>>, vector<16xf32>,
        %add3A_388 = arith.constant 40 : i32
        %add3A_389 = arith.addi %add3A_388, %add3A_290 : i32
        %get3A_390 = arith.constant 0 : i32
        %get3A_391 = arith.index_cast %get3A_390 : i32 to index
        %get3A_392 = arith.index_cast %add3A_389 : i32 to index
        %get3A_393 = arith.constant 80 : index
        %get3A_394 = tpu.vector_load %arg8[%get3A_391, %get3A_392, %get3A_393] {strides = array<i32>} : memref<2x80x128xf32, #tpu.memory_space<vmem>>, vector<16xf32>,
        %mul3A_395 = arith.mulf %get3A_394, %bitcast_convert_type3A_356 : vector<16xf32>
        %add3A_396 = arith.constant 40 : i32
        %add3A_397 = arith.addi %add3A_396, %add3A_290 : i32
        %swap3A_398 = arith.index_cast %add3A_397 : i32 to index
        %swap3A_399 = arith.constant 80 : index
        %swap3A_400 = tpu.vector_load %arg10[%swap3A_398, %swap3A_399] {strides = array<i32>} : memref<80x128xf32, #tpu.memory_space<vmem>>, vector<16xf32>,
        tpu.vector_store %arg10[%swap3A_398, %swap3A_399], %mul3A_395 {strides = array<i32>} : memref<80x128xf32, #tpu.memory_space<vmem>>, vector<16xf32>,
        %get3A_401 = arith.constant 0 : i32
        %get3A_402 = arith.index_cast %get3A_401 : i32 to index
        %get3A_403 = arith.index_cast %add3A_290 : i32 to index
        %get3A_404 = arith.constant 32 : index
        %get3A_405 = tpu.vector_load %arg9[%get3A_402, %get3A_403, %get3A_404] {strides = array<i32>} : memref<2x40x64xi32, #tpu.memory_space<vmem>>, vector<16xi32>,
        %shift_left3A_406 = arith.constant 16 : i32
        %shift_left3A_407 = vector.broadcast %shift_left3A_406 : i32 to vector<16xi32>
        %shift_left3A_408 = arith.shli %get3A_405, %shift_left3A_407 : vector<16xi32>
        %bitcast_convert_type3A_409 = tpu.bitcast %shift_left3A_408 : vector<16xi32> -> vector<16xf32>
        %and3A_410 = arith.constant -65536 : i32
        %and3A_411 = vector.broadcast %and3A_410 : i32 to vector<16xi32>
        %and3A_412 = arith.andi %get3A_405, %and3A_411 : vector<16xi32>
        %bitcast_convert_type3A_413 = tpu.bitcast %and3A_412 : vector<16xi32> -> vector<16xf32>
        %get3A_414 = arith.constant 0 : i32
        %get3A_415 = arith.index_cast %get3A_414 : i32 to index
        %get3A_416 = arith.index_cast %add3A_290 : i32 to index
        %get3A_417 = arith.constant 32 : index
        %get3A_418 = tpu.vector_load %arg8[%get3A_415, %get3A_416, %get3A_417] {strides = array<i32>} : memref<2x80x128xf32, #tpu.memory_space<vmem>>, vector<16xf32>,
        %mul3A_419 = arith.mulf %get3A_418, %bitcast_convert_type3A_409 : vector<16xf32>
        %swap3A_420 = arith.index_cast %add3A_290 : i32 to index
        %swap3A_421 = arith.constant 32 : index
        %swap3A_422 = tpu.vector_load %arg10[%swap3A_420, %swap3A_421] {strides = array<i32>} : memref<80x128xf32, #tpu.memory_space<vmem>>, vector<16xf32>,
        tpu.vector_store %arg10[%swap3A_420, %swap3A_421], %mul3A_419 {strides = array<i32>} : memref<80x128xf32, #tpu.memory_space<vmem>>, vector<16xf32>,
        %get3A_423 = arith.constant 0 : i32
        %get3A_424 = arith.index_cast %get3A_423 : i32 to index
        %get3A_425 = arith.index_cast %add3A_290 : i32 to index
        %get3A_426 = arith.constant 96 : index
        %get3A_427 = tpu.vector_load %arg8[%get3A_424, %get3A_425, %get3A_426] {strides = array<i32>} : memref<2x80x128xf32, #tpu.memory_space<vmem>>, vector<16xf32>,
        %mul3A_428 = arith.mulf %get3A_427, %bitcast_convert_type3A_413 : vector<16xf32>
        %swap3A_429 = arith.index_cast %add3A_290 : i32 to index
        %swap3A_430 = arith.constant 96 : index
        %swap3A_431 = tpu.vector_load %arg10[%swap3A_429, %swap3A_430] {strides = array<i32>} : memref<80x128xf32, #tpu.memory_space<vmem>>, vector<16xf32>,
        tpu.vector_store %arg10[%swap3A_429, %swap3A_430], %mul3A_428 {strides = array<i32>} : memref<80x128xf32, #tpu.memory_space<vmem>>, vector<16xf32>,
        %add3A_432 = arith.constant 40 : i32
        %add3A_433 = arith.addi %add3A_432, %add3A_290 : i32
        %get3A_434 = arith.constant 0 : i32
        %get3A_435 = arith.index_cast %get3A_434 : i32 to index
        %get3A_436 = arith.index_cast %add3A_433 : i32 to index
        %get3A_437 = arith.constant 32 : index
        %get3A_438 = tpu.vector_load %arg8[%get3A_435, %get3A_436, %get3A_437] {strides = array<i32>} : memref<2x80x128xf32, #tpu.memory_space<vmem>>, vector<16xf32>,
        %mul3A_439 = arith.mulf %get3A_438, %bitcast_convert_type3A_409 : vector<16xf32>
        %add3A_440 = arith.constant 40 : i32
        %add3A_441 = arith.addi %add3A_440, %add3A_290 : i32
        %swap3A_442 = arith.index_cast %add3A_441 : i32 to index
        %swap3A_443 = arith.constant 32 : index
        %swap3A_444 = tpu.vector_load %arg10[%swap3A_442, %swap3A_443] {strides = array<i32>} : memref<80x128xf32, #tpu.memory_space<vmem>>, vector<16xf32>,
        tpu.vector_store %arg10[%swap3A_442, %swap3A_443], %mul3A_439 {strides = array<i32>} : memref<80x128xf32, #tpu.memory_space<vmem>>, vector<16xf32>,
        %add3A_445 = arith.constant 40 : i32
        %add3A_446 = arith.addi %add3A_445, %add3A_290 : i32
        %get3A_447 = arith.constant 0 : i32
        %get3A_448 = arith.index_cast %get3A_447 : i32 to index
        %get3A_449 = arith.index_cast %add3A_446 : i32 to index
        %get3A_450 = arith.constant 96 : index
        %get3A_451 = tpu.vector_load %arg8[%get3A_448, %get3A_449, %get3A_450] {strides = array<i32>} : memref<2x80x128xf32, #tpu.memory_space<vmem>>, vector<16xf32>,
        %mul3A_452 = arith.mulf %get3A_451, %bitcast_convert_type3A_413 : vector<16xf32>
        %add3A_453 = arith.constant 40 : i32
        %add3A_454 = arith.addi %add3A_453, %add3A_290 : i32
        %swap3A_455 = arith.index_cast %add3A_454 : i32 to index
        %swap3A_456 = arith.constant 96 : index
        %swap3A_457 = tpu.vector_load %arg10[%swap3A_455, %swap3A_456] {strides = array<i32>} : memref<80x128xf32, #tpu.memory_space<vmem>>, vector<16xf32>,
        tpu.vector_store %arg10[%swap3A_455, %swap3A_456], %mul3A_452 {strides = array<i32>} : memref<80x128xf32, #tpu.memory_space<vmem>>, vector<16xf32>,
        %get3A_458 = arith.constant 0 : i32
        %get3A_459 = arith.index_cast %get3A_458 : i32 to index
        %get3A_460 = arith.index_cast %add3A_290 : i32 to index
        %get3A_461 = arith.constant 48 : index
        %get3A_462 = tpu.vector_load %arg9[%get3A_459, %get3A_460, %get3A_461] {strides = array<i32>} : memref<2x40x64xi32, #tpu.memory_space<vmem>>, vector<16xi32>,
        %shift_left3A_463 = arith.constant 16 : i32
        %shift_left3A_464 = vector.broadcast %shift_left3A_463 : i32 to vector<16xi32>
        %shift_left3A_465 = arith.shli %get3A_462, %shift_left3A_464 : vector<16xi32>
        %bitcast_convert_type3A_466 = tpu.bitcast %shift_left3A_465 : vector<16xi32> -> vector<16xf32>
        %and3A_467 = arith.constant -65536 : i32
        %and3A_468 = vector.broadcast %and3A_467 : i32 to vector<16xi32>
        %and3A_469 = arith.andi %get3A_462, %and3A_468 : vector<16xi32>
        %bitcast_convert_type3A_470 = tpu.bitcast %and3A_469 : vector<16xi32> -> vector<16xf32>
        %get3A_471 = arith.constant 0 : i32
        %get3A_472 = arith.index_cast %get3A_471 : i32 to index
        %get3A_473 = arith.index_cast %add3A_290 : i32 to index
        %get3A_474 = arith.constant 48 : index
        %get3A_475 = tpu.vector_load %arg8[%get3A_472, %get3A_473, %get3A_474] {strides = array<i32>} : memref<2x80x128xf32, #tpu.memory_space<vmem>>, vector<16xf32>,
        %mul3A_476 = arith.mulf %get3A_475, %bitcast_convert_type3A_466 : vector<16xf32>
        %swap3A_477 = arith.index_cast %add3A_290 : i32 to index
        %swap3A_478 = arith.constant 48 : index
        %swap3A_479 = tpu.vector_load %arg10[%swap3A_477, %swap3A_478] {strides = array<i32>} : memref<80x128xf32, #tpu.memory_space<vmem>>, vector<16xf32>,
        tpu.vector_store %arg10[%swap3A_477, %swap3A_478], %mul3A_476 {strides = array<i32>} : memref<80x128xf32, #tpu.memory_space<vmem>>, vector<16xf32>,
        %get3A_480 = arith.constant 0 : i32
        %get3A_481 = arith.index_cast %get3A_480 : i32 to index
        %get3A_482 = arith.index_cast %add3A_290 : i32 to index
        %get3A_483 = arith.constant 112 : index
        %get3A_484 = tpu.vector_load %arg8[%get3A_481, %get3A_482, %get3A_483] {strides = array<i32>} : memref<2x80x128xf32, #tpu.memory_space<vmem>>, vector<16xf32>,
        %mul3A_485 = arith.mulf %get3A_484, %bitcast_convert_type3A_470 : vector<16xf32>
        %swap3A_486 = arith.index_cast %add3A_290 : i32 to index
        %swap3A_487 = arith.constant 112 : index
        %swap3A_488 = tpu.vector_load %arg10[%swap3A_486, %swap3A_487] {strides = array<i32>} : memref<80x128xf32, #tpu.memory_space<vmem>>, vector<16xf32>,
        tpu.vector_store %arg10[%swap3A_486, %swap3A_487], %mul3A_485 {strides = array<i32>} : memref<80x128xf32, #tpu.memory_space<vmem>>, vector<16xf32>,
        %add3A_489 = arith.constant 40 : i32
        %add3A_490 = arith.addi %add3A_489, %add3A_290 : i32
        %get3A_491 = arith.constant 0 : i32
        %get3A_492 = arith.index_cast %get3A_491 : i32 to index
        %get3A_493 = arith.index_cast %add3A_490 : i32 to index
        %get3A_494 = arith.constant 48 : index
        %get3A_495 = tpu.vector_load %arg8[%get3A_492, %get3A_493, %get3A_494] {strides = array<i32>} : memref<2x80x128xf32, #tpu.memory_space<vmem>>, vector<16xf32>,
        %mul3A_496 = arith.mulf %get3A_495, %bitcast_convert_type3A_466 : vector<16xf32>
        %add3A_497 = arith.constant 40 : i32
        %add3A_498 = arith.addi %add3A_497, %add3A_290 : i32
        %swap3A_499 = arith.index_cast %add3A_498 : i32 to index
        %swap3A_500 = arith.constant 48 : index
        %swap3A_501 = tpu.vector_load %arg10[%swap3A_499, %swap3A_500] {strides = array<i32>} : memref<80x128xf32, #tpu.memory_space<vmem>>, vector<16xf32>,
        tpu.vector_store %arg10[%swap3A_499, %swap3A_500], %mul3A_496 {strides = array<i32>} : memref<80x128xf32, #tpu.memory_space<vmem>>, vector<16xf32>,
        %add3A_502 = arith.constant 40 : i32
        %add3A_503 = arith.addi %add3A_502, %add3A_290 : i32
        %get3A_504 = arith.constant 0 : i32
        %get3A_505 = arith.index_cast %get3A_504 : i32 to index
        %get3A_506 = arith.index_cast %add3A_503 : i32 to index
        %get3A_507 = arith.constant 112 : index
        %get3A_508 = tpu.vector_load %arg8[%get3A_505, %get3A_506, %get3A_507] {strides = array<i32>} : memref<2x80x128xf32, #tpu.memory_space<vmem>>, vector<16xf32>,
        %mul3A_509 = arith.mulf %get3A_508, %bitcast_convert_type3A_470 : vector<16xf32>
        %add3A_510 = arith.constant 40 : i32
        %add3A_511 = arith.addi %add3A_510, %add3A_290 : i32
        %swap3A_512 = arith.index_cast %add3A_511 : i32 to index
        %swap3A_513 = arith.constant 112 : index
        %swap3A_514 = tpu.vector_load %arg10[%swap3A_512, %swap3A_513] {strides = array<i32>} : memref<80x128xf32, #tpu.memory_space<vmem>>, vector<16xf32>,
        tpu.vector_store %arg10[%swap3A_512, %swap3A_513], %mul3A_509 {strides = array<i32>} : memref<80x128xf32, #tpu.memory_space<vmem>>, vector<16xf32>,
      }
      %scan3A_190 = arith.constant 40 : i32
      %jit3A = arith.constant 4 : i32
      %eq3A_191 = arith.constant 0 : i32
      %eq3A_192 = arith.cmpi eq, %jit3A, %eq3A_191 : i32
      %jit3A_193 = arith.constant 1 : i32
      %select_n3A = arith.select %eq3A_192, %jit3A_193, %jit3A : i32
      %rem3A = arith.remsi %add3A_138, %select_n3A : i32
      %ne3A = arith.constant 0 : i32
      %ne3A_194 = arith.cmpi ne, %rem3A, %ne3A : i32
      %lt3A_195 = arith.constant 0 : i32
      %lt3A_196 = arith.cmpi slt, %rem3A, %lt3A_195 : i32
      %lt3A_197 = arith.constant 0 : i32
      %lt3A_198 = arith.cmpi slt, %select_n3A, %lt3A_197 : i32
      %ne3A_199 = arith.xori %lt3A_196, %lt3A_198 : i1
      %and3A = arith.andi %ne3A_199, %ne3A_194 : i1
      %add3A_200 = arith.addi %rem3A, %select_n3A : i32
      %select_n3A_201 = arith.select %and3A, %add3A_200, %rem3A : i32
      %dma_start3A_202 = arith.constant 0 : i32
      %dma_start3A_203 = tpu.memref_slice %arg12[%select_n3A_201, %dma_start3A_202] : memref<4x80xi32, #tpu.memory_space<vmem>> -> memref<1x80xi32, #tpu.memory_space<vmem>>
      %dma_start3A_204 = tpu.memref_squeeze %dma_start3A_203 : memref<1x80xi32, #tpu.memory_space<vmem>> -> memref<80xi32, #tpu.memory_space<vmem>>
      %dma_start3A_205 = arith.constant 0 : i32
      %dma_start3A_206 = arith.constant 0 : i32
      %dma_start3A_207 = tpu.memref_slice %arg7[%dma_start3A_205, %dma_start3A_206] : memref<10000x128xf32, #tpu.memory_space<vmem_shared>> -> memref<10000x128xf32, #tpu.memory_space<vmem_shared>>
      tpu.enqueue_indirect_dma source(%arg10 : memref<80x128xf32, #tpu.memory_space<vmem>>) target(%dma_start3A_207 : memref<10000x128xf32, #tpu.memory_space<vmem_shared>>) offsets(%dma_start3A_204 : memref<80xi32, #tpu.memory_space<vmem>>) semaphore(%arg17 : memref<!tpu.dma_semaphore, #tpu.memory_space<semaphore_mem>>) {add = true}
      %add3A_208 = arith.constant 1 : i32
      %add3A_209 = arith.addi %add3A_136, %add3A_208 : i32
      %add3A_210 = arith.constant 2 : i32
      %add3A_211 = arith.addi %add3A_209, %add3A_210 : i32
      %lt3A_212 = arith.constant 250 : i32
      %lt3A_213 = arith.cmpi slt, %add3A_211, %lt3A_212 : i32
      %convert_element_type3A_214 = arith.extui %lt3A_213 : i1 to i32
      %cond3A_215 = arith.constant 0 : i32
      %cond3A_216 = arith.cmpi ne, %convert_element_type3A_214, %cond3A_215 : i32
      scf.if %cond3A_216 {
        %add3A_286 = arith.constant 2 : i32
        %add3A_287 = arith.addi %add3A_209, %add3A_286 : i32
        %mul3A_288 = arith.constant 80 : i32
        %mul3A_289 = arith.muli %add3A_287, %mul3A_288 : i32
        %add3A_290 = arith.addi %multiple_of3A_10, %mul3A_289 : i32
        %multiple_of3A_291 = tpu.assume_multiple %add3A_290, 8 : i32
        %jit3A_292 = arith.constant 4 : i32
        %eq3A_293 = arith.constant 0 : i32
        %eq3A_294 = arith.cmpi eq, %jit3A_292, %eq3A_293 : i32
        %jit3A_295 = arith.constant 1 : i32
        %select_n3A_296 = arith.select %eq3A_294, %jit3A_295, %jit3A_292 : i32
        %rem3A_297 = arith.remsi %add3A_287, %select_n3A_296 : i32
        %ne3A_298 = arith.constant 0 : i32
        %ne3A_299 = arith.cmpi ne, %rem3A_297, %ne3A_298 : i32
        %lt3A_300 = arith.constant 0 : i32
        %lt3A_301 = arith.cmpi slt, %rem3A_297, %lt3A_300 : i32
        %lt3A_302 = arith.constant 0 : i32
        %lt3A_303 = arith.cmpi slt, %select_n3A_296, %lt3A_302 : i32
        %ne3A_304 = arith.xori %lt3A_301, %lt3A_303 : i1
        %and3A_305 = arith.andi %ne3A_304, %ne3A_299 : i1
        %add3A_306 = arith.addi %rem3A_297, %select_n3A_296 : i32
        %select_n3A_307 = arith.select %and3A_305, %add3A_306, %rem3A_297 : i32
        %dma_start3A_308 = arith.constant 0 : i32
        %dma_start3A_309 = tpu.memref_slice %arg11[%select_n3A_307, %dma_start3A_308] : memref<4x80xi32, #tpu.memory_space<vmem>> -> memref<1x80xi32, #tpu.memory_space<vmem>>
        %dma_start3A_310 = tpu.memref_squeeze %dma_start3A_309 : memref<1x80xi32, #tpu.memory_space<vmem>> -> memref<80xi32, #tpu.memory_space<vmem>>
        %dma_start3A_311 = tpu.memref_slice %arg4[%multiple_of3A_291] : memref<640000xi32, #tpu.memory_space<hbm>> -> memref<80xi32, #tpu.memory_space<hbm>>
        %dma_start3A_312 = arith.constant 0 : i32
        %dma_start3A_313 = tpu.memref_slice %arg11[%select_n3A_307, %dma_start3A_312] : memref<4x80xi32, #tpu.memory_space<vmem>> -> memref<1x80xi32, #tpu.memory_space<vmem>>
        %dma_start3A_314 = tpu.memref_squeeze %dma_start3A_313 : memref<1x80xi32, #tpu.memory_space<vmem>> -> memref<80xi32, #tpu.memory_space<vmem>>
        %dma_start3A_315 = tpu.memref_slice %arg4[%multiple_of3A_291] : memref<640000xi32, #tpu.memory_space<hbm>> -> memref<80xi32, #tpu.memory_space<hbm>>
        tpu.enqueue_dma source(%dma_start3A_315 : memref<80xi32, #tpu.memory_space<hbm>>) target(%dma_start3A_314 : memref<80xi32, #tpu.memory_space<vmem>>) target_semaphore(%arg16 : memref<!tpu.dma_semaphore, #tpu.memory_space<semaphore_mem>>)
        %jit3A_316 = arith.constant 4 : i32
        %eq3A_317 = arith.constant 0 : i32
        %eq3A_318 = arith.cmpi eq, %jit3A_316, %eq3A_317 : i32
        %jit3A_319 = arith.constant 1 : i32
        %select_n3A_320 = arith.select %eq3A_318, %jit3A_319, %jit3A_316 : i32
        %rem3A_321 = arith.remsi %add3A_287, %select_n3A_320 : i32
        %ne3A_322 = arith.constant 0 : i32
        %ne3A_323 = arith.cmpi ne, %rem3A_321, %ne3A_322 : i32
        %lt3A_324 = arith.constant 0 : i32
        %lt3A_325 = arith.cmpi slt, %rem3A_321, %lt3A_324 : i32
        %lt3A_326 = arith.constant 0 : i32
        %lt3A_327 = arith.cmpi slt, %select_n3A_320, %lt3A_326 : i32
        %ne3A_328 = arith.xori %lt3A_325, %lt3A_327 : i1
        %and3A_329 = arith.andi %ne3A_328, %ne3A_323 : i1
        %add3A_330 = arith.addi %rem3A_321, %select_n3A_320 : i32
        %select_n3A_331 = arith.select %and3A_329, %add3A_330, %rem3A_321 : i32
        %dma_start3A_332 = arith.constant 0 : i32
        %dma_start3A_333 = tpu.memref_slice %arg12[%select_n3A_331, %dma_start3A_332] : memref<4x80xi32, #tpu.memory_space<vmem>> -> memref<1x80xi32, #tpu.memory_space<vmem>>
        %dma_start3A_334 = tpu.memref_squeeze %dma_start3A_333 : memref<1x80xi32, #tpu.memory_space<vmem>> -> memref<80xi32, #tpu.memory_space<vmem>>
        %dma_start3A_335 = tpu.memref_slice %arg5[%multiple_of3A_291] : memref<640000xi32, #tpu.memory_space<hbm>> -> memref<80xi32, #tpu.memory_space<hbm>>
        %dma_start3A_336 = arith.constant 0 : i32
        %dma_start3A_337 = tpu.memref_slice %arg12[%select_n3A_331, %dma_start3A_336] : memref<4x80xi32, #tpu.memory_space<vmem>> -> memref<1x80xi32, #tpu.memory_space<vmem>>
        %dma_start3A_338 = tpu.memref_squeeze %dma_start3A_337 : memref<1x80xi32, #tpu.memory_space<vmem>> -> memref<80xi32, #tpu.memory_space<vmem>>
        %dma_start3A_339 = tpu.memref_slice %arg5[%multiple_of3A_291] : memref<640000xi32, #tpu.memory_space<hbm>> -> memref<80xi32, #tpu.memory_space<hbm>>
        tpu.enqueue_dma source(%dma_start3A_339 : memref<80xi32, #tpu.memory_space<hbm>>) target(%dma_start3A_338 : memref<80xi32, #tpu.memory_space<vmem>>) target_semaphore(%arg16 : memref<!tpu.dma_semaphore, #tpu.memory_space<semaphore_mem>>)
      } else {
      }
      %add3A_217 = arith.constant 1 : i32
      %add3A_218 = arith.addi %add3A_209, %add3A_217 : i32
      %lt3A_219 = arith.constant 250 : i32
      %lt3A_220 = arith.cmpi slt, %add3A_218, %lt3A_219 : i32
      %convert_element_type3A_221 = arith.extui %lt3A_220 : i1 to i32
      %cond3A_222 = arith.constant 0 : i32
      %cond3A_223 = arith.cmpi ne, %convert_element_type3A_221, %cond3A_222 : i32
      scf.if %cond3A_223 {
        %dma_wait3A_286 = arith.constant 0 : i32
        %dma_wait3A_287 = arith.constant 0 : i32
        %dma_wait3A_288 = tpu.memref_slice %arg11[%dma_wait3A_286, %dma_wait3A_287] : memref<4x80xi32, #tpu.memory_space<vmem>> -> memref<1x80xi32, #tpu.memory_space<vmem>>
        %dma_wait3A_289 = tpu.memref_squeeze %dma_wait3A_288 : memref<1x80xi32, #tpu.memory_space<vmem>> -> memref<80xi32, #tpu.memory_space<vmem>>
        %dma_wait3A_290 = arith.constant 0 : i32
        %dma_wait3A_291 = tpu.memref_slice %arg4[%dma_wait3A_290] : memref<640000xi32, #tpu.memory_space<hbm>> -> memref<80xi32, #tpu.memory_space<hbm>>
        %dma_wait3A_292 = arith.constant 0 : i32
        %dma_wait3A_293 = tpu.memref_slice %arg11[%dma_wait3A_286, %dma_wait3A_292] : memref<4x80xi32, #tpu.memory_space<vmem>> -> memref<1x80xi32, #tpu.memory_space<vmem>>
        %dma_wait3A_294 = tpu.memref_squeeze %dma_wait3A_293 : memref<1x80xi32, #tpu.memory_space<vmem>> -> memref<80xi32, #tpu.memory_space<vmem>>
        %dma_wait3A_295 = arith.constant 0 : i32
        %dma_wait3A_296 = tpu.memref_slice %arg4[%dma_wait3A_295] : memref<640000xi32, #tpu.memory_space<hbm>> -> memref<80xi32, #tpu.memory_space<hbm>>
        tpu.wait_dma2 semaphore(%arg15 : memref<!tpu.dma_semaphore, #tpu.memory_space<semaphore_mem>>) src(%dma_wait3A_296 : memref<80xi32, #tpu.memory_space<hbm>>) dst(%dma_wait3A_294 : memref<80xi32, #tpu.memory_space<vmem>>)
        %dma_wait3A_297 = arith.constant 0 : i32
        %dma_wait3A_298 = arith.constant 0 : i32
        %dma_wait3A_299 = tpu.memref_slice %arg12[%dma_wait3A_297, %dma_wait3A_298] : memref<4x80xi32, #tpu.memory_space<vmem>> -> memref<1x80xi32, #tpu.memory_space<vmem>>
        %dma_wait3A_300 = tpu.memref_squeeze %dma_wait3A_299 : memref<1x80xi32, #tpu.memory_space<vmem>> -> memref<80xi32, #tpu.memory_space<vmem>>
        %dma_wait3A_301 = arith.constant 0 : i32
        %dma_wait3A_302 = tpu.memref_slice %arg5[%dma_wait3A_301] : memref<640000xi32, #tpu.memory_space<hbm>> -> memref<80xi32, #tpu.memory_space<hbm>>
        %dma_wait3A_303 = arith.constant 0 : i32
        %dma_wait3A_304 = tpu.memref_slice %arg12[%dma_wait3A_297, %dma_wait3A_303] : memref<4x80xi32, #tpu.memory_space<vmem>> -> memref<1x80xi32, #tpu.memory_space<vmem>>
        %dma_wait3A_305 = tpu.memref_squeeze %dma_wait3A_304 : memref<1x80xi32, #tpu.memory_space<vmem>> -> memref<80xi32, #tpu.memory_space<vmem>>
        %dma_wait3A_306 = arith.constant 0 : i32
        %dma_wait3A_307 = tpu.memref_slice %arg5[%dma_wait3A_306] : memref<640000xi32, #tpu.memory_space<hbm>> -> memref<80xi32, #tpu.memory_space<hbm>>
        tpu.wait_dma2 semaphore(%arg15 : memref<!tpu.dma_semaphore, #tpu.memory_space<semaphore_mem>>) src(%dma_wait3A_307 : memref<80xi32, #tpu.memory_space<hbm>>) dst(%dma_wait3A_305 : memref<80xi32, #tpu.memory_space<vmem>>)
        %add3A_308 = arith.constant 1 : i32
        %add3A_309 = arith.addi %add3A_209, %add3A_308 : i32
        %mul3A_310 = arith.constant 40 : i32
        %mul3A_311 = arith.muli %add3A_309, %mul3A_310 : i32
        %add3A_312 = arith.addi %multiple_of3A_5, %mul3A_311 : i32
        %multiple_of3A_313 = tpu.assume_multiple %add3A_312, 8 : i32
        %jit3A_314 = arith.constant 4 : i32
        %eq3A_315 = arith.constant 0 : i32
        %eq3A_316 = arith.cmpi eq, %jit3A_314, %eq3A_315 : i32
        %jit3A_317 = arith.constant 1 : i32
        %select_n3A_318 = arith.select %eq3A_316, %jit3A_317, %jit3A_314 : i32
        %rem3A_319 = arith.remsi %add3A_309, %select_n3A_318 : i32
        %ne3A_320 = arith.constant 0 : i32
        %ne3A_321 = arith.cmpi ne, %rem3A_319, %ne3A_320 : i32
        %lt3A_322 = arith.constant 0 : i32
        %lt3A_323 = arith.cmpi slt, %rem3A_319, %lt3A_322 : i32
        %lt3A_324 = arith.constant 0 : i32
        %lt3A_325 = arith.cmpi slt, %select_n3A_318, %lt3A_324 : i32
        %ne3A_326 = arith.xori %lt3A_323, %lt3A_325 : i1
        %and3A_327 = arith.andi %ne3A_326, %ne3A_321 : i1
        %add3A_328 = arith.addi %rem3A_319, %select_n3A_318 : i32
        %select_n3A_329 = arith.select %and3A_327, %add3A_328, %rem3A_319 : i32
        %dma_start3A_330 = arith.constant 0 : i32
        %dma_start3A_331 = arith.constant 0 : i32
        %dma_start3A_332 = arith.constant 0 : i32
        %dma_start3A_333 = tpu.memref_slice %arg8[%dma_start3A_330, %dma_start3A_331, %dma_start3A_332] : memref<2x80x128xf32, #tpu.memory_space<vmem>> -> memref<1x80x128xf32, #tpu.memory_space<vmem>>
        %dma_start3A_334 = tpu.memref_squeeze %dma_start3A_333 : memref<1x80x128xf32, #tpu.memory_space<vmem>> -> memref<80x128xf32, #tpu.memory_space<vmem>>
        %dma_start3A_335 = arith.constant 0 : i32
        %dma_start3A_336 = tpu.memref_slice %arg11[%select_n3A_329, %dma_start3A_335] : memref<4x80xi32, #tpu.memory_space<vmem>> -> memref<1x80xi32, #tpu.memory_space<vmem>>
        %dma_start3A_337 = tpu.memref_squeeze %dma_start3A_336 : memref<1x80xi32, #tpu.memory_space<vmem>> -> memref<80xi32, #tpu.memory_space<vmem>>
        %dma_start3A_338 = arith.constant 0 : i32
        %dma_start3A_339 = arith.constant 0 : i32
        %dma_start3A_340 = tpu.memref_slice %arg2[%dma_start3A_338, %dma_start3A_339] : memref<10000x128xf32, #tpu.memory_space<hbm>> -> memref<10000x128xf32, #tpu.memory_space<hbm>>
        tpu.enqueue_indirect_dma source(%dma_start3A_340 : memref<10000x128xf32, #tpu.memory_space<hbm>>) target(%dma_start3A_334 : memref<80x128xf32, #tpu.memory_space<vmem>>) offsets(%dma_start3A_337 : memref<80xi32, #tpu.memory_space<vmem>>) semaphore(%arg13 : memref<!tpu.dma_semaphore, #tpu.memory_space<semaphore_mem>>)
        %dma_start3A_341 = arith.constant 0 : i32
        %dma_start3A_342 = arith.constant 0 : i32
        %dma_start3A_343 = arith.constant 0 : i32
        %dma_start3A_344 = tpu.memref_slice %arg9[%dma_start3A_341, %dma_start3A_342, %dma_start3A_343] : memref<2x40x64xi32, #tpu.memory_space<vmem>> -> memref<1x40x64xi32, #tpu.memory_space<vmem>>
        %dma_start3A_345 = tpu.memref_squeeze %dma_start3A_344 : memref<1x40x64xi32, #tpu.memory_space<vmem>> -> memref<40x64xi32, #tpu.memory_space<vmem>>
        %dma_start3A_346 = arith.constant 0 : i32
        %dma_start3A_347 = tpu.memref_slice %arg3[%multiple_of3A_313, %dma_start3A_346] : memref<320000x64xi32, #tpu.memory_space<hbm>> -> memref<40x64xi32, #tpu.memory_space<hbm>>
        %dma_start3A_348 = arith.constant 0 : i32
        %dma_start3A_349 = arith.constant 0 : i32
        %dma_start3A_350 = tpu.memref_slice %arg9[%dma_start3A_341, %dma_start3A_348, %dma_start3A_349] : memref<2x40x64xi32, #tpu.memory_space<vmem>> -> memref<1x40x64xi32, #tpu.memory_space<vmem>>
        %dma_start3A_351 = tpu.memref_squeeze %dma_start3A_350 : memref<1x40x64xi32, #tpu.memory_space<vmem>> -> memref<40x64xi32, #tpu.memory_space<vmem>>
        %dma_start3A_352 = arith.constant 0 : i32
        %dma_start3A_353 = tpu.memref_slice %arg3[%multiple_of3A_313, %dma_start3A_352] : memref<320000x64xi32, #tpu.memory_space<hbm>> -> memref<40x64xi32, #tpu.memory_space<hbm>>
        tpu.enqueue_dma source(%dma_start3A_353 : memref<40x64xi32, #tpu.memory_space<hbm>>) target(%dma_start3A_351 : memref<40x64xi32, #tpu.memory_space<vmem>>) target_semaphore(%arg13 : memref<!tpu.dma_semaphore, #tpu.memory_space<semaphore_mem>>)
      } else {
      }
      %dma_wait3A_224 = arith.constant 1 : i32
      %dma_wait3A_225 = arith.constant 0 : i32
      %dma_wait3A_226 = arith.constant 0 : i32
      %dma_wait3A_227 = tpu.memref_slice %arg8[%dma_wait3A_224, %dma_wait3A_225, %dma_wait3A_226] : memref<2x80x128xf32, #tpu.memory_space<vmem>> -> memref<1x80x128xf32, #tpu.memory_space<vmem>>
      %dma_wait3A_228 = tpu.memref_squeeze %dma_wait3A_227 : memref<1x80x128xf32, #tpu.memory_space<vmem>> -> memref<80x128xf32, #tpu.memory_space<vmem>>
      %dma_wait3A_229 = arith.constant 0 : i32
      %dma_wait3A_230 = arith.constant 0 : i32
      %dma_wait3A_231 = tpu.memref_slice %arg2[%dma_wait3A_229, %dma_wait3A_230] : memref<10000x128xf32, #tpu.memory_space<hbm>> -> memref<80x128xf32, #tpu.memory_space<hbm>>
      %dma_wait3A_232 = arith.constant 0 : i32
      %dma_wait3A_233 = arith.constant 0 : i32
      %dma_wait3A_234 = tpu.memref_slice %arg8[%dma_wait3A_224, %dma_wait3A_232, %dma_wait3A_233] : memref<2x80x128xf32, #tpu.memory_space<vmem>> -> memref<1x80x128xf32, #tpu.memory_space<vmem>>
      %dma_wait3A_235 = tpu.memref_squeeze %dma_wait3A_234 : memref<1x80x128xf32, #tpu.memory_space<vmem>> -> memref<80x128xf32, #tpu.memory_space<vmem>>
      %dma_wait3A_236 = arith.constant 0 : i32
      %dma_wait3A_237 = arith.constant 0 : i32
      %dma_wait3A_238 = tpu.memref_slice %arg2[%dma_wait3A_236, %dma_wait3A_237] : memref<10000x128xf32, #tpu.memory_space<hbm>> -> memref<80x128xf32, #tpu.memory_space<hbm>>
      tpu.wait_dma2 semaphore(%arg14 : memref<!tpu.dma_semaphore, #tpu.memory_space<semaphore_mem>>) src(%dma_wait3A_238 : memref<80x128xf32, #tpu.memory_space<hbm>>) dst(%dma_wait3A_235 : memref<80x128xf32, #tpu.memory_space<vmem>>)
      %dma_wait3A_239 = arith.constant 1 : i32
      %dma_wait3A_240 = arith.constant 0 : i32
      %dma_wait3A_241 = arith.constant 0 : i32
      %dma_wait3A_242 = tpu.memref_slice %arg9[%dma_wait3A_239, %dma_wait3A_240, %dma_wait3A_241] : memref<2x40x64xi32, #tpu.memory_space<vmem>> -> memref<1x40x64xi32, #tpu.memory_space<vmem>>
      %dma_wait3A_243 = tpu.memref_squeeze %dma_wait3A_242 : memref<1x40x64xi32, #tpu.memory_space<vmem>> -> memref<40x64xi32, #tpu.memory_space<vmem>>
      %dma_wait3A_244 = arith.constant 0 : i32
      %dma_wait3A_245 = arith.constant 0 : i32
      %dma_wait3A_246 = tpu.memref_slice %arg3[%dma_wait3A_244, %dma_wait3A_245] : memref<320000x64xi32, #tpu.memory_space<hbm>> -> memref<40x64xi32, #tpu.memory_space<hbm>>
      %dma_wait3A_247 = arith.constant 0 : i32
      %dma_wait3A_248 = arith.constant 0 : i32
      %dma_wait3A_249 = tpu.memref_slice %arg9[%dma_wait3A_239, %dma_wait3A_247, %dma_wait3A_248] : memref<2x40x64xi32, #tpu.memory_space<vmem>> -> memref<1x40x64xi32, #tpu.memory_space<vmem>>
      %dma_wait3A_250 = tpu.memref_squeeze %dma_wait3A_249 : memref<1x40x64xi32, #tpu.memory_space<vmem>> -> memref<40x64xi32, #tpu.memory_space<vmem>>
      %dma_wait3A_251 = arith.constant 0 : i32
      %dma_wait3A_252 = arith.constant 0 : i32
      %dma_wait3A_253 = tpu.memref_slice %arg3[%dma_wait3A_251, %dma_wait3A_252] : memref<320000x64xi32, #tpu.memory_space<hbm>> -> memref<40x64xi32, #tpu.memory_space<hbm>>
      tpu.wait_dma2 semaphore(%arg14 : memref<!tpu.dma_semaphore, #tpu.memory_space<semaphore_mem>>) src(%dma_wait3A_253 : memref<40x64xi32, #tpu.memory_space<hbm>>) dst(%dma_wait3A_250 : memref<40x64xi32, #tpu.memory_space<vmem>>)
      %ge3A_254 = arith.constant 1 : i32
      %ge3A_255 = arith.cmpi sge, %add3A_209, %ge3A_254 : i32
      %convert_element_type3A_256 = arith.extui %ge3A_255 : i1 to i32
      %cond3A_257 = arith.constant 0 : i32
      %cond3A_258 = arith.cmpi ne, %convert_element_type3A_256, %cond3A_257 : i32
      scf.if %cond3A_258 {
        %dma_wait3A_286 = arith.constant 0 : i32
        %dma_wait3A_287 = arith.constant 0 : i32
        %dma_wait3A_288 = tpu.memref_slice %arg7[%dma_wait3A_286, %dma_wait3A_287] : memref<10000x128xf32, #tpu.memory_space<vmem_shared>> -> memref<80x128xf32, #tpu.memory_space<vmem_shared>>
        %dma_wait3A_289 = arith.constant 0 : i32
        %dma_wait3A_290 = arith.constant 0 : i32
        %dma_wait3A_291 = tpu.memref_slice %arg7[%dma_wait3A_289, %dma_wait3A_290] : memref<10000x128xf32, #tpu.memory_space<vmem_shared>> -> memref<80x128xf32, #tpu.memory_space<vmem_shared>>
        tpu.wait_dma2 semaphore(%arg17 : memref<!tpu.dma_semaphore, #tpu.memory_space<semaphore_mem>>) src(%arg10 : memref<80x128xf32, #tpu.memory_space<vmem>>) dst(%dma_wait3A_291 : memref<80x128xf32, #tpu.memory_space<vmem_shared>>)
      } else {
      }
      %scan3A_259 = arith.constant 0 : i32
      %scan3A_260 = arith.constant 40 : i32
      %scan3A_261 = arith.addi %scan3A_259, %scan3A_260 : i32
      %scan3A_262 = arith.constant 1 : i32
      scf.for %scan3A_286 = %scan3A_259 to %scan3A_261 step %scan3A_262  : i32 {
        %mul3A_287 = arith.constant 1 : i32
        %mul3A_288 = arith.muli %scan3A_286, %mul3A_287 : i32
        %add3A_289 = arith.constant 0 : i32
        %add3A_290 = arith.addi %add3A_289, %mul3A_288 : i32
        %get3A = arith.constant 1 : i32
        %get3A_291 = arith.index_cast %get3A : i32 to index
        %get3A_292 = arith.index_cast %add3A_290 : i32 to index
        %get3A_293 = arith.constant 0 : index
        %get3A_294 = tpu.vector_load %arg9[%get3A_291, %get3A_292, %get3A_293] {strides = array<i32>} : memref<2x40x64xi32, #tpu.memory_space<vmem>>, vector<16xi32>,
        %shift_left3A = arith.constant 16 : i32
        %shift_left3A_295 = vector.broadcast %shift_left3A : i32 to vector<16xi32>
        %shift_left3A_296 = arith.shli %get3A_294, %shift_left3A_295 : vector<16xi32>
        %bitcast_convert_type3A = tpu.bitcast %shift_left3A_296 : vector<16xi32> -> vector<16xf32>
        %and3A_297 = arith.constant -65536 : i32
        %and3A_298 = vector.broadcast %and3A_297 : i32 to vector<16xi32>
        %and3A_299 = arith.andi %get3A_294, %and3A_298 : vector<16xi32>
        %bitcast_convert_type3A_300 = tpu.bitcast %and3A_299 : vector<16xi32> -> vector<16xf32>
        %get3A_301 = arith.constant 1 : i32
        %get3A_302 = arith.index_cast %get3A_301 : i32 to index
        %get3A_303 = arith.index_cast %add3A_290 : i32 to index
        %get3A_304 = arith.constant 0 : index
        %get3A_305 = tpu.vector_load %arg8[%get3A_302, %get3A_303, %get3A_304] {strides = array<i32>} : memref<2x80x128xf32, #tpu.memory_space<vmem>>, vector<16xf32>,
        %mul3A_306 = arith.mulf %get3A_305, %bitcast_convert_type3A : vector<16xf32>
        %swap3A = arith.index_cast %add3A_290 : i32 to index
        %swap3A_307 = arith.constant 0 : index
        %swap3A_308 = tpu.vector_load %arg10[%swap3A, %swap3A_307] {strides = array<i32>} : memref<80x128xf32, #tpu.memory_space<vmem>>, vector<16xf32>,
        tpu.vector_store %arg10[%swap3A, %swap3A_307], %mul3A_306 {strides = array<i32>} : memref<80x128xf32, #tpu.memory_space<vmem>>, vector<16xf32>,
        %get3A_309 = arith.constant 1 : i32
        %get3A_310 = arith.index_cast %get3A_309 : i32 to index
        %get3A_311 = arith.index_cast %add3A_290 : i32 to index
        %get3A_312 = arith.constant 64 : index
        %get3A_313 = tpu.vector_load %arg8[%get3A_310, %get3A_311, %get3A_312] {strides = array<i32>} : memref<2x80x128xf32, #tpu.memory_space<vmem>>, vector<16xf32>,
        %mul3A_314 = arith.mulf %get3A_313, %bitcast_convert_type3A_300 : vector<16xf32>
        %swap3A_315 = arith.index_cast %add3A_290 : i32 to index
        %swap3A_316 = arith.constant 64 : index
        %swap3A_317 = tpu.vector_load %arg10[%swap3A_315, %swap3A_316] {strides = array<i32>} : memref<80x128xf32, #tpu.memory_space<vmem>>, vector<16xf32>,
        tpu.vector_store %arg10[%swap3A_315, %swap3A_316], %mul3A_314 {strides = array<i32>} : memref<80x128xf32, #tpu.memory_space<vmem>>, vector<16xf32>,
        %add3A_318 = arith.constant 40 : i32
        %add3A_319 = arith.addi %add3A_318, %add3A_290 : i32
        %get3A_320 = arith.constant 1 : i32
        %get3A_321 = arith.index_cast %get3A_320 : i32 to index
        %get3A_322 = arith.index_cast %add3A_319 : i32 to index
        %get3A_323 = arith.constant 0 : index
        %get3A_324 = tpu.vector_load %arg8[%get3A_321, %get3A_322, %get3A_323] {strides = array<i32>} : memref<2x80x128xf32, #tpu.memory_space<vmem>>, vector<16xf32>,
        %mul3A_325 = arith.mulf %get3A_324, %bitcast_convert_type3A : vector<16xf32>
        %add3A_326 = arith.constant 40 : i32
        %add3A_327 = arith.addi %add3A_326, %add3A_290 : i32
        %swap3A_328 = arith.index_cast %add3A_327 : i32 to index
        %swap3A_329 = arith.constant 0 : index
        %swap3A_330 = tpu.vector_load %arg10[%swap3A_328, %swap3A_329] {strides = array<i32>} : memref<80x128xf32, #tpu.memory_space<vmem>>, vector<16xf32>,
        tpu.vector_store %arg10[%swap3A_328, %swap3A_329], %mul3A_325 {strides = array<i32>} : memref<80x128xf32, #tpu.memory_space<vmem>>, vector<16xf32>,
        %add3A_331 = arith.constant 40 : i32
        %add3A_332 = arith.addi %add3A_331, %add3A_290 : i32
        %get3A_333 = arith.constant 1 : i32
        %get3A_334 = arith.index_cast %get3A_333 : i32 to index
        %get3A_335 = arith.index_cast %add3A_332 : i32 to index
        %get3A_336 = arith.constant 64 : index
        %get3A_337 = tpu.vector_load %arg8[%get3A_334, %get3A_335, %get3A_336] {strides = array<i32>} : memref<2x80x128xf32, #tpu.memory_space<vmem>>, vector<16xf32>,
        %mul3A_338 = arith.mulf %get3A_337, %bitcast_convert_type3A_300 : vector<16xf32>
        %add3A_339 = arith.constant 40 : i32
        %add3A_340 = arith.addi %add3A_339, %add3A_290 : i32
        %swap3A_341 = arith.index_cast %add3A_340 : i32 to index
        %swap3A_342 = arith.constant 64 : index
        %swap3A_343 = tpu.vector_load %arg10[%swap3A_341, %swap3A_342] {strides = array<i32>} : memref<80x128xf32, #tpu.memory_space<vmem>>, vector<16xf32>,
        tpu.vector_store %arg10[%swap3A_341, %swap3A_342], %mul3A_338 {strides = array<i32>} : memref<80x128xf32, #tpu.memory_space<vmem>>, vector<16xf32>,
        %get3A_344 = arith.constant 1 : i32
        %get3A_345 = arith.index_cast %get3A_344 : i32 to index
        %get3A_346 = arith.index_cast %add3A_290 : i32 to index
        %get3A_347 = arith.constant 16 : index
        %get3A_348 = tpu.vector_load %arg9[%get3A_345, %get3A_346, %get3A_347] {strides = array<i32>} : memref<2x40x64xi32, #tpu.memory_space<vmem>>, vector<16xi32>,
        %shift_left3A_349 = arith.constant 16 : i32
        %shift_left3A_350 = vector.broadcast %shift_left3A_349 : i32 to vector<16xi32>
        %shift_left3A_351 = arith.shli %get3A_348, %shift_left3A_350 : vector<16xi32>
        %bitcast_convert_type3A_352 = tpu.bitcast %shift_left3A_351 : vector<16xi32> -> vector<16xf32>
        %and3A_353 = arith.constant -65536 : i32
        %and3A_354 = vector.broadcast %and3A_353 : i32 to vector<16xi32>
        %and3A_355 = arith.andi %get3A_348, %and3A_354 : vector<16xi32>
        %bitcast_convert_type3A_356 = tpu.bitcast %and3A_355 : vector<16xi32> -> vector<16xf32>
        %get3A_357 = arith.constant 1 : i32
        %get3A_358 = arith.index_cast %get3A_357 : i32 to index
        %get3A_359 = arith.index_cast %add3A_290 : i32 to index
        %get3A_360 = arith.constant 16 : index
        %get3A_361 = tpu.vector_load %arg8[%get3A_358, %get3A_359, %get3A_360] {strides = array<i32>} : memref<2x80x128xf32, #tpu.memory_space<vmem>>, vector<16xf32>,
        %mul3A_362 = arith.mulf %get3A_361, %bitcast_convert_type3A_352 : vector<16xf32>
        %swap3A_363 = arith.index_cast %add3A_290 : i32 to index
        %swap3A_364 = arith.constant 16 : index
        %swap3A_365 = tpu.vector_load %arg10[%swap3A_363, %swap3A_364] {strides = array<i32>} : memref<80x128xf32, #tpu.memory_space<vmem>>, vector<16xf32>,
        tpu.vector_store %arg10[%swap3A_363, %swap3A_364], %mul3A_362 {strides = array<i32>} : memref<80x128xf32, #tpu.memory_space<vmem>>, vector<16xf32>,
        %get3A_366 = arith.constant 1 : i32
        %get3A_367 = arith.index_cast %get3A_366 : i32 to index
        %get3A_368 = arith.index_cast %add3A_290 : i32 to index
        %get3A_369 = arith.constant 80 : index
        %get3A_370 = tpu.vector_load %arg8[%get3A_367, %get3A_368, %get3A_369] {strides = array<i32>} : memref<2x80x128xf32, #tpu.memory_space<vmem>>, vector<16xf32>,
        %mul3A_371 = arith.mulf %get3A_370, %bitcast_convert_type3A_356 : vector<16xf32>
        %swap3A_372 = arith.index_cast %add3A_290 : i32 to index
        %swap3A_373 = arith.constant 80 : index
        %swap3A_374 = tpu.vector_load %arg10[%swap3A_372, %swap3A_373] {strides = array<i32>} : memref<80x128xf32, #tpu.memory_space<vmem>>, vector<16xf32>,
        tpu.vector_store %arg10[%swap3A_372, %swap3A_373], %mul3A_371 {strides = array<i32>} : memref<80x128xf32, #tpu.memory_space<vmem>>, vector<16xf32>,
        %add3A_375 = arith.constant 40 : i32
        %add3A_376 = arith.addi %add3A_375, %add3A_290 : i32
        %get3A_377 = arith.constant 1 : i32
        %get3A_378 = arith.index_cast %get3A_377 : i32 to index
        %get3A_379 = arith.index_cast %add3A_376 : i32 to index
        %get3A_380 = arith.constant 16 : index
        %get3A_381 = tpu.vector_load %arg8[%get3A_378, %get3A_379, %get3A_380] {strides = array<i32>} : memref<2x80x128xf32, #tpu.memory_space<vmem>>, vector<16xf32>,
        %mul3A_382 = arith.mulf %get3A_381, %bitcast_convert_type3A_352 : vector<16xf32>
        %add3A_383 = arith.constant 40 : i32
        %add3A_384 = arith.addi %add3A_383, %add3A_290 : i32
        %swap3A_385 = arith.index_cast %add3A_384 : i32 to index
        %swap3A_386 = arith.constant 16 : index
        %swap3A_387 = tpu.vector_load %arg10[%swap3A_385, %swap3A_386] {strides = array<i32>} : memref<80x128xf32, #tpu.memory_space<vmem>>, vector<16xf32>,
        tpu.vector_store %arg10[%swap3A_385, %swap3A_386], %mul3A_382 {strides = array<i32>} : memref<80x128xf32, #tpu.memory_space<vmem>>, vector<16xf32>,
        %add3A_388 = arith.constant 40 : i32
        %add3A_389 = arith.addi %add3A_388, %add3A_290 : i32
        %get3A_390 = arith.constant 1 : i32
        %get3A_391 = arith.index_cast %get3A_390 : i32 to index
        %get3A_392 = arith.index_cast %add3A_389 : i32 to index
        %get3A_393 = arith.constant 80 : index
        %get3A_394 = tpu.vector_load %arg8[%get3A_391, %get3A_392, %get3A_393] {strides = array<i32>} : memref<2x80x128xf32, #tpu.memory_space<vmem>>, vector<16xf32>,
        %mul3A_395 = arith.mulf %get3A_394, %bitcast_convert_type3A_356 : vector<16xf32>
        %add3A_396 = arith.constant 40 : i32
        %add3A_397 = arith.addi %add3A_396, %add3A_290 : i32
        %swap3A_398 = arith.index_cast %add3A_397 : i32 to index
        %swap3A_399 = arith.constant 80 : index
        %swap3A_400 = tpu.vector_load %arg10[%swap3A_398, %swap3A_399] {strides = array<i32>} : memref<80x128xf32, #tpu.memory_space<vmem>>, vector<16xf32>,
        tpu.vector_store %arg10[%swap3A_398, %swap3A_399], %mul3A_395 {strides = array<i32>} : memref<80x128xf32, #tpu.memory_space<vmem>>, vector<16xf32>,
        %get3A_401 = arith.constant 1 : i32
        %get3A_402 = arith.index_cast %get3A_401 : i32 to index
        %get3A_403 = arith.index_cast %add3A_290 : i32 to index
        %get3A_404 = arith.constant 32 : index
        %get3A_405 = tpu.vector_load %arg9[%get3A_402, %get3A_403, %get3A_404] {strides = array<i32>} : memref<2x40x64xi32, #tpu.memory_space<vmem>>, vector<16xi32>,
        %shift_left3A_406 = arith.constant 16 : i32
        %shift_left3A_407 = vector.broadcast %shift_left3A_406 : i32 to vector<16xi32>
        %shift_left3A_408 = arith.shli %get3A_405, %shift_left3A_407 : vector<16xi32>
        %bitcast_convert_type3A_409 = tpu.bitcast %shift_left3A_408 : vector<16xi32> -> vector<16xf32>
        %and3A_410 = arith.constant -65536 : i32
        %and3A_411 = vector.broadcast %and3A_410 : i32 to vector<16xi32>
        %and3A_412 = arith.andi %get3A_405, %and3A_411 : vector<16xi32>
        %bitcast_convert_type3A_413 = tpu.bitcast %and3A_412 : vector<16xi32> -> vector<16xf32>
        %get3A_414 = arith.constant 1 : i32
        %get3A_415 = arith.index_cast %get3A_414 : i32 to index
        %get3A_416 = arith.index_cast %add3A_290 : i32 to index
        %get3A_417 = arith.constant 32 : index
        %get3A_418 = tpu.vector_load %arg8[%get3A_415, %get3A_416, %get3A_417] {strides = array<i32>} : memref<2x80x128xf32, #tpu.memory_space<vmem>>, vector<16xf32>,
        %mul3A_419 = arith.mulf %get3A_418, %bitcast_convert_type3A_409 : vector<16xf32>
        %swap3A_420 = arith.index_cast %add3A_290 : i32 to index
        %swap3A_421 = arith.constant 32 : index
        %swap3A_422 = tpu.vector_load %arg10[%swap3A_420, %swap3A_421] {strides = array<i32>} : memref<80x128xf32, #tpu.memory_space<vmem>>, vector<16xf32>,
        tpu.vector_store %arg10[%swap3A_420, %swap3A_421], %mul3A_419 {strides = array<i32>} : memref<80x128xf32, #tpu.memory_space<vmem>>, vector<16xf32>,
        %get3A_423 = arith.constant 1 : i32
        %get3A_424 = arith.index_cast %get3A_423 : i32 to index
        %get3A_425 = arith.index_cast %add3A_290 : i32 to index
        %get3A_426 = arith.constant 96 : index
        %get3A_427 = tpu.vector_load %arg8[%get3A_424, %get3A_425, %get3A_426] {strides = array<i32>} : memref<2x80x128xf32, #tpu.memory_space<vmem>>, vector<16xf32>,
        %mul3A_428 = arith.mulf %get3A_427, %bitcast_convert_type3A_413 : vector<16xf32>
        %swap3A_429 = arith.index_cast %add3A_290 : i32 to index
        %swap3A_430 = arith.constant 96 : index
        %swap3A_431 = tpu.vector_load %arg10[%swap3A_429, %swap3A_430] {strides = array<i32>} : memref<80x128xf32, #tpu.memory_space<vmem>>, vector<16xf32>,
        tpu.vector_store %arg10[%swap3A_429, %swap3A_430], %mul3A_428 {strides = array<i32>} : memref<80x128xf32, #tpu.memory_space<vmem>>, vector<16xf32>,
        %add3A_432 = arith.constant 40 : i32
        %add3A_433 = arith.addi %add3A_432, %add3A_290 : i32
        %get3A_434 = arith.constant 1 : i32
        %get3A_435 = arith.index_cast %get3A_434 : i32 to index
        %get3A_436 = arith.index_cast %add3A_433 : i32 to index
        %get3A_437 = arith.constant 32 : index
        %get3A_438 = tpu.vector_load %arg8[%get3A_435, %get3A_436, %get3A_437] {strides = array<i32>} : memref<2x80x128xf32, #tpu.memory_space<vmem>>, vector<16xf32>,
        %mul3A_439 = arith.mulf %get3A_438, %bitcast_convert_type3A_409 : vector<16xf32>
        %add3A_440 = arith.constant 40 : i32
        %add3A_441 = arith.addi %add3A_440, %add3A_290 : i32
        %swap3A_442 = arith.index_cast %add3A_441 : i32 to index
        %swap3A_443 = arith.constant 32 : index
        %swap3A_444 = tpu.vector_load %arg10[%swap3A_442, %swap3A_443] {strides = array<i32>} : memref<80x128xf32, #tpu.memory_space<vmem>>, vector<16xf32>,
        tpu.vector_store %arg10[%swap3A_442, %swap3A_443], %mul3A_439 {strides = array<i32>} : memref<80x128xf32, #tpu.memory_space<vmem>>, vector<16xf32>,
        %add3A_445 = arith.constant 40 : i32
        %add3A_446 = arith.addi %add3A_445, %add3A_290 : i32
        %get3A_447 = arith.constant 1 : i32
        %get3A_448 = arith.index_cast %get3A_447 : i32 to index
        %get3A_449 = arith.index_cast %add3A_446 : i32 to index
        %get3A_450 = arith.constant 96 : index
        %get3A_451 = tpu.vector_load %arg8[%get3A_448, %get3A_449, %get3A_450] {strides = array<i32>} : memref<2x80x128xf32, #tpu.memory_space<vmem>>, vector<16xf32>,
        %mul3A_452 = arith.mulf %get3A_451, %bitcast_convert_type3A_413 : vector<16xf32>
        %add3A_453 = arith.constant 40 : i32
        %add3A_454 = arith.addi %add3A_453, %add3A_290 : i32
        %swap3A_455 = arith.index_cast %add3A_454 : i32 to index
        %swap3A_456 = arith.constant 96 : index
        %swap3A_457 = tpu.vector_load %arg10[%swap3A_455, %swap3A_456] {strides = array<i32>} : memref<80x128xf32, #tpu.memory_space<vmem>>, vector<16xf32>,
        tpu.vector_store %arg10[%swap3A_455, %swap3A_456], %mul3A_452 {strides = array<i32>} : memref<80x128xf32, #tpu.memory_space<vmem>>, vector<16xf32>,
        %get3A_458 = arith.constant 1 : i32
        %get3A_459 = arith.index_cast %get3A_458 : i32 to index
        %get3A_460 = arith.index_cast %add3A_290 : i32 to index
        %get3A_461 = arith.constant 48 : index
        %get3A_462 = tpu.vector_load %arg9[%get3A_459, %get3A_460, %get3A_461] {strides = array<i32>} : memref<2x40x64xi32, #tpu.memory_space<vmem>>, vector<16xi32>,
        %shift_left3A_463 = arith.constant 16 : i32
        %shift_left3A_464 = vector.broadcast %shift_left3A_463 : i32 to vector<16xi32>
        %shift_left3A_465 = arith.shli %get3A_462, %shift_left3A_464 : vector<16xi32>
        %bitcast_convert_type3A_466 = tpu.bitcast %shift_left3A_465 : vector<16xi32> -> vector<16xf32>
        %and3A_467 = arith.constant -65536 : i32
        %and3A_468 = vector.broadcast %and3A_467 : i32 to vector<16xi32>
        %and3A_469 = arith.andi %get3A_462, %and3A_468 : vector<16xi32>
        %bitcast_convert_type3A_470 = tpu.bitcast %and3A_469 : vector<16xi32> -> vector<16xf32>
        %get3A_471 = arith.constant 1 : i32
        %get3A_472 = arith.index_cast %get3A_471 : i32 to index
        %get3A_473 = arith.index_cast %add3A_290 : i32 to index
        %get3A_474 = arith.constant 48 : index
        %get3A_475 = tpu.vector_load %arg8[%get3A_472, %get3A_473, %get3A_474] {strides = array<i32>} : memref<2x80x128xf32, #tpu.memory_space<vmem>>, vector<16xf32>,
        %mul3A_476 = arith.mulf %get3A_475, %bitcast_convert_type3A_466 : vector<16xf32>
        %swap3A_477 = arith.index_cast %add3A_290 : i32 to index
        %swap3A_478 = arith.constant 48 : index
        %swap3A_479 = tpu.vector_load %arg10[%swap3A_477, %swap3A_478] {strides = array<i32>} : memref<80x128xf32, #tpu.memory_space<vmem>>, vector<16xf32>,
        tpu.vector_store %arg10[%swap3A_477, %swap3A_478], %mul3A_476 {strides = array<i32>} : memref<80x128xf32, #tpu.memory_space<vmem>>, vector<16xf32>,
        %get3A_480 = arith.constant 1 : i32
        %get3A_481 = arith.index_cast %get3A_480 : i32 to index
        %get3A_482 = arith.index_cast %add3A_290 : i32 to index
        %get3A_483 = arith.constant 112 : index
        %get3A_484 = tpu.vector_load %arg8[%get3A_481, %get3A_482, %get3A_483] {strides = array<i32>} : memref<2x80x128xf32, #tpu.memory_space<vmem>>, vector<16xf32>,
        %mul3A_485 = arith.mulf %get3A_484, %bitcast_convert_type3A_470 : vector<16xf32>
        %swap3A_486 = arith.index_cast %add3A_290 : i32 to index
        %swap3A_487 = arith.constant 112 : index
        %swap3A_488 = tpu.vector_load %arg10[%swap3A_486, %swap3A_487] {strides = array<i32>} : memref<80x128xf32, #tpu.memory_space<vmem>>, vector<16xf32>,
        tpu.vector_store %arg10[%swap3A_486, %swap3A_487], %mul3A_485 {strides = array<i32>} : memref<80x128xf32, #tpu.memory_space<vmem>>, vector<16xf32>,
        %add3A_489 = arith.constant 40 : i32
        %add3A_490 = arith.addi %add3A_489, %add3A_290 : i32
        %get3A_491 = arith.constant 1 : i32
        %get3A_492 = arith.index_cast %get3A_491 : i32 to index
        %get3A_493 = arith.index_cast %add3A_490 : i32 to index
        %get3A_494 = arith.constant 48 : index
        %get3A_495 = tpu.vector_load %arg8[%get3A_492, %get3A_493, %get3A_494] {strides = array<i32>} : memref<2x80x128xf32, #tpu.memory_space<vmem>>, vector<16xf32>,
        %mul3A_496 = arith.mulf %get3A_495, %bitcast_convert_type3A_466 : vector<16xf32>
        %add3A_497 = arith.constant 40 : i32
        %add3A_498 = arith.addi %add3A_497, %add3A_290 : i32
        %swap3A_499 = arith.index_cast %add3A_498 : i32 to index
        %swap3A_500 = arith.constant 48 : index
        %swap3A_501 = tpu.vector_load %arg10[%swap3A_499, %swap3A_500] {strides = array<i32>} : memref<80x128xf32, #tpu.memory_space<vmem>>, vector<16xf32>,
        tpu.vector_store %arg10[%swap3A_499, %swap3A_500], %mul3A_496 {strides = array<i32>} : memref<80x128xf32, #tpu.memory_space<vmem>>, vector<16xf32>,
        %add3A_502 = arith.constant 40 : i32
        %add3A_503 = arith.addi %add3A_502, %add3A_290 : i32
        %get3A_504 = arith.constant 1 : i32
        %get3A_505 = arith.index_cast %get3A_504 : i32 to index
        %get3A_506 = arith.index_cast %add3A_503 : i32 to index
        %get3A_507 = arith.constant 112 : index
        %get3A_508 = tpu.vector_load %arg8[%get3A_505, %get3A_506, %get3A_507] {strides = array<i32>} : memref<2x80x128xf32, #tpu.memory_space<vmem>>, vector<16xf32>,
        %mul3A_509 = arith.mulf %get3A_508, %bitcast_convert_type3A_470 : vector<16xf32>
        %add3A_510 = arith.constant 40 : i32
        %add3A_511 = arith.addi %add3A_510, %add3A_290 : i32
        %swap3A_512 = arith.index_cast %add3A_511 : i32 to index
        %swap3A_513 = arith.constant 112 : index
        %swap3A_514 = tpu.vector_load %arg10[%swap3A_512, %swap3A_513] {strides = array<i32>} : memref<80x128xf32, #tpu.memory_space<vmem>>, vector<16xf32>,
        tpu.vector_store %arg10[%swap3A_512, %swap3A_513], %mul3A_509 {strides = array<i32>} : memref<80x128xf32, #tpu.memory_space<vmem>>, vector<16xf32>,
      }
      %scan3A_263 = arith.constant 40 : i32
      %jit3A_264 = arith.constant 4 : i32
      %eq3A_265 = arith.constant 0 : i32
      %eq3A_266 = arith.cmpi eq, %jit3A_264, %eq3A_265 : i32
      %jit3A_267 = arith.constant 1 : i32
      %select_n3A_268 = arith.select %eq3A_266, %jit3A_267, %jit3A_264 : i32
      %rem3A_269 = arith.remsi %add3A_209, %select_n3A_268 : i32
      %ne3A_270 = arith.constant 0 : i32
      %ne3A_271 = arith.cmpi ne, %rem3A_269, %ne3A_270 : i32
      %lt3A_272 = arith.constant 0 : i32
      %lt3A_273 = arith.cmpi slt, %rem3A_269, %lt3A_272 : i32
      %lt3A_274 = arith.constant 0 : i32
      %lt3A_275 = arith.cmpi slt, %select_n3A_268, %lt3A_274 : i32
      %ne3A_276 = arith.xori %lt3A_273, %lt3A_275 : i1
      %and3A_277 = arith.andi %ne3A_276, %ne3A_271 : i1
      %add3A_278 = arith.addi %rem3A_269, %select_n3A_268 : i32
      %select_n3A_279 = arith.select %and3A_277, %add3A_278, %rem3A_269 : i32
      %dma_start3A_280 = arith.constant 0 : i32
      %dma_start3A_281 = tpu.memref_slice %arg12[%select_n3A_279, %dma_start3A_280] : memref<4x80xi32, #tpu.memory_space<vmem>> -> memref<1x80xi32, #tpu.memory_space<vmem>>
      %dma_start3A_282 = tpu.memref_squeeze %dma_start3A_281 : memref<1x80xi32, #tpu.memory_space<vmem>> -> memref<80xi32, #tpu.memory_space<vmem>>
      %dma_start3A_283 = arith.constant 0 : i32
      %dma_start3A_284 = arith.constant 0 : i32
      %dma_start3A_285 = tpu.memref_slice %arg7[%dma_start3A_283, %dma_start3A_284] : memref<10000x128xf32, #tpu.memory_space<vmem_shared>> -> memref<10000x128xf32, #tpu.memory_space<vmem_shared>>
      tpu.enqueue_indirect_dma source(%arg10 : memref<80x128xf32, #tpu.memory_space<vmem>>) target(%dma_start3A_285 : memref<10000x128xf32, #tpu.memory_space<vmem_shared>>) offsets(%dma_start3A_282 : memref<80xi32, #tpu.memory_space<vmem>>) semaphore(%arg18 : memref<!tpu.dma_semaphore, #tpu.memory_space<semaphore_mem>>) {add = true}
    }
    %scan3A_119 = arith.constant 125 : i32
    %dma_wait3A_120 = arith.constant 0 : i32
    %dma_wait3A_121 = arith.constant 0 : i32
    %dma_wait3A_122 = tpu.memref_slice %arg7[%dma_wait3A_120, %dma_wait3A_121] : memref<10000x128xf32, #tpu.memory_space<vmem_shared>> -> memref<80x128xf32, #tpu.memory_space<vmem_shared>>
    %dma_wait3A_123 = arith.constant 0 : i32
    %dma_wait3A_124 = arith.constant 0 : i32
    %dma_wait3A_125 = tpu.memref_slice %arg7[%dma_wait3A_123, %dma_wait3A_124] : memref<10000x128xf32, #tpu.memory_space<vmem_shared>> -> memref<80x128xf32, #tpu.memory_space<vmem_shared>>
    tpu.wait_dma2 semaphore(%arg18 : memref<!tpu.dma_semaphore, #tpu.memory_space<semaphore_mem>>) src(%arg10 : memref<80x128xf32, #tpu.memory_space<vmem>>) dst(%dma_wait3A_125 : memref<80x128xf32, #tpu.memory_space<vmem_shared>>)
    %barrier3A_126 = arith.constant 0 : index
    tpu.barrier barrier_id(%barrier3A_126)
    "tpu.region"() ({
      %run_scoped3A = tpu.sem_alloc : memref<!tpu.dma_semaphore, #tpu.memory_space<semaphore_mem>>
      %dma_start3A_132 = arith.constant 0 : i32
      %dma_start3A_133 = tpu.memref_slice %arg6[%arg0, %multiple_of3A, %dma_start3A_132] : memref<2x10000x128xf32, #tpu.memory_space<hbm>> -> memref<1x624x128xf32, #tpu.memory_space<hbm>>
      %dma_start3A_134 = tpu.memref_squeeze %dma_start3A_133 : memref<1x624x128xf32, #tpu.memory_space<hbm>> -> memref<624x128xf32, #tpu.memory_space<hbm>>
      %dma_start3A_135 = arith.constant 0 : i32
      %dma_start3A_136 = tpu.memref_slice %arg7[%multiple_of3A, %dma_start3A_135] : memref<10000x128xf32, #tpu.memory_space<vmem_shared>> -> memref<624x128xf32, #tpu.memory_space<vmem_shared>>
      tpu.enqueue_dma source(%dma_start3A_136 : memref<624x128xf32, #tpu.memory_space<vmem_shared>>) target(%dma_start3A_134 : memref<624x128xf32, #tpu.memory_space<hbm>>) target_semaphore(%run_scoped3A : memref<!tpu.dma_semaphore, #tpu.memory_space<semaphore_mem>>)
      %dma_wait3A_137 = arith.constant 0 : i32
      %dma_wait3A_138 = tpu.memref_slice %arg6[%arg0, %multiple_of3A, %dma_wait3A_137] : memref<2x10000x128xf32, #tpu.memory_space<hbm>> -> memref<1x624x128xf32, #tpu.memory_space<hbm>>
      %dma_wait3A_139 = tpu.memref_squeeze %dma_wait3A_138 : memref<1x624x128xf32, #tpu.memory_space<hbm>> -> memref<624x128xf32, #tpu.memory_space<hbm>>
      %dma_wait3A_140 = arith.constant 0 : i32
      %dma_wait3A_141 = tpu.memref_slice %arg7[%multiple_of3A, %dma_wait3A_140] : memref<10000x128xf32, #tpu.memory_space<vmem_shared>> -> memref<624x128xf32, #tpu.memory_space<vmem_shared>>
      tpu.wait_dma2 semaphore(%run_scoped3A : memref<!tpu.dma_semaphore, #tpu.memory_space<semaphore_mem>>) src(%dma_wait3A_141 : memref<624x128xf32, #tpu.memory_space<vmem_shared>>) dst(%dma_wait3A_139 : memref<624x128xf32, #tpu.memory_space<hbm>>)
      tpu.yield
    }) : () -> ()
    %eq3A_127 = arith.constant 15 : i32
    %eq3A_128 = arith.cmpi eq, %arg1, %eq3A_127 : i32
    %convert_element_type3A_129 = arith.extui %eq3A_128 : i1 to i32
    %cond3A_130 = arith.constant 0 : i32
    %cond3A_131 = arith.cmpi ne, %convert_element_type3A_129, %cond3A_130 : i32
    scf.if %cond3A_131 {
      "tpu.region"() ({
        %run_scoped3A = tpu.sem_alloc : memref<!tpu.dma_semaphore, #tpu.memory_space<semaphore_mem>>
        %dma_start3A_132 = arith.constant 9984 : i32
        %dma_start3A_133 = arith.constant 0 : i32
        %dma_start3A_134 = tpu.memref_slice %arg6[%arg0, %dma_start3A_132, %dma_start3A_133] : memref<2x10000x128xf32, #tpu.memory_space<hbm>> -> memref<1x16x128xf32, #tpu.memory_space<hbm>>
        %dma_start3A_135 = tpu.memref_squeeze %dma_start3A_134 : memref<1x16x128xf32, #tpu.memory_space<hbm>> -> memref<16x128xf32, #tpu.memory_space<hbm>>
        %dma_start3A_136 = arith.constant 9984 : i32
        %dma_start3A_137 = arith.constant 0 : i32
        %dma_start3A_138 = tpu.memref_slice %arg7[%dma_start3A_136, %dma_start3A_137] : memref<10000x128xf32, #tpu.memory_space<vmem_shared>> -> memref<16x128xf32, #tpu.memory_space<vmem_shared>>
        tpu.enqueue_dma source(%dma_start3A_138 : memref<16x128xf32, #tpu.memory_space<vmem_shared>>) target(%dma_start3A_135 : memref<16x128xf32, #tpu.memory_space<hbm>>) target_semaphore(%run_scoped3A : memref<!tpu.dma_semaphore, #tpu.memory_space<semaphore_mem>>)
        %dma_wait3A_139 = arith.constant 9984 : i32
        %dma_wait3A_140 = arith.constant 0 : i32
        %dma_wait3A_141 = tpu.memref_slice %arg6[%arg0, %dma_wait3A_139, %dma_wait3A_140] : memref<2x10000x128xf32, #tpu.memory_space<hbm>> -> memref<1x16x128xf32, #tpu.memory_space<hbm>>
        %dma_wait3A_142 = tpu.memref_squeeze %dma_wait3A_141 : memref<1x16x128xf32, #tpu.memory_space<hbm>> -> memref<16x128xf32, #tpu.memory_space<hbm>>
        %dma_wait3A_143 = arith.constant 9984 : i32
        %dma_wait3A_144 = arith.constant 0 : i32
        %dma_wait3A_145 = tpu.memref_slice %arg7[%dma_wait3A_143, %dma_wait3A_144] : memref<10000x128xf32, #tpu.memory_space<vmem_shared>> -> memref<16x128xf32, #tpu.memory_space<vmem_shared>>
        tpu.wait_dma2 semaphore(%run_scoped3A : memref<!tpu.dma_semaphore, #tpu.memory_space<semaphore_mem>>) src(%dma_wait3A_145 : memref<16x128xf32, #tpu.memory_space<vmem_shared>>) dst(%dma_wait3A_142 : memref<16x128xf32, #tpu.memory_space<hbm>>)
        tpu.yield
      }) : () -> ()
    } else {
    }
    return
  }
}

module attributes {stable_mosaic.version = 14 : i64} {
  func.func @body(%arg0: memref<10000x1xi32, #tpu.memory_space<vmem>>, %arg1: memref<100x128xf32, #tpu.memory_space<vmem>>, %arg2: memref<128x128xf32, #tpu.memory_space<vmem>>, %arg3: memref<1x128xf32, #tpu.memory_space<vmem>>, %arg4: memref<10000x1xf32, #tpu.memory_space<vmem>>, %arg5: memref<10000x128xf32, #tpu.memory_space<vmem>>, %arg6: memref<10000x128xf32, #tpu.memory_space<vmem>>) attributes {dimension_semantics = [], scalar_prefetch = 0 : i64, scratch_operands = 0 : i64, tpu.core_type = #tpu.core_type<tc>} {
    %iota3A = tpu.iota {dimensions = array<i32: 1>} : vector<10000x100xi32>
    %get3A = arith.constant 0 : index
    %get3A_0 = arith.constant 0 : index
    %get3A_1 = vector.load %arg0[%get3A, %get3A_0] : memref<10000x1xi32, #tpu.memory_space<vmem>>, vector<10000x1xi32>
    %eq3A = vector.broadcast %get3A_1 : vector<10000x1xi32> to vector<10000x100xi32>
    %eq3A_2 = arith.cmpi eq, %iota3A, %eq3A : vector<10000x100xi32>
    %convert_element_type3A = arith.extui %eq3A_2 : vector<10000x100xi1> to vector<10000x100xi32>
    %convert_element_type3A_3 = arith.sitofp %convert_element_type3A : vector<10000x100xi32> to vector<10000x100xf32>
    %get3A_4 = arith.constant 0 : index
    %get3A_5 = arith.constant 0 : index
    %get3A_6 = vector.load %arg1[%get3A_4, %get3A_5] : memref<100x128xf32, #tpu.memory_space<vmem>>, vector<100x128xf32>
    %dot_general3A = arith.constant dense<0.000000e+00> : vector<10000x128xf32>
    %dot_general3A_7 = tpu.matmul %convert_element_type3A_3, %get3A_6, %dot_general3A {dimension_numbers = #tpu.dot_dimension_numbers<[1], [0], [0], [1], [0, 0, 1, 1], [], []>, transpose_lhs_hint = false} : vector<10000x100xf32>, vector<100x128xf32>, vector<10000x128xf32> -> vector<10000x128xf32>
    %swap3A = arith.constant 0 : index
    %swap3A_8 = arith.constant 0 : index
    %swap3A_9 = vector.load %arg5[%swap3A, %swap3A_8] : memref<10000x128xf32, #tpu.memory_space<vmem>>, vector<10000x128xf32>
    tpu.vector_store %arg5[%swap3A, %swap3A_8], %dot_general3A_7 {strides = array<i32>} : memref<10000x128xf32, #tpu.memory_space<vmem>>, vector<10000x128xf32>,
    %get3A_10 = arith.constant 0 : index
    %get3A_11 = arith.constant 0 : index
    %get3A_12 = vector.load %arg2[%get3A_10, %get3A_11] : memref<128x128xf32, #tpu.memory_space<vmem>>, vector<128x128xf32>
    %convert_element_type3A_13 = arith.truncf %dot_general3A_7 : vector<10000x128xf32> to vector<10000x128xbf16>
    %convert_element_type3A_14 = arith.truncf %get3A_12 : vector<128x128xf32> to vector<128x128xbf16>
    %dot_general3A_15 = arith.constant dense<0.000000e+00> : vector<10000x128xf32>
    %dot_general3A_16 = tpu.matmul %convert_element_type3A_13, %convert_element_type3A_14, %dot_general3A_15 {dimension_numbers = #tpu.dot_dimension_numbers<[1], [0], [0], [1], [0, 0, 1, 1], [], []>, transpose_lhs_hint = false} : vector<10000x128xbf16>, vector<128x128xbf16>, vector<10000x128xf32> -> vector<10000x128xf32>
    %get3A_17 = arith.constant 0 : index
    %get3A_18 = arith.constant 0 : index
    %get3A_19 = vector.load %arg3[%get3A_17, %get3A_18] : memref<1x128xf32, #tpu.memory_space<vmem>>, vector<1x128xf32>
    %add3A = vector.broadcast %get3A_19 : vector<1x128xf32> to vector<10000x128xf32>
    %add3A_20 = arith.addf %dot_general3A_16, %add3A : vector<10000x128xf32>
    %get3A_21 = arith.constant 0 : index
    %get3A_22 = arith.constant 0 : index
    %get3A_23 = vector.load %arg4[%get3A_21, %get3A_22] : memref<10000x1xf32, #tpu.memory_space<vmem>>, vector<10000x1xf32>
    %mul3A = vector.broadcast %get3A_23 : vector<10000x1xf32> to vector<10000x128xf32>
    %mul3A_24 = arith.mulf %add3A_20, %mul3A : vector<10000x128xf32>
    %swap3A_25 = arith.constant 0 : index
    %swap3A_26 = arith.constant 0 : index
    %swap3A_27 = vector.load %arg6[%swap3A_25, %swap3A_26] : memref<10000x128xf32, #tpu.memory_space<vmem>>, vector<10000x128xf32>
    tpu.vector_store %arg6[%swap3A_25, %swap3A_26], %mul3A_24 {strides = array<i32>} : memref<10000x128xf32, #tpu.memory_space<vmem>>, vector<10000x128xf32>,
    return
  }
}

module attributes {stable_mosaic.version = 14 : i64} {
  func.func @body(%arg0: i32, %arg1: memref<2000x1xf32, #tpu.memory_space<vmem>>, %arg2: memref<50x50xf32, #tpu.memory_space<vmem>>, %arg3: memref<1x50xf32, #tpu.memory_space<vmem>>, %arg4: memref<50x128xf32, #tpu.memory_space<vmem>>, %arg5: memref<1x128xf32, #tpu.memory_space<vmem>>, %arg6: memref<2000x64xi32, #tpu.memory_space<vmem>>) attributes {dimension_semantics = [#tpu.dimension_semantics<arbitrary>], iteration_bounds = array<i64: 160>, scalar_prefetch = 0 : i64, scratch_operands = 0 : i64, tpu.core_type = #tpu.core_type<tc>, window_params = [{transform_indices = @transform_0, window_bounds = array<i64: 2000, 1>}, {pipeline_mode = #tpu.pipeline_mode<synchronous>, transform_indices = @transform_1, window_bounds = array<i64: 50, 50>}, {pipeline_mode = #tpu.pipeline_mode<synchronous>, transform_indices = @transform_2, window_bounds = array<i64: 1, 50>}, {pipeline_mode = #tpu.pipeline_mode<synchronous>, transform_indices = @transform_3, window_bounds = array<i64: 50, 128>}, {pipeline_mode = #tpu.pipeline_mode<synchronous>, transform_indices = @transform_4, window_bounds = array<i64: 1, 128>}, {transform_indices = @transform_5, window_bounds = array<i64: 2000, 64>}]} {
    %get3A = arith.constant 0 : index
    %get3A_0 = arith.constant 0 : index
    %get3A_1 = vector.load %arg1[%get3A, %get3A_0] : memref<2000x1xf32, #tpu.memory_space<vmem>>, vector<2000x1xf32>
    %sqrt3A = math.sqrt %get3A_1 : vector<2000x1xf32>
    %iota3A = tpu.iota {dimensions = array<i32: 1>} : vector<1x50xi32>
    %convert_element_type3A = arith.sitofp %iota3A : vector<1x50xi32> to vector<1x50xf32>
    %mul3A = arith.constant 0.10204082 : f32
    %mul3A_2 = vector.broadcast %mul3A : f32 to vector<1x50xf32>
    %mul3A_3 = arith.mulf %convert_element_type3A, %mul3A_2 : vector<1x50xf32>
    %sub3A = vector.broadcast %sqrt3A : vector<2000x1xf32> to vector<2000x50xf32>
    %sub3A_4 = vector.broadcast %mul3A_3 : vector<1x50xf32> to vector<2000x50xf32>
    %sub3A_5 = arith.subf %sub3A, %sub3A_4 : vector<2000x50xf32>
    %integer_pow3A = arith.mulf %sub3A_5, %sub3A_5 : vector<2000x50xf32>
    %mul3A_6 = arith.constant -4.802000e+01 : f32
    %mul3A_7 = vector.broadcast %mul3A_6 : f32 to vector<2000x50xf32>
    %mul3A_8 = arith.mulf %mul3A_7, %integer_pow3A : vector<2000x50xf32>
    %exp3A = math.exp %mul3A_8 : vector<2000x50xf32>
    %get3A_9 = arith.constant 0 : index
    %get3A_10 = arith.constant 0 : index
    %get3A_11 = vector.load %arg2[%get3A_9, %get3A_10] : memref<50x50xf32, #tpu.memory_space<vmem>>, vector<50x50xf32>
    %convert_element_type3A_12 = arith.truncf %exp3A : vector<2000x50xf32> to vector<2000x50xbf16>
    %convert_element_type3A_13 = arith.truncf %get3A_11 : vector<50x50xf32> to vector<50x50xbf16>
    %dot_general3A = arith.constant dense<0.000000e+00> : vector<2000x50xf32>
    %dot_general3A_14 = tpu.matmul %convert_element_type3A_12, %convert_element_type3A_13, %dot_general3A {dimension_numbers = #tpu.dot_dimension_numbers<[1], [0], [0], [1], [0, 0, 1, 1], [], []>, transpose_lhs_hint = false} : vector<2000x50xbf16>, vector<50x50xbf16>, vector<2000x50xf32> -> vector<2000x50xf32>
    %get3A_15 = arith.constant 0 : index
    %get3A_16 = arith.constant 0 : index
    %get3A_17 = vector.load %arg3[%get3A_15, %get3A_16] : memref<1x50xf32, #tpu.memory_space<vmem>>, vector<1x50xf32>
    %add3A = vector.broadcast %get3A_17 : vector<1x50xf32> to vector<2000x50xf32>
    %add3A_18 = arith.addf %dot_general3A_14, %add3A : vector<2000x50xf32>
    %max3A = arith.constant 0.000000e+00 : f32
    %max3A_19 = vector.broadcast %max3A : f32 to vector<2000x50xf32>
    %max3A_20 = arith.maximumf %add3A_18, %max3A_19 : vector<2000x50xf32>
    %abs3A = math.absf %add3A_18 : vector<2000x50xf32>
    %neg3A = arith.constant 0.000000e+00 : f32
    %neg3A_21 = vector.broadcast %neg3A : f32 to vector<2000x50xf32>
    %neg3A_22 = arith.subf %neg3A_21, %abs3A : vector<2000x50xf32>
    %exp3A_23 = math.exp %neg3A_22 : vector<2000x50xf32>
    %log1p3A = math.log1p %exp3A_23 : vector<2000x50xf32>
    %add3A_24 = arith.addf %max3A_20, %log1p3A : vector<2000x50xf32>
    %sub3A_25 = arith.constant 0.693147182 : f32
    %sub3A_26 = vector.broadcast %sub3A_25 : f32 to vector<2000x50xf32>
    %sub3A_27 = arith.subf %add3A_24, %sub3A_26 : vector<2000x50xf32>
    %get3A_28 = arith.constant 0 : index
    %get3A_29 = arith.constant 0 : index
    %get3A_30 = vector.load %arg4[%get3A_28, %get3A_29] : memref<50x128xf32, #tpu.memory_space<vmem>>, vector<50x128xf32>
    %convert_element_type3A_31 = arith.truncf %sub3A_27 : vector<2000x50xf32> to vector<2000x50xbf16>
    %convert_element_type3A_32 = arith.truncf %get3A_30 : vector<50x128xf32> to vector<50x128xbf16>
    %dot_general3A_33 = arith.constant dense<0.000000e+00> : vector<2000x128xf32>
    %dot_general3A_34 = tpu.matmul %convert_element_type3A_31, %convert_element_type3A_32, %dot_general3A_33 {dimension_numbers = #tpu.dot_dimension_numbers<[1], [0], [0], [1], [0, 0, 1, 1], [], []>, transpose_lhs_hint = false} : vector<2000x50xbf16>, vector<50x128xbf16>, vector<2000x128xf32> -> vector<2000x128xf32>
    %get3A_35 = arith.constant 0 : index
    %get3A_36 = arith.constant 0 : index
    %get3A_37 = vector.load %arg5[%get3A_35, %get3A_36] : memref<1x128xf32, #tpu.memory_space<vmem>>, vector<1x128xf32>
    %add3A_38 = vector.broadcast %get3A_37 : vector<1x128xf32> to vector<2000x128xf32>
    %add3A_39 = arith.addf %dot_general3A_34, %add3A_38 : vector<2000x128xf32>
    %bitcast_convert_type3A = tpu.bitcast %add3A_39 : vector<2000x128xf32> -> vector<2000x128xi32>
    %add3A_40 = arith.constant 32768 : i32
    %add3A_41 = vector.broadcast %add3A_40 : i32 to vector<2000x128xi32>
    %add3A_42 = arith.addi %bitcast_convert_type3A, %add3A_41 : vector<2000x128xi32>
    %slice3A = vector.extract_strided_slice %add3A_42 {offsets = [0, 0], sizes = [2000, 64], strides = [1, 1]} : vector<2000x128xi32> to vector<2000x64xi32>
    %shift_right_logical3A = arith.constant 16 : i32
    %shift_right_logical3A_43 = vector.broadcast %shift_right_logical3A : i32 to vector<2000x64xi32>
    %shift_right_logical3A_44 = arith.shrui %slice3A, %shift_right_logical3A_43 : vector<2000x64xi32>
    %slice3A_45 = vector.extract_strided_slice %add3A_42 {offsets = [0, 64], sizes = [2000, 64], strides = [1, 1]} : vector<2000x128xi32> to vector<2000x64xi32>
    %and3A = arith.constant -65536 : i32
    %and3A_46 = vector.broadcast %and3A : i32 to vector<2000x64xi32>
    %and3A_47 = arith.andi %slice3A_45, %and3A_46 : vector<2000x64xi32>
    %or3A = arith.ori %shift_right_logical3A_44, %and3A_47 : vector<2000x64xi32>
    %swap3A = arith.constant 0 : index
    %swap3A_48 = arith.constant 0 : index
    %swap3A_49 = vector.load %arg6[%swap3A, %swap3A_48] : memref<2000x64xi32, #tpu.memory_space<vmem>>, vector<2000x64xi32>
    tpu.vector_store %arg6[%swap3A, %swap3A_48], %or3A {strides = array<i32>} : memref<2000x64xi32, #tpu.memory_space<vmem>>, vector<2000x64xi32>,
    return
  }
  func.func @transform_0(%arg0: i32) -> (i32, i32) {
    %c0_i32 = arith.constant 0 : i32
    %c0_i32_0 = arith.constant 0 : i32
    return %arg0, %c0_i32 : i32, i32
  }
  func.func @transform_1(%arg0: i32) -> (i32, i32) {
    %c0_i32 = arith.constant 0 : i32
    %c0_i32_0 = arith.constant 0 : i32
    %c0_i32_1 = arith.constant 0 : i32
    return %c0_i32, %c0_i32_0 : i32, i32
  }
  func.func @transform_2(%arg0: i32) -> (i32, i32) {
    %c0_i32 = arith.constant 0 : i32
    %c0_i32_0 = arith.constant 0 : i32
    %c0_i32_1 = arith.constant 0 : i32
    return %c0_i32, %c0_i32_0 : i32, i32
  }
  func.func @transform_3(%arg0: i32) -> (i32, i32) {
    %c0_i32 = arith.constant 0 : i32
    %c0_i32_0 = arith.constant 0 : i32
    %c0_i32_1 = arith.constant 0 : i32
    return %c0_i32, %c0_i32_0 : i32, i32
  }
  func.func @transform_4(%arg0: i32) -> (i32, i32) {
    %c0_i32 = arith.constant 0 : i32
    %c0_i32_0 = arith.constant 0 : i32
    %c0_i32_1 = arith.constant 0 : i32
    return %c0_i32, %c0_i32_0 : i32, i32
  }
  func.func @transform_5(%arg0: i32) -> (i32, i32) {
    %c0_i32 = arith.constant 0 : i32
    %c0_i32_0 = arith.constant 0 : i32
    return %arg0, %c0_i32 : i32, i32
  }
}

module attributes {stable_mosaic.version = 14 : i64} {
  func.func @body(%arg0: memref<2x10000x128xf32, #tpu.memory_space<vmem>>, %arg1: memref<10000x128xf32, #tpu.memory_space<vmem>>, %arg2: memref<128x128xf32, #tpu.memory_space<vmem>>, %arg3: memref<1x128xf32, #tpu.memory_space<vmem>>, %arg4: memref<128x128xf32, #tpu.memory_space<vmem>>, %arg5: memref<1x128xf32, #tpu.memory_space<vmem>>, %arg6: memref<128x128xf32, #tpu.memory_space<vmem>>, %arg7: memref<1x128xf32, #tpu.memory_space<vmem>>, %arg8: memref<10000x1xf32, #tpu.memory_space<vmem>>, %arg9: memref<10000x128xf32, #tpu.memory_space<vmem>>, %arg10: memref<10000x128xf32, #tpu.memory_space<vmem>>) attributes {dimension_semantics = [], scalar_prefetch = 0 : i64, scratch_operands = 0 : i64, tpu.core_type = #tpu.core_type<tc>} {
    %get3A = arith.constant 0 : index
    %get3A_0 = arith.constant 0 : index
    %get3A_1 = arith.constant 0 : index
    %get3A_2 = vector.load %arg0[%get3A, %get3A_0, %get3A_1] : memref<2x10000x128xf32, #tpu.memory_space<vmem>>, vector<1x10000x128xf32>
    %get3A_3 = vector.shape_cast %get3A_2 : vector<1x10000x128xf32> to vector<10000x128xf32>
    %get3A_4 = arith.constant 1 : index
    %get3A_5 = arith.constant 0 : index
    %get3A_6 = arith.constant 0 : index
    %get3A_7 = vector.load %arg0[%get3A_4, %get3A_5, %get3A_6] : memref<2x10000x128xf32, #tpu.memory_space<vmem>>, vector<1x10000x128xf32>
    %get3A_8 = vector.shape_cast %get3A_7 : vector<1x10000x128xf32> to vector<10000x128xf32>
    %add3A = arith.addf %get3A_3, %get3A_8 : vector<10000x128xf32>
    %get3A_9 = arith.constant 0 : index
    %get3A_10 = arith.constant 0 : index
    %get3A_11 = vector.load %arg2[%get3A_9, %get3A_10] : memref<128x128xf32, #tpu.memory_space<vmem>>, vector<128x128xf32>
    %convert_element_type3A = arith.truncf %add3A : vector<10000x128xf32> to vector<10000x128xbf16>
    %convert_element_type3A_12 = arith.truncf %get3A_11 : vector<128x128xf32> to vector<128x128xbf16>
    %dot_general3A = arith.constant dense<0.000000e+00> : vector<10000x128xf32>
    %dot_general3A_13 = tpu.matmul %convert_element_type3A, %convert_element_type3A_12, %dot_general3A {dimension_numbers = #tpu.dot_dimension_numbers<[1], [0], [0], [1], [0, 0, 1, 1], [], []>, transpose_lhs_hint = false} : vector<10000x128xbf16>, vector<128x128xbf16>, vector<10000x128xf32> -> vector<10000x128xf32>
    %get3A_14 = arith.constant 0 : index
    %get3A_15 = arith.constant 0 : index
    %get3A_16 = vector.load %arg3[%get3A_14, %get3A_15] : memref<1x128xf32, #tpu.memory_space<vmem>>, vector<1x128xf32>
    %add3A_17 = vector.broadcast %get3A_16 : vector<1x128xf32> to vector<10000x128xf32>
    %add3A_18 = arith.addf %dot_general3A_13, %add3A_17 : vector<10000x128xf32>
    %max3A = arith.constant 0.000000e+00 : f32
    %max3A_19 = vector.broadcast %max3A : f32 to vector<10000x128xf32>
    %max3A_20 = arith.maximumf %add3A_18, %max3A_19 : vector<10000x128xf32>
    %abs3A = math.absf %add3A_18 : vector<10000x128xf32>
    %neg3A = arith.constant 0.000000e+00 : f32
    %neg3A_21 = vector.broadcast %neg3A : f32 to vector<10000x128xf32>
    %neg3A_22 = arith.subf %neg3A_21, %abs3A : vector<10000x128xf32>
    %exp3A = math.exp %neg3A_22 : vector<10000x128xf32>
    %log1p3A = math.log1p %exp3A : vector<10000x128xf32>
    %add3A_23 = arith.addf %max3A_20, %log1p3A : vector<10000x128xf32>
    %sub3A = arith.constant 0.693147182 : f32
    %sub3A_24 = vector.broadcast %sub3A : f32 to vector<10000x128xf32>
    %sub3A_25 = arith.subf %add3A_23, %sub3A_24 : vector<10000x128xf32>
    %get3A_26 = arith.constant 0 : index
    %get3A_27 = arith.constant 0 : index
    %get3A_28 = vector.load %arg1[%get3A_26, %get3A_27] : memref<10000x128xf32, #tpu.memory_space<vmem>>, vector<10000x128xf32>
    %get3A_29 = arith.constant 0 : index
    %get3A_30 = arith.constant 0 : index
    %get3A_31 = vector.load %arg4[%get3A_29, %get3A_30] : memref<128x128xf32, #tpu.memory_space<vmem>>, vector<128x128xf32>
    %convert_element_type3A_32 = arith.truncf %sub3A_25 : vector<10000x128xf32> to vector<10000x128xbf16>
    %convert_element_type3A_33 = arith.truncf %get3A_31 : vector<128x128xf32> to vector<128x128xbf16>
    %dot_general3A_34 = arith.constant dense<0.000000e+00> : vector<10000x128xf32>
    %dot_general3A_35 = tpu.matmul %convert_element_type3A_32, %convert_element_type3A_33, %dot_general3A_34 {dimension_numbers = #tpu.dot_dimension_numbers<[1], [0], [0], [1], [0, 0, 1, 1], [], []>, transpose_lhs_hint = false} : vector<10000x128xbf16>, vector<128x128xbf16>, vector<10000x128xf32> -> vector<10000x128xf32>
    %add3A_36 = arith.addf %get3A_28, %dot_general3A_35 : vector<10000x128xf32>
    %get3A_37 = arith.constant 0 : index
    %get3A_38 = arith.constant 0 : index
    %get3A_39 = vector.load %arg5[%get3A_37, %get3A_38] : memref<1x128xf32, #tpu.memory_space<vmem>>, vector<1x128xf32>
    %add3A_40 = vector.broadcast %get3A_39 : vector<1x128xf32> to vector<10000x128xf32>
    %add3A_41 = arith.addf %add3A_36, %add3A_40 : vector<10000x128xf32>
    %swap3A = arith.constant 0 : index
    %swap3A_42 = arith.constant 0 : index
    %swap3A_43 = vector.load %arg9[%swap3A, %swap3A_42] : memref<10000x128xf32, #tpu.memory_space<vmem>>, vector<10000x128xf32>
    tpu.vector_store %arg9[%swap3A, %swap3A_42], %add3A_41 {strides = array<i32>} : memref<10000x128xf32, #tpu.memory_space<vmem>>, vector<10000x128xf32>,
    %get3A_44 = arith.constant 0 : index
    %get3A_45 = arith.constant 0 : index
    %get3A_46 = vector.load %arg6[%get3A_44, %get3A_45] : memref<128x128xf32, #tpu.memory_space<vmem>>, vector<128x128xf32>
    %convert_element_type3A_47 = arith.truncf %add3A_41 : vector<10000x128xf32> to vector<10000x128xbf16>
    %convert_element_type3A_48 = arith.truncf %get3A_46 : vector<128x128xf32> to vector<128x128xbf16>
    %dot_general3A_49 = arith.constant dense<0.000000e+00> : vector<10000x128xf32>
    %dot_general3A_50 = tpu.matmul %convert_element_type3A_47, %convert_element_type3A_48, %dot_general3A_49 {dimension_numbers = #tpu.dot_dimension_numbers<[1], [0], [0], [1], [0, 0, 1, 1], [], []>, transpose_lhs_hint = false} : vector<10000x128xbf16>, vector<128x128xbf16>, vector<10000x128xf32> -> vector<10000x128xf32>
    %get3A_51 = arith.constant 0 : index
    %get3A_52 = arith.constant 0 : index
    %get3A_53 = vector.load %arg7[%get3A_51, %get3A_52] : memref<1x128xf32, #tpu.memory_space<vmem>>, vector<1x128xf32>
    %add3A_54 = vector.broadcast %get3A_53 : vector<1x128xf32> to vector<10000x128xf32>
    %add3A_55 = arith.addf %dot_general3A_50, %add3A_54 : vector<10000x128xf32>
    %get3A_56 = arith.constant 0 : index
    %get3A_57 = arith.constant 0 : index
    %get3A_58 = vector.load %arg8[%get3A_56, %get3A_57] : memref<10000x1xf32, #tpu.memory_space<vmem>>, vector<10000x1xf32>
    %mul3A = vector.broadcast %get3A_58 : vector<10000x1xf32> to vector<10000x128xf32>
    %mul3A_59 = arith.mulf %add3A_55, %mul3A : vector<10000x128xf32>
    %swap3A_60 = arith.constant 0 : index
    %swap3A_61 = arith.constant 0 : index
    %swap3A_62 = vector.load %arg10[%swap3A_60, %swap3A_61] : memref<10000x128xf32, #tpu.memory_space<vmem>>, vector<10000x128xf32>
    tpu.vector_store %arg10[%swap3A_60, %swap3A_61], %mul3A_59 {strides = array<i32>} : memref<10000x128xf32, #tpu.memory_space<vmem>>, vector<10000x128xf32>,
    return
  }
}

module attributes {stable_mosaic.version = 14 : i64} {
  func.func @body(%arg0: memref<2x10000x128xf32, #tpu.memory_space<vmem>>, %arg1: memref<10000x128xf32, #tpu.memory_space<vmem>>, %arg2: memref<128x128xf32, #tpu.memory_space<vmem>>, %arg3: memref<1x128xf32, #tpu.memory_space<vmem>>, %arg4: memref<128x128xf32, #tpu.memory_space<vmem>>, %arg5: memref<1x128xf32, #tpu.memory_space<vmem>>, %arg6: memref<128x128xf32, #tpu.memory_space<vmem>>, %arg7: memref<1x128xf32, #tpu.memory_space<vmem>>, %arg8: memref<128x1xf32, #tpu.memory_space<vmem>>, %arg9: memref<1x1xf32, #tpu.memory_space<vmem>>, %arg10: memref<100x1xf32, #tpu.memory_space<vmem>>) attributes {dimension_semantics = [], scalar_prefetch = 0 : i64, scratch_operands = 0 : i64, tpu.core_type = #tpu.core_type<tc>} {
    %get3A = arith.constant 0 : index
    %get3A_0 = arith.constant 0 : index
    %get3A_1 = arith.constant 0 : index
    %get3A_2 = vector.load %arg0[%get3A, %get3A_0, %get3A_1] : memref<2x10000x128xf32, #tpu.memory_space<vmem>>, vector<1x10000x128xf32>
    %get3A_3 = vector.shape_cast %get3A_2 : vector<1x10000x128xf32> to vector<10000x128xf32>
    %get3A_4 = arith.constant 1 : index
    %get3A_5 = arith.constant 0 : index
    %get3A_6 = arith.constant 0 : index
    %get3A_7 = vector.load %arg0[%get3A_4, %get3A_5, %get3A_6] : memref<2x10000x128xf32, #tpu.memory_space<vmem>>, vector<1x10000x128xf32>
    %get3A_8 = vector.shape_cast %get3A_7 : vector<1x10000x128xf32> to vector<10000x128xf32>
    %add3A = arith.addf %get3A_3, %get3A_8 : vector<10000x128xf32>
    %get3A_9 = arith.constant 0 : index
    %get3A_10 = arith.constant 0 : index
    %get3A_11 = vector.load %arg2[%get3A_9, %get3A_10] : memref<128x128xf32, #tpu.memory_space<vmem>>, vector<128x128xf32>
    %convert_element_type3A = arith.truncf %add3A : vector<10000x128xf32> to vector<10000x128xbf16>
    %convert_element_type3A_12 = arith.truncf %get3A_11 : vector<128x128xf32> to vector<128x128xbf16>
    %dot_general3A = arith.constant dense<0.000000e+00> : vector<10000x128xf32>
    %dot_general3A_13 = tpu.matmul %convert_element_type3A, %convert_element_type3A_12, %dot_general3A {dimension_numbers = #tpu.dot_dimension_numbers<[1], [0], [0], [1], [0, 0, 1, 1], [], []>, transpose_lhs_hint = false} : vector<10000x128xbf16>, vector<128x128xbf16>, vector<10000x128xf32> -> vector<10000x128xf32>
    %get3A_14 = arith.constant 0 : index
    %get3A_15 = arith.constant 0 : index
    %get3A_16 = vector.load %arg3[%get3A_14, %get3A_15] : memref<1x128xf32, #tpu.memory_space<vmem>>, vector<1x128xf32>
    %add3A_17 = vector.broadcast %get3A_16 : vector<1x128xf32> to vector<10000x128xf32>
    %add3A_18 = arith.addf %dot_general3A_13, %add3A_17 : vector<10000x128xf32>
    %max3A = arith.constant 0.000000e+00 : f32
    %max3A_19 = vector.broadcast %max3A : f32 to vector<10000x128xf32>
    %max3A_20 = arith.maximumf %add3A_18, %max3A_19 : vector<10000x128xf32>
    %abs3A = math.absf %add3A_18 : vector<10000x128xf32>
    %neg3A = arith.constant 0.000000e+00 : f32
    %neg3A_21 = vector.broadcast %neg3A : f32 to vector<10000x128xf32>
    %neg3A_22 = arith.subf %neg3A_21, %abs3A : vector<10000x128xf32>
    %exp3A = math.exp %neg3A_22 : vector<10000x128xf32>
    %log1p3A = math.log1p %exp3A : vector<10000x128xf32>
    %add3A_23 = arith.addf %max3A_20, %log1p3A : vector<10000x128xf32>
    %sub3A = arith.constant 0.693147182 : f32
    %sub3A_24 = vector.broadcast %sub3A : f32 to vector<10000x128xf32>
    %sub3A_25 = arith.subf %add3A_23, %sub3A_24 : vector<10000x128xf32>
    %get3A_26 = arith.constant 0 : index
    %get3A_27 = arith.constant 0 : index
    %get3A_28 = vector.load %arg1[%get3A_26, %get3A_27] : memref<10000x128xf32, #tpu.memory_space<vmem>>, vector<10000x128xf32>
    %get3A_29 = arith.constant 0 : index
    %get3A_30 = arith.constant 0 : index
    %get3A_31 = vector.load %arg4[%get3A_29, %get3A_30] : memref<128x128xf32, #tpu.memory_space<vmem>>, vector<128x128xf32>
    %convert_element_type3A_32 = arith.truncf %sub3A_25 : vector<10000x128xf32> to vector<10000x128xbf16>
    %convert_element_type3A_33 = arith.truncf %get3A_31 : vector<128x128xf32> to vector<128x128xbf16>
    %dot_general3A_34 = arith.constant dense<0.000000e+00> : vector<10000x128xf32>
    %dot_general3A_35 = tpu.matmul %convert_element_type3A_32, %convert_element_type3A_33, %dot_general3A_34 {dimension_numbers = #tpu.dot_dimension_numbers<[1], [0], [0], [1], [0, 0, 1, 1], [], []>, transpose_lhs_hint = false} : vector<10000x128xbf16>, vector<128x128xbf16>, vector<10000x128xf32> -> vector<10000x128xf32>
    %add3A_36 = arith.addf %get3A_28, %dot_general3A_35 : vector<10000x128xf32>
    %get3A_37 = arith.constant 0 : index
    %get3A_38 = arith.constant 0 : index
    %get3A_39 = vector.load %arg5[%get3A_37, %get3A_38] : memref<1x128xf32, #tpu.memory_space<vmem>>, vector<1x128xf32>
    %add3A_40 = vector.broadcast %get3A_39 : vector<1x128xf32> to vector<10000x128xf32>
    %add3A_41 = arith.addf %add3A_36, %add3A_40 : vector<10000x128xf32>
    %get3A_42 = arith.constant 0 : index
    %get3A_43 = arith.constant 0 : index
    %get3A_44 = vector.load %arg6[%get3A_42, %get3A_43] : memref<128x128xf32, #tpu.memory_space<vmem>>, vector<128x128xf32>
    %dot_general3A_45 = arith.constant dense<0.000000e+00> : vector<10000x128xf32>
    %dot_general3A_46 = tpu.matmul %add3A_41, %get3A_44, %dot_general3A_45 {dimension_numbers = #tpu.dot_dimension_numbers<[1], [0], [0], [1], [0, 0, 1, 1], [], []>, transpose_lhs_hint = false} : vector<10000x128xf32>, vector<128x128xf32>, vector<10000x128xf32> -> vector<10000x128xf32>
    %get3A_47 = arith.constant 0 : index
    %get3A_48 = arith.constant 0 : index
    %get3A_49 = vector.load %arg7[%get3A_47, %get3A_48] : memref<1x128xf32, #tpu.memory_space<vmem>>, vector<1x128xf32>
    %add3A_50 = vector.broadcast %get3A_49 : vector<1x128xf32> to vector<10000x128xf32>
    %add3A_51 = arith.addf %dot_general3A_46, %add3A_50 : vector<10000x128xf32>
    %max3A_52 = arith.constant 0.000000e+00 : f32
    %max3A_53 = vector.broadcast %max3A_52 : f32 to vector<10000x128xf32>
    %max3A_54 = arith.maximumf %add3A_51, %max3A_53 : vector<10000x128xf32>
    %abs3A_55 = math.absf %add3A_51 : vector<10000x128xf32>
    %neg3A_56 = arith.constant 0.000000e+00 : f32
    %neg3A_57 = vector.broadcast %neg3A_56 : f32 to vector<10000x128xf32>
    %neg3A_58 = arith.subf %neg3A_57, %abs3A_55 : vector<10000x128xf32>
    %exp3A_59 = math.exp %neg3A_58 : vector<10000x128xf32>
    %log1p3A_60 = math.log1p %exp3A_59 : vector<10000x128xf32>
    %add3A_61 = arith.addf %max3A_54, %log1p3A_60 : vector<10000x128xf32>
    %sub3A_62 = arith.constant 0.693147182 : f32
    %sub3A_63 = vector.broadcast %sub3A_62 : f32 to vector<10000x128xf32>
    %sub3A_64 = arith.subf %add3A_61, %sub3A_63 : vector<10000x128xf32>
    %get3A_65 = arith.constant 0 : index
    %get3A_66 = arith.constant 0 : index
    %get3A_67 = vector.load %arg8[%get3A_65, %get3A_66] : memref<128x1xf32, #tpu.memory_space<vmem>>, vector<128x1xf32>
    %dot_general3A_68 = arith.constant dense<0.000000e+00> : vector<10000x1xf32>
    %dot_general3A_69 = tpu.matmul %sub3A_64, %get3A_67, %dot_general3A_68 {dimension_numbers = #tpu.dot_dimension_numbers<[1], [0], [0], [1], [0, 0, 1, 1], [], []>, transpose_lhs_hint = false} : vector<10000x128xf32>, vector<128x1xf32>, vector<10000x1xf32> -> vector<10000x1xf32>
    %get3A_70 = arith.constant 0 : index
    %get3A_71 = arith.constant 0 : index
    %get3A_72 = vector.load %arg9[%get3A_70, %get3A_71] : memref<1x1xf32, #tpu.memory_space<vmem>>, vector<1x1xf32>
    %add3A_73 = vector.broadcast %get3A_72 : vector<1x1xf32> to vector<10000x1xf32>
    %add3A_74 = arith.addf %dot_general3A_69, %add3A_73 : vector<10000x1xf32>
    %iota3A = tpu.iota {dimensions = array<i32: 0>} : vector<100x10000xi32>
    %iota3A_75 = tpu.iota {dimensions = array<i32: 1>} : vector<100x10000xi32>
    %jit3A = arith.constant 100 : i32
    %div3A = vector.broadcast %jit3A : i32 to vector<100x10000xi32>
    %div3A_76 = arith.divsi %iota3A_75, %div3A : vector<100x10000xi32>
    %sign3A = arith.constant 0 : i32
    %sign3A_77 = vector.broadcast %sign3A : i32 to vector<100x10000xi32>
    %sign3A_78 = arith.cmpi sgt, %iota3A_75, %sign3A_77 : vector<100x10000xi32>
    %sign3A_79 = arith.extui %sign3A_78 : vector<100x10000xi1> to vector<100x10000xi32>
    %sign3A_80 = arith.constant 0 : i32
    %sign3A_81 = vector.broadcast %sign3A_80 : i32 to vector<100x10000xi32>
    %sign3A_82 = arith.cmpi slt, %iota3A_75, %sign3A_81 : vector<100x10000xi32>
    %sign3A_83 = arith.extui %sign3A_82 : vector<100x10000xi1> to vector<100x10000xi32>
    %sign3A_84 = arith.subi %sign3A_79, %sign3A_83 : vector<100x10000xi32>
    %sign3A_85 = arith.constant 0 : i32
    %sign3A_86 = arith.cmpi sgt, %jit3A, %sign3A_85 : i32
    %sign3A_87 = arith.extui %sign3A_86 : i1 to i32
    %sign3A_88 = arith.constant 0 : i32
    %sign3A_89 = arith.cmpi slt, %jit3A, %sign3A_88 : i32
    %sign3A_90 = arith.extui %sign3A_89 : i1 to i32
    %sign3A_91 = arith.subi %sign3A_87, %sign3A_90 : i32
    %ne3A = vector.broadcast %sign3A_91 : i32 to vector<100x10000xi32>
    %ne3A_92 = arith.cmpi ne, %sign3A_84, %ne3A : vector<100x10000xi32>
    %rem3A = vector.broadcast %jit3A : i32 to vector<100x10000xi32>
    %rem3A_93 = arith.remsi %iota3A_75, %rem3A : vector<100x10000xi32>
    %ne3A_94 = arith.constant 0 : i32
    %ne3A_95 = vector.broadcast %ne3A_94 : i32 to vector<100x10000xi32>
    %ne3A_96 = arith.cmpi ne, %rem3A_93, %ne3A_95 : vector<100x10000xi32>
    %and3A = arith.andi %ne3A_92, %ne3A_96 : vector<100x10000xi1>
    %sub3A_97 = arith.constant 1 : i32
    %sub3A_98 = vector.broadcast %sub3A_97 : i32 to vector<100x10000xi32>
    %sub3A_99 = arith.subi %div3A_76, %sub3A_98 : vector<100x10000xi32>
    %select_n3A = arith.select %and3A, %sub3A_99, %div3A_76 : vector<100x10000xi1>, vector<100x10000xi32>
    %eq3A = arith.cmpi eq, %select_n3A, %iota3A : vector<100x10000xi32>
    %convert_element_type3A_100 = arith.extui %eq3A : vector<100x10000xi1> to vector<100x10000xi32>
    %convert_element_type3A_101 = arith.sitofp %convert_element_type3A_100 : vector<100x10000xi32> to vector<100x10000xf32>
    %dot_general3A_102 = arith.constant dense<0.000000e+00> : vector<100x1xf32>
    %dot_general3A_103 = tpu.matmul %convert_element_type3A_101, %add3A_74, %dot_general3A_102 {dimension_numbers = #tpu.dot_dimension_numbers<[1], [0], [0], [1], [0, 0, 1, 1], [], []>, transpose_lhs_hint = false} : vector<100x10000xf32>, vector<10000x1xf32>, vector<100x1xf32> -> vector<100x1xf32>
    %swap3A = arith.constant 0 : index
    %swap3A_104 = arith.constant 0 : index
    %swap3A_105 = vector.load %arg10[%swap3A, %swap3A_104] : memref<100x1xf32, #tpu.memory_space<vmem>>, vector<100x1xf32>
    tpu.vector_store %arg10[%swap3A, %swap3A_104], %dot_general3A_103 {strides = array<i32>} : memref<100x1xf32, #tpu.memory_space<vmem>>, vector<100x1xf32>,
    return
  }
}

</mosaic_0001>

<sc_bundles>
// kernel: kernel.13.cloned.1.call-start
scs
__scs_entry_jumppad:
0x0: {  	(pc) =	sbr.rel $0x88, $3  }
0x1: {  	(tag) =	ssettag $0x0;
	lr =	simm.s32 $0x1  }
0x2: {  	[smem:$0x3F8F] =	sst lr;
	_ =	strace $0xD0000000  }
0x3: {  	_ = 	snop  }
0x4: {  	_ = 	snop  }
0x5: {  	_ = 	snop  }
0x6: {  	_ = 	snop  }
0x7: {  	_ = 	snop  }
__scs_overlays_trampoline_lowered:
0x8: {  	[smem:$0x3F9E] =	sst s0  }
0x9: {  	[smem:$0x3F9F] =	sst s1  }
0xa: {  	[smem:$0x3FA0] =	sst s2  }
0xb: {  	[smem:$0x3FA1] =	sst s3  }
0xc: {  	[smem:$0x3FA2] =	sst s4  }
0xd: {  	[smem:$0x3FA3] =	sst s5  }
0xe: {  	[smem:$0x3FA4] =	sst s6  }
0xf: {  	[smem:$0x3FA5] =	sst s7  }
0x10: {  	[smem:$0x3FA6] =	sst s8  }
0x11: {  	[smem:$0x3FA7] =	sst s9;
	s0 =	simm.s32 @!p0 $0x0  }
0x12: {  	s1 =	sld [smem:$0x3F8D];
	s0 =	simm.s32 @p0 $0x1  }
0x13: {  	[smem:$0x3FA8] =	sst s0;
	s0 =	simm.s32 @!p1 $0x0  }
0x14: {  	s2 =	sld [smem:$0x3F8C];
	s0 =	simm.s32 @p1 $0x1  }
0x15: {  	[smem:$0x3FA9] =	sst s0;
	s0 =	simm.s32 @!p2 $0x0  }
0x16: {  	s3 =	sld [smem:$0x3FDB];
	s0 =	simm.s32 @p2 $0x1  }
0x17: {  	s4 =	simm.s32 $0x1BF5;
	[smem:$0x3FAB] =	sst s0  }
0x18: {  	s0 =	sld [smem:$0x3F8E];
	_ =	swait.ge [sflag:s4], $0x0  }
0x19: {  	s7 =	sld [smem:$0x3F8F]  }
0x1a: {  	s8 =	sadd.s32 $0xFFFFE003, lr  }
0x1b: {  	s9 =	sadd.s32 $0xFFFFFEF7, lr;
	s5 =	simm.s32 $0xFFFFFFFF;
	p2 =	slt.u32 s8, $0xFFFFF086  }
0x1c: {  	p1 =	slt.u32 s9, $0xF7A;
	s5 =	simm.s32 @!p2 $0x0  }
0x1d: {  	s5 =	simm.s32 @p1 $0x1;
	p0 =	seq.s32 s7, s2  }
0x1e: {  	s7 =	smul.u32 @!p0 $0xF7A, s2;
	p2 =	seq.s32 @!p0 s5, $0x0  }
0x1f: {  	s9 =	smul.u32 $0xF7A, s1;
	s8 =	simm.s32 @!p0 $0x1BF5;
	p2 =	por !p2, p0  }
0x20: {  	[sflag:s8] =	ssyncset.s32 @!p0 $0xFFFFF086;
	s6 =	sadd.s32 @!p0 s3, s7;
	s7 =	simm.s32 @!p0 $0x108  }
0x21: {  	s3 =	sadd.s32 s3, s9;
	s6 =	sadd.s32 @!p0 $0x88, s6;
	s7 =	simm.s32 @p2 $0x1082  }
0x22: {  	[simem:s7], [sflag:s8] =	dma.local @!p0 [hbm:s6], $0xF7A  }
0x23: {  	s9 =	sor.u32 $0xD0000000, s2;
	s6 =	simm.s32 $0x108;
	_ =	swait.ge @!p0 [sflag:s8], $0x0  }
0x24: {  	s3 =	sadd.s32 $0x88, s3;
	s6 =	simm.s32 @!p1 $0x1082;
	[sflag:s4] =	ssyncset.s32 $0xFFFFF086  }
0x25: {  	[simem:s6], [sflag:s4] =	dma.local [hbm:s3], $0xF7A  }
0x26: {  	[smem:$0x3F8F] =	sst s1;
	(tag) =	ssettag s2;
	_ =	strace s9  }
0x27: {  	s1 =	sld [smem:$0x3F9F]  }
0x28: {  	s2 =	sld [smem:$0x3FA0]  }
0x29: {  	s4 =	sld [smem:$0x3FA2]  }
0x2a: {  	p0 =	seq.s32 s5, $0x0;
	s5 =	sld [smem:$0x3FA3]  }
0x2b: {  	s6 =	sld [smem:$0x3FA4]  }
0x2c: {  	s7 =	sld [smem:$0x3FA5]  }
0x2d: {  	s3 =	simm.s32 $0x108;
	s8 =	sld [smem:$0x3FA6]  }
0x2e: {  	s3 =	simm.s32 @!p0 $0x1082;
	s9 =	sld [smem:$0x3FA7]  }
0x2f: {  	lr =	sadd.s32 s0, s3;
	s0 =	sld [smem:$0x3F9E]  }
0x30: {  	s3 =	sld [smem:$0x3FA1]  }
0x31: {  	[smem:$0x3FAA] =	sst s10  }
0x32: {  	s10 =	sld [smem:$0x3FA8];
	_ =	sdelay $0x3  }
0x33: {  	p0 =	seq.s32 s10, $0x1;
	s10 =	sld [smem:$0x3FAA];
	_ =	sdelay $0x3  }
0x34: {  	[smem:$0x3FAA] =	sst s10  }
0x35: {  	s10 =	sld [smem:$0x3FA9];
	_ =	sdelay $0x3  }
0x36: {  	p1 =	seq.s32 s10, $0x1;
	s10 =	sld [smem:$0x3FAA];
	_ =	sdelay $0x3  }
0x37: {  	[smem:$0x3FAA] =	sst s10  }
0x38: {  	s10 =	sld [smem:$0x3FAB]  }
0x39: {  	_ = 	snop;
	(pc) =	sbr.ind lr, $3  }
0x3a: {  	_ = 	snop  }
0x3b: {  	_ = 	snop  }
0x3c: {  	p2 =	seq.s32 s10, $0x1;
	s10 =	sld [smem:$0x3FAA]  }
0x3d: {  	_ =	shalt  }
0x3e: {  	_ =	shalt  }
0x3f: {  	_ =	shalt  }
0x40: {  	_ =	shalt  }
0x41: {  	_ =	shalt  }
0x42: {  	_ =	shalt  }
0x43: {  	_ =	shalt  }
0x44: {  	_ =	shalt  }
0x45: {  	_ =	shalt  }
0x46: {  	_ =	shalt  }
0x47: {  	_ =	shalt  }
0x48: {  	_ =	shalt  }
0x49: {  	_ =	shalt  }
0x4a: {  	_ =	shalt  }
0x4b: {  	_ =	shalt  }
0x4c: {  	_ =	shalt  }
0x4d: {  	_ =	shalt  }
0x4e: {  	_ =	shalt  }
0x4f: {  	_ =	shalt  }
0x50: {  	_ =	shalt  }
0x51: {  	_ =	shalt  }
0x52: {  	_ =	shalt  }
0x53: {  	_ =	shalt  }
0x54: {  	_ =	shalt  }
0x55: {  	_ =	shalt  }
0x56: {  	_ =	shalt  }
0x57: {  	_ =	shalt  }
0x58: {  	_ =	shalt  }
0x59: {  	_ =	shalt  }
0x5a: {  	_ =	shalt  }
0x5b: {  	_ =	shalt  }
0x5c: {  	_ =	shalt  }
0x5d: {  	_ =	shalt  }
0x5e: {  	_ =	shalt  }
0x5f: {  	_ =	shalt  }
0x60: {  	_ =	shalt  }
0x61: {  	_ =	shalt  }
0x62: {  	_ =	shalt  }
0x63: {  	_ =	shalt  }
0x64: {  	_ =	shalt  }
0x65: {  	_ =	shalt  }
0x66: {  	_ =	shalt  }
0x67: {  	_ =	shalt  }
0x68: {  	_ =	shalt  }
0x69: {  	_ =	shalt  }
0x6a: {  	_ =	shalt  }
0x6b: {  	_ =	shalt  }
0x6c: {  	_ =	shalt  }
0x6d: {  	_ =	shalt  }
0x6e: {  	_ =	shalt  }
0x6f: {  	_ =	shalt  }
0x70: {  	_ =	shalt  }
0x71: {  	_ =	shalt  }
0x72: {  	_ =	shalt  }
0x73: {  	_ =	shalt  }
0x74: {  	_ =	shalt  }
0x75: {  	_ =	shalt  }
0x76: {  	_ =	shalt  }
0x77: {  	_ =	shalt  }
0x78: {  	_ =	shalt  }
0x79: {  	_ =	shalt  }
0x7a: {  	_ =	shalt  }
0x7b: {  	_ =	shalt  }
0x7c: {  	_ =	shalt  }
0x7d: {  	_ =	shalt  }
0x7e: {  	_ =	shalt  }
0x7f: {  	_ =	shalt  }
0x80: {  	_ =	shalt  }
0x81: {  	_ =	shalt  }
0x82: {  	_ =	shalt  }
0x83: {  	_ =	shalt  }
0x84: {  	_ =	shalt  }
0x85: {  	_ =	shalt  }
0x86: {  	_ =	shalt  }
0x87: {  	_ =	shalt  }
.Lfunc_end0:
.L_simem_size_0:
called_computation_lowered:
.L_overlay_start_0:
0x88: {  	s2 =	sld [smem:$0x3FD9]  }
0x89: {  	s3 =	sld [smem:$0x3FFE];
	_ =	sdelay $0x1  }
0x8a: {  	s1 =	srdreg.scid  }
0x8b: {  	s0 =	sand.u32 $0x1, s1  }
0x8c: {  	s16 =	sshll.u32 s0, $0xA;
	s2 =	sadd.s32 s3, s2  }
0x8d: {  	s2 =	sadd.s32 s2, s16  }
0x8e: {  	[smem:$0x3FB6] =	sst s2  }
0x8f: {  	_ = 	snop  }
0x90: {  	(tm) =	ssettm $0x1  }
0x91: {  	s17 =	sld [smem:$0x3FFB];
	_ =	sdelay $0x3  }
0x92: {  	_ =	strace s17  }
0x93: {  	s2 =	sld [smem:$0x3FFC];
	_ =	sdelay $0x3  }
0x94: {  	_ =	strace s2  }
0x95: {  	s2 =	sld [smem:$0x3FFD];
	_ =	sdelay $0x3  }
0x96: {  	_ =	strace s2  }
0x97: {  	_ =	strace $0x8FFFFFFF  }
0x98: {  	s18 =	sld [smem:$0x3FDB];
	_ =	sdelay $0x1  }
0x99: {  	s19 =	simm.s32 $_scs_section_size  }
0x9a: {  	s4 =	simm.s32 $_size__tile_overlayer_lowered;
	s5 =	simm.s32 $_tile_overlayer_lowered  }
0x9b: {  	s22 =	simm.s32 $0x1BFF;
	s21 =	sshll.u32 s5, $0x1;
	s2 =	sadd.s32 s19, s18  }
0x9c: {  	s6 =	simm.s32 $0x0;
	s20 =	sshll.u32 s4, $0x1;
	s4 =	sadd.s32 s21, s2  }
0x9d: {  	[timem:s6], [sflag:s22] =	dma.local [hbm:s4], s20  }
0x9e: {  	_ =	swait.ge [sflag:s22], s20  }
0x9f: {  	s3 =	ssub.s32 $0x0, s20;
	[sflag:s22] =	ssyncset.done $0x0  }
0xa0: {  	[sflag:s22] =	ssyncadd.s32 s3;
	_ =	sdelay $0x1  }
0xa1: {  	s23 =	simm.s32 $0x1B8B  }
0xa2: {  	_ =	swait.ge [sflag:s23], $0x1  }
0xa3: {  	[sflag:s23] =	ssyncset.done $0x0  }
0xa4: {  	s25 =	simm.s32 $0x1B8E;
	s24 =	sld [smem:$0x3FFE];
	[sflag:s23] =	ssyncadd.s32 $0xFFFFFFFF  }
0xa5: {  	s26 =	simm.s32 $execute0_lowered;
	[smem:$0x3FD2] =	sst s25  }
0xa6: {  	s4 =	sshll.u32 s26, $0x1;
	_ =	strace $0x80000046;
	[dreg:$0x1] =	wrdreg $0xFFFFFFFF  }
0xa7: {  	s28 =	simm.s32 $_size_execute0_lowered;
	s2 =	sadd.s32 s2, s4;
	[dreg:$0x0] =	wrdreg $0x0  }
0xa8: {  	s4 =	sshll.u32 s28, $0x1;
	[dreg:$0x2] =	wrdreg s2  }
0xa9: {  	[dreg:$0x3] =	wrdreg s4  }
0xaa: {  	[dreg:$0x4] =	wrdreg $0xC0  }
0xab: {  	_ =	task [dreg:s6], $0x5FFFF  }
0xac: {  	[dreg:$0x1] =	wrdreg $0xFFFFFFFF  }
0xad: {  	[dreg:$0x0] =	wrdreg $0x60  }
0xae: {  	[dreg:$0x2] =	wrdreg s24  }
0xaf: {  	[dreg:$0x3] =	wrdreg $0x9  }
0xb0: {  	_ =	task.clear_ibuf [dreg:s6], $0x4FFFF;
	_ =	strace $0x90000046  }
0xb1: {  	s29 =	simm.s32 $0x9;
	_ =	strace $0x80000048  }
0xb2: {  	_ =	swait.ge [sflag:s29], $0x1  }
0xb3: {  	[sflag:s29] =	ssyncadd.s32 $0xFFFFFFFF  }
0xb4: {  	_ =	strace $0x90000048  }
0xb5: {  	_ =	sfence  }
0xb6: {  	s30 =	sld [smem:$0x0];
	_ =	sdelay $0x2  }
0xb7: {  	s31 =	sshll.u32 s1, $0xD;
	s1 =	sshrl.u32 s1, $0x2  }
0xb8: {  	s3 =	sand.u32 $0x4000, s31;
	s1 =	sadd.s32 s1, s30  }
0xb9: {  	s0 =	sor.u32 s3, s0;
	s1 =	sshll.u32 s1, $0x11  }
0xba: {  	s0 =	sor.u32 s1, s0  }
0xbb: {  	s0 =	sadd.s32 $0x8F2B, s0  }
0xbc: {  	[sflag:s0] =	ssyncadd.remote.s32 $0x1  }
0xbd: {  	_ =	sfence.sel $0xFFFF  }
0xbe: {  	[dreg:$0x0] =	wrdreg $0xFFFFFFFF;
	(pc) =	sbr.abs _section_cstart, $3  }
0xbf: {  	[dreg:$0x1] =	wrdreg $0xFFFFFFFF  }
0xc0: {  	_ =	task.clear_ibuf [dreg:s6], $0x2FFFF;
	_ =	strace $0x9FFFFFFF  }
0xc1: {  	(tm) =	ssettm $0x7FFFFFFF  }
tec
execute0_lowered:
.L_overlay_start_1:
0x0: {  	(tag) =	ssettag $0x1  }
0x1: {  	s6 =	rddreg [dreg:$0x0]  }
0x2: {  	s0 =	rddreg [dreg:$0x1]  }
0x3: {  	s3 =	srdreg.scid;
	s1 =	stileid.u32;
	s2 =	simm.s32 $0x0  }
0x4: {  	s11 =	simm.s32 $0x2780;
	s12 =	simm.s32 $0x4F00;
	s13 =	simm.s32 $0x7680  }
0x5: {  	s14 =	simm.s32 $0x9E00;
	s5 =	sand.u32 $0x1, s3;
	s30 =	sshll.u32 s1, $0x1  }
0x6: {  	s15 =	simm.s32 $0xC580;
	s16 =	simm.s32 $0x0;
	s3 =	sor.u32 s5, s30  }
0x7: {  	[smem:$0x7FF] =	sst s2;
	s4 =	sadd.s32 $0x7600, s6;
	s7 =	smul.u32 $0x4E2, s3  }
0x8: {  	_ =	strace $0x80000047;
	s8 =	ssub.s32 $0x2, s5;
	s5 =	sadd.s32 $0x7000, s6  }
0x9: {  	s3 =	sadd.s32 $0x7C00, s6;
	s31 =	sshrl.u32 s8, $0x1;
	s9 =	sadd.s32 s7, s6  }
0xa: {  	s10 =	ssub.s32 s8, s31;
	s6 =	sadd.s32 $0x12000, s9;
	s7 =	sadd.s32 $0x8200, s9  }
0xb: {  	s8 =	sadd.s32 $0x1BE00, s9;
	s9 =	smax.u32 s10, $0x1;
	s10 =	simm.s32 $0x1  }
.LBB2_1:
0xc: {  	[tilespmem:s2], [sflag:$0x1] =	stream.linear.gather [hbm4b:s3+s2], $0x2780, $0x38;
	[tilespmem:$0xED00] =	vst v63  }
0xd: {  	_ =	swait.ge [sflag:s10], $0x2780  }
0xe: {  	[sflag:s10] =	ssyncset.done $0x0  }
0xf: {  	[sflag:s10] =	ssyncadd.s32 $0xFFFFD880  }
0x10: {  	[tilespmem:s11], [sflag:$0x1] =	stream.linear.gather [hbm4b:s4+s2], $0x2780, $0x38;
	[tilespmem:$0xED00] =	vst v63  }
0x11: {  	_ =	swait.ge [sflag:s10], $0x2780  }
0x12: {  	[sflag:s10] =	ssyncset.done $0x0  }
0x13: {  	[sflag:s10] =	ssyncadd.s32 $0xFFFFD880  }
0x14: {  	[tilespmem:s12], [sflag:$0x1] =	stream.linear.gather [hbm4b:s5+s2], $0x2780, $0x38;
	[tilespmem:$0xED00] =	vst v63  }
0x15: {  	_ =	swait.ge [sflag:s10], $0x2780  }
0x16: {  	[sflag:s10] =	ssyncset.done $0x0  }
0x17: {  	[sflag:s10] =	ssyncadd.s32 $0xFFFFD880  }
0x18: {  	[tilespmem:s13], [sflag:$0x1] =	stream.linear.gather [hbm4b:s6+s2], $0x2710, $0x38;
	[tilespmem:$0xED00] =	vst v63  }
0x19: {  	_ =	swait.ge [sflag:s10], $0x2710  }
0x1a: {  	[sflag:s10] =	ssyncset.done $0x0  }
0x1b: {  	[sflag:s10] =	ssyncadd.s32 $0xFFFFD8F0  }
0x1c: {  	[tilespmem:s14], [sflag:$0x1] =	stream.linear.gather [hbm4b:s7+s2], $0x2710, $0x38;
	[tilespmem:$0xED00] =	vst v63  }
0x1d: {  	_ =	swait.ge [sflag:s10], $0x2710  }
0x1e: {  	[sflag:s10] =	ssyncset.done $0x0  }
0x1f: {  	s17 =	simm.s32 $0x0;
	[sflag:s10] =	ssyncadd.s32 $0xFFFFD8F0  }
0x20: {  	v0 =	vld [tilespmem:s17+$0x9E00]  }
0x21: {  	v1 =	vld [tilespmem:s17+$0x7680];
	_ =	sdelay $0x6  }
0x22: {  	v2 =	vld.idx.msk [tilespmem:v0+s2+$0x0], $0xffff  }
0x23: {  	v3 =	vld.idx.msk [tilespmem:v1+s2+$0x0], $0xffff  }
0x24: {  	v4 =	vld.idx.msk [tilespmem:v1+s11+$0x0], $0xffff  }
0x25: {  	v5 =	vld.idx.msk [tilespmem:v0+s11+$0x0], $0xffff  }
0x26: {  	v6 =	vld.idx.msk [tilespmem:v1+s12+$0x0], $0xffff  }
0x27: {  	v7 =	vld.idx.msk [tilespmem:v0+s12+$0x0], $0xffff;
	_ =	sdelay $0x2  }
0x28: {  	s18 =	simm.s32 $0x10;
	v3 =	vsub.f32 v3, v2;
	v4 =	vsub.f32 v4, v5  }
0x29: {  	v0 =	vld [tilespmem:s18+$0x9E00]  }
0x2a: {  	v1 =	vld [tilespmem:s18+$0x7680];
	v2 =	vsub.f32 v6, v7;
	v3 =	vmul.f32 v3, v3;
	v4 =	vmul.f32 v4, v4  }
0x2b: {  	s19 =	simm.s32 $0x80  }
.LBB2_2:
0x2c: {  	p0 =	sne.s32 s19, $0x9C00;
	v3 =	vadd.f32 v4, v3;
	v2 =	vmul.f32 v2, v2;
	_ =	sdelay $0x1  }
0x2d: {  	v2 =	vadd.f32 v2, v3;
	_ =	sdelay $0x1  }
0x2e: {  	[tilespmem:s17+$0xC580] =	vst v2;
	s17 =	smov.u32 s18  }
0x2f: {  	v2 =	vld.idx.msk [tilespmem:v0+s2+$0x0], $0xffff  }
0x30: {  	v3 =	vld.idx.msk [tilespmem:v1+s2+$0x0], $0xffff  }
0x31: {  	v4 =	vld.idx.msk [tilespmem:v1+s11+$0x0], $0xffff  }
0x32: {  	v5 =	vld.idx.msk [tilespmem:v0+s11+$0x0], $0xffff  }
0x33: {  	v6 =	vld.idx.msk [tilespmem:v1+s12+$0x0], $0xffff  }
0x34: {  	v7 =	vld.idx.msk [tilespmem:v0+s12+$0x0], $0xffff;
	_ =	sdelay $0x2  }
.Ltmp0:
0x35: {  	(pc) =	sbr.rel @p0 .LBB2_2-.Ltmp0, $4  }
0x36: {  	s18 =	sshra.s32 s19, $0x2;
	v3 =	vsub.f32 v3, v2;
	v4 =	vsub.f32 v4, v5  }
0x37: {  	v0 =	vld [tilespmem:s18+$0x9E00]  }
0x38: {  	v3 =	vmul.f32 v3, v3;
	v2 =	vsub.f32 v6, v7;
	v4 =	vmul.f32 v4, v4;
	v1 =	vld [tilespmem:s18+$0x7680]  }
0x39: {  	s19 =	sadd.s32 $0x40, s19  }
0x3a: {  	_ = 	snop  }
0x3b: {  	v3 =	vadd.f32 v4, v3;
	v2 =	vmul.f32 v2, v2;
	_ =	sdelay $0x1  }
0x3c: {  	v2 =	vadd.f32 v2, v3;
	_ =	sdelay $0x1  }
0x3d: {  	[tilespmem:s17+$0xC580] =	vst v2  }
0x3e: {  	v2 =	vld.idx.msk [tilespmem:v0+s2+$0x0], $0xffff  }
0x3f: {  	v57 =	vld.idx.msk [tilespmem:v1+s2+$0x0], $0xffff  }
0x40: {  	v58 =	vld.idx.msk [tilespmem:v1+s11+$0x0], $0xffff  }
0x41: {  	v5 =	vld.idx.msk [tilespmem:v0+s11+$0x0], $0xffff  }
0x42: {  	v59 =	vld.idx.msk [tilespmem:v1+s12+$0x0], $0xffff  }
0x43: {  	v60 =	vld.idx.msk [tilespmem:v0+s12+$0x0], $0xffff;
	_ =	sdelay $0x2  }
0x44: {  	v2 =	vsub.f32 v57, v2;
	v61 =	vsub.f32 v58, v5;
	_ =	sdelay $0x1  }
0x45: {  	v0 =	vsub.f32 v59, v60;
	v62 =	vmul.f32 v2, v2;
	v63 =	vmul.f32 v61, v61;
	_ =	sdelay $0x1  }
0x46: {  	v0 =	vmul.f32 v0, v0;
	v1 =	vadd.f32 v63, v62;
	_ =	sdelay $0x1  }
0x47: {  	s16 =	sadd.s32 $0x1, s16;
	v0 =	vadd.f32 v0, v1  }
0x48: {  	p0 =	sne.s32 s16, s9  }
.Ltmp1:
0x49: {  	[tilespmem:s18+$0xC580] =	vst v0;
	(pc) =	sbr.rel @p0 .LBB2_1-.Ltmp1, $4  }
0x4a: {  	[hbm4b:s8+s2] =	stream.linear.scatter [tilespmem:s15], [sflag:$0x1], $0x2710, $0x38;
	[tilespmem:$0xED00] =	vst v63  }
0x4b: {  	_ =	swait.ge [sflag:s10], $0x2710  }
0x4c: {  	[sflag:s10] =	ssyncset.done $0x0  }
0x4d: {  	[sflag:s10] =	ssyncadd.s32 $0xFFFFD8F0  }
0x4e: {  	_ =	sfence.sel $0x180000  }
0x4f: {  	[bflag:$0x0] =	sbarrier.arrive $0xFFFF  }
0x50: {  	p0 =	sne.s32 s1, $0x0;
	_ =	strace $0x90000047  }
0x51: {  	s0 =	sadd.s32 @!p0 $0x100000, s0;
	[bflag:$0x2] =	sbarrier.arrive $0xFFFF  }
0x52: {  	[sflag:s0] =	ssyncadd.tile.s32 @!p0 $0x1;
	_ =	shalt  }
.Lfunc_end2:
_tile_overlayer_lowered:
.L_overlay_start_2:
0x53: {  	(tag) =	ssettag $0x2  }
0x54: {  	s0 =	rddreg [dreg:$0x0];
	s2 =	stileid.u32  }
0x55: {  	s1 =	rddreg [dreg:$0x1];
	p0 =	sne.s32 s2, $0x0  }
0x56: {  	s3 =	rddreg [dreg:$0x2];
	[bflag:$0x3] =	sbarrier.arrive $0xFFFF;
	s2 =	simm.s32 @!p0 $0x1C01  }
0x57: {  	[timem:s3], [sflag:s2] =	dma.local @!p0 [hbm:s0], s1  }
0x58: {  	s0 =	simm.s32 @!p0 $0x1  }
0x59: {  	_ =	swait.ge @!p0 [sflag:s0], s1  }
0x5a: {  	s1 =	ssub.s32 @!p0 $0x0, s1;
	[sflag:s0] =	ssyncset.done @!p0 $0x0  }
0x5b: {  	[sflag:s0] =	ssyncadd.s32 @!p0 s1  }
0x5c: {  	[bflag:$0x3] =	sbarrier.arrive $0xFFFF  }
0x5d: {  	_ =	shalt  }

// kernel: kernel.16.cloned.1.call-start
scs
__scs_entry_jumppad:
0x0: {  	(pc) =	sbr.rel $0x88, $3  }
0x1: {  	(tag) =	ssettag $0x0;
	lr =	simm.s32 $0x1  }
0x2: {  	[smem:$0x3F8F] =	sst lr;
	_ =	strace $0xD0000000  }
0x3: {  	_ = 	snop  }
0x4: {  	_ = 	snop  }
0x5: {  	_ = 	snop  }
0x6: {  	_ = 	snop  }
0x7: {  	_ = 	snop  }
__scs_overlays_trampoline_lowered:
0x8: {  	[smem:$0x3F9E] =	sst s0  }
0x9: {  	[smem:$0x3F9F] =	sst s1  }
0xa: {  	[smem:$0x3FA0] =	sst s2  }
0xb: {  	[smem:$0x3FA1] =	sst s3  }
0xc: {  	[smem:$0x3FA2] =	sst s4  }
0xd: {  	[smem:$0x3FA3] =	sst s5  }
0xe: {  	[smem:$0x3FA4] =	sst s6  }
0xf: {  	[smem:$0x3FA5] =	sst s7  }
0x10: {  	[smem:$0x3FA6] =	sst s8  }
0x11: {  	[smem:$0x3FA7] =	sst s9;
	s0 =	simm.s32 @!p0 $0x0  }
0x12: {  	s1 =	sld [smem:$0x3F8D];
	s0 =	simm.s32 @p0 $0x1  }
0x13: {  	[smem:$0x3FA8] =	sst s0;
	s0 =	simm.s32 @!p1 $0x0  }
0x14: {  	s2 =	sld [smem:$0x3F8C];
	s0 =	simm.s32 @p1 $0x1  }
0x15: {  	[smem:$0x3FA9] =	sst s0;
	s0 =	simm.s32 @!p2 $0x0  }
0x16: {  	s3 =	sld [smem:$0x3FDB];
	s0 =	simm.s32 @p2 $0x1  }
0x17: {  	s4 =	simm.s32 $0x1BF5;
	[smem:$0x3FAB] =	sst s0  }
0x18: {  	s0 =	sld [smem:$0x3F8E];
	_ =	swait.ge [sflag:s4], $0x0  }
0x19: {  	s7 =	sld [smem:$0x3F8F]  }
0x1a: {  	s8 =	sadd.s32 $0xFFFFE003, lr  }
0x1b: {  	s9 =	sadd.s32 $0xFFFFFEF7, lr;
	s5 =	simm.s32 $0xFFFFFFFF;
	p2 =	slt.u32 s8, $0xFFFFF086  }
0x1c: {  	p1 =	slt.u32 s9, $0xF7A;
	s5 =	simm.s32 @!p2 $0x0  }
0x1d: {  	s5 =	simm.s32 @p1 $0x1;
	p0 =	seq.s32 s7, s2  }
0x1e: {  	s7 =	smul.u32 @!p0 $0xF7A, s2;
	p2 =	seq.s32 @!p0 s5, $0x0  }
0x1f: {  	s9 =	smul.u32 $0xF7A, s1;
	s8 =	simm.s32 @!p0 $0x1BF5;
	p2 =	por !p2, p0  }
0x20: {  	[sflag:s8] =	ssyncset.s32 @!p0 $0xFFFFF086;
	s6 =	sadd.s32 @!p0 s3, s7;
	s7 =	simm.s32 @!p0 $0x108  }
0x21: {  	s3 =	sadd.s32 s3, s9;
	s6 =	sadd.s32 @!p0 $0x88, s6;
	s7 =	simm.s32 @p2 $0x1082  }
0x22: {  	[simem:s7], [sflag:s8] =	dma.local @!p0 [hbm:s6], $0xF7A  }
0x23: {  	s9 =	sor.u32 $0xD0000000, s2;
	s6 =	simm.s32 $0x108;
	_ =	swait.ge @!p0 [sflag:s8], $0x0  }
0x24: {  	s3 =	sadd.s32 $0x88, s3;
	s6 =	simm.s32 @!p1 $0x1082;
	[sflag:s4] =	ssyncset.s32 $0xFFFFF086  }
0x25: {  	[simem:s6], [sflag:s4] =	dma.local [hbm:s3], $0xF7A  }
0x26: {  	[smem:$0x3F8F] =	sst s1;
	(tag) =	ssettag s2;
	_ =	strace s9  }
0x27: {  	s1 =	sld [smem:$0x3F9F]  }
0x28: {  	s2 =	sld [smem:$0x3FA0]  }
0x29: {  	s4 =	sld [smem:$0x3FA2]  }
0x2a: {  	p0 =	seq.s32 s5, $0x0;
	s5 =	sld [smem:$0x3FA3]  }
0x2b: {  	s6 =	sld [smem:$0x3FA4]  }
0x2c: {  	s7 =	sld [smem:$0x3FA5]  }
0x2d: {  	s3 =	simm.s32 $0x108;
	s8 =	sld [smem:$0x3FA6]  }
0x2e: {  	s3 =	simm.s32 @!p0 $0x1082;
	s9 =	sld [smem:$0x3FA7]  }
0x2f: {  	lr =	sadd.s32 s0, s3;
	s0 =	sld [smem:$0x3F9E]  }
0x30: {  	s3 =	sld [smem:$0x3FA1]  }
0x31: {  	[smem:$0x3FAA] =	sst s10  }
0x32: {  	s10 =	sld [smem:$0x3FA8];
	_ =	sdelay $0x3  }
0x33: {  	p0 =	seq.s32 s10, $0x1;
	s10 =	sld [smem:$0x3FAA];
	_ =	sdelay $0x3  }
0x34: {  	[smem:$0x3FAA] =	sst s10  }
0x35: {  	s10 =	sld [smem:$0x3FA9];
	_ =	sdelay $0x3  }
0x36: {  	p1 =	seq.s32 s10, $0x1;
	s10 =	sld [smem:$0x3FAA];
	_ =	sdelay $0x3  }
0x37: {  	[smem:$0x3FAA] =	sst s10  }
0x38: {  	s10 =	sld [smem:$0x3FAB]  }
0x39: {  	_ = 	snop;
	(pc) =	sbr.ind lr, $3  }
0x3a: {  	_ = 	snop  }
0x3b: {  	_ = 	snop  }
0x3c: {  	p2 =	seq.s32 s10, $0x1;
	s10 =	sld [smem:$0x3FAA]  }
0x3d: {  	_ =	shalt  }
0x3e: {  	_ =	shalt  }
0x3f: {  	_ =	shalt  }
0x40: {  	_ =	shalt  }
0x41: {  	_ =	shalt  }
0x42: {  	_ =	shalt  }
0x43: {  	_ =	shalt  }
0x44: {  	_ =	shalt  }
0x45: {  	_ =	shalt  }
0x46: {  	_ =	shalt  }
0x47: {  	_ =	shalt  }
0x48: {  	_ =	shalt  }
0x49: {  	_ =	shalt  }
0x4a: {  	_ =	shalt  }
0x4b: {  	_ =	shalt  }
0x4c: {  	_ =	shalt  }
0x4d: {  	_ =	shalt  }
0x4e: {  	_ =	shalt  }
0x4f: {  	_ =	shalt  }
0x50: {  	_ =	shalt  }
0x51: {  	_ =	shalt  }
0x52: {  	_ =	shalt  }
0x53: {  	_ =	shalt  }
0x54: {  	_ =	shalt  }
0x55: {  	_ =	shalt  }
0x56: {  	_ =	shalt  }
0x57: {  	_ =	shalt  }
0x58: {  	_ =	shalt  }
0x59: {  	_ =	shalt  }
0x5a: {  	_ =	shalt  }
0x5b: {  	_ =	shalt  }
0x5c: {  	_ =	shalt  }
0x5d: {  	_ =	shalt  }
0x5e: {  	_ =	shalt  }
0x5f: {  	_ =	shalt  }
0x60: {  	_ =	shalt  }
0x61: {  	_ =	shalt  }
0x62: {  	_ =	shalt  }
0x63: {  	_ =	shalt  }
0x64: {  	_ =	shalt  }
0x65: {  	_ =	shalt  }
0x66: {  	_ =	shalt  }
0x67: {  	_ =	shalt  }
0x68: {  	_ =	shalt  }
0x69: {  	_ =	shalt  }
0x6a: {  	_ =	shalt  }
0x6b: {  	_ =	shalt  }
0x6c: {  	_ =	shalt  }
0x6d: {  	_ =	shalt  }
0x6e: {  	_ =	shalt  }
0x6f: {  	_ =	shalt  }
0x70: {  	_ =	shalt  }
0x71: {  	_ =	shalt  }
0x72: {  	_ =	shalt  }
0x73: {  	_ =	shalt  }
0x74: {  	_ =	shalt  }
0x75: {  	_ =	shalt  }
0x76: {  	_ =	shalt  }
0x77: {  	_ =	shalt  }
0x78: {  	_ =	shalt  }
0x79: {  	_ =	shalt  }
0x7a: {  	_ =	shalt  }
0x7b: {  	_ =	shalt  }
0x7c: {  	_ =	shalt  }
0x7d: {  	_ =	shalt  }
0x7e: {  	_ =	shalt  }
0x7f: {  	_ =	shalt  }
0x80: {  	_ =	shalt  }
0x81: {  	_ =	shalt  }
0x82: {  	_ =	shalt  }
0x83: {  	_ =	shalt  }
0x84: {  	_ =	shalt  }
0x85: {  	_ =	shalt  }
0x86: {  	_ =	shalt  }
0x87: {  	_ =	shalt  }
.Lfunc_end0:
.L_simem_size_0:
called_computation.1_lowered:
.L_overlay_start_0:
0x88: {  	s2 =	sld [smem:$0x3FD9]  }
0x89: {  	s3 =	sld [smem:$0x3FFE];
	_ =	sdelay $0x1  }
0x8a: {  	s1 =	srdreg.scid  }
0x8b: {  	s0 =	sand.u32 $0x1, s1  }
0x8c: {  	s16 =	sshll.u32 s0, $0xA;
	s2 =	sadd.s32 s3, s2  }
0x8d: {  	s2 =	sadd.s32 s2, s16  }
0x8e: {  	[smem:$0x3FB6] =	sst s2  }
0x8f: {  	_ = 	snop  }
0x90: {  	(tm) =	ssettm $0x1  }
0x91: {  	s17 =	sld [smem:$0x3FFB];
	_ =	sdelay $0x3  }
0x92: {  	_ =	strace s17  }
0x93: {  	s2 =	sld [smem:$0x3FFC];
	_ =	sdelay $0x3  }
0x94: {  	_ =	strace s2  }
0x95: {  	s2 =	sld [smem:$0x3FFD];
	_ =	sdelay $0x3  }
0x96: {  	_ =	strace s2  }
0x97: {  	_ =	strace $0x8FFFFFFF  }
0x98: {  	s18 =	sld [smem:$0x3FDB];
	_ =	sdelay $0x1  }
0x99: {  	s19 =	simm.s32 $_scs_section_size  }
0x9a: {  	s4 =	simm.s32 $_size__tile_overlayer_lowered;
	s5 =	simm.s32 $_tile_overlayer_lowered  }
0x9b: {  	s22 =	simm.s32 $0x1BFF;
	s21 =	sshll.u32 s5, $0x1;
	s2 =	sadd.s32 s19, s18  }
0x9c: {  	s6 =	simm.s32 $0x0;
	s20 =	sshll.u32 s4, $0x1;
	s4 =	sadd.s32 s21, s2  }
0x9d: {  	[timem:s6], [sflag:s22] =	dma.local [hbm:s4], s20  }
0x9e: {  	_ =	swait.ge [sflag:s22], s20  }
0x9f: {  	s3 =	ssub.s32 $0x0, s20;
	[sflag:s22] =	ssyncset.done $0x0  }
0xa0: {  	[sflag:s22] =	ssyncadd.s32 s3;
	_ =	sdelay $0x1  }
0xa1: {  	s23 =	simm.s32 $0x1B8B  }
0xa2: {  	_ =	swait.ge [sflag:s23], $0x1  }
0xa3: {  	[sflag:s23] =	ssyncset.done $0x0  }
0xa4: {  	s25 =	simm.s32 $0x1B8E;
	s24 =	sld [smem:$0x3FFE];
	[sflag:s23] =	ssyncadd.s32 $0xFFFFFFFF  }
0xa5: {  	s26 =	simm.s32 $execute0_lowered;
	[smem:$0x3FD2] =	sst s25  }
0xa6: {  	s4 =	sshll.u32 s26, $0x1;
	_ =	strace $0x80000049;
	[dreg:$0x1] =	wrdreg $0xFFFFFFFF  }
0xa7: {  	s28 =	simm.s32 $_size_execute0_lowered;
	s2 =	sadd.s32 s2, s4;
	[dreg:$0x0] =	wrdreg $0x0  }
0xa8: {  	s4 =	sshll.u32 s28, $0x1;
	[dreg:$0x2] =	wrdreg s2  }
0xa9: {  	[dreg:$0x3] =	wrdreg s4  }
0xaa: {  	[dreg:$0x4] =	wrdreg $0xC0  }
0xab: {  	_ =	task [dreg:s6], $0x5FFFF  }
0xac: {  	[dreg:$0x1] =	wrdreg $0xFFFFFFFF  }
0xad: {  	[dreg:$0x0] =	wrdreg $0x60  }
0xae: {  	[dreg:$0x2] =	wrdreg s24  }
0xaf: {  	[dreg:$0x3] =	wrdreg $0x0  }
0xb0: {  	[dreg:$0x4] =	wrdreg $0x9  }
0xb1: {  	_ =	task.clear_ibuf [dreg:s6], $0x5FFFF;
	_ =	strace $0x90000049  }
0xb2: {  	s29 =	simm.s32 $0x9;
	_ =	strace $0x8000004B  }
0xb3: {  	_ =	swait.ge [sflag:s29], $0x1  }
0xb4: {  	[sflag:s29] =	ssyncadd.s32 $0xFFFFFFFF  }
0xb5: {  	_ =	strace $0x9000004B  }
0xb6: {  	_ =	sfence  }
0xb7: {  	s30 =	sld [smem:$0x0];
	_ =	sdelay $0x2  }
0xb8: {  	s31 =	sshll.u32 s1, $0xD;
	s1 =	sshrl.u32 s1, $0x2  }
0xb9: {  	s3 =	sand.u32 $0x4000, s31;
	s1 =	sadd.s32 s1, s30  }
0xba: {  	s0 =	sor.u32 s3, s0;
	s1 =	sshll.u32 s1, $0x11  }
0xbb: {  	s0 =	sor.u32 s1, s0  }
0xbc: {  	s0 =	sadd.s32 $0x8F2B, s0  }
0xbd: {  	[sflag:s0] =	ssyncadd.remote.s32 $0x1  }
0xbe: {  	_ =	sfence.sel $0xFFFF  }
0xbf: {  	[dreg:$0x0] =	wrdreg $0xFFFFFFFF;
	(pc) =	sbr.abs _section_cstart, $3  }
0xc0: {  	[dreg:$0x1] =	wrdreg $0xFFFFFFFF  }
0xc1: {  	_ =	task.clear_ibuf [dreg:s6], $0x2FFFF;
	_ =	strace $0x9FFFFFFF  }
0xc2: {  	(tm) =	ssettm $0x7FFFFFFF  }
0xc3: {  	_ =	shalt  }
tec
execute0_lowered:
.L_overlay_start_1:
0x0: {  	(tag) =	ssettag $0x1  }
0x1: {  	s0 =	rddreg [dreg:$0x0]  }
0x2: {  	s1 =	rddreg [dreg:$0x1];
	s2 =	simm.s32 $0x0;
	s3 =	srdreg.scid  }
0x3: {  	s16 =	stileid.u32;
	s28 =	simm.s32 $0x1B080;
	s29 =	simm.s32 $0x7  }
0x4: {  	s31 =	simm.s32 $0x50;
	[smem:$0x7FF] =	sst s2;
	s4 =	sadd.s32 $0x3A800, s0  }
0x5: {  	s3 =	sand.u32 $0x1, s3;
	s8 =	sshll.u32 s16, $0x1;
	s9 =	smul.u32 $0x4E000, s16  }
0x6: {  	s5 =	sadd.s32 $0x5A8200, s0;
	s15 =	smul.u32 $0x13800, s16;
	s11 =	sor.u32 s3, s8  }
0x7: {  	s6 =	sadd.s32 $0x8B600, s0;
	s7 =	sadd.s32 $0x25C00, s0;
	s8 =	smul.u32 $0x2710, s11  }
0x8: {  	s0 =	sadd.s32 $0xA8A200, s0;
	s10 =	sshrl.u32 s9, $0x2;
	s9 =	smul.u32 $0x4E20, s11  }
0x9: {  	s12 =	ssub.s32 $0x2, s3;
	s11 =	smul.u32 $0x27100, s11;
	s10 =	sadd.s32 s10, s1  }
0xa: {  	_ =	strace $0x8000004A;
	s13 =	sshrl.u32 s12, $0x1;
	s26 =	sadd.s32 $0x11800, s10  }
0xb: {  	s13 =	ssub.s32 s12, s13;
	s11 =	sadd.s32 s5, s11;
	[dreg:$0x3] =	wrdreg s26  }
0xc: {  	p0 =	sne.s32 s16, $0xF;
	s21 =	smax.u32 s13, $0x1;
	[dreg:$0x8] =	wrdreg s11  }
0xd: {  	s16 =	simm.s32 $0x5;
	s22 =	sadd.s32 $0x2800, s10;
	[dreg:$0xb] =	wrdreg s21  }
0xe: {  	s3 =	smul.u32 $0x138800, s3;
	s23 =	sadd.s32 $0x5000, s10;
	[dreg:$0xc] =	wrdreg s22  }
0xf: {  	s12 =	sadd.s32 $0x138000, s1;
	s24 =	sadd.s32 $0x7800, s10;
	[dreg:$0xd] =	wrdreg s23  }
0x10: {  	s14 =	sshrl.u32 s9, $0x3;
	s25 =	sadd.s32 $0xA000, s10;
	[dreg:$0xe] =	wrdreg s24  }
0x11: {  	s15 =	sadd.s32 s15, s3;
	s17 =	sadd.s32 s6, s14;
	[dreg:$0xf] =	wrdreg s25  }
0x12: {  	s19 =	sshrl.u32 s15, $0x3;
	s30 =	sadd.s32 s7, s14;
	[dreg:$0x4] =	wrdreg s17  }
0x13: {  	s3 =	sshrl.u32 s3, $0x3;
	s20 =	sadd.s32 s0, s19;
	[dreg:$0x5] =	wrdreg s30  }
0x14: {  	s14 =	sadd.s32 $0xA, s14;
	s26 =	sadd.s32 $0xC800, s10;
	[dreg:$0x9] =	wrdreg s20  }
0x15: {  	s13 =	simm.s32 $0x19C80;
	s18 =	sadd.s32 s6, s14;
	[dreg:$0x10] =	wrdreg s26  }
0x16: {  	s0 =	sadd.s32 s0, s3;
	s14 =	sadd.s32 s7, s14;
	[dreg:$0x6] =	wrdreg s18  }
0x17: {  	s15 =	simm.s32 $0x2;
	s0 =	sadd.s32 $0x27000, s0;
	[dreg:$0x7] =	wrdreg s14  }
0x18: {  	s3 =	simm.s32 $0x4;
	s30 =	sadd.s32 $0xF000, s10;
	[dreg:$0xa] =	wrdreg s0  }
0x19: {  	s11 =	simm.s32 $0x16080;
	s17 =	simm.s32 $0x6;
	[dreg:$0x11] =	wrdreg s30  }
0x1a: {  	v0 =	vimm.f32 $0.0e+00;
	s0 =	simm.s32 $0x3;
	s14 =	simm.s32 $0x1;
	s18 =	simm.s32 $0x0  }
.LBB2_1:
0x1b: {  	s19 =	simm.s32 $0x70;
	s20 =	simm.s32 $0x3C0  }
.LBB2_2:
0x1c: {  	p1 =	sne.s32 s20, $0x9FC0;
	[tilespmem:s19+$0x1B080] =	vst v0  }
0x1d: {  	[tilespmem:s19+$0x1B010] =	vst v0  }
0x1e: {  	[tilespmem:s19+$0x1B020] =	vst v0  }
.Ltmp0:
0x1f: {  	[tilespmem:s19+$0x1B030] =	vst v0;
	(pc) =	sbr.rel @p1 .LBB2_2-.Ltmp0, $4  }
0x20: {  	[tilespmem:s19+$0x1B040] =	vst v0  }
0x21: {  	[tilespmem:s19+$0x1B050] =	vst v0  }
0x22: {  	[tilespmem:s19+$0x1B060] =	vst v0  }
0x23: {  	[tilespmem:s19+$0x1B070] =	vst v0;
	s19 =	sshra.s32 s20, $0x2;
	s20 =	sadd.s32 $0x200, s20  }
0x24: {  	[tilespmem:s19+$0x1B080] =	vst v0  }
0x25: {  	[tilespmem:s19+$0x1B010] =	vst v0  }
0x26: {  	[tilespmem:s19+$0x1B020] =	vst v0  }
0x27: {  	[tilespmem:s19+$0x1B030] =	vst v0  }
0x28: {  	[tilespmem:s19+$0x1B040] =	vst v0  }
0x29: {  	[tilespmem:s19+$0x1B050] =	vst v0  }
0x2a: {  	[tilespmem:s19+$0x1B060] =	vst v0  }
0x2b: {  	[tilespmem:s19+$0x1B070] =	vst v0  }
0x2c: {  	[spmem:s10] =	stream.linear.scatter [tilespmem:s28], [sflag:$0x7], $0x2800, $0x38;
	[tilespmem:$0x1DC80] =	vst v63  }
0x2d: {  	_ =	swait.ge [sflag:s29], $0x2800  }
0x2e: {  	[sflag:s29] =	ssyncset.done $0x0  }
0x2f: {  	s26 =	rddreg [dreg:$0xc];
	[sflag:s29] =	ssyncadd.s32 $0xFFFFD800  }
0x30: {  	[spmem:s26] =	stream.linear.scatter [tilespmem:s28], [sflag:$0x7], $0x2800, $0x38;
	[tilespmem:$0x1DC80] =	vst v63  }
0x31: {  	_ =	swait.ge [sflag:s29], $0x2800  }
0x32: {  	[sflag:s29] =	ssyncset.done $0x0  }
0x33: {  	s30 =	rddreg [dreg:$0xd];
	[sflag:s29] =	ssyncadd.s32 $0xFFFFD800  }
0x34: {  	[spmem:s30] =	stream.linear.scatter [tilespmem:s28], [sflag:$0x7], $0x2800, $0x38;
	[tilespmem:$0x1DC80] =	vst v63  }
0x35: {  	_ =	swait.ge [sflag:s29], $0x2800  }
0x36: {  	[sflag:s29] =	ssyncset.done $0x0  }
0x37: {  	s20 =	rddreg [dreg:$0xe];
	[sflag:s29] =	ssyncadd.s32 $0xFFFFD800  }
0x38: {  	[spmem:s20] =	stream.linear.scatter [tilespmem:s28], [sflag:$0x7], $0x2800, $0x38;
	[tilespmem:$0x1DC80] =	vst v63  }
0x39: {  	_ =	swait.ge [sflag:s29], $0x2800  }
0x3a: {  	[sflag:s29] =	ssyncset.done $0x0  }
0x3b: {  	s21 =	rddreg [dreg:$0xf];
	[sflag:s29] =	ssyncadd.s32 $0xFFFFD800  }
0x3c: {  	[spmem:s21] =	stream.linear.scatter [tilespmem:s28], [sflag:$0x7], $0x2800, $0x38;
	[tilespmem:$0x1DC80] =	vst v63  }
0x3d: {  	_ =	swait.ge [sflag:s29], $0x2800  }
0x3e: {  	[sflag:s29] =	ssyncset.done $0x0  }
0x3f: {  	s22 =	rddreg [dreg:$0x10];
	[sflag:s29] =	ssyncadd.s32 $0xFFFFD800  }
0x40: {  	[spmem:s22] =	stream.linear.scatter [tilespmem:s28], [sflag:$0x7], $0x2800, $0x38;
	[tilespmem:$0x1DC80] =	vst v63  }
0x41: {  	_ =	swait.ge [sflag:s29], $0x2800  }
0x42: {  	[sflag:s29] =	ssyncset.done $0x0  }
0x43: {  	s23 =	rddreg [dreg:$0x11];
	[sflag:s29] =	ssyncadd.s32 $0xFFFFD800  }
0x44: {  	[spmem:s23] =	stream.linear.scatter [tilespmem:s28], [sflag:$0x7], $0x2800, $0x38;
	[tilespmem:$0x1DC80] =	vst v63  }
0x45: {  	_ =	swait.ge [sflag:s29], $0x2800  }
0x46: {  	[sflag:s29] =	ssyncset.done $0x0  }
0x47: {  	s24 =	rddreg [dreg:$0x3];
	[sflag:s29] =	ssyncadd.s32 $0xFFFFD800  }
0x48: {  	[spmem:s24] =	stream.linear.scatter [tilespmem:s28], [sflag:$0x7], $0x2000, $0x38;
	[tilespmem:$0x1DC80] =	vst v63  }
0x49: {  	_ =	swait.ge [sflag:s29], $0x2000  }
0x4a: {  	[sflag:s29] =	ssyncset.done $0x0  }
0x4b: {  	s19 =	simm.s32 @!p0 $0x1B080;
	[sflag:s29] =	ssyncadd.s32 $0xFFFFE000  }
0x4c: {  	[spmem:s12] =	stream.linear.scatter @!p0 [tilespmem:s19], [sflag:$0x7], $0x800, $0x38;
	[tilespmem:$0x1DC80] =	vst v63  }
0x4d: {  	s19 =	simm.s32 @!p0 $0x7  }
0x4e: {  	_ =	swait.ge @!p0 [sflag:s19], $0x800  }
0x4f: {  	[sflag:s19] =	ssyncset.done @!p0 $0x0  }
0x50: {  	[sflag:s19] =	ssyncadd.s32 @!p0 $0xFFFFF800  }
0x51: {  	[bflag:$0x0] =	sbarrier.arrive $0xFFFF  }
0x52: {  	s21 =	simm.s32 $0x1D880;
	s19 =	simm.s32 $0x0;
	s20 =	rddreg [dreg:$0x4]  }
0x53: {  	[tilespmem:s21], [sflag:$0x3] =	stream.linear.gather [hbm4b:s20+s19], $0x50, $0x38;
	[tilespmem:$0x1DC80] =	vst v63  }
0x54: {  	s22 =	simm.s32 $0x1DA80;
	s25 =	rddreg [dreg:$0x5]  }
0x55: {  	[tilespmem:s22], [sflag:$0x3] =	stream.linear.gather [hbm4b:s25+s19], $0x50, $0x38;
	[tilespmem:$0x1DC80] =	vst v63  }
0x56: {  	s30 =	simm.s32 $0x1D900;
	s26 =	rddreg [dreg:$0x6]  }
0x57: {  	[tilespmem:s30], [sflag:$0x4] =	stream.linear.gather [hbm4b:s26+s19], $0x50, $0x38;
	[tilespmem:$0x1DC80] =	vst v63  }
0x58: {  	s24 =	simm.s32 $0x1DB00;
	s23 =	rddreg [dreg:$0x7]  }
0x59: {  	[tilespmem:s24], [sflag:$0x4] =	stream.linear.gather [hbm4b:s23+s19], $0x50, $0x38;
	[tilespmem:$0x1DC80] =	vst v63  }
0x5a: {  	_ =	swait.ge [sflag:s0], $0x50  }
0x5b: {  	[sflag:s0] =	ssyncset.done $0x0  }
0x5c: {  	[sflag:s0] =	ssyncadd.s32 $0xFFFFFFB0  }
0x5d: {  	_ =	swait.ge [sflag:s0], $0x50  }
0x5e: {  	[sflag:s0] =	ssyncset.done $0x0  }
0x5f: {  	s25 =	simm.s32 $0x13880;
	[sflag:s0] =	ssyncadd.s32 $0xFFFFFFB0  }
0x60: {  	[tilespmem:s25], [sflag:$0x1] =	stream.indirect.gather [hbm4b:s4+s31], $0x80, s21, s31, $0xb8;
	[tilespmem:$0x1DC80] =	vst v63  }
0x61: {  	s30 =	simm.s32 $0x18880;
	s26 =	rddreg [dreg:$0x8]  }
0x62: {  	[tilespmem:s30], [sflag:$0x1] =	stream.linear.gather [hbm4b:s26+s19], $0x1400, $0x38;
	[tilespmem:$0x1DC80] =	vst v63  }
.LBB2_4:
0x63: {  	s22 =	sshll.u32 s19, $0x1  }
0x64: {  	p1 =	seq.s32 s19, $0x7C;
	s20 =	sadd.s32 $0x2, s22  }
0x65: {  	s21 =	smul.u32 @!p1 $0x50, s20;
	_ =	sdelay $0x1  }
0x66: {  	s23 =	sshll.u32 @!p1 s20, $0x7;
	s21 =	sadd.s32 @!p1 s9, s21  }
0x67: {  	s23 =	sand.u32 @!p1 $0x100, s23;
	s24 =	sshrl.u32 @!p1 s21, $0x3  }
0x68: {  	s30 =	simm.s32 @!p1 $0x0;
	s21 =	sor.u32 @!p1 $0x1D880, s23;
	s25 =	sadd.s32 @!p1 s6, s24  }
0x69: {  	[tilespmem:s21], [sflag:$0x3] =	stream.linear.gather @!p1 [hbm4b:s25+s30], $0x50, $0x38;
	[tilespmem:$0x1DC80] =	vst v63  }
0x6a: {  	s23 =	sor.u32 @!p1 $0x1DA80, s23;
	s24 =	sadd.s32 @!p1 s7, s24  }
0x6b: {  	[tilespmem:s23], [sflag:$0x3] =	stream.linear.gather @!p1 [hbm4b:s24+s30], $0x50, $0x38;
	[tilespmem:$0x1DC80] =	vst v63  }
0x6c: {  	_ =	swait.ge [sflag:s3], $0x50  }
0x6d: {  	s25 =	sor.u32 $0x1, s22;
	[sflag:s3] =	ssyncset.done $0x0  }
0x6e: {  	s23 =	smul.u32 $0x28, s25;
	[sflag:s3] =	ssyncadd.s32 $0xFFFFFFB0  }
0x6f: {  	s26 =	sshll.u32 s25, $0x7;
	_ =	swait.ge [sflag:s3], $0x50  }
0x70: {  	s30 =	sand.u32 $0x180, s26;
	s23 =	sadd.s32 s8, s23;
	[sflag:s3] =	ssyncset.done $0x0  }
0x71: {  	s24 =	sadd.s32 $0x1D880, s30;
	s23 =	sshll.u32 s23, $0x4;
	[sflag:s3] =	ssyncadd.s32 $0xFFFFFFB0  }
0x72: {  	[tilespmem:s11], [sflag:$0x2] =	stream.indirect.gather [hbm4b:s4+s31], $0x80, s24, s31, $0xb8;
	[tilespmem:$0x1DC80] =	vst v63  }
0x73: {  	s23 =	sadd.s32 s5, s23  }
0x74: {  	[tilespmem:s13], [sflag:$0x2] =	stream.linear.gather [hbm4b:s23+s2], $0x1400, $0x38;
	[tilespmem:$0x1DC80] =	vst v63  }
0x75: {  	_ =	swait.ge [sflag:s14], $0x2800  }
0x76: {  	[sflag:s14] =	ssyncset.done $0x0  }
0x77: {  	[sflag:s14] =	ssyncadd.s32 $0xFFFFD800  }
0x78: {  	_ =	swait.ge [sflag:s14], $0x1400  }
0x79: {  	p2 =	seq.s32 s19, $0x0;
	[sflag:s14] =	ssyncset.done $0x0  }
0x7a: {  	s23 =	simm.s32 @!p2 $0x6;
	[sflag:s14] =	ssyncadd.s32 $0xFFFFEC00  }
0x7b: {  	_ =	swait.ge @!p2 [sflag:s23], $0x2800  }
0x7c: {  	[sflag:s23] =	ssyncset.done @!p2 $0x0  }
0x7d: {  	[sflag:s23] =	ssyncadd.s32 @!p2 $0xFFFFD800;
	s23 =	simm.s32 $0x0  }
0x7e: {  	v2 =	vld [tilespmem:s23+$0x188B0]  }
0x7f: {  	v3 =	vld [tilespmem:s23+$0x14CF0]  }
0x80: {  	v4 =	vld [tilespmem:s23+$0x18880]  }
0x81: {  	v6 =	vld [tilespmem:s23+$0x13880]  }
0x82: {  	v7 =	vld [tilespmem:s23+$0x138C0]  }
0x83: {  	v8 =	vld [tilespmem:s23+$0x14C80];
	v1 =	vand.u32 $0xFFFF0000, v2  }
0x84: {  	v10 =	vld [tilespmem:s23+$0x14CC0];
	v3 =	vmul.f32 v1, v3  }
0x85: {  	v5 =	vld [tilespmem:s23+$0x18890]  }
0x86: {  	v11 =	vld [tilespmem:s23+$0x13890];
	[tilespmem:s23+$0x1C4F0] =	vst v3;
	v3 =	vshll.u32 v4, $0x10  }
0x87: {  	v12 =	vld [tilespmem:s23+$0x138D0];
	v6 =	vmul.f32 v3, v6  }
0x88: {  	v13 =	vld [tilespmem:s23+$0x14C90];
	v4 =	vand.u32 $0xFFFF0000, v4;
	v3 =	vmul.f32 v3, v8  }
0x89: {  	v14 =	vld [tilespmem:s23+$0x14CD0];
	v7 =	vmul.f32 v4, v7;
	v4 =	vmul.f32 v4, v10;
	[tilespmem:s23+$0x1B080] =	vst v6  }
0x8a: {  	v9 =	vld [tilespmem:s23+$0x188A0];
	[tilespmem:s23+$0x1C480] =	vst v3;
	v3 =	vshll.u32 v5, $0x10  }
0x8b: {  	v15 =	vld [tilespmem:s23+$0x138A0];
	[tilespmem:s23+$0x1C4C0] =	vst v4;
	v4 =	vand.u32 $0xFFFF0000, v5;
	v6 =	vmul.f32 v3, v11  }
0x8c: {  	v16 =	vld [tilespmem:s23+$0x138E0];
	[tilespmem:s23+$0x1B0C0] =	vst v7;
	v7 =	vmul.f32 v4, v12  }
0x8d: {  	v5 =	vld [tilespmem:s23+$0x14CA0];
	v3 =	vmul.f32 v3, v13;
	[tilespmem:s23+$0x1B090] =	vst v6  }
0x8e: {  	v10 =	vmul.f32 v4, v14;
	v6 =	vld [tilespmem:s23+$0x14CE0];
	[tilespmem:s23+$0x1B0D0] =	vst v7  }
0x8f: {  	v4 =	vshll.u32 v9, $0x10;
	v7 =	vld [tilespmem:s23+$0x138B0];
	[tilespmem:s23+$0x1C490] =	vst v3  }
0x90: {  	v8 =	vld [tilespmem:s23+$0x138F0];
	v3 =	vand.u32 $0xFFFF0000, v9;
	[tilespmem:s23+$0x1C4D0] =	vst v10;
	v10 =	vmul.f32 v4, v15  }
0x91: {  	s25 =	simm.s32 $0x400;
	s24 =	simm.s32 $0x80;
	v2 =	vshll.u32 v2, $0x10;
	v9 =	vld [tilespmem:s23+$0x14CB0];
	v11 =	vmul.f32 v3, v16  }
.LBB2_5:
0x92: {  	p2 =	sne.s32 s25, $0x4E00;
	v12 =	vld [tilespmem:s24+$0x188B0];
	[tilespmem:s23+$0x1B0A0] =	vst v10;
	v4 =	vmul.f32 v4, v5  }
0x93: {  	v5 =	vld [tilespmem:s24+$0x14CF0];
	[tilespmem:s23+$0x1B0E0] =	vst v11;
	v3 =	vmul.f32 v3, v6  }
0x94: {  	v6 =	vld [tilespmem:s24+$0x18880];
	[tilespmem:s23+$0x1C4A0] =	vst v4;
	v4 =	vmul.f32 v2, v7  }
0x95: {  	v7 =	vld [tilespmem:s24+$0x18890];
	[tilespmem:s23+$0x1C4E0] =	vst v3;
	v3 =	vmul.f32 v1, v8  }
0x96: {  	v8 =	vld [tilespmem:s24+$0x188A0];
	[tilespmem:s23+$0x1B0B0] =	vst v4;
	v4 =	vmul.f32 v2, v9  }
0x97: {  	v9 =	vld [tilespmem:s24+$0x13880];
	v2 =	vshll.u32 v12, $0x10;
	v1 =	vand.u32 $0xFFFF0000, v12;
	[tilespmem:s23+$0x1B0F0] =	vst v3  }
0x98: {  	v10 =	vld [tilespmem:s24+$0x138C0];
	v3 =	vmul.f32 v1, v5;
	[tilespmem:s23+$0x1C4B0] =	vst v4;
	s23 =	smov.u32 s24  }
0x99: {  	v5 =	vshll.u32 v6, $0x10;
	v6 =	vand.u32 $0xFFFF0000, v6;
	v11 =	vld [tilespmem:s23+$0x14C80]  }
0x9a: {  	v12 =	vld [tilespmem:s23+$0x14CC0];
	v13 =	vshll.u32 v7, $0x10;
	v7 =	vand.u32 $0xFFFF0000, v7;
	[tilespmem:s23+$0x1C4F0] =	vst v3  }
0x9b: {  	v14 =	vld [tilespmem:s23+$0x13890];
	v4 =	vshll.u32 v8, $0x10;
	v3 =	vand.u32 $0xFFFF0000, v8  }
0x9c: {  	v8 =	vmul.f32 v5, v9;
	v9 =	vld [tilespmem:s23+$0x138D0]  }
0x9d: {  	v10 =	vmul.f32 v6, v10;
	v15 =	vld [tilespmem:s23+$0x14C90]  }
0x9e: {  	[tilespmem:s23+$0x1B080] =	vst v8;
	v5 =	vmul.f32 v5, v11;
	v8 =	vld [tilespmem:s23+$0x14CD0]  }
0x9f: {  	[tilespmem:s23+$0x1B0C0] =	vst v10;
	v6 =	vmul.f32 v6, v12;
	v10 =	vld [tilespmem:s23+$0x138A0]  }
0xa0: {  	[tilespmem:s23+$0x1C480] =	vst v5;
	v11 =	vmul.f32 v13, v14;
	v12 =	vld [tilespmem:s23+$0x138E0]  }
.Ltmp1:
0xa1: {  	[tilespmem:s23+$0x1C4C0] =	vst v6;
	v9 =	vmul.f32 v7, v9;
	v5 =	vld [tilespmem:s23+$0x14CA0];
	(pc) =	sbr.rel @p2 .LBB2_5-.Ltmp1, $4  }
0xa2: {  	[tilespmem:s23+$0x1B090] =	vst v11;
	v11 =	vmul.f32 v13, v15;
	v6 =	vld [tilespmem:s23+$0x14CE0]  }
0xa3: {  	[tilespmem:s23+$0x1B0D0] =	vst v9;
	v9 =	vmul.f32 v7, v8;
	v7 =	vld [tilespmem:s23+$0x138B0]  }
0xa4: {  	[tilespmem:s23+$0x1C490] =	vst v11;
	v10 =	vmul.f32 v4, v10;
	v8 =	vld [tilespmem:s23+$0x138F0]  }
0xa5: {  	s24 =	sshra.s32 s25, $0x2;
	s25 =	sadd.s32 $0x200, s25;
	[tilespmem:s23+$0x1C4D0] =	vst v9;
	v11 =	vmul.f32 v3, v12;
	v9 =	vld [tilespmem:s23+$0x14CB0]  }
0xa6: {  	v12 =	vld [tilespmem:s24+$0x188B0];
	[tilespmem:s23+$0x1B0A0] =	vst v10;
	v4 =	vmul.f32 v4, v5  }
0xa7: {  	v10 =	vld [tilespmem:s24+$0x14CF0];
	[tilespmem:s23+$0x1B0E0] =	vst v11;
	v3 =	vmul.f32 v3, v6  }
0xa8: {  	v5 =	vld [tilespmem:s24+$0x18880];
	[tilespmem:s23+$0x1C4A0] =	vst v4;
	v6 =	vmul.f32 v2, v7  }
0xa9: {  	v4 =	vld [tilespmem:s24+$0x18890];
	[tilespmem:s23+$0x1C4E0] =	vst v3;
	v1 =	vmul.f32 v1, v8  }
0xaa: {  	v3 =	vld [tilespmem:s24+$0x188A0];
	[tilespmem:s23+$0x1B0B0] =	vst v6;
	v2 =	vmul.f32 v2, v9  }
0xab: {  	v6 =	vld [tilespmem:s24+$0x13880];
	[tilespmem:s23+$0x1B0F0] =	vst v1  }
0xac: {  	v1 =	vld [tilespmem:s24+$0x138C0];
	[tilespmem:s23+$0x1C4B0] =	vst v2  }
0xad: {  	v7 =	vand.u32 $0xFFFF0000, v12;
	v8 =	vld [tilespmem:s24+$0x14C80]  }
0xae: {  	v2 =	vmul.f32 v7, v10  }
0xaf: {  	v9 =	vld [tilespmem:s24+$0x14CC0]  }
0xb0: {  	v10 =	vld [tilespmem:s24+$0x13890];
	[tilespmem:s24+$0x1C4F0] =	vst v2;
	v2 =	vshll.u32 v5, $0x10  }
0xb1: {  	v11 =	vld [tilespmem:s24+$0x138D0];
	v6 =	vmul.f32 v2, v6  }
0xb2: {  	v13 =	vld [tilespmem:s24+$0x14C90];
	v5 =	vand.u32 $0xFFFF0000, v5;
	v2 =	vmul.f32 v2, v8  }
0xb3: {  	v1 =	vmul.f32 v5, v1;
	[tilespmem:s24+$0x1B080] =	vst v6  }
0xb4: {  	v6 =	vld [tilespmem:s24+$0x14CD0];
	v5 =	vmul.f32 v5, v9;
	[tilespmem:s24+$0x1C480] =	vst v2;
	v2 =	vshll.u32 v4, $0x10  }
0xb5: {  	[tilespmem:s24+$0x1B0C0] =	vst v1;
	v1 =	vld [tilespmem:s24+$0x138A0];
	v4 =	vand.u32 $0xFFFF0000, v4;
	v9 =	vmul.f32 v2, v10  }
0xb6: {  	v8 =	vld [tilespmem:s24+$0x138E0];
	[tilespmem:s24+$0x1C4C0] =	vst v5;
	v10 =	vmul.f32 v4, v11  }
0xb7: {  	v5 =	vld [tilespmem:s24+$0x14CA0];
	v2 =	vmul.f32 v2, v13;
	[tilespmem:s24+$0x1B090] =	vst v9  }
0xb8: {  	v9 =	vld [tilespmem:s24+$0x14CE0];
	[tilespmem:s24+$0x1B0D0] =	vst v10  }
0xb9: {  	v10 =	vld [tilespmem:s24+$0x138B0];
	v4 =	vmul.f32 v4, v6;
	[tilespmem:s24+$0x1C490] =	vst v2;
	v2 =	vshll.u32 v3, $0x10  }
0xba: {  	v6 =	vld [tilespmem:s24+$0x138F0];
	v3 =	vand.u32 $0xFFFF0000, v3;
	v1 =	vmul.f32 v2, v1  }
0xbb: {  	[tilespmem:s24+$0x1C4D0] =	vst v4;
	v4 =	vmul.f32 v3, v8;
	v8 =	vld [tilespmem:s24+$0x14CB0]  }
0xbc: {  	[tilespmem:s24+$0x1B0A0] =	vst v1;
	v1 =	vmul.f32 v2, v5  }
0xbd: {  	v2 =	vshll.u32 v12, $0x10;
	[tilespmem:s24+$0x1B0E0] =	vst v4;
	v3 =	vmul.f32 v3, v9  }
0xbe: {  	[tilespmem:s24+$0x1C4A0] =	vst v1;
	v1 =	vmul.f32 v2, v10  }
0xbf: {  	[tilespmem:s24+$0x1C4E0] =	vst v3;
	v3 =	vmul.f32 v7, v6  }
0xc0: {  	s26 =	sshll.u32 s19, $0x8;
	[tilespmem:s24+$0x1B0B0] =	vst v1;
	v1 =	vmul.f32 v2, v8  }
0xc1: {  	s22 =	sadd.s32 @!p1 $0x3, s22;
	s23 =	sand.u32 $0x100, s26;
	[tilespmem:s24+$0x1B0F0] =	vst v3  }
0xc2: {  	s23 =	sor.u32 $0x1DA80, s23;
	[tilespmem:s24+$0x1C4B0] =	vst v1;
	s24 =	smul.u32 @!p1 $0x50, s22  }
0xc3: {  	[spmem:s1] =	stream.indirect.scatter.add.f32 [tilespmem:s28], [sflag:$0x5], $0x80, s23, s31, $0xb8;
	[tilespmem:$0x1DC80] =	vst v63  }
0xc4: {  	s22 =	sshll.u32 @!p1 s22, $0x7;
	s23 =	sadd.s32 @!p1 s9, s24  }
0xc5: {  	s22 =	sand.u32 @!p1 $0x180, s22;
	s23 =	sshrl.u32 @!p1 s23, $0x3  }
0xc6: {  	s26 =	simm.s32 @!p1 $0x0;
	s24 =	sadd.s32 @!p1 $0x1D880, s22;
	s25 =	sadd.s32 @!p1 s6, s23  }
0xc7: {  	[tilespmem:s24], [sflag:$0x4] =	stream.linear.gather @!p1 [hbm4b:s25+s26], $0x50, $0x38;
	[tilespmem:$0x1DC80] =	vst v63  }
0xc8: {  	s22 =	sadd.s32 @!p1 $0x1DA80, s22;
	s23 =	sadd.s32 @!p1 s7, s23  }
0xc9: {  	[tilespmem:s22], [sflag:$0x4] =	stream.linear.gather @!p1 [hbm4b:s23+s26], $0x50, $0x38;
	[tilespmem:$0x1DC80] =	vst v63  }
0xca: {  	s22 =	simm.s32 @!p1 $0x3  }
0xcb: {  	_ =	swait.ge @!p1 [sflag:s22], $0x50  }
0xcc: {  	s20 =	smul.u32 @!p1 $0x28, s20;
	[sflag:s22] =	ssyncset.done @!p1 $0x0  }
0xcd: {  	[sflag:s22] =	ssyncadd.s32 @!p1 $0xFFFFFFB0  }
0xce: {  	s20 =	sadd.s32 @!p1 s8, s20;
	_ =	swait.ge @!p1 [sflag:s22], $0x50  }
0xcf: {  	s20 =	sshll.u32 @!p1 s20, $0x4;
	[sflag:s22] =	ssyncset.done @!p1 $0x0  }
0xd0: {  	s23 =	simm.s32 @!p1 $0x13880;
	[sflag:s22] =	ssyncadd.s32 @!p1 $0xFFFFFFB0;
	s22 =	simm.s32 @!p1 $0x50  }
0xd1: {  	[tilespmem:s23], [sflag:$0x1] =	stream.indirect.gather @!p1 [hbm4b:s4+s22], $0x80, s21, s22, $0xb8;
	[tilespmem:$0x1DC80] =	vst v63  }
0xd2: {  	s20 =	sadd.s32 @!p1 s5, s20;
	s21 =	simm.s32 @!p1 $0x18880  }
0xd3: {  	[tilespmem:s21], [sflag:$0x1] =	stream.linear.gather @!p1 [hbm4b:s20+s26], $0x1400, $0x38;
	[tilespmem:$0x1DC80] =	vst v63  }
0xd4: {  	_ =	swait.ge [sflag:s15], $0x2800  }
0xd5: {  	[sflag:s15] =	ssyncset.done $0x0  }
0xd6: {  	[sflag:s15] =	ssyncadd.s32 $0xFFFFD800  }
0xd7: {  	_ =	swait.ge [sflag:s15], $0x1400  }
0xd8: {  	[sflag:s15] =	ssyncset.done $0x0  }
0xd9: {  	[sflag:s15] =	ssyncadd.s32 $0xFFFFEC00  }
0xda: {  	_ =	swait.ge [sflag:s16], $0x2800  }
0xdb: {  	[sflag:s16] =	ssyncset.done $0x0  }
0xdc: {  	s20 =	simm.s32 $0x0;
	[sflag:s16] =	ssyncadd.s32 $0xFFFFD800  }
0xdd: {  	v2 =	vld [tilespmem:s20+$0x19CB0]  }
0xde: {  	v3 =	vld [tilespmem:s20+$0x174F0]  }
0xdf: {  	v4 =	vld [tilespmem:s20+$0x19C80]  }
0xe0: {  	v6 =	vld [tilespmem:s20+$0x16080]  }
0xe1: {  	v7 =	vld [tilespmem:s20+$0x160C0]  }
0xe2: {  	v8 =	vld [tilespmem:s20+$0x17480];
	v1 =	vand.u32 $0xFFFF0000, v2  }
0xe3: {  	v10 =	vld [tilespmem:s20+$0x174C0];
	v3 =	vmul.f32 v1, v3  }
0xe4: {  	v5 =	vld [tilespmem:s20+$0x19C90]  }
0xe5: {  	v11 =	vld [tilespmem:s20+$0x16090];
	[tilespmem:s20+$0x1C4F0] =	vst v3;
	v3 =	vshll.u32 v4, $0x10  }
0xe6: {  	v62 =	vld [tilespmem:s20+$0x160D0];
	v6 =	vmul.f32 v3, v6  }
0xe7: {  	v63 =	vld [tilespmem:s20+$0x17490];
	v4 =	vand.u32 $0xFFFF0000, v4;
	v3 =	vmul.f32 v3, v8  }
0xe8: {  	v14 =	vld [tilespmem:s20+$0x174D0];
	v7 =	vmul.f32 v4, v7;
	v4 =	vmul.f32 v4, v10;
	[tilespmem:s20+$0x1B080] =	vst v6  }
0xe9: {  	v9 =	vld [tilespmem:s20+$0x19CA0];
	[tilespmem:s20+$0x1C480] =	vst v3;
	v3 =	vshll.u32 v5, $0x10  }
0xea: {  	v15 =	vld [tilespmem:s20+$0x160A0];
	[tilespmem:s20+$0x1C4C0] =	vst v4;
	v4 =	vand.u32 $0xFFFF0000, v5;
	v6 =	vmul.f32 v3, v11  }
0xeb: {  	v16 =	vld [tilespmem:s20+$0x160E0];
	[tilespmem:s20+$0x1B0C0] =	vst v7;
	v7 =	vmul.f32 v4, v62  }
0xec: {  	v5 =	vld [tilespmem:s20+$0x174A0];
	v3 =	vmul.f32 v3, v63;
	[tilespmem:s20+$0x1B090] =	vst v6  }
0xed: {  	v10 =	vmul.f32 v4, v14;
	v6 =	vld [tilespmem:s20+$0x174E0];
	[tilespmem:s20+$0x1B0D0] =	vst v7  }
0xee: {  	v4 =	vshll.u32 v9, $0x10;
	v7 =	vld [tilespmem:s20+$0x160B0];
	[tilespmem:s20+$0x1C490] =	vst v3  }
0xef: {  	v8 =	vld [tilespmem:s20+$0x160F0];
	v3 =	vand.u32 $0xFFFF0000, v9;
	[tilespmem:s20+$0x1C4D0] =	vst v10;
	v10 =	vmul.f32 v4, v15  }
0xf0: {  	s22 =	simm.s32 $0x400;
	s21 =	simm.s32 $0x80;
	v2 =	vshll.u32 v2, $0x10;
	v9 =	vld [tilespmem:s20+$0x174B0];
	v11 =	vmul.f32 v3, v16  }
.LBB2_7:
0xf1: {  	p1 =	sne.s32 s22, $0x4E00;
	v12 =	vld [tilespmem:s21+$0x19CB0];
	[tilespmem:s20+$0x1B0A0] =	vst v10;
	v4 =	vmul.f32 v4, v5  }
0xf2: {  	v5 =	vld [tilespmem:s21+$0x174F0];
	[tilespmem:s20+$0x1B0E0] =	vst v11;
	v3 =	vmul.f32 v3, v6  }
0xf3: {  	v6 =	vld [tilespmem:s21+$0x19C80];
	[tilespmem:s20+$0x1C4A0] =	vst v4;
	v4 =	vmul.f32 v2, v7  }
0xf4: {  	v7 =	vld [tilespmem:s21+$0x19C90];
	[tilespmem:s20+$0x1C4E0] =	vst v3;
	v3 =	vmul.f32 v1, v8  }
0xf5: {  	v8 =	vld [tilespmem:s21+$0x19CA0];
	[tilespmem:s20+$0x1B0B0] =	vst v4;
	v4 =	vmul.f32 v2, v9  }
0xf6: {  	v9 =	vld [tilespmem:s21+$0x16080];
	v2 =	vshll.u32 v12, $0x10;
	v1 =	vand.u32 $0xFFFF0000, v12;
	[tilespmem:s20+$0x1B0F0] =	vst v3  }
0xf7: {  	v10 =	vld [tilespmem:s21+$0x160C0];
	v3 =	vmul.f32 v1, v5;
	[tilespmem:s20+$0x1C4B0] =	vst v4;
	s20 =	smov.u32 s21  }
0xf8: {  	v5 =	vshll.u32 v6, $0x10;
	v6 =	vand.u32 $0xFFFF0000, v6;
	v11 =	vld [tilespmem:s20+$0x17480]  }
0xf9: {  	v12 =	vld [tilespmem:s20+$0x174C0];
	v13 =	vshll.u32 v7, $0x10;
	v7 =	vand.u32 $0xFFFF0000, v7;
	[tilespmem:s20+$0x1C4F0] =	vst v3  }
0xfa: {  	v14 =	vld [tilespmem:s20+$0x16090];
	v4 =	vshll.u32 v8, $0x10;
	v3 =	vand.u32 $0xFFFF0000, v8  }
0xfb: {  	v8 =	vmul.f32 v5, v9;
	v9 =	vld [tilespmem:s20+$0x160D0]  }
0xfc: {  	v10 =	vmul.f32 v6, v10;
	v15 =	vld [tilespmem:s20+$0x17490]  }
0xfd: {  	[tilespmem:s20+$0x1B080] =	vst v8;
	v5 =	vmul.f32 v5, v11;
	v8 =	vld [tilespmem:s20+$0x174D0]  }
0xfe: {  	[tilespmem:s20+$0x1B0C0] =	vst v10;
	v6 =	vmul.f32 v6, v12;
	v10 =	vld [tilespmem:s20+$0x160A0]  }
0xff: {  	[tilespmem:s20+$0x1C480] =	vst v5;
	v11 =	vmul.f32 v13, v14;
	v12 =	vld [tilespmem:s20+$0x160E0]  }
.Ltmp2:
0x100: {  	[tilespmem:s20+$0x1C4C0] =	vst v6;
	v9 =	vmul.f32 v7, v9;
	v5 =	vld [tilespmem:s20+$0x174A0];
	(pc) =	sbr.rel @p1 .LBB2_7-.Ltmp2, $4  }
0x101: {  	[tilespmem:s20+$0x1B090] =	vst v11;
	v11 =	vmul.f32 v13, v15;
	v6 =	vld [tilespmem:s20+$0x174E0]  }
0x102: {  	[tilespmem:s20+$0x1B0D0] =	vst v9;
	v9 =	vmul.f32 v7, v8;
	v7 =	vld [tilespmem:s20+$0x160B0]  }
0x103: {  	[tilespmem:s20+$0x1C490] =	vst v11;
	v10 =	vmul.f32 v4, v10;
	v8 =	vld [tilespmem:s20+$0x160F0]  }
0x104: {  	s21 =	sshra.s32 s22, $0x2;
	s22 =	sadd.s32 $0x200, s22;
	[tilespmem:s20+$0x1C4D0] =	vst v9;
	v11 =	vmul.f32 v3, v12;
	v9 =	vld [tilespmem:s20+$0x174B0]  }
0x105: {  	v12 =	vld [tilespmem:s21+$0x19CB0];
	[tilespmem:s20+$0x1B0A0] =	vst v10;
	v4 =	vmul.f32 v4, v5  }
0x106: {  	v10 =	vld [tilespmem:s21+$0x174F0];
	[tilespmem:s20+$0x1B0E0] =	vst v11;
	v3 =	vmul.f32 v3, v6  }
0x107: {  	v48 =	vld [tilespmem:s21+$0x19C80];
	[tilespmem:s20+$0x1C4A0] =	vst v4;
	v49 =	vmul.f32 v2, v7  }
0x108: {  	v4 =	vld [tilespmem:s21+$0x19C90];
	[tilespmem:s20+$0x1C4E0] =	vst v3;
	v1 =	vmul.f32 v1, v8  }
0x109: {  	v3 =	vld [tilespmem:s21+$0x19CA0];
	[tilespmem:s20+$0x1B0B0] =	vst v49;
	v2 =	vmul.f32 v2, v9  }
0x10a: {  	v6 =	vld [tilespmem:s21+$0x16080];
	[tilespmem:s20+$0x1B0F0] =	vst v1  }
0x10b: {  	v1 =	vld [tilespmem:s21+$0x160C0];
	[tilespmem:s20+$0x1C4B0] =	vst v2  }
0x10c: {  	v51 =	vld [tilespmem:s21+$0x17480]  }
0x10d: {  	v50 =	vand.u32 $0xFFFF0000, v12  }
0x10e: {  	v2 =	vmul.f32 v50, v10;
	v52 =	vld [tilespmem:s21+$0x174C0]  }
0x10f: {  	v53 =	vld [tilespmem:s21+$0x16090];
	v5 =	vand.u32 $0xFFFF0000, v48  }
0x110: {  	v13 =	vld [tilespmem:s21+$0x17490];
	[tilespmem:s21+$0x1C4F0] =	vst v2;
	v2 =	vshll.u32 v48, $0x10;
	v1 =	vmul.f32 v5, v1  }
0x111: {  	v11 =	vld [tilespmem:s21+$0x160D0];
	v6 =	vmul.f32 v2, v6;
	v2 =	vmul.f32 v2, v51  }
0x112: {  	v54 =	vld [tilespmem:s21+$0x174D0];
	[tilespmem:s21+$0x1B0C0] =	vst v1  }
0x113: {  	v5 =	vmul.f32 v5, v52;
	v1 =	vld [tilespmem:s21+$0x160A0];
	[tilespmem:s21+$0x1C480] =	vst v2;
	v2 =	vshll.u32 v4, $0x10  }
0x114: {  	v55 =	vld [tilespmem:s21+$0x160E0];
	[tilespmem:s21+$0x1B080] =	vst v6;
	v56 =	vmul.f32 v2, v53  }
0x115: {  	v57 =	vld [tilespmem:s21+$0x174A0];
	[tilespmem:s21+$0x1C4C0] =	vst v5;
	v4 =	vand.u32 $0xFFFF0000, v4;
	v2 =	vmul.f32 v2, v13  }
0x116: {  	v59 =	vld [tilespmem:s21+$0x174E0];
	v58 =	vmul.f32 v4, v11;
	[tilespmem:s21+$0x1B090] =	vst v56  }
0x117: {  	v60 =	vld [tilespmem:s21+$0x160B0];
	v4 =	vmul.f32 v4, v54;
	[tilespmem:s21+$0x1C490] =	vst v2;
	v2 =	vshll.u32 v3, $0x10  }
0x118: {  	v61 =	vld [tilespmem:s21+$0x160F0];
	[tilespmem:s21+$0x1B0D0] =	vst v58;
	v3 =	vand.u32 $0xFFFF0000, v3;
	v1 =	vmul.f32 v2, v1  }
0x119: {  	v63 =	vld [tilespmem:s21+$0x174B0];
	[tilespmem:s21+$0x1C4D0] =	vst v4;
	v62 =	vmul.f32 v3, v55  }
0x11a: {  	[tilespmem:s21+$0x1B0A0] =	vst v1;
	v1 =	vmul.f32 v2, v57  }
0x11b: {  	s19 =	sadd.s32 $0x1, s19;
	v3 =	vmul.f32 v3, v59;
	v2 =	vshll.u32 v12, $0x10;
	[tilespmem:s21+$0x1B0E0] =	vst v62  }
0x11c: {  	p1 =	sne.s32 s19, $0x7D;
	[tilespmem:s21+$0x1C4A0] =	vst v1;
	v1 =	vmul.f32 v2, v60  }
.Ltmp3:
0x11d: {  	[tilespmem:s21+$0x1C4E0] =	vst v3;
	v3 =	vmul.f32 v50, v61;
	(pc) =	sbr.rel @p1 .LBB2_4-.Ltmp3, $4  }
0x11e: {  	[tilespmem:s21+$0x1B0B0] =	vst v1;
	v1 =	vmul.f32 v2, v63  }
0x11f: {  	[tilespmem:s21+$0x1B0F0] =	vst v3  }
0x120: {  	s30 =	sadd.s32 $0x1DA80, s30;
	[tilespmem:s21+$0x1C4B0] =	vst v1  }
0x121: {  	[spmem:s1] =	stream.indirect.scatter.add.f32 [tilespmem:s28], [sflag:$0x6], $0x80, s30, s31, $0xb8;
	[tilespmem:$0x1DC80] =	vst v63  }
0x122: {  	_ =	swait.ge [sflag:s17], $0x2800  }
0x123: {  	[sflag:s17] =	ssyncset.done $0x0  }
0x124: {  	s19 =	stileid.u32;
	[sflag:s17] =	ssyncadd.s32 $0xFFFFD800  }
0x125: {  	s19 =	sshll.u32 s19, $0x6;
	[bflag:$0x0] =	sbarrier.arrive $0xFFFF  }
0x126: {  	s20 =	sshrl.u32 s10, $0x3;
	s19 =	sor.u32 $0x1C07, s19;
	s21 =	rddreg [dreg:$0x9]  }
0x127: {  	[hbm:s21], [sflag:s19] =	dma.local [spmem:s20], $0x2700  }
0x128: {  	_ =	swait.ge [sflag:s29], $0x2700  }
0x129: {  	[sflag:s29] =	ssyncset.done $0x0  }
0x12a: {  	s20 =	sshrl.u32 @!p0 s12, $0x3;
	s21 =	rddreg [dreg:$0xa];
	[sflag:s29] =	ssyncadd.s32 $0xFFFFD900  }
0x12b: {  	[hbm:s21], [sflag:s19] =	dma.local @!p0 [spmem:s20], $0x100  }
0x12c: {  	s19 =	simm.s32 @!p0 $0x7  }
0x12d: {  	_ =	swait.ge @!p0 [sflag:s19], $0x100  }
0x12e: {  	s18 =	sadd.s32 $0x1, s18;
	s30 =	rddreg [dreg:$0xb]  }
0x12f: {  	p1 =	sne.s32 s18, s30  }
.Ltmp4:
0x130: {  	_ = 	snop;
	(pc) =	sbr.rel @p1 .LBB2_1-.Ltmp4, $3  }
0x131: {  	_ =	sdelay $0x1  }
0x132: {  	[sflag:s19] =	ssyncset.done @!p0 $0x0  }
0x133: {  	[sflag:s19] =	ssyncadd.s32 @!p0 $0xFFFFFF00  }
0x134: {  	_ =	sfence.sel $0x180000  }
0x135: {  	[bflag:$0x0] =	sbarrier.arrive $0xFFFF  }
0x136: {  	_ =	strace $0x9000004A  }
0x137: {  	s0 =	stileid.u32;
	[bflag:$0x2] =	sbarrier.arrive $0xFFFF  }
0x138: {  	p0 =	sne.s32 s0, $0x0;
	s0 =	rddreg [dreg:$0x2]  }
0x139: {  	s0 =	sadd.s32 @!p0 $0x100000, s0  }
0x13a: {  	[sflag:s0] =	ssyncadd.tile.s32 @!p0 $0x1;
	_ =	shalt  }
.Lfunc_end2:
_tile_overlayer_lowered:
.L_overlay_start_2:
0x13b: {  	(tag) =	ssettag $0x2  }
0x13c: {  	s0 =	rddreg [dreg:$0x0];
	s2 =	stileid.u32  }
0x13d: {  	s1 =	rddreg [dreg:$0x1];
	p0 =	sne.s32 s2, $0x0  }
0x13e: {  	s3 =	rddreg [dreg:$0x2];
	[bflag:$0x3] =	sbarrier.arrive $0xFFFF;
	s2 =	simm.s32 @!p0 $0x1C07  }
0x13f: {  	[timem:s3], [sflag:s2] =	dma.local @!p0 [hbm:s0], s1  }
0x140: {  	s0 =	simm.s32 @!p0 $0x7  }
0x141: {  	_ =	swait.ge @!p0 [sflag:s0], s1  }
0x142: {  	s1 =	ssub.s32 @!p0 $0x0, s1;
	[sflag:s0] =	ssyncset.done @!p0 $0x0  }
0x143: {  	[sflag:s0] =	ssyncadd.s32 @!p0 s1  }
0x144: {  	[bflag:$0x3] =	sbarrier.arrive $0xFFFF  }
0x145: {  	_ =	shalt  }

// kernel: kernel.19.cloned.1.call-start
scs
__scs_entry_jumppad:
0x0: {  	(pc) =	sbr.rel $0x88, $3  }
0x1: {  	(tag) =	ssettag $0x0;
	lr =	simm.s32 $0x1  }
0x2: {  	[smem:$0x3F8F] =	sst lr;
	_ =	strace $0xD0000000  }
0x3: {  	_ = 	snop  }
0x4: {  	_ = 	snop  }
0x5: {  	_ = 	snop  }
0x6: {  	_ = 	snop  }
0x7: {  	_ = 	snop  }
__scs_overlays_trampoline_lowered:
0x8: {  	[smem:$0x3F9E] =	sst s0  }
0x9: {  	[smem:$0x3F9F] =	sst s1  }
0xa: {  	[smem:$0x3FA0] =	sst s2  }
0xb: {  	[smem:$0x3FA1] =	sst s3  }
0xc: {  	[smem:$0x3FA2] =	sst s4  }
0xd: {  	[smem:$0x3FA3] =	sst s5  }
0xe: {  	[smem:$0x3FA4] =	sst s6  }
0xf: {  	[smem:$0x3FA5] =	sst s7  }
0x10: {  	[smem:$0x3FA6] =	sst s8  }
0x11: {  	[smem:$0x3FA7] =	sst s9;
	s0 =	simm.s32 @!p0 $0x0  }
0x12: {  	s1 =	sld [smem:$0x3F8D];
	s0 =	simm.s32 @p0 $0x1  }
0x13: {  	[smem:$0x3FA8] =	sst s0;
	s0 =	simm.s32 @!p1 $0x0  }
0x14: {  	s2 =	sld [smem:$0x3F8C];
	s0 =	simm.s32 @p1 $0x1  }
0x15: {  	[smem:$0x3FA9] =	sst s0;
	s0 =	simm.s32 @!p2 $0x0  }
0x16: {  	s3 =	sld [smem:$0x3FDB];
	s0 =	simm.s32 @p2 $0x1  }
0x17: {  	s4 =	simm.s32 $0x1BF5;
	[smem:$0x3FAB] =	sst s0  }
0x18: {  	s0 =	sld [smem:$0x3F8E];
	_ =	swait.ge [sflag:s4], $0x0  }
0x19: {  	s7 =	sld [smem:$0x3F8F]  }
0x1a: {  	s8 =	sadd.s32 $0xFFFFE003, lr  }
0x1b: {  	s9 =	sadd.s32 $0xFFFFFEF7, lr;
	s5 =	simm.s32 $0xFFFFFFFF;
	p2 =	slt.u32 s8, $0xFFFFF086  }
0x1c: {  	p1 =	slt.u32 s9, $0xF7A;
	s5 =	simm.s32 @!p2 $0x0  }
0x1d: {  	s5 =	simm.s32 @p1 $0x1;
	p0 =	seq.s32 s7, s2  }
0x1e: {  	s7 =	smul.u32 @!p0 $0xF7A, s2;
	p2 =	seq.s32 @!p0 s5, $0x0  }
0x1f: {  	s9 =	smul.u32 $0xF7A, s1;
	s8 =	simm.s32 @!p0 $0x1BF5;
	p2 =	por !p2, p0  }
0x20: {  	[sflag:s8] =	ssyncset.s32 @!p0 $0xFFFFF086;
	s6 =	sadd.s32 @!p0 s3, s7;
	s7 =	simm.s32 @!p0 $0x108  }
0x21: {  	s3 =	sadd.s32 s3, s9;
	s6 =	sadd.s32 @!p0 $0x88, s6;
	s7 =	simm.s32 @p2 $0x1082  }
0x22: {  	[simem:s7], [sflag:s8] =	dma.local @!p0 [hbm:s6], $0xF7A  }
0x23: {  	s9 =	sor.u32 $0xD0000000, s2;
	s6 =	simm.s32 $0x108;
	_ =	swait.ge @!p0 [sflag:s8], $0x0  }
0x24: {  	s3 =	sadd.s32 $0x88, s3;
	s6 =	simm.s32 @!p1 $0x1082;
	[sflag:s4] =	ssyncset.s32 $0xFFFFF086  }
0x25: {  	[simem:s6], [sflag:s4] =	dma.local [hbm:s3], $0xF7A  }
0x26: {  	[smem:$0x3F8F] =	sst s1;
	(tag) =	ssettag s2;
	_ =	strace s9  }
0x27: {  	s1 =	sld [smem:$0x3F9F]  }
0x28: {  	s2 =	sld [smem:$0x3FA0]  }
0x29: {  	s4 =	sld [smem:$0x3FA2]  }
0x2a: {  	p0 =	seq.s32 s5, $0x0;
	s5 =	sld [smem:$0x3FA3]  }
0x2b: {  	s6 =	sld [smem:$0x3FA4]  }
0x2c: {  	s7 =	sld [smem:$0x3FA5]  }
0x2d: {  	s3 =	simm.s32 $0x108;
	s8 =	sld [smem:$0x3FA6]  }
0x2e: {  	s3 =	simm.s32 @!p0 $0x1082;
	s9 =	sld [smem:$0x3FA7]  }
0x2f: {  	lr =	sadd.s32 s0, s3;
	s0 =	sld [smem:$0x3F9E]  }
0x30: {  	s3 =	sld [smem:$0x3FA1]  }
0x31: {  	[smem:$0x3FAA] =	sst s10  }
0x32: {  	s10 =	sld [smem:$0x3FA8];
	_ =	sdelay $0x3  }
0x33: {  	p0 =	seq.s32 s10, $0x1;
	s10 =	sld [smem:$0x3FAA];
	_ =	sdelay $0x3  }
0x34: {  	[smem:$0x3FAA] =	sst s10  }
0x35: {  	s10 =	sld [smem:$0x3FA9];
	_ =	sdelay $0x3  }
0x36: {  	p1 =	seq.s32 s10, $0x1;
	s10 =	sld [smem:$0x3FAA];
	_ =	sdelay $0x3  }
0x37: {  	[smem:$0x3FAA] =	sst s10  }
0x38: {  	s10 =	sld [smem:$0x3FAB]  }
0x39: {  	_ = 	snop;
	(pc) =	sbr.ind lr, $3  }
0x3a: {  	_ = 	snop  }
0x3b: {  	_ = 	snop  }
0x3c: {  	p2 =	seq.s32 s10, $0x1;
	s10 =	sld [smem:$0x3FAA]  }
0x3d: {  	_ =	shalt  }
0x3e: {  	_ =	shalt  }
0x3f: {  	_ =	shalt  }
0x40: {  	_ =	shalt  }
0x41: {  	_ =	shalt  }
0x42: {  	_ =	shalt  }
0x43: {  	_ =	shalt  }
0x44: {  	_ =	shalt  }
0x45: {  	_ =	shalt  }
0x46: {  	_ =	shalt  }
0x47: {  	_ =	shalt  }
0x48: {  	_ =	shalt  }
0x49: {  	_ =	shalt  }
0x4a: {  	_ =	shalt  }
0x4b: {  	_ =	shalt  }
0x4c: {  	_ =	shalt  }
0x4d: {  	_ =	shalt  }
0x4e: {  	_ =	shalt  }
0x4f: {  	_ =	shalt  }
0x50: {  	_ =	shalt  }
0x51: {  	_ =	shalt  }
0x52: {  	_ =	shalt  }
0x53: {  	_ =	shalt  }
0x54: {  	_ =	shalt  }
0x55: {  	_ =	shalt  }
0x56: {  	_ =	shalt  }
0x57: {  	_ =	shalt  }
0x58: {  	_ =	shalt  }
0x59: {  	_ =	shalt  }
0x5a: {  	_ =	shalt  }
0x5b: {  	_ =	shalt  }
0x5c: {  	_ =	shalt  }
0x5d: {  	_ =	shalt  }
0x5e: {  	_ =	shalt  }
0x5f: {  	_ =	shalt  }
0x60: {  	_ =	shalt  }
0x61: {  	_ =	shalt  }
0x62: {  	_ =	shalt  }
0x63: {  	_ =	shalt  }
0x64: {  	_ =	shalt  }
0x65: {  	_ =	shalt  }
0x66: {  	_ =	shalt  }
0x67: {  	_ =	shalt  }
0x68: {  	_ =	shalt  }
0x69: {  	_ =	shalt  }
0x6a: {  	_ =	shalt  }
0x6b: {  	_ =	shalt  }
0x6c: {  	_ =	shalt  }
0x6d: {  	_ =	shalt  }
0x6e: {  	_ =	shalt  }
0x6f: {  	_ =	shalt  }
0x70: {  	_ =	shalt  }
0x71: {  	_ =	shalt  }
0x72: {  	_ =	shalt  }
0x73: {  	_ =	shalt  }
0x74: {  	_ =	shalt  }
0x75: {  	_ =	shalt  }
0x76: {  	_ =	shalt  }
0x77: {  	_ =	shalt  }
0x78: {  	_ =	shalt  }
0x79: {  	_ =	shalt  }
0x7a: {  	_ =	shalt  }
0x7b: {  	_ =	shalt  }
0x7c: {  	_ =	shalt  }
0x7d: {  	_ =	shalt  }
0x7e: {  	_ =	shalt  }
0x7f: {  	_ =	shalt  }
0x80: {  	_ =	shalt  }
0x81: {  	_ =	shalt  }
0x82: {  	_ =	shalt  }
0x83: {  	_ =	shalt  }
0x84: {  	_ =	shalt  }
0x85: {  	_ =	shalt  }
0x86: {  	_ =	shalt  }
0x87: {  	_ =	shalt  }
.Lfunc_end0:
.L_simem_size_0:
called_computation.2_lowered:
.L_overlay_start_0:
0x88: {  	s2 =	sld [smem:$0x3FD9]  }
0x89: {  	s3 =	sld [smem:$0x3FFE];
	_ =	sdelay $0x1  }
0x8a: {  	s1 =	srdreg.scid  }
0x8b: {  	s0 =	sand.u32 $0x1, s1  }
0x8c: {  	s16 =	sshll.u32 s0, $0xA;
	s2 =	sadd.s32 s3, s2  }
0x8d: {  	s2 =	sadd.s32 s2, s16  }
0x8e: {  	[smem:$0x3FB6] =	sst s2  }
0x8f: {  	_ = 	snop  }
0x90: {  	(tm) =	ssettm $0x1  }
0x91: {  	s17 =	sld [smem:$0x3FFB];
	_ =	sdelay $0x3  }
0x92: {  	_ =	strace s17  }
0x93: {  	s2 =	sld [smem:$0x3FFC];
	_ =	sdelay $0x3  }
0x94: {  	_ =	strace s2  }
0x95: {  	s2 =	sld [smem:$0x3FFD];
	_ =	sdelay $0x3  }
0x96: {  	_ =	strace s2  }
0x97: {  	_ =	strace $0x8FFFFFFF  }
0x98: {  	s18 =	sld [smem:$0x3FDB];
	_ =	sdelay $0x1  }
0x99: {  	s19 =	simm.s32 $_scs_section_size  }
0x9a: {  	s4 =	simm.s32 $_size__tile_overlayer_lowered;
	s5 =	simm.s32 $_tile_overlayer_lowered  }
0x9b: {  	s22 =	simm.s32 $0x1BFF;
	s21 =	sshll.u32 s5, $0x1;
	s2 =	sadd.s32 s19, s18  }
0x9c: {  	s6 =	simm.s32 $0x0;
	s20 =	sshll.u32 s4, $0x1;
	s4 =	sadd.s32 s21, s2  }
0x9d: {  	[timem:s6], [sflag:s22] =	dma.local [hbm:s4], s20  }
0x9e: {  	_ =	swait.ge [sflag:s22], s20  }
0x9f: {  	s3 =	ssub.s32 $0x0, s20;
	[sflag:s22] =	ssyncset.done $0x0  }
0xa0: {  	[sflag:s22] =	ssyncadd.s32 s3;
	_ =	sdelay $0x1  }
0xa1: {  	s23 =	simm.s32 $0x1B8B  }
0xa2: {  	_ =	swait.ge [sflag:s23], $0x1  }
0xa3: {  	[sflag:s23] =	ssyncset.done $0x0  }
0xa4: {  	s25 =	simm.s32 $0x1B8E;
	s24 =	sld [smem:$0x3FFE];
	[sflag:s23] =	ssyncadd.s32 $0xFFFFFFFF  }
0xa5: {  	s26 =	simm.s32 $execute0_lowered;
	[smem:$0x3FD2] =	sst s25  }
0xa6: {  	s4 =	sshll.u32 s26, $0x1;
	_ =	strace $0x8000004C;
	[dreg:$0x1] =	wrdreg $0xFFFFFFFF  }
0xa7: {  	s28 =	simm.s32 $_size_execute0_lowered;
	s2 =	sadd.s32 s2, s4;
	[dreg:$0x0] =	wrdreg $0x0  }
0xa8: {  	s4 =	sshll.u32 s28, $0x1;
	[dreg:$0x2] =	wrdreg s2  }
0xa9: {  	[dreg:$0x3] =	wrdreg s4  }
0xaa: {  	[dreg:$0x4] =	wrdreg $0xC0  }
0xab: {  	_ =	task [dreg:s6], $0x5FFFF  }
0xac: {  	[dreg:$0x1] =	wrdreg $0xFFFFFFFF  }
0xad: {  	[dreg:$0x0] =	wrdreg $0x60  }
0xae: {  	[dreg:$0x2] =	wrdreg s24  }
0xaf: {  	[dreg:$0x3] =	wrdreg $0x0  }
0xb0: {  	[dreg:$0x4] =	wrdreg $0x9  }
0xb1: {  	_ =	task.clear_ibuf [dreg:s6], $0x5FFFF;
	_ =	strace $0x9000004C  }
0xb2: {  	s29 =	simm.s32 $0x9;
	_ =	strace $0x8000004E  }
0xb3: {  	_ =	swait.ge [sflag:s29], $0x1  }
0xb4: {  	[sflag:s29] =	ssyncadd.s32 $0xFFFFFFFF  }
0xb5: {  	_ =	strace $0x9000004E  }
0xb6: {  	_ =	sfence  }
0xb7: {  	s30 =	sld [smem:$0x0];
	_ =	sdelay $0x2  }
0xb8: {  	s31 =	sshll.u32 s1, $0xD;
	s1 =	sshrl.u32 s1, $0x2  }
0xb9: {  	s3 =	sand.u32 $0x4000, s31;
	s1 =	sadd.s32 s1, s30  }
0xba: {  	s0 =	sor.u32 s3, s0;
	s1 =	sshll.u32 s1, $0x11  }
0xbb: {  	s0 =	sor.u32 s1, s0  }
0xbc: {  	s0 =	sadd.s32 $0x8F2B, s0  }
0xbd: {  	[sflag:s0] =	ssyncadd.remote.s32 $0x1  }
0xbe: {  	_ =	sfence.sel $0xFFFF  }
0xbf: {  	[dreg:$0x0] =	wrdreg $0xFFFFFFFF;
	(pc) =	sbr.abs _section_cstart, $3  }
0xc0: {  	[dreg:$0x1] =	wrdreg $0xFFFFFFFF  }
0xc1: {  	_ =	task.clear_ibuf [dreg:s6], $0x2FFFF;
	_ =	strace $0x9FFFFFFF  }
0xc2: {  	(tm) =	ssettm $0x7FFFFFFF  }
0xc3: {  	_ =	shalt  }
tec
execute0_lowered:
.L_overlay_start_1:
0x0: {  	(tag) =	ssettag $0x1  }
0x1: {  	s0 =	rddreg [dreg:$0x0]  }
0x2: {  	s1 =	rddreg [dreg:$0x1];
	s2 =	simm.s32 $0x0;
	s3 =	srdreg.scid  }
0x3: {  	s16 =	stileid.u32;
	s28 =	simm.s32 $0x1B080;
	s29 =	simm.s32 $0x7  }
0x4: {  	s31 =	simm.s32 $0x50;
	[smem:$0x7FF] =	sst s2;
	s4 =	sadd.s32 $0x9F000, s0  }
0x5: {  	s3 =	sand.u32 $0x1, s3;
	s8 =	sshll.u32 s16, $0x1;
	s9 =	smul.u32 $0x4E000, s16  }
0x6: {  	s5 =	sadd.s32 $0xAD8400, s0;
	s15 =	smul.u32 $0x13800, s16;
	s11 =	sor.u32 s3, s8  }
0x7: {  	s6 =	sadd.s32 $0x8B600, s0;
	s7 =	sadd.s32 $0x25C00, s0;
	s8 =	smul.u32 $0x2710, s11  }
0x8: {  	s0 =	sadd.s32 $0x5A8200, s0;
	s10 =	sshrl.u32 s9, $0x2;
	s9 =	smul.u32 $0x4E20, s11  }
0x9: {  	s12 =	ssub.s32 $0x2, s3;
	s11 =	smul.u32 $0x27100, s11;
	s10 =	sadd.s32 s10, s1  }
0xa: {  	_ =	strace $0x8000004D;
	s13 =	sshrl.u32 s12, $0x1;
	s26 =	sadd.s32 $0x11800, s10  }
0xb: {  	s13 =	ssub.s32 s12, s13;
	s11 =	sadd.s32 s5, s11;
	[dreg:$0x3] =	wrdreg s26  }
0xc: {  	p0 =	sne.s32 s16, $0xF;
	s21 =	smax.u32 s13, $0x1;
	[dreg:$0x8] =	wrdreg s11  }
0xd: {  	s16 =	simm.s32 $0x5;
	s22 =	sadd.s32 $0x2800, s10;
	[dreg:$0xb] =	wrdreg s21  }
0xe: {  	s3 =	smul.u32 $0x138800, s3;
	s23 =	sadd.s32 $0x5000, s10;
	[dreg:$0xc] =	wrdreg s22  }
0xf: {  	s12 =	sadd.s32 $0x138000, s1;
	s24 =	sadd.s32 $0x7800, s10;
	[dreg:$0xd] =	wrdreg s23  }
0x10: {  	s14 =	sshrl.u32 s9, $0x3;
	s25 =	sadd.s32 $0xA000, s10;
	[dreg:$0xe] =	wrdreg s24  }
0x11: {  	s15 =	sadd.s32 s15, s3;
	s17 =	sadd.s32 s6, s14;
	[dreg:$0xf] =	wrdreg s25  }
0x12: {  	s19 =	sshrl.u32 s15, $0x3;
	s30 =	sadd.s32 s7, s14;
	[dreg:$0x4] =	wrdreg s17  }
0x13: {  	s3 =	sshrl.u32 s3, $0x3;
	s20 =	sadd.s32 s0, s19;
	[dreg:$0x5] =	wrdreg s30  }
0x14: {  	s14 =	sadd.s32 $0xA, s14;
	s26 =	sadd.s32 $0xC800, s10;
	[dreg:$0x9] =	wrdreg s20  }
0x15: {  	s13 =	simm.s32 $0x19C80;
	s18 =	sadd.s32 s6, s14;
	[dreg:$0x10] =	wrdreg s26  }
0x16: {  	s0 =	sadd.s32 s0, s3;
	s14 =	sadd.s32 s7, s14;
	[dreg:$0x6] =	wrdreg s18  }
0x17: {  	s15 =	simm.s32 $0x2;
	s0 =	sadd.s32 $0x27000, s0;
	[dreg:$0x7] =	wrdreg s14  }
0x18: {  	s3 =	simm.s32 $0x4;
	s30 =	sadd.s32 $0xF000, s10;
	[dreg:$0xa] =	wrdreg s0  }
0x19: {  	s11 =	simm.s32 $0x16080;
	s17 =	simm.s32 $0x6;
	[dreg:$0x11] =	wrdreg s30  }
0x1a: {  	v0 =	vimm.f32 $0.0e+00;
	s0 =	simm.s32 $0x3;
	s14 =	simm.s32 $0x1;
	s18 =	simm.s32 $0x0  }
.LBB2_1:
0x1b: {  	s19 =	simm.s32 $0x70;
	s20 =	simm.s32 $0x3C0  }
.LBB2_2:
0x1c: {  	p1 =	sne.s32 s20, $0x9FC0;
	[tilespmem:s19+$0x1B080] =	vst v0  }
0x1d: {  	[tilespmem:s19+$0x1B010] =	vst v0  }
0x1e: {  	[tilespmem:s19+$0x1B020] =	vst v0  }
.Ltmp0:
0x1f: {  	[tilespmem:s19+$0x1B030] =	vst v0;
	(pc) =	sbr.rel @p1 .LBB2_2-.Ltmp0, $4  }
0x20: {  	[tilespmem:s19+$0x1B040] =	vst v0  }
0x21: {  	[tilespmem:s19+$0x1B050] =	vst v0  }
0x22: {  	[tilespmem:s19+$0x1B060] =	vst v0  }
0x23: {  	[tilespmem:s19+$0x1B070] =	vst v0;
	s19 =	sshra.s32 s20, $0x2;
	s20 =	sadd.s32 $0x200, s20  }
0x24: {  	[tilespmem:s19+$0x1B080] =	vst v0  }
0x25: {  	[tilespmem:s19+$0x1B010] =	vst v0  }
0x26: {  	[tilespmem:s19+$0x1B020] =	vst v0  }
0x27: {  	[tilespmem:s19+$0x1B030] =	vst v0  }
0x28: {  	[tilespmem:s19+$0x1B040] =	vst v0  }
0x29: {  	[tilespmem:s19+$0x1B050] =	vst v0  }
0x2a: {  	[tilespmem:s19+$0x1B060] =	vst v0  }
0x2b: {  	[tilespmem:s19+$0x1B070] =	vst v0  }
0x2c: {  	[spmem:s10] =	stream.linear.scatter [tilespmem:s28], [sflag:$0x7], $0x2800, $0x38;
	[tilespmem:$0x1DC80] =	vst v63  }
0x2d: {  	_ =	swait.ge [sflag:s29], $0x2800  }
0x2e: {  	[sflag:s29] =	ssyncset.done $0x0  }
0x2f: {  	s26 =	rddreg [dreg:$0xc];
	[sflag:s29] =	ssyncadd.s32 $0xFFFFD800  }
0x30: {  	[spmem:s26] =	stream.linear.scatter [tilespmem:s28], [sflag:$0x7], $0x2800, $0x38;
	[tilespmem:$0x1DC80] =	vst v63  }
0x31: {  	_ =	swait.ge [sflag:s29], $0x2800  }
0x32: {  	[sflag:s29] =	ssyncset.done $0x0  }
0x33: {  	s30 =	rddreg [dreg:$0xd];
	[sflag:s29] =	ssyncadd.s32 $0xFFFFD800  }
0x34: {  	[spmem:s30] =	stream.linear.scatter [tilespmem:s28], [sflag:$0x7], $0x2800, $0x38;
	[tilespmem:$0x1DC80] =	vst v63  }
0x35: {  	_ =	swait.ge [sflag:s29], $0x2800  }
0x36: {  	[sflag:s29] =	ssyncset.done $0x0  }
0x37: {  	s20 =	rddreg [dreg:$0xe];
	[sflag:s29] =	ssyncadd.s32 $0xFFFFD800  }
0x38: {  	[spmem:s20] =	stream.linear.scatter [tilespmem:s28], [sflag:$0x7], $0x2800, $0x38;
	[tilespmem:$0x1DC80] =	vst v63  }
0x39: {  	_ =	swait.ge [sflag:s29], $0x2800  }
0x3a: {  	[sflag:s29] =	ssyncset.done $0x0  }
0x3b: {  	s21 =	rddreg [dreg:$0xf];
	[sflag:s29] =	ssyncadd.s32 $0xFFFFD800  }
0x3c: {  	[spmem:s21] =	stream.linear.scatter [tilespmem:s28], [sflag:$0x7], $0x2800, $0x38;
	[tilespmem:$0x1DC80] =	vst v63  }
0x3d: {  	_ =	swait.ge [sflag:s29], $0x2800  }
0x3e: {  	[sflag:s29] =	ssyncset.done $0x0  }
0x3f: {  	s22 =	rddreg [dreg:$0x10];
	[sflag:s29] =	ssyncadd.s32 $0xFFFFD800  }
0x40: {  	[spmem:s22] =	stream.linear.scatter [tilespmem:s28], [sflag:$0x7], $0x2800, $0x38;
	[tilespmem:$0x1DC80] =	vst v63  }
0x41: {  	_ =	swait.ge [sflag:s29], $0x2800  }
0x42: {  	[sflag:s29] =	ssyncset.done $0x0  }
0x43: {  	s23 =	rddreg [dreg:$0x11];
	[sflag:s29] =	ssyncadd.s32 $0xFFFFD800  }
0x44: {  	[spmem:s23] =	stream.linear.scatter [tilespmem:s28], [sflag:$0x7], $0x2800, $0x38;
	[tilespmem:$0x1DC80] =	vst v63  }
0x45: {  	_ =	swait.ge [sflag:s29], $0x2800  }
0x46: {  	[sflag:s29] =	ssyncset.done $0x0  }
0x47: {  	s24 =	rddreg [dreg:$0x3];
	[sflag:s29] =	ssyncadd.s32 $0xFFFFD800  }
0x48: {  	[spmem:s24] =	stream.linear.scatter [tilespmem:s28], [sflag:$0x7], $0x2000, $0x38;
	[tilespmem:$0x1DC80] =	vst v63  }
0x49: {  	_ =	swait.ge [sflag:s29], $0x2000  }
0x4a: {  	[sflag:s29] =	ssyncset.done $0x0  }
0x4b: {  	s19 =	simm.s32 @!p0 $0x1B080;
	[sflag:s29] =	ssyncadd.s32 $0xFFFFE000  }
0x4c: {  	[spmem:s12] =	stream.linear.scatter @!p0 [tilespmem:s19], [sflag:$0x7], $0x800, $0x38;
	[tilespmem:$0x1DC80] =	vst v63  }
0x4d: {  	s19 =	simm.s32 @!p0 $0x7  }
0x4e: {  	_ =	swait.ge @!p0 [sflag:s19], $0x800  }
0x4f: {  	[sflag:s19] =	ssyncset.done @!p0 $0x0  }
0x50: {  	[sflag:s19] =	ssyncadd.s32 @!p0 $0xFFFFF800  }
0x51: {  	[bflag:$0x0] =	sbarrier.arrive $0xFFFF  }
0x52: {  	s21 =	simm.s32 $0x1D880;
	s19 =	simm.s32 $0x0;
	s20 =	rddreg [dreg:$0x4]  }
0x53: {  	[tilespmem:s21], [sflag:$0x3] =	stream.linear.gather [hbm4b:s20+s19], $0x50, $0x38;
	[tilespmem:$0x1DC80] =	vst v63  }
0x54: {  	s22 =	simm.s32 $0x1DA80;
	s25 =	rddreg [dreg:$0x5]  }
0x55: {  	[tilespmem:s22], [sflag:$0x3] =	stream.linear.gather [hbm4b:s25+s19], $0x50, $0x38;
	[tilespmem:$0x1DC80] =	vst v63  }
0x56: {  	s30 =	simm.s32 $0x1D900;
	s26 =	rddreg [dreg:$0x6]  }
0x57: {  	[tilespmem:s30], [sflag:$0x4] =	stream.linear.gather [hbm4b:s26+s19], $0x50, $0x38;
	[tilespmem:$0x1DC80] =	vst v63  }
0x58: {  	s24 =	simm.s32 $0x1DB00;
	s23 =	rddreg [dreg:$0x7]  }
0x59: {  	[tilespmem:s24], [sflag:$0x4] =	stream.linear.gather [hbm4b:s23+s19], $0x50, $0x38;
	[tilespmem:$0x1DC80] =	vst v63  }
0x5a: {  	_ =	swait.ge [sflag:s0], $0x50  }
0x5b: {  	[sflag:s0] =	ssyncset.done $0x0  }
0x5c: {  	[sflag:s0] =	ssyncadd.s32 $0xFFFFFFB0  }
0x5d: {  	_ =	swait.ge [sflag:s0], $0x50  }
0x5e: {  	[sflag:s0] =	ssyncset.done $0x0  }
0x5f: {  	s25 =	simm.s32 $0x13880;
	[sflag:s0] =	ssyncadd.s32 $0xFFFFFFB0  }
0x60: {  	[tilespmem:s25], [sflag:$0x1] =	stream.indirect.gather [hbm4b:s4+s31], $0x80, s21, s31, $0xb8;
	[tilespmem:$0x1DC80] =	vst v63  }
0x61: {  	s30 =	simm.s32 $0x18880;
	s26 =	rddreg [dreg:$0x8]  }
0x62: {  	[tilespmem:s30], [sflag:$0x1] =	stream.linear.gather [hbm4b:s26+s19], $0x1400, $0x38;
	[tilespmem:$0x1DC80] =	vst v63  }
.LBB2_4:
0x63: {  	s22 =	sshll.u32 s19, $0x1  }
0x64: {  	p1 =	seq.s32 s19, $0x7C;
	s20 =	sadd.s32 $0x2, s22  }
0x65: {  	s21 =	smul.u32 @!p1 $0x50, s20;
	_ =	sdelay $0x1  }
0x66: {  	s23 =	sshll.u32 @!p1 s20, $0x7;
	s21 =	sadd.s32 @!p1 s9, s21  }
0x67: {  	s23 =	sand.u32 @!p1 $0x100, s23;
	s24 =	sshrl.u32 @!p1 s21, $0x3  }
0x68: {  	s30 =	simm.s32 @!p1 $0x0;
	s21 =	sor.u32 @!p1 $0x1D880, s23;
	s25 =	sadd.s32 @!p1 s6, s24  }
0x69: {  	[tilespmem:s21], [sflag:$0x3] =	stream.linear.gather @!p1 [hbm4b:s25+s30], $0x50, $0x38;
	[tilespmem:$0x1DC80] =	vst v63  }
0x6a: {  	s23 =	sor.u32 @!p1 $0x1DA80, s23;
	s24 =	sadd.s32 @!p1 s7, s24  }
0x6b: {  	[tilespmem:s23], [sflag:$0x3] =	stream.linear.gather @!p1 [hbm4b:s24+s30], $0x50, $0x38;
	[tilespmem:$0x1DC80] =	vst v63  }
0x6c: {  	_ =	swait.ge [sflag:s3], $0x50  }
0x6d: {  	s25 =	sor.u32 $0x1, s22;
	[sflag:s3] =	ssyncset.done $0x0  }
0x6e: {  	s23 =	smul.u32 $0x28, s25;
	[sflag:s3] =	ssyncadd.s32 $0xFFFFFFB0  }
0x6f: {  	s26 =	sshll.u32 s25, $0x7;
	_ =	swait.ge [sflag:s3], $0x50  }
0x70: {  	s30 =	sand.u32 $0x180, s26;
	s23 =	sadd.s32 s8, s23;
	[sflag:s3] =	ssyncset.done $0x0  }
0x71: {  	s24 =	sadd.s32 $0x1D880, s30;
	s23 =	sshll.u32 s23, $0x4;
	[sflag:s3] =	ssyncadd.s32 $0xFFFFFFB0  }
0x72: {  	[tilespmem:s11], [sflag:$0x2] =	stream.indirect.gather [hbm4b:s4+s31], $0x80, s24, s31, $0xb8;
	[tilespmem:$0x1DC80] =	vst v63  }
0x73: {  	s23 =	sadd.s32 s5, s23  }
0x74: {  	[tilespmem:s13], [sflag:$0x2] =	stream.linear.gather [hbm4b:s23+s2], $0x1400, $0x38;
	[tilespmem:$0x1DC80] =	vst v63  }
0x75: {  	_ =	swait.ge [sflag:s14], $0x2800  }
0x76: {  	[sflag:s14] =	ssyncset.done $0x0  }
0x77: {  	[sflag:s14] =	ssyncadd.s32 $0xFFFFD800  }
0x78: {  	_ =	swait.ge [sflag:s14], $0x1400  }
0x79: {  	p2 =	seq.s32 s19, $0x0;
	[sflag:s14] =	ssyncset.done $0x0  }
0x7a: {  	s23 =	simm.s32 @!p2 $0x6;
	[sflag:s14] =	ssyncadd.s32 $0xFFFFEC00  }
0x7b: {  	_ =	swait.ge @!p2 [sflag:s23], $0x2800  }
0x7c: {  	[sflag:s23] =	ssyncset.done @!p2 $0x0  }
0x7d: {  	[sflag:s23] =	ssyncadd.s32 @!p2 $0xFFFFD800;
	s23 =	simm.s32 $0x0  }
0x7e: {  	v2 =	vld [tilespmem:s23+$0x188B0]  }
0x7f: {  	v3 =	vld [tilespmem:s23+$0x14CF0]  }
0x80: {  	v4 =	vld [tilespmem:s23+$0x18880]  }
0x81: {  	v6 =	vld [tilespmem:s23+$0x13880]  }
0x82: {  	v7 =	vld [tilespmem:s23+$0x138C0]  }
0x83: {  	v8 =	vld [tilespmem:s23+$0x14C80];
	v1 =	vand.u32 $0xFFFF0000, v2  }
0x84: {  	v10 =	vld [tilespmem:s23+$0x14CC0];
	v3 =	vmul.f32 v1, v3  }
0x85: {  	v5 =	vld [tilespmem:s23+$0x18890]  }
0x86: {  	v11 =	vld [tilespmem:s23+$0x13890];
	[tilespmem:s23+$0x1C4F0] =	vst v3;
	v3 =	vshll.u32 v4, $0x10  }
0x87: {  	v12 =	vld [tilespmem:s23+$0x138D0];
	v6 =	vmul.f32 v3, v6  }
0x88: {  	v13 =	vld [tilespmem:s23+$0x14C90];
	v4 =	vand.u32 $0xFFFF0000, v4;
	v3 =	vmul.f32 v3, v8  }
0x89: {  	v14 =	vld [tilespmem:s23+$0x14CD0];
	v7 =	vmul.f32 v4, v7;
	v4 =	vmul.f32 v4, v10;
	[tilespmem:s23+$0x1B080] =	vst v6  }
0x8a: {  	v9 =	vld [tilespmem:s23+$0x188A0];
	[tilespmem:s23+$0x1C480] =	vst v3;
	v3 =	vshll.u32 v5, $0x10  }
0x8b: {  	v15 =	vld [tilespmem:s23+$0x138A0];
	[tilespmem:s23+$0x1C4C0] =	vst v4;
	v4 =	vand.u32 $0xFFFF0000, v5;
	v6 =	vmul.f32 v3, v11  }
0x8c: {  	v16 =	vld [tilespmem:s23+$0x138E0];
	[tilespmem:s23+$0x1B0C0] =	vst v7;
	v7 =	vmul.f32 v4, v12  }
0x8d: {  	v5 =	vld [tilespmem:s23+$0x14CA0];
	v3 =	vmul.f32 v3, v13;
	[tilespmem:s23+$0x1B090] =	vst v6  }
0x8e: {  	v10 =	vmul.f32 v4, v14;
	v6 =	vld [tilespmem:s23+$0x14CE0];
	[tilespmem:s23+$0x1B0D0] =	vst v7  }
0x8f: {  	v4 =	vshll.u32 v9, $0x10;
	v7 =	vld [tilespmem:s23+$0x138B0];
	[tilespmem:s23+$0x1C490] =	vst v3  }
0x90: {  	v8 =	vld [tilespmem:s23+$0x138F0];
	v3 =	vand.u32 $0xFFFF0000, v9;
	[tilespmem:s23+$0x1C4D0] =	vst v10;
	v10 =	vmul.f32 v4, v15  }
0x91: {  	s25 =	simm.s32 $0x400;
	s24 =	simm.s32 $0x80;
	v2 =	vshll.u32 v2, $0x10;
	v9 =	vld [tilespmem:s23+$0x14CB0];
	v11 =	vmul.f32 v3, v16  }
.LBB2_5:
0x92: {  	p2 =	sne.s32 s25, $0x4E00;
	v12 =	vld [tilespmem:s24+$0x188B0];
	[tilespmem:s23+$0x1B0A0] =	vst v10;
	v4 =	vmul.f32 v4, v5  }
0x93: {  	v5 =	vld [tilespmem:s24+$0x14CF0];
	[tilespmem:s23+$0x1B0E0] =	vst v11;
	v3 =	vmul.f32 v3, v6  }
0x94: {  	v6 =	vld [tilespmem:s24+$0x18880];
	[tilespmem:s23+$0x1C4A0] =	vst v4;
	v4 =	vmul.f32 v2, v7  }
0x95: {  	v7 =	vld [tilespmem:s24+$0x18890];
	[tilespmem:s23+$0x1C4E0] =	vst v3;
	v3 =	vmul.f32 v1, v8  }
0x96: {  	v8 =	vld [tilespmem:s24+$0x188A0];
	[tilespmem:s23+$0x1B0B0] =	vst v4;
	v4 =	vmul.f32 v2, v9  }
0x97: {  	v9 =	vld [tilespmem:s24+$0x13880];
	v2 =	vshll.u32 v12, $0x10;
	v1 =	vand.u32 $0xFFFF0000, v12;
	[tilespmem:s23+$0x1B0F0] =	vst v3  }
0x98: {  	v10 =	vld [tilespmem:s24+$0x138C0];
	v3 =	vmul.f32 v1, v5;
	[tilespmem:s23+$0x1C4B0] =	vst v4;
	s23 =	smov.u32 s24  }
0x99: {  	v5 =	vshll.u32 v6, $0x10;
	v6 =	vand.u32 $0xFFFF0000, v6;
	v11 =	vld [tilespmem:s23+$0x14C80]  }
0x9a: {  	v12 =	vld [tilespmem:s23+$0x14CC0];
	v13 =	vshll.u32 v7, $0x10;
	v7 =	vand.u32 $0xFFFF0000, v7;
	[tilespmem:s23+$0x1C4F0] =	vst v3  }
0x9b: {  	v14 =	vld [tilespmem:s23+$0x13890];
	v4 =	vshll.u32 v8, $0x10;
	v3 =	vand.u32 $0xFFFF0000, v8  }
0x9c: {  	v8 =	vmul.f32 v5, v9;
	v9 =	vld [tilespmem:s23+$0x138D0]  }
0x9d: {  	v10 =	vmul.f32 v6, v10;
	v15 =	vld [tilespmem:s23+$0x14C90]  }
0x9e: {  	[tilespmem:s23+$0x1B080] =	vst v8;
	v5 =	vmul.f32 v5, v11;
	v8 =	vld [tilespmem:s23+$0x14CD0]  }
0x9f: {  	[tilespmem:s23+$0x1B0C0] =	vst v10;
	v6 =	vmul.f32 v6, v12;
	v10 =	vld [tilespmem:s23+$0x138A0]  }
0xa0: {  	[tilespmem:s23+$0x1C480] =	vst v5;
	v11 =	vmul.f32 v13, v14;
	v12 =	vld [tilespmem:s23+$0x138E0]  }
.Ltmp1:
0xa1: {  	[tilespmem:s23+$0x1C4C0] =	vst v6;
	v9 =	vmul.f32 v7, v9;
	v5 =	vld [tilespmem:s23+$0x14CA0];
	(pc) =	sbr.rel @p2 .LBB2_5-.Ltmp1, $4  }
0xa2: {  	[tilespmem:s23+$0x1B090] =	vst v11;
	v11 =	vmul.f32 v13, v15;
	v6 =	vld [tilespmem:s23+$0x14CE0]  }
0xa3: {  	[tilespmem:s23+$0x1B0D0] =	vst v9;
	v9 =	vmul.f32 v7, v8;
	v7 =	vld [tilespmem:s23+$0x138B0]  }
0xa4: {  	[tilespmem:s23+$0x1C490] =	vst v11;
	v10 =	vmul.f32 v4, v10;
	v8 =	vld [tilespmem:s23+$0x138F0]  }
0xa5: {  	s24 =	sshra.s32 s25, $0x2;
	s25 =	sadd.s32 $0x200, s25;
	[tilespmem:s23+$0x1C4D0] =	vst v9;
	v11 =	vmul.f32 v3, v12;
	v9 =	vld [tilespmem:s23+$0x14CB0]  }
0xa6: {  	v12 =	vld [tilespmem:s24+$0x188B0];
	[tilespmem:s23+$0x1B0A0] =	vst v10;
	v4 =	vmul.f32 v4, v5  }
0xa7: {  	v10 =	vld [tilespmem:s24+$0x14CF0];
	[tilespmem:s23+$0x1B0E0] =	vst v11;
	v3 =	vmul.f32 v3, v6  }
0xa8: {  	v5 =	vld [tilespmem:s24+$0x18880];
	[tilespmem:s23+$0x1C4A0] =	vst v4;
	v6 =	vmul.f32 v2, v7  }
0xa9: {  	v4 =	vld [tilespmem:s24+$0x18890];
	[tilespmem:s23+$0x1C4E0] =	vst v3;
	v1 =	vmul.f32 v1, v8  }
0xaa: {  	v3 =	vld [tilespmem:s24+$0x188A0];
	[tilespmem:s23+$0x1B0B0] =	vst v6;
	v2 =	vmul.f32 v2, v9  }
0xab: {  	v6 =	vld [tilespmem:s24+$0x13880];
	[tilespmem:s23+$0x1B0F0] =	vst v1  }
0xac: {  	v1 =	vld [tilespmem:s24+$0x138C0];
	[tilespmem:s23+$0x1C4B0] =	vst v2  }
0xad: {  	v7 =	vand.u32 $0xFFFF0000, v12;
	v8 =	vld [tilespmem:s24+$0x14C80]  }
0xae: {  	v2 =	vmul.f32 v7, v10  }
0xaf: {  	v9 =	vld [tilespmem:s24+$0x14CC0]  }
0xb0: {  	v10 =	vld [tilespmem:s24+$0x13890];
	[tilespmem:s24+$0x1C4F0] =	vst v2;
	v2 =	vshll.u32 v5, $0x10  }
0xb1: {  	v11 =	vld [tilespmem:s24+$0x138D0];
	v6 =	vmul.f32 v2, v6  }
0xb2: {  	v13 =	vld [tilespmem:s24+$0x14C90];
	v5 =	vand.u32 $0xFFFF0000, v5;
	v2 =	vmul.f32 v2, v8  }
0xb3: {  	v1 =	vmul.f32 v5, v1;
	[tilespmem:s24+$0x1B080] =	vst v6  }
0xb4: {  	v6 =	vld [tilespmem:s24+$0x14CD0];
	v5 =	vmul.f32 v5, v9;
	[tilespmem:s24+$0x1C480] =	vst v2;
	v2 =	vshll.u32 v4, $0x10  }
0xb5: {  	[tilespmem:s24+$0x1B0C0] =	vst v1;
	v1 =	vld [tilespmem:s24+$0x138A0];
	v4 =	vand.u32 $0xFFFF0000, v4;
	v9 =	vmul.f32 v2, v10  }
0xb6: {  	v8 =	vld [tilespmem:s24+$0x138E0];
	[tilespmem:s24+$0x1C4C0] =	vst v5;
	v10 =	vmul.f32 v4, v11  }
0xb7: {  	v5 =	vld [tilespmem:s24+$0x14CA0];
	v2 =	vmul.f32 v2, v13;
	[tilespmem:s24+$0x1B090] =	vst v9  }
0xb8: {  	v9 =	vld [tilespmem:s24+$0x14CE0];
	[tilespmem:s24+$0x1B0D0] =	vst v10  }
0xb9: {  	v10 =	vld [tilespmem:s24+$0x138B0];
	v4 =	vmul.f32 v4, v6;
	[tilespmem:s24+$0x1C490] =	vst v2;
	v2 =	vshll.u32 v3, $0x10  }
0xba: {  	v6 =	vld [tilespmem:s24+$0x138F0];
	v3 =	vand.u32 $0xFFFF0000, v3;
	v1 =	vmul.f32 v2, v1  }
0xbb: {  	[tilespmem:s24+$0x1C4D0] =	vst v4;
	v4 =	vmul.f32 v3, v8;
	v8 =	vld [tilespmem:s24+$0x14CB0]  }
0xbc: {  	[tilespmem:s24+$0x1B0A0] =	vst v1;
	v1 =	vmul.f32 v2, v5  }
0xbd: {  	v2 =	vshll.u32 v12, $0x10;
	[tilespmem:s24+$0x1B0E0] =	vst v4;
	v3 =	vmul.f32 v3, v9  }
0xbe: {  	[tilespmem:s24+$0x1C4A0] =	vst v1;
	v1 =	vmul.f32 v2, v10  }
0xbf: {  	[tilespmem:s24+$0x1C4E0] =	vst v3;
	v3 =	vmul.f32 v7, v6  }
0xc0: {  	s26 =	sshll.u32 s19, $0x8;
	[tilespmem:s24+$0x1B0B0] =	vst v1;
	v1 =	vmul.f32 v2, v8  }
0xc1: {  	s22 =	sadd.s32 @!p1 $0x3, s22;
	s23 =	sand.u32 $0x100, s26;
	[tilespmem:s24+$0x1B0F0] =	vst v3  }
0xc2: {  	s23 =	sor.u32 $0x1DA80, s23;
	[tilespmem:s24+$0x1C4B0] =	vst v1;
	s24 =	smul.u32 @!p1 $0x50, s22  }
0xc3: {  	[spmem:s1] =	stream.indirect.scatter.add.f32 [tilespmem:s28], [sflag:$0x5], $0x80, s23, s31, $0xb8;
	[tilespmem:$0x1DC80] =	vst v63  }
0xc4: {  	s22 =	sshll.u32 @!p1 s22, $0x7;
	s23 =	sadd.s32 @!p1 s9, s24  }
0xc5: {  	s22 =	sand.u32 @!p1 $0x180, s22;
	s23 =	sshrl.u32 @!p1 s23, $0x3  }
0xc6: {  	s26 =	simm.s32 @!p1 $0x0;
	s24 =	sadd.s32 @!p1 $0x1D880, s22;
	s25 =	sadd.s32 @!p1 s6, s23  }
0xc7: {  	[tilespmem:s24], [sflag:$0x4] =	stream.linear.gather @!p1 [hbm4b:s25+s26], $0x50, $0x38;
	[tilespmem:$0x1DC80] =	vst v63  }
0xc8: {  	s22 =	sadd.s32 @!p1 $0x1DA80, s22;
	s23 =	sadd.s32 @!p1 s7, s23  }
0xc9: {  	[tilespmem:s22], [sflag:$0x4] =	stream.linear.gather @!p1 [hbm4b:s23+s26], $0x50, $0x38;
	[tilespmem:$0x1DC80] =	vst v63  }
0xca: {  	s22 =	simm.s32 @!p1 $0x3  }
0xcb: {  	_ =	swait.ge @!p1 [sflag:s22], $0x50  }
0xcc: {  	s20 =	smul.u32 @!p1 $0x28, s20;
	[sflag:s22] =	ssyncset.done @!p1 $0x0  }
0xcd: {  	[sflag:s22] =	ssyncadd.s32 @!p1 $0xFFFFFFB0  }
0xce: {  	s20 =	sadd.s32 @!p1 s8, s20;
	_ =	swait.ge @!p1 [sflag:s22], $0x50  }
0xcf: {  	s20 =	sshll.u32 @!p1 s20, $0x4;
	[sflag:s22] =	ssyncset.done @!p1 $0x0  }
0xd0: {  	s23 =	simm.s32 @!p1 $0x13880;
	[sflag:s22] =	ssyncadd.s32 @!p1 $0xFFFFFFB0;
	s22 =	simm.s32 @!p1 $0x50  }
0xd1: {  	[tilespmem:s23], [sflag:$0x1] =	stream.indirect.gather @!p1 [hbm4b:s4+s22], $0x80, s21, s22, $0xb8;
	[tilespmem:$0x1DC80] =	vst v63  }
0xd2: {  	s20 =	sadd.s32 @!p1 s5, s20;
	s21 =	simm.s32 @!p1 $0x18880  }
0xd3: {  	[tilespmem:s21], [sflag:$0x1] =	stream.linear.gather @!p1 [hbm4b:s20+s26], $0x1400, $0x38;
	[tilespmem:$0x1DC80] =	vst v63  }
0xd4: {  	_ =	swait.ge [sflag:s15], $0x2800  }
0xd5: {  	[sflag:s15] =	ssyncset.done $0x0  }
0xd6: {  	[sflag:s15] =	ssyncadd.s32 $0xFFFFD800  }
0xd7: {  	_ =	swait.ge [sflag:s15], $0x1400  }
0xd8: {  	[sflag:s15] =	ssyncset.done $0x0  }
0xd9: {  	[sflag:s15] =	ssyncadd.s32 $0xFFFFEC00  }
0xda: {  	_ =	swait.ge [sflag:s16], $0x2800  }
0xdb: {  	[sflag:s16] =	ssyncset.done $0x0  }
0xdc: {  	s20 =	simm.s32 $0x0;
	[sflag:s16] =	ssyncadd.s32 $0xFFFFD800  }
0xdd: {  	v2 =	vld [tilespmem:s20+$0x19CB0]  }
0xde: {  	v3 =	vld [tilespmem:s20+$0x174F0]  }
0xdf: {  	v4 =	vld [tilespmem:s20+$0x19C80]  }
0xe0: {  	v6 =	vld [tilespmem:s20+$0x16080]  }
0xe1: {  	v7 =	vld [tilespmem:s20+$0x160C0]  }
0xe2: {  	v8 =	vld [tilespmem:s20+$0x17480];
	v1 =	vand.u32 $0xFFFF0000, v2  }
0xe3: {  	v10 =	vld [tilespmem:s20+$0x174C0];
	v3 =	vmul.f32 v1, v3  }
0xe4: {  	v5 =	vld [tilespmem:s20+$0x19C90]  }
0xe5: {  	v11 =	vld [tilespmem:s20+$0x16090];
	[tilespmem:s20+$0x1C4F0] =	vst v3;
	v3 =	vshll.u32 v4, $0x10  }
0xe6: {  	v62 =	vld [tilespmem:s20+$0x160D0];
	v6 =	vmul.f32 v3, v6  }
0xe7: {  	v63 =	vld [tilespmem:s20+$0x17490];
	v4 =	vand.u32 $0xFFFF0000, v4;
	v3 =	vmul.f32 v3, v8  }
0xe8: {  	v14 =	vld [tilespmem:s20+$0x174D0];
	v7 =	vmul.f32 v4, v7;
	v4 =	vmul.f32 v4, v10;
	[tilespmem:s20+$0x1B080] =	vst v6  }
0xe9: {  	v9 =	vld [tilespmem:s20+$0x19CA0];
	[tilespmem:s20+$0x1C480] =	vst v3;
	v3 =	vshll.u32 v5, $0x10  }
0xea: {  	v15 =	vld [tilespmem:s20+$0x160A0];
	[tilespmem:s20+$0x1C4C0] =	vst v4;
	v4 =	vand.u32 $0xFFFF0000, v5;
	v6 =	vmul.f32 v3, v11  }
0xeb: {  	v16 =	vld [tilespmem:s20+$0x160E0];
	[tilespmem:s20+$0x1B0C0] =	vst v7;
	v7 =	vmul.f32 v4, v62  }
0xec: {  	v5 =	vld [tilespmem:s20+$0x174A0];
	v3 =	vmul.f32 v3, v63;
	[tilespmem:s20+$0x1B090] =	vst v6  }
0xed: {  	v10 =	vmul.f32 v4, v14;
	v6 =	vld [tilespmem:s20+$0x174E0];
	[tilespmem:s20+$0x1B0D0] =	vst v7  }
0xee: {  	v4 =	vshll.u32 v9, $0x10;
	v7 =	vld [tilespmem:s20+$0x160B0];
	[tilespmem:s20+$0x1C490] =	vst v3  }
0xef: {  	v8 =	vld [tilespmem:s20+$0x160F0];
	v3 =	vand.u32 $0xFFFF0000, v9;
	[tilespmem:s20+$0x1C4D0] =	vst v10;
	v10 =	vmul.f32 v4, v15  }
0xf0: {  	s22 =	simm.s32 $0x400;
	s21 =	simm.s32 $0x80;
	v2 =	vshll.u32 v2, $0x10;
	v9 =	vld [tilespmem:s20+$0x174B0];
	v11 =	vmul.f32 v3, v16  }
.LBB2_7:
0xf1: {  	p1 =	sne.s32 s22, $0x4E00;
	v12 =	vld [tilespmem:s21+$0x19CB0];
	[tilespmem:s20+$0x1B0A0] =	vst v10;
	v4 =	vmul.f32 v4, v5  }
0xf2: {  	v5 =	vld [tilespmem:s21+$0x174F0];
	[tilespmem:s20+$0x1B0E0] =	vst v11;
	v3 =	vmul.f32 v3, v6  }
0xf3: {  	v6 =	vld [tilespmem:s21+$0x19C80];
	[tilespmem:s20+$0x1C4A0] =	vst v4;
	v4 =	vmul.f32 v2, v7  }
0xf4: {  	v7 =	vld [tilespmem:s21+$0x19C90];
	[tilespmem:s20+$0x1C4E0] =	vst v3;
	v3 =	vmul.f32 v1, v8  }
0xf5: {  	v8 =	vld [tilespmem:s21+$0x19CA0];
	[tilespmem:s20+$0x1B0B0] =	vst v4;
	v4 =	vmul.f32 v2, v9  }
0xf6: {  	v9 =	vld [tilespmem:s21+$0x16080];
	v2 =	vshll.u32 v12, $0x10;
	v1 =	vand.u32 $0xFFFF0000, v12;
	[tilespmem:s20+$0x1B0F0] =	vst v3  }
0xf7: {  	v10 =	vld [tilespmem:s21+$0x160C0];
	v3 =	vmul.f32 v1, v5;
	[tilespmem:s20+$0x1C4B0] =	vst v4;
	s20 =	smov.u32 s21  }
0xf8: {  	v5 =	vshll.u32 v6, $0x10;
	v6 =	vand.u32 $0xFFFF0000, v6;
	v11 =	vld [tilespmem:s20+$0x17480]  }
0xf9: {  	v12 =	vld [tilespmem:s20+$0x174C0];
	v13 =	vshll.u32 v7, $0x10;
	v7 =	vand.u32 $0xFFFF0000, v7;
	[tilespmem:s20+$0x1C4F0] =	vst v3  }
0xfa: {  	v14 =	vld [tilespmem:s20+$0x16090];
	v4 =	vshll.u32 v8, $0x10;
	v3 =	vand.u32 $0xFFFF0000, v8  }
0xfb: {  	v8 =	vmul.f32 v5, v9;
	v9 =	vld [tilespmem:s20+$0x160D0]  }
0xfc: {  	v10 =	vmul.f32 v6, v10;
	v15 =	vld [tilespmem:s20+$0x17490]  }
0xfd: {  	[tilespmem:s20+$0x1B080] =	vst v8;
	v5 =	vmul.f32 v5, v11;
	v8 =	vld [tilespmem:s20+$0x174D0]  }
0xfe: {  	[tilespmem:s20+$0x1B0C0] =	vst v10;
	v6 =	vmul.f32 v6, v12;
	v10 =	vld [tilespmem:s20+$0x160A0]  }
0xff: {  	[tilespmem:s20+$0x1C480] =	vst v5;
	v11 =	vmul.f32 v13, v14;
	v12 =	vld [tilespmem:s20+$0x160E0]  }
.Ltmp2:
0x100: {  	[tilespmem:s20+$0x1C4C0] =	vst v6;
	v9 =	vmul.f32 v7, v9;
	v5 =	vld [tilespmem:s20+$0x174A0];
	(pc) =	sbr.rel @p1 .LBB2_7-.Ltmp2, $4  }
0x101: {  	[tilespmem:s20+$0x1B090] =	vst v11;
	v11 =	vmul.f32 v13, v15;
	v6 =	vld [tilespmem:s20+$0x174E0]  }
0x102: {  	[tilespmem:s20+$0x1B0D0] =	vst v9;
	v9 =	vmul.f32 v7, v8;
	v7 =	vld [tilespmem:s20+$0x160B0]  }
0x103: {  	[tilespmem:s20+$0x1C490] =	vst v11;
	v10 =	vmul.f32 v4, v10;
	v8 =	vld [tilespmem:s20+$0x160F0]  }
0x104: {  	s21 =	sshra.s32 s22, $0x2;
	s22 =	sadd.s32 $0x200, s22;
	[tilespmem:s20+$0x1C4D0] =	vst v9;
	v11 =	vmul.f32 v3, v12;
	v9 =	vld [tilespmem:s20+$0x174B0]  }
0x105: {  	v12 =	vld [tilespmem:s21+$0x19CB0];
	[tilespmem:s20+$0x1B0A0] =	vst v10;
	v4 =	vmul.f32 v4, v5  }
0x106: {  	v10 =	vld [tilespmem:s21+$0x174F0];
	[tilespmem:s20+$0x1B0E0] =	vst v11;
	v3 =	vmul.f32 v3, v6  }
0x107: {  	v48 =	vld [tilespmem:s21+$0x19C80];
	[tilespmem:s20+$0x1C4A0] =	vst v4;
	v49 =	vmul.f32 v2, v7  }
0x108: {  	v4 =	vld [tilespmem:s21+$0x19C90];
	[tilespmem:s20+$0x1C4E0] =	vst v3;
	v1 =	vmul.f32 v1, v8  }
0x109: {  	v3 =	vld [tilespmem:s21+$0x19CA0];
	[tilespmem:s20+$0x1B0B0] =	vst v49;
	v2 =	vmul.f32 v2, v9  }
0x10a: {  	v6 =	vld [tilespmem:s21+$0x16080];
	[tilespmem:s20+$0x1B0F0] =	vst v1  }
0x10b: {  	v1 =	vld [tilespmem:s21+$0x160C0];
	[tilespmem:s20+$0x1C4B0] =	vst v2  }
0x10c: {  	v51 =	vld [tilespmem:s21+$0x17480]  }
0x10d: {  	v50 =	vand.u32 $0xFFFF0000, v12  }
0x10e: {  	v2 =	vmul.f32 v50, v10;
	v52 =	vld [tilespmem:s21+$0x174C0]  }
0x10f: {  	v53 =	vld [tilespmem:s21+$0x16090];
	v5 =	vand.u32 $0xFFFF0000, v48  }
0x110: {  	v13 =	vld [tilespmem:s21+$0x17490];
	[tilespmem:s21+$0x1C4F0] =	vst v2;
	v2 =	vshll.u32 v48, $0x10;
	v1 =	vmul.f32 v5, v1  }
0x111: {  	v11 =	vld [tilespmem:s21+$0x160D0];
	v6 =	vmul.f32 v2, v6;
	v2 =	vmul.f32 v2, v51  }
0x112: {  	v54 =	vld [tilespmem:s21+$0x174D0];
	[tilespmem:s21+$0x1B0C0] =	vst v1  }
0x113: {  	v5 =	vmul.f32 v5, v52;
	v1 =	vld [tilespmem:s21+$0x160A0];
	[tilespmem:s21+$0x1C480] =	vst v2;
	v2 =	vshll.u32 v4, $0x10  }
0x114: {  	v55 =	vld [tilespmem:s21+$0x160E0];
	[tilespmem:s21+$0x1B080] =	vst v6;
	v56 =	vmul.f32 v2, v53  }
0x115: {  	v57 =	vld [tilespmem:s21+$0x174A0];
	[tilespmem:s21+$0x1C4C0] =	vst v5;
	v4 =	vand.u32 $0xFFFF0000, v4;
	v2 =	vmul.f32 v2, v13  }
0x116: {  	v59 =	vld [tilespmem:s21+$0x174E0];
	v58 =	vmul.f32 v4, v11;
	[tilespmem:s21+$0x1B090] =	vst v56  }
0x117: {  	v60 =	vld [tilespmem:s21+$0x160B0];
	v4 =	vmul.f32 v4, v54;
	[tilespmem:s21+$0x1C490] =	vst v2;
	v2 =	vshll.u32 v3, $0x10  }
0x118: {  	v61 =	vld [tilespmem:s21+$0x160F0];
	[tilespmem:s21+$0x1B0D0] =	vst v58;
	v3 =	vand.u32 $0xFFFF0000, v3;
	v1 =	vmul.f32 v2, v1  }
0x119: {  	v63 =	vld [tilespmem:s21+$0x174B0];
	[tilespmem:s21+$0x1C4D0] =	vst v4;
	v62 =	vmul.f32 v3, v55  }
0x11a: {  	[tilespmem:s21+$0x1B0A0] =	vst v1;
	v1 =	vmul.f32 v2, v57  }
0x11b: {  	s19 =	sadd.s32 $0x1, s19;
	v3 =	vmul.f32 v3, v59;
	v2 =	vshll.u32 v12, $0x10;
	[tilespmem:s21+$0x1B0E0] =	vst v62  }
0x11c: {  	p1 =	sne.s32 s19, $0x7D;
	[tilespmem:s21+$0x1C4A0] =	vst v1;
	v1 =	vmul.f32 v2, v60  }
.Ltmp3:
0x11d: {  	[tilespmem:s21+$0x1C4E0] =	vst v3;
	v3 =	vmul.f32 v50, v61;
	(pc) =	sbr.rel @p1 .LBB2_4-.Ltmp3, $4  }
0x11e: {  	[tilespmem:s21+$0x1B0B0] =	vst v1;
	v1 =	vmul.f32 v2, v63  }
0x11f: {  	[tilespmem:s21+$0x1B0F0] =	vst v3  }
0x120: {  	s30 =	sadd.s32 $0x1DA80, s30;
	[tilespmem:s21+$0x1C4B0] =	vst v1  }
0x121: {  	[spmem:s1] =	stream.indirect.scatter.add.f32 [tilespmem:s28], [sflag:$0x6], $0x80, s30, s31, $0xb8;
	[tilespmem:$0x1DC80] =	vst v63  }
0x122: {  	_ =	swait.ge [sflag:s17], $0x2800  }
0x123: {  	[sflag:s17] =	ssyncset.done $0x0  }
0x124: {  	s19 =	stileid.u32;
	[sflag:s17] =	ssyncadd.s32 $0xFFFFD800  }
0x125: {  	s19 =	sshll.u32 s19, $0x6;
	[bflag:$0x0] =	sbarrier.arrive $0xFFFF  }
0x126: {  	s20 =	sshrl.u32 s10, $0x3;
	s19 =	sor.u32 $0x1C07, s19;
	s21 =	rddreg [dreg:$0x9]  }
0x127: {  	[hbm:s21], [sflag:s19] =	dma.local [spmem:s20], $0x2700  }
0x128: {  	_ =	swait.ge [sflag:s29], $0x2700  }
0x129: {  	[sflag:s29] =	ssyncset.done $0x0  }
0x12a: {  	s20 =	sshrl.u32 @!p0 s12, $0x3;
	s21 =	rddreg [dreg:$0xa];
	[sflag:s29] =	ssyncadd.s32 $0xFFFFD900  }
0x12b: {  	[hbm:s21], [sflag:s19] =	dma.local @!p0 [spmem:s20], $0x100  }
0x12c: {  	s19 =	simm.s32 @!p0 $0x7  }
0x12d: {  	_ =	swait.ge @!p0 [sflag:s19], $0x100  }
0x12e: {  	s18 =	sadd.s32 $0x1, s18;
	s30 =	rddreg [dreg:$0xb]  }
0x12f: {  	p1 =	sne.s32 s18, s30  }
.Ltmp4:
0x130: {  	_ = 	snop;
	(pc) =	sbr.rel @p1 .LBB2_1-.Ltmp4, $3  }
0x131: {  	_ =	sdelay $0x1  }
0x132: {  	[sflag:s19] =	ssyncset.done @!p0 $0x0  }
0x133: {  	[sflag:s19] =	ssyncadd.s32 @!p0 $0xFFFFFF00  }
0x134: {  	_ =	sfence.sel $0x180000  }
0x135: {  	[bflag:$0x0] =	sbarrier.arrive $0xFFFF  }
0x136: {  	_ =	strace $0x9000004D  }
0x137: {  	s0 =	stileid.u32;
	[bflag:$0x2] =	sbarrier.arrive $0xFFFF  }
0x138: {  	p0 =	sne.s32 s0, $0x0;
	s0 =	rddreg [dreg:$0x2]  }
0x139: {  	s0 =	sadd.s32 @!p0 $0x100000, s0  }
0x13a: {  	[sflag:s0] =	ssyncadd.tile.s32 @!p0 $0x1;
	_ =	shalt  }
.Lfunc_end2:
_tile_overlayer_lowered:
.L_overlay_start_2:
0x13b: {  	(tag) =	ssettag $0x2  }
0x13c: {  	s0 =	rddreg [dreg:$0x0];
	s2 =	stileid.u32  }
0x13d: {  	s1 =	rddreg [dreg:$0x1];
	p0 =	sne.s32 s2, $0x0  }
0x13e: {  	s3 =	rddreg [dreg:$0x2];
	[bflag:$0x3] =	sbarrier.arrive $0xFFFF;
	s2 =	simm.s32 @!p0 $0x1C07  }
0x13f: {  	[timem:s3], [sflag:s2] =	dma.local @!p0 [hbm:s0], s1  }
0x140: {  	s0 =	simm.s32 @!p0 $0x7  }
0x141: {  	_ =	swait.ge @!p0 [sflag:s0], s1  }
0x142: {  	s1 =	ssub.s32 @!p0 $0x0, s1;
	[sflag:s0] =	ssyncset.done @!p0 $0x0  }
0x143: {  	[sflag:s0] =	ssyncadd.s32 @!p0 s1  }
0x144: {  	[bflag:$0x3] =	sbarrier.arrive $0xFFFF  }
0x145: {  	_ =	shalt  }

// kernel: kernel.22.cloned.1.call-start
scs
__scs_entry_jumppad:
0x0: {  	(pc) =	sbr.rel $0x88, $3  }
0x1: {  	(tag) =	ssettag $0x0;
	lr =	simm.s32 $0x1  }
0x2: {  	[smem:$0x3F8F] =	sst lr;
	_ =	strace $0xD0000000  }
0x3: {  	_ = 	snop  }
0x4: {  	_ = 	snop  }
0x5: {  	_ = 	snop  }
0x6: {  	_ = 	snop  }
0x7: {  	_ = 	snop  }
__scs_overlays_trampoline_lowered:
0x8: {  	[smem:$0x3F9E] =	sst s0  }
0x9: {  	[smem:$0x3F9F] =	sst s1  }
0xa: {  	[smem:$0x3FA0] =	sst s2  }
0xb: {  	[smem:$0x3FA1] =	sst s3  }
0xc: {  	[smem:$0x3FA2] =	sst s4  }
0xd: {  	[smem:$0x3FA3] =	sst s5  }
0xe: {  	[smem:$0x3FA4] =	sst s6  }
0xf: {  	[smem:$0x3FA5] =	sst s7  }
0x10: {  	[smem:$0x3FA6] =	sst s8  }
0x11: {  	[smem:$0x3FA7] =	sst s9;
	s0 =	simm.s32 @!p0 $0x0  }
0x12: {  	s1 =	sld [smem:$0x3F8D];
	s0 =	simm.s32 @p0 $0x1  }
0x13: {  	[smem:$0x3FA8] =	sst s0;
	s0 =	simm.s32 @!p1 $0x0  }
0x14: {  	s2 =	sld [smem:$0x3F8C];
	s0 =	simm.s32 @p1 $0x1  }
0x15: {  	[smem:$0x3FA9] =	sst s0;
	s0 =	simm.s32 @!p2 $0x0  }
0x16: {  	s3 =	sld [smem:$0x3FDB];
	s0 =	simm.s32 @p2 $0x1  }
0x17: {  	s4 =	simm.s32 $0x1BF5;
	[smem:$0x3FAB] =	sst s0  }
0x18: {  	s0 =	sld [smem:$0x3F8E];
	_ =	swait.ge [sflag:s4], $0x0  }
0x19: {  	s7 =	sld [smem:$0x3F8F]  }
0x1a: {  	s8 =	sadd.s32 $0xFFFFE003, lr  }
0x1b: {  	s9 =	sadd.s32 $0xFFFFFEF7, lr;
	s5 =	simm.s32 $0xFFFFFFFF;
	p2 =	slt.u32 s8, $0xFFFFF086  }
0x1c: {  	p1 =	slt.u32 s9, $0xF7A;
	s5 =	simm.s32 @!p2 $0x0  }
0x1d: {  	s5 =	simm.s32 @p1 $0x1;
	p0 =	seq.s32 s7, s2  }
0x1e: {  	s7 =	smul.u32 @!p0 $0xF7A, s2;
	p2 =	seq.s32 @!p0 s5, $0x0  }
0x1f: {  	s9 =	smul.u32 $0xF7A, s1;
	s8 =	simm.s32 @!p0 $0x1BF5;
	p2 =	por !p2, p0  }
0x20: {  	[sflag:s8] =	ssyncset.s32 @!p0 $0xFFFFF086;
	s6 =	sadd.s32 @!p0 s3, s7;
	s7 =	simm.s32 @!p0 $0x108  }
0x21: {  	s3 =	sadd.s32 s3, s9;
	s6 =	sadd.s32 @!p0 $0x88, s6;
	s7 =	simm.s32 @p2 $0x1082  }
0x22: {  	[simem:s7], [sflag:s8] =	dma.local @!p0 [hbm:s6], $0xF7A  }
0x23: {  	s9 =	sor.u32 $0xD0000000, s2;
	s6 =	simm.s32 $0x108;
	_ =	swait.ge @!p0 [sflag:s8], $0x0  }
0x24: {  	s3 =	sadd.s32 $0x88, s3;
	s6 =	simm.s32 @!p1 $0x1082;
	[sflag:s4] =	ssyncset.s32 $0xFFFFF086  }
0x25: {  	[simem:s6], [sflag:s4] =	dma.local [hbm:s3], $0xF7A  }
0x26: {  	[smem:$0x3F8F] =	sst s1;
	(tag) =	ssettag s2;
	_ =	strace s9  }
0x27: {  	s1 =	sld [smem:$0x3F9F]  }
0x28: {  	s2 =	sld [smem:$0x3FA0]  }
0x29: {  	s4 =	sld [smem:$0x3FA2]  }
0x2a: {  	p0 =	seq.s32 s5, $0x0;
	s5 =	sld [smem:$0x3FA3]  }
0x2b: {  	s6 =	sld [smem:$0x3FA4]  }
0x2c: {  	s7 =	sld [smem:$0x3FA5]  }
0x2d: {  	s3 =	simm.s32 $0x108;
	s8 =	sld [smem:$0x3FA6]  }
0x2e: {  	s3 =	simm.s32 @!p0 $0x1082;
	s9 =	sld [smem:$0x3FA7]  }
0x2f: {  	lr =	sadd.s32 s0, s3;
	s0 =	sld [smem:$0x3F9E]  }
0x30: {  	s3 =	sld [smem:$0x3FA1]  }
0x31: {  	[smem:$0x3FAA] =	sst s10  }
0x32: {  	s10 =	sld [smem:$0x3FA8];
	_ =	sdelay $0x3  }
0x33: {  	p0 =	seq.s32 s10, $0x1;
	s10 =	sld [smem:$0x3FAA];
	_ =	sdelay $0x3  }
0x34: {  	[smem:$0x3FAA] =	sst s10  }
0x35: {  	s10 =	sld [smem:$0x3FA9];
	_ =	sdelay $0x3  }
0x36: {  	p1 =	seq.s32 s10, $0x1;
	s10 =	sld [smem:$0x3FAA];
	_ =	sdelay $0x3  }
0x37: {  	[smem:$0x3FAA] =	sst s10  }
0x38: {  	s10 =	sld [smem:$0x3FAB]  }
0x39: {  	_ = 	snop;
	(pc) =	sbr.ind lr, $3  }
0x3a: {  	_ = 	snop  }
0x3b: {  	_ = 	snop  }
0x3c: {  	p2 =	seq.s32 s10, $0x1;
	s10 =	sld [smem:$0x3FAA]  }
0x3d: {  	_ =	shalt  }
0x3e: {  	_ =	shalt  }
0x3f: {  	_ =	shalt  }
0x40: {  	_ =	shalt  }
0x41: {  	_ =	shalt  }
0x42: {  	_ =	shalt  }
0x43: {  	_ =	shalt  }
0x44: {  	_ =	shalt  }
0x45: {  	_ =	shalt  }
0x46: {  	_ =	shalt  }
0x47: {  	_ =	shalt  }
0x48: {  	_ =	shalt  }
0x49: {  	_ =	shalt  }
0x4a: {  	_ =	shalt  }
0x4b: {  	_ =	shalt  }
0x4c: {  	_ =	shalt  }
0x4d: {  	_ =	shalt  }
0x4e: {  	_ =	shalt  }
0x4f: {  	_ =	shalt  }
0x50: {  	_ =	shalt  }
0x51: {  	_ =	shalt  }
0x52: {  	_ =	shalt  }
0x53: {  	_ =	shalt  }
0x54: {  	_ =	shalt  }
0x55: {  	_ =	shalt  }
0x56: {  	_ =	shalt  }
0x57: {  	_ =	shalt  }
0x58: {  	_ =	shalt  }
0x59: {  	_ =	shalt  }
0x5a: {  	_ =	shalt  }
0x5b: {  	_ =	shalt  }
0x5c: {  	_ =	shalt  }
0x5d: {  	_ =	shalt  }
0x5e: {  	_ =	shalt  }
0x5f: {  	_ =	shalt  }
0x60: {  	_ =	shalt  }
0x61: {  	_ =	shalt  }
0x62: {  	_ =	shalt  }
0x63: {  	_ =	shalt  }
0x64: {  	_ =	shalt  }
0x65: {  	_ =	shalt  }
0x66: {  	_ =	shalt  }
0x67: {  	_ =	shalt  }
0x68: {  	_ =	shalt  }
0x69: {  	_ =	shalt  }
0x6a: {  	_ =	shalt  }
0x6b: {  	_ =	shalt  }
0x6c: {  	_ =	shalt  }
0x6d: {  	_ =	shalt  }
0x6e: {  	_ =	shalt  }
0x6f: {  	_ =	shalt  }
0x70: {  	_ =	shalt  }
0x71: {  	_ =	shalt  }
0x72: {  	_ =	shalt  }
0x73: {  	_ =	shalt  }
0x74: {  	_ =	shalt  }
0x75: {  	_ =	shalt  }
0x76: {  	_ =	shalt  }
0x77: {  	_ =	shalt  }
0x78: {  	_ =	shalt  }
0x79: {  	_ =	shalt  }
0x7a: {  	_ =	shalt  }
0x7b: {  	_ =	shalt  }
0x7c: {  	_ =	shalt  }
0x7d: {  	_ =	shalt  }
0x7e: {  	_ =	shalt  }
0x7f: {  	_ =	shalt  }
0x80: {  	_ =	shalt  }
0x81: {  	_ =	shalt  }
0x82: {  	_ =	shalt  }
0x83: {  	_ =	shalt  }
0x84: {  	_ =	shalt  }
0x85: {  	_ =	shalt  }
0x86: {  	_ =	shalt  }
0x87: {  	_ =	shalt  }
.Lfunc_end0:
.L_simem_size_0:
called_computation.3_lowered:
.L_overlay_start_0:
0x88: {  	s2 =	sld [smem:$0x3FD9]  }
0x89: {  	s3 =	sld [smem:$0x3FFE];
	_ =	sdelay $0x1  }
0x8a: {  	s1 =	srdreg.scid  }
0x8b: {  	s0 =	sand.u32 $0x1, s1  }
0x8c: {  	s16 =	sshll.u32 s0, $0xA;
	s2 =	sadd.s32 s3, s2  }
0x8d: {  	s2 =	sadd.s32 s2, s16  }
0x8e: {  	[smem:$0x3FB6] =	sst s2  }
0x8f: {  	_ = 	snop  }
0x90: {  	(tm) =	ssettm $0x1  }
0x91: {  	s17 =	sld [smem:$0x3FFB];
	_ =	sdelay $0x3  }
0x92: {  	_ =	strace s17  }
0x93: {  	s2 =	sld [smem:$0x3FFC];
	_ =	sdelay $0x3  }
0x94: {  	_ =	strace s2  }
0x95: {  	s2 =	sld [smem:$0x3FFD];
	_ =	sdelay $0x3  }
0x96: {  	_ =	strace s2  }
0x97: {  	_ =	strace $0x8FFFFFFF  }
0x98: {  	s18 =	sld [smem:$0x3FDB];
	_ =	sdelay $0x1  }
0x99: {  	s19 =	simm.s32 $_scs_section_size  }
0x9a: {  	s4 =	simm.s32 $_size__tile_overlayer_lowered;
	s5 =	simm.s32 $_tile_overlayer_lowered  }
0x9b: {  	s22 =	simm.s32 $0x1BFF;
	s21 =	sshll.u32 s5, $0x1;
	s2 =	sadd.s32 s19, s18  }
0x9c: {  	s6 =	simm.s32 $0x0;
	s20 =	sshll.u32 s4, $0x1;
	s4 =	sadd.s32 s21, s2  }
0x9d: {  	[timem:s6], [sflag:s22] =	dma.local [hbm:s4], s20  }
0x9e: {  	_ =	swait.ge [sflag:s22], s20  }
0x9f: {  	s3 =	ssub.s32 $0x0, s20;
	[sflag:s22] =	ssyncset.done $0x0  }
0xa0: {  	[sflag:s22] =	ssyncadd.s32 s3;
	_ =	sdelay $0x1  }
0xa1: {  	s23 =	simm.s32 $0x1B8B  }
0xa2: {  	_ =	swait.ge [sflag:s23], $0x1  }
0xa3: {  	[sflag:s23] =	ssyncset.done $0x0  }
0xa4: {  	s25 =	simm.s32 $0x1B8E;
	s24 =	sld [smem:$0x3FFE];
	[sflag:s23] =	ssyncadd.s32 $0xFFFFFFFF  }
0xa5: {  	s26 =	simm.s32 $execute0_lowered;
	[smem:$0x3FD2] =	sst s25  }
0xa6: {  	s4 =	sshll.u32 s26, $0x1;
	_ =	strace $0x8000004F;
	[dreg:$0x1] =	wrdreg $0xFFFFFFFF  }
0xa7: {  	s28 =	simm.s32 $_size_execute0_lowered;
	s2 =	sadd.s32 s2, s4;
	[dreg:$0x0] =	wrdreg $0x0  }
0xa8: {  	s4 =	sshll.u32 s28, $0x1;
	[dreg:$0x2] =	wrdreg s2  }
0xa9: {  	[dreg:$0x3] =	wrdreg s4  }
0xaa: {  	[dreg:$0x4] =	wrdreg $0xC0  }
0xab: {  	_ =	task [dreg:s6], $0x5FFFF  }
0xac: {  	[dreg:$0x1] =	wrdreg $0xFFFFFFFF  }
0xad: {  	[dreg:$0x0] =	wrdreg $0x60  }
0xae: {  	[dreg:$0x2] =	wrdreg s24  }
0xaf: {  	[dreg:$0x3] =	wrdreg $0x0  }
0xb0: {  	[dreg:$0x4] =	wrdreg $0x9  }
0xb1: {  	_ =	task.clear_ibuf [dreg:s6], $0x5FFFF;
	_ =	strace $0x9000004F  }
0xb2: {  	s29 =	simm.s32 $0x9;
	_ =	strace $0x80000051  }
0xb3: {  	_ =	swait.ge [sflag:s29], $0x1  }
0xb4: {  	[sflag:s29] =	ssyncadd.s32 $0xFFFFFFFF  }
0xb5: {  	_ =	strace $0x90000051  }
0xb6: {  	_ =	sfence  }
0xb7: {  	s30 =	sld [smem:$0x0];
	_ =	sdelay $0x2  }
0xb8: {  	s31 =	sshll.u32 s1, $0xD;
	s1 =	sshrl.u32 s1, $0x2  }
0xb9: {  	s3 =	sand.u32 $0x4000, s31;
	s1 =	sadd.s32 s1, s30  }
0xba: {  	s0 =	sor.u32 s3, s0;
	s1 =	sshll.u32 s1, $0x11  }
0xbb: {  	s0 =	sor.u32 s1, s0  }
0xbc: {  	s0 =	sadd.s32 $0x8F2B, s0  }
0xbd: {  	[sflag:s0] =	ssyncadd.remote.s32 $0x1  }
0xbe: {  	_ =	sfence.sel $0xFFFF  }
0xbf: {  	[dreg:$0x0] =	wrdreg $0xFFFFFFFF;
	(pc) =	sbr.abs _section_cstart, $3  }
0xc0: {  	[dreg:$0x1] =	wrdreg $0xFFFFFFFF  }
0xc1: {  	_ =	task.clear_ibuf [dreg:s6], $0x2FFFF;
	_ =	strace $0x9FFFFFFF  }
0xc2: {  	(tm) =	ssettm $0x7FFFFFFF  }
0xc3: {  	_ =	shalt  }
tec
execute0_lowered:
.L_overlay_start_1:
0x0: {  	(tag) =	ssettag $0x1  }
0x1: {  	s0 =	rddreg [dreg:$0x0]  }
0x2: {  	s1 =	rddreg [dreg:$0x1];
	s2 =	simm.s32 $0x0;
	s3 =	srdreg.scid  }
0x3: {  	s16 =	stileid.u32;
	s28 =	simm.s32 $0x1B080;
	s29 =	simm.s32 $0x7  }
0x4: {  	s31 =	simm.s32 $0x50;
	[smem:$0x7FF] =	sst s2;
	s4 =	sadd.s32 $0x63A00, s0  }
0x5: {  	s3 =	sand.u32 $0x1, s3;
	s8 =	sshll.u32 s16, $0x1;
	s9 =	smul.u32 $0x4E000, s16  }
0x6: {  	s5 =	sadd.s32 $0x5F6400, s0;
	s15 =	smul.u32 $0x13800, s16;
	s11 =	sor.u32 s3, s8  }
0x7: {  	s6 =	sadd.s32 $0x8B600, s0;
	s7 =	sadd.s32 $0x25C00, s0;
	s8 =	smul.u32 $0x2710, s11  }
0x8: {  	s0 =	sadd.s32 $0x9F000, s0;
	s10 =	sshrl.u32 s9, $0x2;
	s9 =	smul.u32 $0x4E20, s11  }
0x9: {  	s12 =	ssub.s32 $0x2, s3;
	s11 =	smul.u32 $0x27100, s11;
	s10 =	sadd.s32 s10, s1  }
0xa: {  	_ =	strace $0x80000050;
	s13 =	sshrl.u32 s12, $0x1;
	s26 =	sadd.s32 $0x11800, s10  }
0xb: {  	s13 =	ssub.s32 s12, s13;
	s11 =	sadd.s32 s5, s11;
	[dreg:$0x3] =	wrdreg s26  }
0xc: {  	p0 =	sne.s32 s16, $0xF;
	s21 =	smax.u32 s13, $0x1;
	[dreg:$0x8] =	wrdreg s11  }
0xd: {  	s16 =	simm.s32 $0x5;
	s22 =	sadd.s32 $0x2800, s10;
	[dreg:$0xb] =	wrdreg s21  }
0xe: {  	s3 =	smul.u32 $0x138800, s3;
	s23 =	sadd.s32 $0x5000, s10;
	[dreg:$0xc] =	wrdreg s22  }
0xf: {  	s12 =	sadd.s32 $0x138000, s1;
	s24 =	sadd.s32 $0x7800, s10;
	[dreg:$0xd] =	wrdreg s23  }
0x10: {  	s14 =	sshrl.u32 s9, $0x3;
	s25 =	sadd.s32 $0xA000, s10;
	[dreg:$0xe] =	wrdreg s24  }
0x11: {  	s15 =	sadd.s32 s15, s3;
	s17 =	sadd.s32 s6, s14;
	[dreg:$0xf] =	wrdreg s25  }
0x12: {  	s19 =	sshrl.u32 s15, $0x3;
	s30 =	sadd.s32 s7, s14;
	[dreg:$0x4] =	wrdreg s17  }
0x13: {  	s3 =	sshrl.u32 s3, $0x3;
	s20 =	sadd.s32 s0, s19;
	[dreg:$0x5] =	wrdreg s30  }
0x14: {  	s14 =	sadd.s32 $0xA, s14;
	s26 =	sadd.s32 $0xC800, s10;
	[dreg:$0x9] =	wrdreg s20  }
0x15: {  	s13 =	simm.s32 $0x19C80;
	s18 =	sadd.s32 s6, s14;
	[dreg:$0x10] =	wrdreg s26  }
0x16: {  	s0 =	sadd.s32 s0, s3;
	s14 =	sadd.s32 s7, s14;
	[dreg:$0x6] =	wrdreg s18  }
0x17: {  	s15 =	simm.s32 $0x2;
	s0 =	sadd.s32 $0x27000, s0;
	[dreg:$0x7] =	wrdreg s14  }
0x18: {  	s3 =	simm.s32 $0x4;
	s30 =	sadd.s32 $0xF000, s10;
	[dreg:$0xa] =	wrdreg s0  }
0x19: {  	s11 =	simm.s32 $0x16080;
	s17 =	simm.s32 $0x6;
	[dreg:$0x11] =	wrdreg s30  }
0x1a: {  	v0 =	vimm.f32 $0.0e+00;
	s0 =	simm.s32 $0x3;
	s14 =	simm.s32 $0x1;
	s18 =	simm.s32 $0x0  }
.LBB2_1:
0x1b: {  	s19 =	simm.s32 $0x70;
	s20 =	simm.s32 $0x3C0  }
.LBB2_2:
0x1c: {  	p1 =	sne.s32 s20, $0x9FC0;
	[tilespmem:s19+$0x1B080] =	vst v0  }
0x1d: {  	[tilespmem:s19+$0x1B010] =	vst v0  }
0x1e: {  	[tilespmem:s19+$0x1B020] =	vst v0  }
.Ltmp0:
0x1f: {  	[tilespmem:s19+$0x1B030] =	vst v0;
	(pc) =	sbr.rel @p1 .LBB2_2-.Ltmp0, $4  }
0x20: {  	[tilespmem:s19+$0x1B040] =	vst v0  }
0x21: {  	[tilespmem:s19+$0x1B050] =	vst v0  }
0x22: {  	[tilespmem:s19+$0x1B060] =	vst v0  }
0x23: {  	[tilespmem:s19+$0x1B070] =	vst v0;
	s19 =	sshra.s32 s20, $0x2;
	s20 =	sadd.s32 $0x200, s20  }
0x24: {  	[tilespmem:s19+$0x1B080] =	vst v0  }
0x25: {  	[tilespmem:s19+$0x1B010] =	vst v0  }
0x26: {  	[tilespmem:s19+$0x1B020] =	vst v0  }
0x27: {  	[tilespmem:s19+$0x1B030] =	vst v0  }
0x28: {  	[tilespmem:s19+$0x1B040] =	vst v0  }
0x29: {  	[tilespmem:s19+$0x1B050] =	vst v0  }
0x2a: {  	[tilespmem:s19+$0x1B060] =	vst v0  }
0x2b: {  	[tilespmem:s19+$0x1B070] =	vst v0  }
0x2c: {  	[spmem:s10] =	stream.linear.scatter [tilespmem:s28], [sflag:$0x7], $0x2800, $0x38;
	[tilespmem:$0x1DC80] =	vst v63  }
0x2d: {  	_ =	swait.ge [sflag:s29], $0x2800  }
0x2e: {  	[sflag:s29] =	ssyncset.done $0x0  }
0x2f: {  	s26 =	rddreg [dreg:$0xc];
	[sflag:s29] =	ssyncadd.s32 $0xFFFFD800  }
0x30: {  	[spmem:s26] =	stream.linear.scatter [tilespmem:s28], [sflag:$0x7], $0x2800, $0x38;
	[tilespmem:$0x1DC80] =	vst v63  }
0x31: {  	_ =	swait.ge [sflag:s29], $0x2800  }
0x32: {  	[sflag:s29] =	ssyncset.done $0x0  }
0x33: {  	s30 =	rddreg [dreg:$0xd];
	[sflag:s29] =	ssyncadd.s32 $0xFFFFD800  }
0x34: {  	[spmem:s30] =	stream.linear.scatter [tilespmem:s28], [sflag:$0x7], $0x2800, $0x38;
	[tilespmem:$0x1DC80] =	vst v63  }
0x35: {  	_ =	swait.ge [sflag:s29], $0x2800  }
0x36: {  	[sflag:s29] =	ssyncset.done $0x0  }
0x37: {  	s20 =	rddreg [dreg:$0xe];
	[sflag:s29] =	ssyncadd.s32 $0xFFFFD800  }
0x38: {  	[spmem:s20] =	stream.linear.scatter [tilespmem:s28], [sflag:$0x7], $0x2800, $0x38;
	[tilespmem:$0x1DC80] =	vst v63  }
0x39: {  	_ =	swait.ge [sflag:s29], $0x2800  }
0x3a: {  	[sflag:s29] =	ssyncset.done $0x0  }
0x3b: {  	s21 =	rddreg [dreg:$0xf];
	[sflag:s29] =	ssyncadd.s32 $0xFFFFD800  }
0x3c: {  	[spmem:s21] =	stream.linear.scatter [tilespmem:s28], [sflag:$0x7], $0x2800, $0x38;
	[tilespmem:$0x1DC80] =	vst v63  }
0x3d: {  	_ =	swait.ge [sflag:s29], $0x2800  }
0x3e: {  	[sflag:s29] =	ssyncset.done $0x0  }
0x3f: {  	s22 =	rddreg [dreg:$0x10];
	[sflag:s29] =	ssyncadd.s32 $0xFFFFD800  }
0x40: {  	[spmem:s22] =	stream.linear.scatter [tilespmem:s28], [sflag:$0x7], $0x2800, $0x38;
	[tilespmem:$0x1DC80] =	vst v63  }
0x41: {  	_ =	swait.ge [sflag:s29], $0x2800  }
0x42: {  	[sflag:s29] =	ssyncset.done $0x0  }
0x43: {  	s23 =	rddreg [dreg:$0x11];
	[sflag:s29] =	ssyncadd.s32 $0xFFFFD800  }
0x44: {  	[spmem:s23] =	stream.linear.scatter [tilespmem:s28], [sflag:$0x7], $0x2800, $0x38;
	[tilespmem:$0x1DC80] =	vst v63  }
0x45: {  	_ =	swait.ge [sflag:s29], $0x2800  }
0x46: {  	[sflag:s29] =	ssyncset.done $0x0  }
0x47: {  	s24 =	rddreg [dreg:$0x3];
	[sflag:s29] =	ssyncadd.s32 $0xFFFFD800  }
0x48: {  	[spmem:s24] =	stream.linear.scatter [tilespmem:s28], [sflag:$0x7], $0x2000, $0x38;
	[tilespmem:$0x1DC80] =	vst v63  }
0x49: {  	_ =	swait.ge [sflag:s29], $0x2000  }
0x4a: {  	[sflag:s29] =	ssyncset.done $0x0  }
0x4b: {  	s19 =	simm.s32 @!p0 $0x1B080;
	[sflag:s29] =	ssyncadd.s32 $0xFFFFE000  }
0x4c: {  	[spmem:s12] =	stream.linear.scatter @!p0 [tilespmem:s19], [sflag:$0x7], $0x800, $0x38;
	[tilespmem:$0x1DC80] =	vst v63  }
0x4d: {  	s19 =	simm.s32 @!p0 $0x7  }
0x4e: {  	_ =	swait.ge @!p0 [sflag:s19], $0x800  }
0x4f: {  	[sflag:s19] =	ssyncset.done @!p0 $0x0  }
0x50: {  	[sflag:s19] =	ssyncadd.s32 @!p0 $0xFFFFF800  }
0x51: {  	[bflag:$0x0] =	sbarrier.arrive $0xFFFF  }
0x52: {  	s21 =	simm.s32 $0x1D880;
	s19 =	simm.s32 $0x0;
	s20 =	rddreg [dreg:$0x4]  }
0x53: {  	[tilespmem:s21], [sflag:$0x3] =	stream.linear.gather [hbm4b:s20+s19], $0x50, $0x38;
	[tilespmem:$0x1DC80] =	vst v63  }
0x54: {  	s22 =	simm.s32 $0x1DA80;
	s25 =	rddreg [dreg:$0x5]  }
0x55: {  	[tilespmem:s22], [sflag:$0x3] =	stream.linear.gather [hbm4b:s25+s19], $0x50, $0x38;
	[tilespmem:$0x1DC80] =	vst v63  }
0x56: {  	s30 =	simm.s32 $0x1D900;
	s26 =	rddreg [dreg:$0x6]  }
0x57: {  	[tilespmem:s30], [sflag:$0x4] =	stream.linear.gather [hbm4b:s26+s19], $0x50, $0x38;
	[tilespmem:$0x1DC80] =	vst v63  }
0x58: {  	s24 =	simm.s32 $0x1DB00;
	s23 =	rddreg [dreg:$0x7]  }
0x59: {  	[tilespmem:s24], [sflag:$0x4] =	stream.linear.gather [hbm4b:s23+s19], $0x50, $0x38;
	[tilespmem:$0x1DC80] =	vst v63  }
0x5a: {  	_ =	swait.ge [sflag:s0], $0x50  }
0x5b: {  	[sflag:s0] =	ssyncset.done $0x0  }
0x5c: {  	[sflag:s0] =	ssyncadd.s32 $0xFFFFFFB0  }
0x5d: {  	_ =	swait.ge [sflag:s0], $0x50  }
0x5e: {  	[sflag:s0] =	ssyncset.done $0x0  }
0x5f: {  	s25 =	simm.s32 $0x13880;
	[sflag:s0] =	ssyncadd.s32 $0xFFFFFFB0  }
0x60: {  	[tilespmem:s25], [sflag:$0x1] =	stream.indirect.gather [hbm4b:s4+s31], $0x80, s21, s31, $0xb8;
	[tilespmem:$0x1DC80] =	vst v63  }
0x61: {  	s30 =	simm.s32 $0x18880;
	s26 =	rddreg [dreg:$0x8]  }
0x62: {  	[tilespmem:s30], [sflag:$0x1] =	stream.linear.gather [hbm4b:s26+s19], $0x1400, $0x38;
	[tilespmem:$0x1DC80] =	vst v63  }
.LBB2_4:
0x63: {  	s22 =	sshll.u32 s19, $0x1  }
0x64: {  	p1 =	seq.s32 s19, $0x7C;
	s20 =	sadd.s32 $0x2, s22  }
0x65: {  	s21 =	smul.u32 @!p1 $0x50, s20;
	_ =	sdelay $0x1  }
0x66: {  	s23 =	sshll.u32 @!p1 s20, $0x7;
	s21 =	sadd.s32 @!p1 s9, s21  }
0x67: {  	s23 =	sand.u32 @!p1 $0x100, s23;
	s24 =	sshrl.u32 @!p1 s21, $0x3  }
0x68: {  	s30 =	simm.s32 @!p1 $0x0;
	s21 =	sor.u32 @!p1 $0x1D880, s23;
	s25 =	sadd.s32 @!p1 s6, s24  }
0x69: {  	[tilespmem:s21], [sflag:$0x3] =	stream.linear.gather @!p1 [hbm4b:s25+s30], $0x50, $0x38;
	[tilespmem:$0x1DC80] =	vst v63  }
0x6a: {  	s23 =	sor.u32 @!p1 $0x1DA80, s23;
	s24 =	sadd.s32 @!p1 s7, s24  }
0x6b: {  	[tilespmem:s23], [sflag:$0x3] =	stream.linear.gather @!p1 [hbm4b:s24+s30], $0x50, $0x38;
	[tilespmem:$0x1DC80] =	vst v63  }
0x6c: {  	_ =	swait.ge [sflag:s3], $0x50  }
0x6d: {  	s25 =	sor.u32 $0x1, s22;
	[sflag:s3] =	ssyncset.done $0x0  }
0x6e: {  	s23 =	smul.u32 $0x28, s25;
	[sflag:s3] =	ssyncadd.s32 $0xFFFFFFB0  }
0x6f: {  	s26 =	sshll.u32 s25, $0x7;
	_ =	swait.ge [sflag:s3], $0x50  }
0x70: {  	s30 =	sand.u32 $0x180, s26;
	s23 =	sadd.s32 s8, s23;
	[sflag:s3] =	ssyncset.done $0x0  }
0x71: {  	s24 =	sadd.s32 $0x1D880, s30;
	s23 =	sshll.u32 s23, $0x4;
	[sflag:s3] =	ssyncadd.s32 $0xFFFFFFB0  }
0x72: {  	[tilespmem:s11], [sflag:$0x2] =	stream.indirect.gather [hbm4b:s4+s31], $0x80, s24, s31, $0xb8;
	[tilespmem:$0x1DC80] =	vst v63  }
0x73: {  	s23 =	sadd.s32 s5, s23  }
0x74: {  	[tilespmem:s13], [sflag:$0x2] =	stream.linear.gather [hbm4b:s23+s2], $0x1400, $0x38;
	[tilespmem:$0x1DC80] =	vst v63  }
0x75: {  	_ =	swait.ge [sflag:s14], $0x2800  }
0x76: {  	[sflag:s14] =	ssyncset.done $0x0  }
0x77: {  	[sflag:s14] =	ssyncadd.s32 $0xFFFFD800  }
0x78: {  	_ =	swait.ge [sflag:s14], $0x1400  }
0x79: {  	p2 =	seq.s32 s19, $0x0;
	[sflag:s14] =	ssyncset.done $0x0  }
0x7a: {  	s23 =	simm.s32 @!p2 $0x6;
	[sflag:s14] =	ssyncadd.s32 $0xFFFFEC00  }
0x7b: {  	_ =	swait.ge @!p2 [sflag:s23], $0x2800  }
0x7c: {  	[sflag:s23] =	ssyncset.done @!p2 $0x0  }
0x7d: {  	[sflag:s23] =	ssyncadd.s32 @!p2 $0xFFFFD800;
	s23 =	simm.s32 $0x0  }
0x7e: {  	v2 =	vld [tilespmem:s23+$0x188B0]  }
0x7f: {  	v3 =	vld [tilespmem:s23+$0x14CF0]  }
0x80: {  	v4 =	vld [tilespmem:s23+$0x18880]  }
0x81: {  	v6 =	vld [tilespmem:s23+$0x13880]  }
0x82: {  	v7 =	vld [tilespmem:s23+$0x138C0]  }
0x83: {  	v8 =	vld [tilespmem:s23+$0x14C80];
	v1 =	vand.u32 $0xFFFF0000, v2  }
0x84: {  	v10 =	vld [tilespmem:s23+$0x14CC0];
	v3 =	vmul.f32 v1, v3  }
0x85: {  	v5 =	vld [tilespmem:s23+$0x18890]  }
0x86: {  	v11 =	vld [tilespmem:s23+$0x13890];
	[tilespmem:s23+$0x1C4F0] =	vst v3;
	v3 =	vshll.u32 v4, $0x10  }
0x87: {  	v12 =	vld [tilespmem:s23+$0x138D0];
	v6 =	vmul.f32 v3, v6  }
0x88: {  	v13 =	vld [tilespmem:s23+$0x14C90];
	v4 =	vand.u32 $0xFFFF0000, v4;
	v3 =	vmul.f32 v3, v8  }
0x89: {  	v14 =	vld [tilespmem:s23+$0x14CD0];
	v7 =	vmul.f32 v4, v7;
	v4 =	vmul.f32 v4, v10;
	[tilespmem:s23+$0x1B080] =	vst v6  }
0x8a: {  	v9 =	vld [tilespmem:s23+$0x188A0];
	[tilespmem:s23+$0x1C480] =	vst v3;
	v3 =	vshll.u32 v5, $0x10  }
0x8b: {  	v15 =	vld [tilespmem:s23+$0x138A0];
	[tilespmem:s23+$0x1C4C0] =	vst v4;
	v4 =	vand.u32 $0xFFFF0000, v5;
	v6 =	vmul.f32 v3, v11  }
0x8c: {  	v16 =	vld [tilespmem:s23+$0x138E0];
	[tilespmem:s23+$0x1B0C0] =	vst v7;
	v7 =	vmul.f32 v4, v12  }
0x8d: {  	v5 =	vld [tilespmem:s23+$0x14CA0];
	v3 =	vmul.f32 v3, v13;
	[tilespmem:s23+$0x1B090] =	vst v6  }
0x8e: {  	v10 =	vmul.f32 v4, v14;
	v6 =	vld [tilespmem:s23+$0x14CE0];
	[tilespmem:s23+$0x1B0D0] =	vst v7  }
0x8f: {  	v4 =	vshll.u32 v9, $0x10;
	v7 =	vld [tilespmem:s23+$0x138B0];
	[tilespmem:s23+$0x1C490] =	vst v3  }
0x90: {  	v8 =	vld [tilespmem:s23+$0x138F0];
	v3 =	vand.u32 $0xFFFF0000, v9;
	[tilespmem:s23+$0x1C4D0] =	vst v10;
	v10 =	vmul.f32 v4, v15  }
0x91: {  	s25 =	simm.s32 $0x400;
	s24 =	simm.s32 $0x80;
	v2 =	vshll.u32 v2, $0x10;
	v9 =	vld [tilespmem:s23+$0x14CB0];
	v11 =	vmul.f32 v3, v16  }
.LBB2_5:
0x92: {  	p2 =	sne.s32 s25, $0x4E00;
	v12 =	vld [tilespmem:s24+$0x188B0];
	[tilespmem:s23+$0x1B0A0] =	vst v10;
	v4 =	vmul.f32 v4, v5  }
0x93: {  	v5 =	vld [tilespmem:s24+$0x14CF0];
	[tilespmem:s23+$0x1B0E0] =	vst v11;
	v3 =	vmul.f32 v3, v6  }
0x94: {  	v6 =	vld [tilespmem:s24+$0x18880];
	[tilespmem:s23+$0x1C4A0] =	vst v4;
	v4 =	vmul.f32 v2, v7  }
0x95: {  	v7 =	vld [tilespmem:s24+$0x18890];
	[tilespmem:s23+$0x1C4E0] =	vst v3;
	v3 =	vmul.f32 v1, v8  }
0x96: {  	v8 =	vld [tilespmem:s24+$0x188A0];
	[tilespmem:s23+$0x1B0B0] =	vst v4;
	v4 =	vmul.f32 v2, v9  }
0x97: {  	v9 =	vld [tilespmem:s24+$0x13880];
	v2 =	vshll.u32 v12, $0x10;
	v1 =	vand.u32 $0xFFFF0000, v12;
	[tilespmem:s23+$0x1B0F0] =	vst v3  }
0x98: {  	v10 =	vld [tilespmem:s24+$0x138C0];
	v3 =	vmul.f32 v1, v5;
	[tilespmem:s23+$0x1C4B0] =	vst v4;
	s23 =	smov.u32 s24  }
0x99: {  	v5 =	vshll.u32 v6, $0x10;
	v6 =	vand.u32 $0xFFFF0000, v6;
	v11 =	vld [tilespmem:s23+$0x14C80]  }
0x9a: {  	v12 =	vld [tilespmem:s23+$0x14CC0];
	v13 =	vshll.u32 v7, $0x10;
	v7 =	vand.u32 $0xFFFF0000, v7;
	[tilespmem:s23+$0x1C4F0] =	vst v3  }
0x9b: {  	v14 =	vld [tilespmem:s23+$0x13890];
	v4 =	vshll.u32 v8, $0x10;
	v3 =	vand.u32 $0xFFFF0000, v8  }
0x9c: {  	v8 =	vmul.f32 v5, v9;
	v9 =	vld [tilespmem:s23+$0x138D0]  }
0x9d: {  	v10 =	vmul.f32 v6, v10;
	v15 =	vld [tilespmem:s23+$0x14C90]  }
0x9e: {  	[tilespmem:s23+$0x1B080] =	vst v8;
	v5 =	vmul.f32 v5, v11;
	v8 =	vld [tilespmem:s23+$0x14CD0]  }
0x9f: {  	[tilespmem:s23+$0x1B0C0] =	vst v10;
	v6 =	vmul.f32 v6, v12;
	v10 =	vld [tilespmem:s23+$0x138A0]  }
0xa0: {  	[tilespmem:s23+$0x1C480] =	vst v5;
	v11 =	vmul.f32 v13, v14;
	v12 =	vld [tilespmem:s23+$0x138E0]  }
.Ltmp1:
0xa1: {  	[tilespmem:s23+$0x1C4C0] =	vst v6;
	v9 =	vmul.f32 v7, v9;
	v5 =	vld [tilespmem:s23+$0x14CA0];
	(pc) =	sbr.rel @p2 .LBB2_5-.Ltmp1, $4  }
0xa2: {  	[tilespmem:s23+$0x1B090] =	vst v11;
	v11 =	vmul.f32 v13, v15;
	v6 =	vld [tilespmem:s23+$0x14CE0]  }
0xa3: {  	[tilespmem:s23+$0x1B0D0] =	vst v9;
	v9 =	vmul.f32 v7, v8;
	v7 =	vld [tilespmem:s23+$0x138B0]  }
0xa4: {  	[tilespmem:s23+$0x1C490] =	vst v11;
	v10 =	vmul.f32 v4, v10;
	v8 =	vld [tilespmem:s23+$0x138F0]  }
0xa5: {  	s24 =	sshra.s32 s25, $0x2;
	s25 =	sadd.s32 $0x200, s25;
	[tilespmem:s23+$0x1C4D0] =	vst v9;
	v11 =	vmul.f32 v3, v12;
	v9 =	vld [tilespmem:s23+$0x14CB0]  }
0xa6: {  	v12 =	vld [tilespmem:s24+$0x188B0];
	[tilespmem:s23+$0x1B0A0] =	vst v10;
	v4 =	vmul.f32 v4, v5  }
0xa7: {  	v10 =	vld [tilespmem:s24+$0x14CF0];
	[tilespmem:s23+$0x1B0E0] =	vst v11;
	v3 =	vmul.f32 v3, v6  }
0xa8: {  	v5 =	vld [tilespmem:s24+$0x18880];
	[tilespmem:s23+$0x1C4A0] =	vst v4;
	v6 =	vmul.f32 v2, v7  }
0xa9: {  	v4 =	vld [tilespmem:s24+$0x18890];
	[tilespmem:s23+$0x1C4E0] =	vst v3;
	v1 =	vmul.f32 v1, v8  }
0xaa: {  	v3 =	vld [tilespmem:s24+$0x188A0];
	[tilespmem:s23+$0x1B0B0] =	vst v6;
	v2 =	vmul.f32 v2, v9  }
0xab: {  	v6 =	vld [tilespmem:s24+$0x13880];
	[tilespmem:s23+$0x1B0F0] =	vst v1  }
0xac: {  	v1 =	vld [tilespmem:s24+$0x138C0];
	[tilespmem:s23+$0x1C4B0] =	vst v2  }
0xad: {  	v7 =	vand.u32 $0xFFFF0000, v12;
	v8 =	vld [tilespmem:s24+$0x14C80]  }
0xae: {  	v2 =	vmul.f32 v7, v10  }
0xaf: {  	v9 =	vld [tilespmem:s24+$0x14CC0]  }
0xb0: {  	v10 =	vld [tilespmem:s24+$0x13890];
	[tilespmem:s24+$0x1C4F0] =	vst v2;
	v2 =	vshll.u32 v5, $0x10  }
0xb1: {  	v11 =	vld [tilespmem:s24+$0x138D0];
	v6 =	vmul.f32 v2, v6  }
0xb2: {  	v13 =	vld [tilespmem:s24+$0x14C90];
	v5 =	vand.u32 $0xFFFF0000, v5;
	v2 =	vmul.f32 v2, v8  }
0xb3: {  	v1 =	vmul.f32 v5, v1;
	[tilespmem:s24+$0x1B080] =	vst v6  }
0xb4: {  	v6 =	vld [tilespmem:s24+$0x14CD0];
	v5 =	vmul.f32 v5, v9;
	[tilespmem:s24+$0x1C480] =	vst v2;
	v2 =	vshll.u32 v4, $0x10  }
0xb5: {  	[tilespmem:s24+$0x1B0C0] =	vst v1;
	v1 =	vld [tilespmem:s24+$0x138A0];
	v4 =	vand.u32 $0xFFFF0000, v4;
	v9 =	vmul.f32 v2, v10  }
0xb6: {  	v8 =	vld [tilespmem:s24+$0x138E0];
	[tilespmem:s24+$0x1C4C0] =	vst v5;
	v10 =	vmul.f32 v4, v11  }
0xb7: {  	v5 =	vld [tilespmem:s24+$0x14CA0];
	v2 =	vmul.f32 v2, v13;
	[tilespmem:s24+$0x1B090] =	vst v9  }
0xb8: {  	v9 =	vld [tilespmem:s24+$0x14CE0];
	[tilespmem:s24+$0x1B0D0] =	vst v10  }
0xb9: {  	v10 =	vld [tilespmem:s24+$0x138B0];
	v4 =	vmul.f32 v4, v6;
	[tilespmem:s24+$0x1C490] =	vst v2;
	v2 =	vshll.u32 v3, $0x10  }
0xba: {  	v6 =	vld [tilespmem:s24+$0x138F0];
	v3 =	vand.u32 $0xFFFF0000, v3;
	v1 =	vmul.f32 v2, v1  }
0xbb: {  	[tilespmem:s24+$0x1C4D0] =	vst v4;
	v4 =	vmul.f32 v3, v8;
	v8 =	vld [tilespmem:s24+$0x14CB0]  }
0xbc: {  	[tilespmem:s24+$0x1B0A0] =	vst v1;
	v1 =	vmul.f32 v2, v5  }
0xbd: {  	v2 =	vshll.u32 v12, $0x10;
	[tilespmem:s24+$0x1B0E0] =	vst v4;
	v3 =	vmul.f32 v3, v9  }
0xbe: {  	[tilespmem:s24+$0x1C4A0] =	vst v1;
	v1 =	vmul.f32 v2, v10  }
0xbf: {  	[tilespmem:s24+$0x1C4E0] =	vst v3;
	v3 =	vmul.f32 v7, v6  }
0xc0: {  	s26 =	sshll.u32 s19, $0x8;
	[tilespmem:s24+$0x1B0B0] =	vst v1;
	v1 =	vmul.f32 v2, v8  }
0xc1: {  	s22 =	sadd.s32 @!p1 $0x3, s22;
	s23 =	sand.u32 $0x100, s26;
	[tilespmem:s24+$0x1B0F0] =	vst v3  }
0xc2: {  	s23 =	sor.u32 $0x1DA80, s23;
	[tilespmem:s24+$0x1C4B0] =	vst v1;
	s24 =	smul.u32 @!p1 $0x50, s22  }
0xc3: {  	[spmem:s1] =	stream.indirect.scatter.add.f32 [tilespmem:s28], [sflag:$0x5], $0x80, s23, s31, $0xb8;
	[tilespmem:$0x1DC80] =	vst v63  }
0xc4: {  	s22 =	sshll.u32 @!p1 s22, $0x7;
	s23 =	sadd.s32 @!p1 s9, s24  }
0xc5: {  	s22 =	sand.u32 @!p1 $0x180, s22;
	s23 =	sshrl.u32 @!p1 s23, $0x3  }
0xc6: {  	s26 =	simm.s32 @!p1 $0x0;
	s24 =	sadd.s32 @!p1 $0x1D880, s22;
	s25 =	sadd.s32 @!p1 s6, s23  }
0xc7: {  	[tilespmem:s24], [sflag:$0x4] =	stream.linear.gather @!p1 [hbm4b:s25+s26], $0x50, $0x38;
	[tilespmem:$0x1DC80] =	vst v63  }
0xc8: {  	s22 =	sadd.s32 @!p1 $0x1DA80, s22;
	s23 =	sadd.s32 @!p1 s7, s23  }
0xc9: {  	[tilespmem:s22], [sflag:$0x4] =	stream.linear.gather @!p1 [hbm4b:s23+s26], $0x50, $0x38;
	[tilespmem:$0x1DC80] =	vst v63  }
0xca: {  	s22 =	simm.s32 @!p1 $0x3  }
0xcb: {  	_ =	swait.ge @!p1 [sflag:s22], $0x50  }
0xcc: {  	s20 =	smul.u32 @!p1 $0x28, s20;
	[sflag:s22] =	ssyncset.done @!p1 $0x0  }
0xcd: {  	[sflag:s22] =	ssyncadd.s32 @!p1 $0xFFFFFFB0  }
0xce: {  	s20 =	sadd.s32 @!p1 s8, s20;
	_ =	swait.ge @!p1 [sflag:s22], $0x50  }
0xcf: {  	s20 =	sshll.u32 @!p1 s20, $0x4;
	[sflag:s22] =	ssyncset.done @!p1 $0x0  }
0xd0: {  	s23 =	simm.s32 @!p1 $0x13880;
	[sflag:s22] =	ssyncadd.s32 @!p1 $0xFFFFFFB0;
	s22 =	simm.s32 @!p1 $0x50  }
0xd1: {  	[tilespmem:s23], [sflag:$0x1] =	stream.indirect.gather @!p1 [hbm4b:s4+s22], $0x80, s21, s22, $0xb8;
	[tilespmem:$0x1DC80] =	vst v63  }
0xd2: {  	s20 =	sadd.s32 @!p1 s5, s20;
	s21 =	simm.s32 @!p1 $0x18880  }
0xd3: {  	[tilespmem:s21], [sflag:$0x1] =	stream.linear.gather @!p1 [hbm4b:s20+s26], $0x1400, $0x38;
	[tilespmem:$0x1DC80] =	vst v63  }
0xd4: {  	_ =	swait.ge [sflag:s15], $0x2800  }
0xd5: {  	[sflag:s15] =	ssyncset.done $0x0  }
0xd6: {  	[sflag:s15] =	ssyncadd.s32 $0xFFFFD800  }
0xd7: {  	_ =	swait.ge [sflag:s15], $0x1400  }
0xd8: {  	[sflag:s15] =	ssyncset.done $0x0  }
0xd9: {  	[sflag:s15] =	ssyncadd.s32 $0xFFFFEC00  }
0xda: {  	_ =	swait.ge [sflag:s16], $0x2800  }
0xdb: {  	[sflag:s16] =	ssyncset.done $0x0  }
0xdc: {  	s20 =	simm.s32 $0x0;
	[sflag:s16] =	ssyncadd.s32 $0xFFFFD800  }
0xdd: {  	v2 =	vld [tilespmem:s20+$0x19CB0]  }
0xde: {  	v3 =	vld [tilespmem:s20+$0x174F0]  }
0xdf: {  	v4 =	vld [tilespmem:s20+$0x19C80]  }
0xe0: {  	v6 =	vld [tilespmem:s20+$0x16080]  }
0xe1: {  	v7 =	vld [tilespmem:s20+$0x160C0]  }
0xe2: {  	v8 =	vld [tilespmem:s20+$0x17480];
	v1 =	vand.u32 $0xFFFF0000, v2  }
0xe3: {  	v10 =	vld [tilespmem:s20+$0x174C0];
	v3 =	vmul.f32 v1, v3  }
0xe4: {  	v5 =	vld [tilespmem:s20+$0x19C90]  }
0xe5: {  	v11 =	vld [tilespmem:s20+$0x16090];
	[tilespmem:s20+$0x1C4F0] =	vst v3;
	v3 =	vshll.u32 v4, $0x10  }
0xe6: {  	v62 =	vld [tilespmem:s20+$0x160D0];
	v6 =	vmul.f32 v3, v6  }
0xe7: {  	v63 =	vld [tilespmem:s20+$0x17490];
	v4 =	vand.u32 $0xFFFF0000, v4;
	v3 =	vmul.f32 v3, v8  }
0xe8: {  	v14 =	vld [tilespmem:s20+$0x174D0];
	v7 =	vmul.f32 v4, v7;
	v4 =	vmul.f32 v4, v10;
	[tilespmem:s20+$0x1B080] =	vst v6  }
0xe9: {  	v9 =	vld [tilespmem:s20+$0x19CA0];
	[tilespmem:s20+$0x1C480] =	vst v3;
	v3 =	vshll.u32 v5, $0x10  }
0xea: {  	v15 =	vld [tilespmem:s20+$0x160A0];
	[tilespmem:s20+$0x1C4C0] =	vst v4;
	v4 =	vand.u32 $0xFFFF0000, v5;
	v6 =	vmul.f32 v3, v11  }
0xeb: {  	v16 =	vld [tilespmem:s20+$0x160E0];
	[tilespmem:s20+$0x1B0C0] =	vst v7;
	v7 =	vmul.f32 v4, v62  }
0xec: {  	v5 =	vld [tilespmem:s20+$0x174A0];
	v3 =	vmul.f32 v3, v63;
	[tilespmem:s20+$0x1B090] =	vst v6  }
0xed: {  	v10 =	vmul.f32 v4, v14;
	v6 =	vld [tilespmem:s20+$0x174E0];
	[tilespmem:s20+$0x1B0D0] =	vst v7  }
0xee: {  	v4 =	vshll.u32 v9, $0x10;
	v7 =	vld [tilespmem:s20+$0x160B0];
	[tilespmem:s20+$0x1C490] =	vst v3  }
0xef: {  	v8 =	vld [tilespmem:s20+$0x160F0];
	v3 =	vand.u32 $0xFFFF0000, v9;
	[tilespmem:s20+$0x1C4D0] =	vst v10;
	v10 =	vmul.f32 v4, v15  }
0xf0: {  	s22 =	simm.s32 $0x400;
	s21 =	simm.s32 $0x80;
	v2 =	vshll.u32 v2, $0x10;
	v9 =	vld [tilespmem:s20+$0x174B0];
	v11 =	vmul.f32 v3, v16  }
.LBB2_7:
0xf1: {  	p1 =	sne.s32 s22, $0x4E00;
	v12 =	vld [tilespmem:s21+$0x19CB0];
	[tilespmem:s20+$0x1B0A0] =	vst v10;
	v4 =	vmul.f32 v4, v5  }
0xf2: {  	v5 =	vld [tilespmem:s21+$0x174F0];
	[tilespmem:s20+$0x1B0E0] =	vst v11;
	v3 =	vmul.f32 v3, v6  }
0xf3: {  	v6 =	vld [tilespmem:s21+$0x19C80];
	[tilespmem:s20+$0x1C4A0] =	vst v4;
	v4 =	vmul.f32 v2, v7  }
0xf4: {  	v7 =	vld [tilespmem:s21+$0x19C90];
	[tilespmem:s20+$0x1C4E0] =	vst v3;
	v3 =	vmul.f32 v1, v8  }
0xf5: {  	v8 =	vld [tilespmem:s21+$0x19CA0];
	[tilespmem:s20+$0x1B0B0] =	vst v4;
	v4 =	vmul.f32 v2, v9  }
0xf6: {  	v9 =	vld [tilespmem:s21+$0x16080];
	v2 =	vshll.u32 v12, $0x10;
	v1 =	vand.u32 $0xFFFF0000, v12;
	[tilespmem:s20+$0x1B0F0] =	vst v3  }
0xf7: {  	v10 =	vld [tilespmem:s21+$0x160C0];
	v3 =	vmul.f32 v1, v5;
	[tilespmem:s20+$0x1C4B0] =	vst v4;
	s20 =	smov.u32 s21  }
0xf8: {  	v5 =	vshll.u32 v6, $0x10;
	v6 =	vand.u32 $0xFFFF0000, v6;
	v11 =	vld [tilespmem:s20+$0x17480]  }
0xf9: {  	v12 =	vld [tilespmem:s20+$0x174C0];
	v13 =	vshll.u32 v7, $0x10;
	v7 =	vand.u32 $0xFFFF0000, v7;
	[tilespmem:s20+$0x1C4F0] =	vst v3  }
0xfa: {  	v14 =	vld [tilespmem:s20+$0x16090];
	v4 =	vshll.u32 v8, $0x10;
	v3 =	vand.u32 $0xFFFF0000, v8  }
0xfb: {  	v8 =	vmul.f32 v5, v9;
	v9 =	vld [tilespmem:s20+$0x160D0]  }
0xfc: {  	v10 =	vmul.f32 v6, v10;
	v15 =	vld [tilespmem:s20+$0x17490]  }
0xfd: {  	[tilespmem:s20+$0x1B080] =	vst v8;
	v5 =	vmul.f32 v5, v11;
	v8 =	vld [tilespmem:s20+$0x174D0]  }
0xfe: {  	[tilespmem:s20+$0x1B0C0] =	vst v10;
	v6 =	vmul.f32 v6, v12;
	v10 =	vld [tilespmem:s20+$0x160A0]  }
0xff: {  	[tilespmem:s20+$0x1C480] =	vst v5;
	v11 =	vmul.f32 v13, v14;
	v12 =	vld [tilespmem:s20+$0x160E0]  }
.Ltmp2:
0x100: {  	[tilespmem:s20+$0x1C4C0] =	vst v6;
	v9 =	vmul.f32 v7, v9;
	v5 =	vld [tilespmem:s20+$0x174A0];
	(pc) =	sbr.rel @p1 .LBB2_7-.Ltmp2, $4  }
0x101: {  	[tilespmem:s20+$0x1B090] =	vst v11;
	v11 =	vmul.f32 v13, v15;
	v6 =	vld [tilespmem:s20+$0x174E0]  }
0x102: {  	[tilespmem:s20+$0x1B0D0] =	vst v9;
	v9 =	vmul.f32 v7, v8;
	v7 =	vld [tilespmem:s20+$0x160B0]  }
0x103: {  	[tilespmem:s20+$0x1C490] =	vst v11;
	v10 =	vmul.f32 v4, v10;
	v8 =	vld [tilespmem:s20+$0x160F0]  }
0x104: {  	s21 =	sshra.s32 s22, $0x2;
	s22 =	sadd.s32 $0x200, s22;
	[tilespmem:s20+$0x1C4D0] =	vst v9;
	v11 =	vmul.f32 v3, v12;
	v9 =	vld [tilespmem:s20+$0x174B0]  }
0x105: {  	v12 =	vld [tilespmem:s21+$0x19CB0];
	[tilespmem:s20+$0x1B0A0] =	vst v10;
	v4 =	vmul.f32 v4, v5  }
0x106: {  	v10 =	vld [tilespmem:s21+$0x174F0];
	[tilespmem:s20+$0x1B0E0] =	vst v11;
	v3 =	vmul.f32 v3, v6  }
0x107: {  	v48 =	vld [tilespmem:s21+$0x19C80];
	[tilespmem:s20+$0x1C4A0] =	vst v4;
	v49 =	vmul.f32 v2, v7  }
0x108: {  	v4 =	vld [tilespmem:s21+$0x19C90];
	[tilespmem:s20+$0x1C4E0] =	vst v3;
	v1 =	vmul.f32 v1, v8  }
0x109: {  	v3 =	vld [tilespmem:s21+$0x19CA0];
	[tilespmem:s20+$0x1B0B0] =	vst v49;
	v2 =	vmul.f32 v2, v9  }
0x10a: {  	v6 =	vld [tilespmem:s21+$0x16080];
	[tilespmem:s20+$0x1B0F0] =	vst v1  }
0x10b: {  	v1 =	vld [tilespmem:s21+$0x160C0];
	[tilespmem:s20+$0x1C4B0] =	vst v2  }
0x10c: {  	v51 =	vld [tilespmem:s21+$0x17480]  }
0x10d: {  	v50 =	vand.u32 $0xFFFF0000, v12  }
0x10e: {  	v2 =	vmul.f32 v50, v10;
	v52 =	vld [tilespmem:s21+$0x174C0]  }
0x10f: {  	v53 =	vld [tilespmem:s21+$0x16090];
	v5 =	vand.u32 $0xFFFF0000, v48  }
0x110: {  	v13 =	vld [tilespmem:s21+$0x17490];
	[tilespmem:s21+$0x1C4F0] =	vst v2;
	v2 =	vshll.u32 v48, $0x10;
	v1 =	vmul.f32 v5, v1  }
0x111: {  	v11 =	vld [tilespmem:s21+$0x160D0];
	v6 =	vmul.f32 v2, v6;
	v2 =	vmul.f32 v2, v51  }
0x112: {  	v54 =	vld [tilespmem:s21+$0x174D0];
	[tilespmem:s21+$0x1B0C0] =	vst v1  }
0x113: {  	v5 =	vmul.f32 v5, v52;
	v1 =	vld [tilespmem:s21+$0x160A0];
	[tilespmem:s21+$0x1C480] =	vst v2;
	v2 =	vshll.u32 v4, $0x10  }
0x114: {  	v55 =	vld [tilespmem:s21+$0x160E0];
	[tilespmem:s21+$0x1B080] =	vst v6;
	v56 =	vmul.f32 v2, v53  }
0x115: {  	v57 =	vld [tilespmem:s21+$0x174A0];
	[tilespmem:s21+$0x1C4C0] =	vst v5;
	v4 =	vand.u32 $0xFFFF0000, v4;
	v2 =	vmul.f32 v2, v13  }
0x116: {  	v59 =	vld [tilespmem:s21+$0x174E0];
	v58 =	vmul.f32 v4, v11;
	[tilespmem:s21+$0x1B090] =	vst v56  }
0x117: {  	v60 =	vld [tilespmem:s21+$0x160B0];
	v4 =	vmul.f32 v4, v54;
	[tilespmem:s21+$0x1C490] =	vst v2;
	v2 =	vshll.u32 v3, $0x10  }
0x118: {  	v61 =	vld [tilespmem:s21+$0x160F0];
	[tilespmem:s21+$0x1B0D0] =	vst v58;
	v3 =	vand.u32 $0xFFFF0000, v3;
	v1 =	vmul.f32 v2, v1  }
0x119: {  	v63 =	vld [tilespmem:s21+$0x174B0];
	[tilespmem:s21+$0x1C4D0] =	vst v4;
	v62 =	vmul.f32 v3, v55  }
0x11a: {  	[tilespmem:s21+$0x1B0A0] =	vst v1;
	v1 =	vmul.f32 v2, v57  }
0x11b: {  	s19 =	sadd.s32 $0x1, s19;
	v3 =	vmul.f32 v3, v59;
	v2 =	vshll.u32 v12, $0x10;
	[tilespmem:s21+$0x1B0E0] =	vst v62  }
0x11c: {  	p1 =	sne.s32 s19, $0x7D;
	[tilespmem:s21+$0x1C4A0] =	vst v1;
	v1 =	vmul.f32 v2, v60  }
.Ltmp3:
0x11d: {  	[tilespmem:s21+$0x1C4E0] =	vst v3;
	v3 =	vmul.f32 v50, v61;
	(pc) =	sbr.rel @p1 .LBB2_4-.Ltmp3, $4  }
0x11e: {  	[tilespmem:s21+$0x1B0B0] =	vst v1;
	v1 =	vmul.f32 v2, v63  }
0x11f: {  	[tilespmem:s21+$0x1B0F0] =	vst v3  }
0x120: {  	s30 =	sadd.s32 $0x1DA80, s30;
	[tilespmem:s21+$0x1C4B0] =	vst v1  }
0x121: {  	[spmem:s1] =	stream.indirect.scatter.add.f32 [tilespmem:s28], [sflag:$0x6], $0x80, s30, s31, $0xb8;
	[tilespmem:$0x1DC80] =	vst v63  }
0x122: {  	_ =	swait.ge [sflag:s17], $0x2800  }
0x123: {  	[sflag:s17] =	ssyncset.done $0x0  }
0x124: {  	s19 =	stileid.u32;
	[sflag:s17] =	ssyncadd.s32 $0xFFFFD800  }
0x125: {  	s19 =	sshll.u32 s19, $0x6;
	[bflag:$0x0] =	sbarrier.arrive $0xFFFF  }
0x126: {  	s20 =	sshrl.u32 s10, $0x3;
	s19 =	sor.u32 $0x1C07, s19;
	s21 =	rddreg [dreg:$0x9]  }
0x127: {  	[hbm:s21], [sflag:s19] =	dma.local [spmem:s20], $0x2700  }
0x128: {  	_ =	swait.ge [sflag:s29], $0x2700  }
0x129: {  	[sflag:s29] =	ssyncset.done $0x0  }
0x12a: {  	s20 =	sshrl.u32 @!p0 s12, $0x3;
	s21 =	rddreg [dreg:$0xa];
	[sflag:s29] =	ssyncadd.s32 $0xFFFFD900  }
0x12b: {  	[hbm:s21], [sflag:s19] =	dma.local @!p0 [spmem:s20], $0x100  }
0x12c: {  	s19 =	simm.s32 @!p0 $0x7  }
0x12d: {  	_ =	swait.ge @!p0 [sflag:s19], $0x100  }
0x12e: {  	s18 =	sadd.s32 $0x1, s18;
	s30 =	rddreg [dreg:$0xb]  }
0x12f: {  	p1 =	sne.s32 s18, s30  }
.Ltmp4:
0x130: {  	_ = 	snop;
	(pc) =	sbr.rel @p1 .LBB2_1-.Ltmp4, $3  }
0x131: {  	_ =	sdelay $0x1  }
0x132: {  	[sflag:s19] =	ssyncset.done @!p0 $0x0  }
0x133: {  	[sflag:s19] =	ssyncadd.s32 @!p0 $0xFFFFFF00  }
0x134: {  	_ =	sfence.sel $0x180000  }
0x135: {  	[bflag:$0x0] =	sbarrier.arrive $0xFFFF  }
0x136: {  	_ =	strace $0x90000050  }
0x137: {  	s0 =	stileid.u32;
	[bflag:$0x2] =	sbarrier.arrive $0xFFFF  }
0x138: {  	p0 =	sne.s32 s0, $0x0;
	s0 =	rddreg [dreg:$0x2]  }
0x139: {  	s0 =	sadd.s32 @!p0 $0x100000, s0  }
0x13a: {  	[sflag:s0] =	ssyncadd.tile.s32 @!p0 $0x1;
	_ =	shalt  }
.Lfunc_end2:
_tile_overlayer_lowered:
.L_overlay_start_2:
0x13b: {  	(tag) =	ssettag $0x2  }
0x13c: {  	s0 =	rddreg [dreg:$0x0];
	s2 =	stileid.u32  }
0x13d: {  	s1 =	rddreg [dreg:$0x1];
	p0 =	sne.s32 s2, $0x0  }
0x13e: {  	s3 =	rddreg [dreg:$0x2];
	[bflag:$0x3] =	sbarrier.arrive $0xFFFF;
	s2 =	simm.s32 @!p0 $0x1C07  }
0x13f: {  	[timem:s3], [sflag:s2] =	dma.local @!p0 [hbm:s0], s1  }
0x140: {  	s0 =	simm.s32 @!p0 $0x7  }
0x141: {  	_ =	swait.ge @!p0 [sflag:s0], s1  }
0x142: {  	s1 =	ssub.s32 @!p0 $0x0, s1;
	[sflag:s0] =	ssyncset.done @!p0 $0x0  }
0x143: {  	[sflag:s0] =	ssyncadd.s32 @!p0 s1  }
0x144: {  	[bflag:$0x3] =	sbarrier.arrive $0xFFFF  }
0x145: {  	_ =	shalt  }

</sc_bundles>
